<compile_context>
chip_gen: v7x
topology: tpu7x:2x2x1
jax: 0.10.2.dev20260603
libtpu: 0.0.44.dev20260713+nightly
codegen_flags: <defaults>
</compile_context>

<pallas_src>
import functools

import jax
import jax.numpy as jnp
from jax import lax
from jax.experimental import pallas as pl
from jax.experimental.pallas import tpu as pltpu
from jax.experimental.pallas import tpu_sc as plsc

N = 100000
A = 512
K = 128
IN_CH = 16
HID = 64
TBL_W = 128
C_SEL = 4096
N_PAD = 102400
N_BLK = 2000
AB = 32

_SQRT_HALF = 0.7071067811865476


def _gelu(x):
    return 0.5 * x * (1.0 + lax.erf(x * _SQRT_HALF))


def _q(x):
    return x.astype(jnp.bfloat16).astype(jnp.float32)


def _dot_bf(x, w):
    return jnp.dot(x.astype(jnp.bfloat16), w.astype(jnp.bfloat16),
                   preferred_element_type=jnp.float32)


def _mlp3(x, w0, b0, w1, b1, w2, b2):
    h = _gelu(_dot_bf(x, w0) + b0)
    h = _gelu(_dot_bf(h, w1) + b1)
    return _dot_bf(h, w2) + b2


def _prep_body(x_ref, fin_ref, u_ref, w0, b0, w1, b1, w2, b2,
               tbl_ref, fsum_ref):
    feat = _mlp3(fin_ref[...], w0[...], b0[...], w1[...], b1[...],
                 w2[...], b2[...])
    xq = _q(x_ref[...])
    uq = _q(u_ref[...])
    pq = xq * uq
    ndu_bf = pq[:, 0:1] + pq[:, 1:2] + pq[:, 2:3]
    pe = x_ref[...] * u_ref[...]
    ndu_ex = pe[:, 0:1] + pe[:, 1:2] + pe[:, 2:3]
    pad = jnp.zeros((feat.shape[0], TBL_W - HID - 2), jnp.float32)
    tbl_ref[...] = jnp.concatenate([feat, ndu_bf, ndu_ex, pad], axis=1)
    part = jnp.sum(feat, axis=0, keepdims=True)

    @pl.when(pl.program_id(0) == 0)
    def _():
        fsum_ref[...] = part

    @pl.when(pl.program_id(0) != 0)
    def _():
        fsum_ref[...] += part


def _run_prep(x, fin, u_row, p):
    grid = N // N_BLK
    full = lambda shape: pl.BlockSpec(shape, lambda i: (0, 0))
    return pl.pallas_call(
        _prep_body,
        grid=(grid,),
        in_specs=[
            pl.BlockSpec((N_BLK, 3), lambda i: (i, 0)),
            pl.BlockSpec((N_BLK, IN_CH), lambda i: (i, 0)),
            full((1, 3)),
            full((IN_CH, HID)), full((1, HID)),
            full((HID, HID)), full((1, HID)),
            full((HID, HID)), full((1, HID)),
        ],
        out_specs=[
            pl.BlockSpec((N_BLK, TBL_W), lambda i: (i, 0)),
            pl.BlockSpec((1, HID), lambda i: (0, 0)),
        ],
        out_shape=[
            jax.ShapeDtypeStruct((N, TBL_W), jnp.float32),
            jax.ShapeDtypeStruct((1, HID), jnp.float32),
        ],
    )(x, fin, u_row,
      p["w0"], p["b0"].reshape(1, HID),
      p["w1"], p["b1"].reshape(1, HID),
      p["w2"], p["b2"].reshape(1, HID))


_BIG = 3.4e38
_N_SLAB = C_SEL // K


def _roll(x, d):
    return jnp.concatenate([x[:, d:], x[:, :d]], axis=1)


def _ce_stage(vals, idx, j, desc):
    w = vals.shape[1]
    down_v, up_v = _roll(vals, j), _roll(vals, w - j)
    down_i, up_i = _roll(idx, j), _roll(idx, w - j)
    lane = lax.broadcasted_iota(jnp.int32, vals.shape, 1)
    is_hi = (lane & j) != 0
    pv = jnp.where(is_hi, up_v, down_v)
    pi = jnp.where(is_hi, up_i, down_i)
    want_max = jnp.logical_xor(desc, is_hi)
    keep = (want_max & (vals >= pv)) | (~want_max & (vals <= pv))
    return jnp.where(keep, vals, pv), jnp.where(keep, idx, pi)


def _sort_desc(vals, idx):
    lane = lax.broadcasted_iota(jnp.int32, vals.shape, 1)
    for k in (2, 4, 8, 16, 32, 64, 128):
        desc = (lane & k) == 0
        j = k // 2
        while j >= 1:
            vals, idx = _ce_stage(vals, idx, j, desc)
            j //= 2
    return vals, idx


def _min_upd(m, mg, s, g):
    better = s < m
    return jnp.where(better, s, m), jnp.where(better, g, mg)


def _select_body(xt_ref, a_ref, u_ref, bd_ref, bi_ref, adu_ref, adx_ref,
                 d2_ref):
    step = pl.program_id(0)

    @pl.when(step == 0)
    def _():
        bd_ref[...] = jnp.full((A, K), _BIG, jnp.float32)
        bi_ref[...] = jnp.zeros((A, K), jnp.int32)
        aq = _q(a_ref[...]) * _q(u_ref[...])
        adu_bf = aq[:, 0:1] + aq[:, 1:2] + aq[:, 2:3]
        ae = a_ref[...] * u_ref[...]
        adu_ex = ae[:, 0:1] + ae[:, 1:2] + ae[:, 2:3]
        adu_ref[...] = jnp.broadcast_to(adu_bf, (A, K))
        adx_ref[...] = jnp.broadcast_to(adu_ex, (A, K))

    a0 = a_ref[:, 0:1]
    a1 = a_ref[:, 1:2]
    a2 = a_ref[:, 2:3]
    na2 = a0 * a0 + a1 * a1 + a2 * a2
    a0q, a1q, a2q = _q(a0), _q(a1), _q(a2)

    m = jnp.full((A, K), _BIG, jnp.float32)
    mg = jnp.zeros((A, K), jnp.int32)
    for g in range(_N_SLAB):
        sl = slice(g * K, (g + 1) * K)
        x0 = xt_ref[0:1, sl]
        x1 = xt_ref[1:2, sl]
        x2 = xt_ref[2:3, sl]
        nx2 = x0 * x0 + x1 * x1 + x2 * x2
        dot = a0q * _q(x0) + a1q * _q(x1) + a2q * _q(x2)
        s = jnp.maximum(na2 + nx2 - 2.0 * dot, 0.0)
        d2_ref[:, sl] = s
        m, mg = _min_upd(m, mg, s, g)

    lane = lax.broadcasted_iota(jnp.int32, (A, K), 1)
    base = step * C_SEL
    go0 = jnp.max(jnp.where(m < bd_ref[:, K - 1:K], 1, 0))

    def _cond(carry):
        return carry[0] != 0

    def _body(carry):
        _, m, mg = carry
        gi = base + mg * K + lane
        sv, si = bd_ref[...], bi_ref[...]
        qrow = jnp.sum(jnp.where(m < sv[:, K - 1:K], 1, 0), axis=1,
                       keepdims=True)
        qmax = jnp.max(qrow)

        def _dense(m, gi, sv, si):
            cv, ci = _sort_desc(m, gi)
            take_s = sv <= cv
            mv = jnp.where(take_s, sv, cv)
            mi = jnp.where(take_s, si, ci)
            for j in (64, 32, 16, 8, 4, 2, 1):
                mv, mi = _ce_stage(mv, mi, j, False)
            return mv, mi

        def _sparse(m, gi, sv, si):
            mv, mi, mc = sv, si, m
            for _ in range(4):
                v = jnp.min(mc, axis=1, keepdims=True)
                cid = jnp.min(jnp.where(mc == v, gi, 2147483647), axis=1,
                              keepdims=True)
                do = v < mv[:, K - 1:K]
                rank = jnp.sum(jnp.where(mv < v, 1, 0), axis=1,
                               keepdims=True)
                sh_v = _roll(mv, K - 1)
                sh_i = _roll(mi, K - 1)
                at = lane == rank
                below = lane < rank
                nv = jnp.where(below, mv,
                               jnp.where(at, jnp.broadcast_to(v, (A, K)),
                                         sh_v))
                ni = jnp.where(below, mi,
                               jnp.where(at, jnp.broadcast_to(cid, (A, K)),
                                         sh_i))
                mv = jnp.where(do, nv, mv)
                mi = jnp.where(do, ni, mi)
                mc = jnp.where((mc == v) & (gi == cid), _BIG, mc)
            return mv, mi

        mv, mi = lax.cond(qmax > 4, _dense, _sparse, m, gi, sv, si)
        bd_ref[...] = mv
        bi_ref[...] = mi
        m2 = jnp.full((A, K), _BIG, jnp.float32)
        mg2 = jnp.zeros((A, K), jnp.int32)
        for g in range(_N_SLAB):
            sl = slice(g * K, (g + 1) * K)
            s = jnp.where(mg == g, _BIG, d2_ref[:, sl])
            d2_ref[:, sl] = s
            m2, mg2 = _min_upd(m2, mg2, s, g)
        go2 = jnp.max(jnp.where(m2 < mv[:, K - 1:K], 1, 0))
        return go2, m2, mg2

    lax.while_loop(_cond, _body, (go0, m, mg))


def _run_select(xt, a, u_row):
    grid = N_PAD // C_SEL
    return pl.pallas_call(
        _select_body,
        grid=(grid,),
        in_specs=[
            pl.BlockSpec((3, C_SEL), lambda i: (0, i)),
            pl.BlockSpec((A, 3), lambda i: (0, 0)),
            pl.BlockSpec((1, 3), lambda i: (0, 0)),
        ],
        out_specs=[
            pl.BlockSpec((A, K), lambda i: (0, 0)),
            pl.BlockSpec((A, K), lambda i: (0, 0)),
            pl.BlockSpec((A, K), lambda i: (0, 0)),
            pl.BlockSpec((A, K), lambda i: (0, 0)),
        ],
        out_shape=[
            jax.ShapeDtypeStruct((A, K), jnp.float32),
            jax.ShapeDtypeStruct((A, K), jnp.int32),
            jax.ShapeDtypeStruct((A, K), jnp.float32),
            jax.ShapeDtypeStruct((A, K), jnp.float32),
        ],
        scratch_shapes=[
            pltpu.VMEM((A, C_SEL), jnp.float32),
        ],
    )(xt, a, u_row)


_NC, _NS = 2, 16
_NW = _NC * _NS
_B_TOT = A * K
_B_PER_W = _B_TOT // _NW
_B_CHUNK = 128


def _gather_rows(table, idx_flat):
    mesh = plsc.VectorSubcoreMesh(core_axis_name="c", subcore_axis_name="s")

    @functools.partial(
        pl.kernel,
        out_type=jax.ShapeDtypeStruct((_B_TOT, TBL_W), jnp.float32),
        mesh=mesh,
        scratch_types=[
            pltpu.VMEM((_B_CHUNK,), jnp.int32),
            pltpu.VMEM((_B_CHUNK, TBL_W), jnp.float32),
            pltpu.SemaphoreType.DMA,
        ],
    )
    def gk(table_hbm, idx_hbm, out_hbm, idx_v, rows_v, sem):
        wid = lax.axis_index("s") * _NC + lax.axis_index("c")
        for j in range(_B_PER_W // _B_CHUNK):
            base = wid * _B_PER_W + j * _B_CHUNK
            pltpu.sync_copy(idx_hbm.at[pl.ds(base, _B_CHUNK)], idx_v)
            pltpu.async_copy(table_hbm.at[idx_v], rows_v, sem).wait()
            pltpu.sync_copy(rows_v, out_hbm.at[pl.ds(base, _B_CHUNK)])

    return gk(table, idx_flat)


def _edge_body(g_ref, d2k_ref, adu_ref, adx_ref,
               w0f, w0d2, w0adu, w0ndu, w0rdu, b0, w1, b1, w2, b2,
               gw0, gb0, gw1, gb1,
               eh_ref, lg_ref):
    g = g_ref[...]
    feat = g[:, :HID]
    ndu = g[:, HID:HID + 1]
    ndu_ex = g[:, HID + 1:HID + 2]
    d2k = d2k_ref[...]
    adu = adu_ref[...]
    rdu = adx_ref[...] - ndu_ex
    h = _dot_bf(feat, w0f[...])
    h = h + _q(d2k) * _q(w0d2[...]) + _q(adu) * _q(w0adu[...]) \
        + _q(ndu) * _q(w0ndu[...]) + _q(rdu) * _q(w0rdu[...]) + b0[...]
    h = _gelu(h)
    h = _gelu(_dot_bf(h, w1[...]) + b1[...])
    eh = _dot_bf(h, w2[...]) + b2[...]
    eh_ref[...] = eh
    hg = _gelu(_dot_bf(eh, gw0[...]) + gb0[...])
    lg = _dot_bf(hg, gw1[...]) + gb1[...]
    lg_ref[...] = lg - d2k


def _run_edge(g, d2k_col, adu_col, adx_col, pe, pg):
    grid = _B_TOT // (AB * K)
    rows = AB * K
    full = lambda shape: pl.BlockSpec(shape, lambda i: (0, 0))
    w0 = pe["w0"]
    return pl.pallas_call(
        _edge_body,
        grid=(grid,),
        in_specs=[
            pl.BlockSpec((rows, TBL_W), lambda i: (i, 0)),
            pl.BlockSpec((rows, 1), lambda i: (i, 0)),
            pl.BlockSpec((rows, 1), lambda i: (i, 0)),
            pl.BlockSpec((rows, 1), lambda i: (i, 0)),
            full((HID, HID)), full((1, HID)), full((1, HID)),
            full((1, HID)), full((1, HID)), full((1, HID)),
            full((HID, HID)), full((1, HID)),
            full((HID, HID)), full((1, HID)),
            full((HID, HID)), full((1, HID)),
            full((HID, 1)), full((1, 1)),
        ],
        out_specs=[
            pl.BlockSpec((rows, HID), lambda i: (i, 0)),
            pl.BlockSpec((rows, 1), lambda i: (i, 0)),
        ],
        out_shape=[
            jax.ShapeDtypeStruct((_B_TOT, HID), jnp.float32),
            jax.ShapeDtypeStruct((_B_TOT, 1), jnp.float32),
        ],
    )(g, d2k_col, adu_col, adx_col,
      w0[:HID, :], w0[HID:HID + 1, :], w0[HID + 1:HID + 2, :],
      w0[HID + 2:HID + 3, :], w0[HID + 3:HID + 4, :],
      pe["b0"].reshape(1, HID),
      pe["w1"], pe["b1"].reshape(1, HID),
      pe["w2"], pe["b2"].reshape(1, HID),
      pg["w0"], pg["b0"].reshape(1, HID),
      pg["w1"], pg["b1"].reshape(1, 1))


def _softmax_body(l_ref, w_ref):
    l = l_ref[...]
    m = jnp.max(l, axis=1, keepdims=True)
    e = jnp.exp(l - m)
    w_ref[...] = e / jnp.sum(e, axis=1, keepdims=True)


def _run_softmax(lg):
    return pl.pallas_call(
        _softmax_body,
        in_specs=[pl.BlockSpec((A, K), lambda: (0, 0))],
        out_specs=pl.BlockSpec((A, K), lambda: (0, 0)),
        out_shape=jax.ShapeDtypeStruct((A, K), jnp.float32),
    )(lg)


def _agg_body(eh_ref, wc_ref, fsum_ref,
              gw0, gb0, gw1, gb1, gw2, gb2,
              ow0, ob0, ow1, ob1, ow2, ob2,
              out_ref):
    weh = eh_ref[...] * wc_ref[...]
    rows = weh.shape[0]
    rblk = lax.broadcasted_iota(jnp.int32, (AB, rows), 1) // K
    cblk = lax.broadcasted_iota(jnp.int32, (AB, rows), 0)
    sel = (rblk == cblk).astype(jnp.float32)
    agg = jnp.dot(sel, weh, preferred_element_type=jnp.float32, precision=lax.Precision.HIGHEST)
    mean = fsum_ref[...] * (1.0 / N)
    gc = _mlp3(mean, gw0[...], gb0[...], gw1[...], gb1[...],
               gw2[...], gb2[...])
    gb = jnp.broadcast_to(gc, (AB, HID))
    oi = jnp.concatenate([agg, gb], axis=1)
    out_ref[...] = _mlp3(oi, ow0[...], ob0[...], ow1[...], ob1[...],
                         ow2[...], ob2[...])


def _run_agg(eh, w_col, fsum, pglob, pout):
    grid = A // AB
    rows = AB * K
    full = lambda shape: pl.BlockSpec(shape, lambda i: (0, 0))
    return pl.pallas_call(
        _agg_body,
        grid=(grid,),
        in_specs=[
            pl.BlockSpec((rows, HID), lambda i: (i, 0)),
            pl.BlockSpec((rows, 1), lambda i: (i, 0)),
            full((1, HID)),
            full((HID, HID)), full((1, HID)),
            full((HID, HID)), full((1, HID)),
            full((HID, HID)), full((1, HID)),
            full((2 * HID, HID)), full((1, HID)),
            full((HID, HID)), full((1, HID)),
            full((HID, HID)), full((1, HID)),
        ],
        out_specs=pl.BlockSpec((AB, HID), lambda i: (i, 0)),
        out_shape=jax.ShapeDtypeStruct((A, HID), jnp.float32),
    )(eh, w_col, fsum,
      pglob["w0"], pglob["b0"].reshape(1, HID),
      pglob["w1"], pglob["b1"].reshape(1, HID),
      pglob["w2"], pglob["b2"].reshape(1, HID),
      pout["w0"], pout["b0"].reshape(1, HID),
      pout["w1"], pout["b1"].reshape(1, HID),
      pout["w2"], pout["b2"].reshape(1, HID))


def kernel(input_coords, input_x, anchor_coords, flow_dir, params):
    x = input_coords[0]
    fin = input_x[0]
    a = anchor_coords[0]
    u = flow_dir[0]
    u = u / (jnp.linalg.norm(u) + 1e-08)
    u_row = u.reshape(1, 3)

    table, fsum = _run_prep(x, fin, u_row, params["ne"])
    xt = jnp.pad(x.T, ((0, 0), (0, N_PAD - N)), constant_values=1e15)
    best_d, best_i, adu, adx = _run_select(xt, a, u_row)

    idx_flat = best_i.reshape(_B_TOT)
    g = _gather_rows(table, idx_flat)

    d2k_col = best_d.reshape(_B_TOT, 1)
    adu_col = adu.reshape(_B_TOT, 1)
    adx_col = adx.reshape(_B_TOT, 1)
    eh, lg = _run_edge(g, d2k_col, adu_col, adx_col,
                       params["edge"], params["gate"])

    w = _run_softmax(lg.reshape(A, K))
    w_col = w.reshape(_B_TOT, 1)
    anchor_feat = _run_agg(eh, w_col, fsum, params["glob"], params["out"])
    return anchor_feat[None]

# --- scband reference (transcript-rebuilt; emitter-appended) ---
"""Pipeline reference for scband-ceq-gino-69930657513594 (READ-ONLY COPY).

The authoritative reference and input builder live on the scoring server;
editing this copy changes nothing except your own understanding.
"""

import jax, jax.numpy as jnp
import numpy as np

N = 100000
A = 512
K = 128
IN_CH = 16
HID = 64

def _lin_init(key, din, dout):
    return jax.random.normal(key, (din, dout), jnp.float32) * (1.0 / np.sqrt(din))

def _init_mlp(key, din, dh, dout):
    k0, k1, k2 = jax.random.split(key, 3)
    return {"w0": _lin_init(k0, din, dh), "b0": jnp.zeros((dh,), jnp.float32),
            "w1": _lin_init(k1, dh, dh), "b1": jnp.zeros((dh,), jnp.float32),
            "w2": _lin_init(k2, dh, dout), "b2": jnp.zeros((dout,), jnp.float32)}

def _init_gate(key, dh):
    k0, k1 = jax.random.split(key, 2)
    return {"w0": _lin_init(k0, dh, dh), "b0": jnp.zeros((dh,), jnp.float32),
            "w1": _lin_init(k1, dh, 1), "b1": jnp.zeros((1,), jnp.float32)}

def _mlp(p, x):
    h = jax.nn.gelu(x @ p["w0"] + p["b0"], approximate=False)
    h = jax.nn.gelu(h @ p["w1"] + p["b1"], approximate=False)
    return h @ p["w2"] + p["b2"]

def _gate(p, x):
    h = jax.nn.gelu(x @ p["w0"] + p["b0"], approximate=False)
    return h @ p["w1"] + p["b1"]

def setup_inputs(seed: int = 0):
    key = jax.random.key(seed)
    ks = jax.random.split(key, 9)
    return {
        "input_coords": jax.random.uniform(ks[0], (1, N, 3), jnp.float32),
        "input_x": jax.random.normal(ks[1], (1, N, IN_CH), jnp.float32),
        "anchor_coords": jax.random.uniform(ks[2], (1, A, 3), jnp.float32),
        "flow_dir": jax.random.normal(ks[3], (1, 3), jnp.float32),
        "params": {"ne": _init_mlp(ks[4], IN_CH, HID, HID),
                    "edge": _init_mlp(ks[5], HID + 4, HID, HID),
                    "gate": _init_gate(ks[6], HID),
                    "glob": _init_mlp(ks[7], HID, HID, HID),
                    "out": _init_mlp(ks[8], 2 * HID, HID, HID)},
    }

def reference(input_coords, input_x, anchor_coords, flow_dir, params):
    x = input_coords[0]
    fin = input_x[0]
    a = anchor_coords[0]
    u = flow_dir[0]
    u = u / (jnp.linalg.norm(u) + 1e-08)
    node_feat = _mlp(params["ne"], fin)
    d2 = jnp.sum(a * a, -1)[:, None] + jnp.sum(x * x, -1)[None, :] - 2.0 * (a @ x.T)
    d2 = jnp.maximum(d2, 0.0)
    k = min(K, x.shape[0])
    neg_d2_k, idx = jax.lax.top_k(-d2, k)
    d2_k = -neg_d2_k
    neigh_feat = jnp.take(node_feat, idx, axis=0)
    node_dot_u = x @ u
    anchor_dot_u = (a @ u)[:, None]
    node_dot_u_k = jnp.take(node_dot_u, idx, axis=0)[..., None]
    anchor_dot_u_k = jnp.broadcast_to(anchor_dot_u[:, None, :], (a.shape[0], k, 1))
    rel = a[:, None, :] - jnp.take(x, idx, axis=0)
    rel_dot_u = jnp.sum(rel * u.reshape(1, 1, 3), -1, keepdims=True)
    edge_input = jnp.concatenate([neigh_feat, d2_k[..., None], anchor_dot_u_k, node_dot_u_k, rel_dot_u], -1)
    edge_hidden = _mlp(params["edge"], edge_input)
    logits = _gate(params["gate"], edge_hidden)[..., 0] - d2_k
    weights = jax.nn.softmax(logits, -1)
    agg = jnp.sum(weights[..., None] * edge_hidden, axis=1)
    global_feat = jnp.mean(node_feat, axis=0, keepdims=True)
    global_ctx = _mlp(params["glob"], global_feat)
    global_anchor = jnp.broadcast_to(global_ctx, (a.shape[0], global_ctx.shape[-1]))
    out_input = jnp.concatenate([agg, global_anchor], -1)
    anchor_feat = _mlp(params["out"], out_input)
    return anchor_feat[None]

if __name__ == "__main__":
    import jax
    _d = setup_inputs()
    print(jax.jit(kernel)(*tuple(_d.values())))

</pallas_src>

<mosaic_0001>
#map = affine_map<(d0, d1) -> (0, 0)>
#map1 = affine_map<(d0, d1) -> (0)>
module attributes {stable_mosaic.version = 14 : i64} {
  func.func @gk(%arg0: i32, %arg1: i32, %arg2: memref<100000x128xf32, #tpu.memory_space<hbm>>, %arg3: memref<65536xi32, #tpu.memory_space<hbm>>, %arg4: memref<65536x128xf32, #tpu.memory_space<hbm>>, %arg5: memref<128xi32, #tpu.memory_space<vmem>>, %arg6: memref<128x128xf32, #tpu.memory_space<vmem>>, %arg7: memref<!tpu.dma_semaphore, #tpu.memory_space<semaphore_mem>>) attributes {dimension_semantics = [#tpu.dimension_semantics<core_parallel>, #tpu.dimension_semantics<subcore_parallel>], iteration_bounds = array<i64: 2, 16>, scalar_prefetch = 0 : i64, scratch_operands = 3 : i64, tpu.core_type = #tpu.core_type<sc_vector_subcore>, window_params = [{transform_indices = #map}, {transform_indices = #map1}, {transform_indices = #map}]} {
    %mul3A = arith.constant 2 : i32
    %mul3A_0 = arith.muli %arg1, %mul3A : i32
    %add3A = arith.addi %mul3A_0, %arg0 : i32
    %mul3A_1 = arith.constant 2048 : i32
    %mul3A_2 = arith.muli %add3A, %mul3A_1 : i32
    %add3A_3 = arith.constant 0 : i32
    %add3A_4 = arith.addi %mul3A_2, %add3A_3 : i32
    "tpu.region"() ({
      %run_scoped3A = tpu.sem_alloc : memref<!tpu.dma_semaphore, #tpu.memory_space<semaphore_mem>>
      %dma_start3A_159 = tpu.memref_slice %arg3[%add3A_4] : memref<65536xi32, #tpu.memory_space<hbm>> -> memref<128xi32, #tpu.memory_space<hbm>>
      %dma_start3A_160 = tpu.memref_slice %arg3[%add3A_4] : memref<65536xi32, #tpu.memory_space<hbm>> -> memref<128xi32, #tpu.memory_space<hbm>>
      tpu.enqueue_dma source(%dma_start3A_160 : memref<128xi32, #tpu.memory_space<hbm>>) target(%arg5 : memref<128xi32, #tpu.memory_space<vmem>>) target_semaphore(%run_scoped3A : memref<!tpu.dma_semaphore, #tpu.memory_space<semaphore_mem>>)
      %dma_wait3A_161 = tpu.memref_slice %arg3[%add3A_4] : memref<65536xi32, #tpu.memory_space<hbm>> -> memref<128xi32, #tpu.memory_space<hbm>>
      %dma_wait3A_162 = tpu.memref_slice %arg3[%add3A_4] : memref<65536xi32, #tpu.memory_space<hbm>> -> memref<128xi32, #tpu.memory_space<hbm>>
      tpu.wait_dma2 semaphore(%run_scoped3A : memref<!tpu.dma_semaphore, #tpu.memory_space<semaphore_mem>>) src(%dma_wait3A_162 : memref<128xi32, #tpu.memory_space<hbm>>) dst(%arg5 : memref<128xi32, #tpu.memory_space<vmem>>)
      tpu.yield
    }) : () -> ()
    %dma_start3A = arith.constant 0 : i32
    %dma_start3A_5 = arith.constant 0 : i32
    %dma_start3A_6 = tpu.memref_slice %arg2[%dma_start3A, %dma_start3A_5] : memref<100000x128xf32, #tpu.memory_space<hbm>> -> memref<100000x128xf32, #tpu.memory_space<hbm>>
    tpu.enqueue_indirect_dma source(%dma_start3A_6 : memref<100000x128xf32, #tpu.memory_space<hbm>>) target(%arg6 : memref<128x128xf32, #tpu.memory_space<vmem>>) offsets(%arg5 : memref<128xi32, #tpu.memory_space<vmem>>) semaphore(%arg7 : memref<!tpu.dma_semaphore, #tpu.memory_space<semaphore_mem>>)
    %dma_wait3A = arith.constant 0 : i32
    %dma_wait3A_7 = arith.constant 0 : i32
    %dma_wait3A_8 = tpu.memref_slice %arg2[%dma_wait3A, %dma_wait3A_7] : memref<100000x128xf32, #tpu.memory_space<hbm>> -> memref<100000x128xf32, #tpu.memory_space<hbm>>
    tpu.wait_indirect_dma semaphore(%arg7 : memref<!tpu.dma_semaphore, #tpu.memory_space<semaphore_mem>>) src(%dma_wait3A_8 : memref<100000x128xf32, #tpu.memory_space<hbm>>) dst(%arg6 : memref<128x128xf32, #tpu.memory_space<vmem>>)
    "tpu.region"() ({
      %run_scoped3A = tpu.sem_alloc : memref<!tpu.dma_semaphore, #tpu.memory_space<semaphore_mem>>
      %dma_start3A_159 = arith.constant 0 : i32
      %dma_start3A_160 = tpu.memref_slice %arg4[%add3A_4, %dma_start3A_159] : memref<65536x128xf32, #tpu.memory_space<hbm>> -> memref<128x128xf32, #tpu.memory_space<hbm>>
      %dma_start3A_161 = arith.constant 0 : i32
      %dma_start3A_162 = tpu.memref_slice %arg4[%add3A_4, %dma_start3A_161] : memref<65536x128xf32, #tpu.memory_space<hbm>> -> memref<128x128xf32, #tpu.memory_space<hbm>>
      tpu.enqueue_dma source(%arg6 : memref<128x128xf32, #tpu.memory_space<vmem>>) target(%dma_start3A_162 : memref<128x128xf32, #tpu.memory_space<hbm>>) target_semaphore(%run_scoped3A : memref<!tpu.dma_semaphore, #tpu.memory_space<semaphore_mem>>)
      %dma_wait3A_163 = arith.constant 0 : i32
      %dma_wait3A_164 = tpu.memref_slice %arg4[%add3A_4, %dma_wait3A_163] : memref<65536x128xf32, #tpu.memory_space<hbm>> -> memref<128x128xf32, #tpu.memory_space<hbm>>
      %dma_wait3A_165 = arith.constant 0 : i32
      %dma_wait3A_166 = tpu.memref_slice %arg4[%add3A_4, %dma_wait3A_165] : memref<65536x128xf32, #tpu.memory_space<hbm>> -> memref<128x128xf32, #tpu.memory_space<hbm>>
      tpu.wait_dma2 semaphore(%run_scoped3A : memref<!tpu.dma_semaphore, #tpu.memory_space<semaphore_mem>>) src(%arg6 : memref<128x128xf32, #tpu.memory_space<vmem>>) dst(%dma_wait3A_166 : memref<128x128xf32, #tpu.memory_space<hbm>>)
      tpu.yield
    }) : () -> ()
    %mul3A_9 = arith.constant 2048 : i32
    %mul3A_10 = arith.muli %add3A, %mul3A_9 : i32
    %add3A_11 = arith.constant 128 : i32
    %add3A_12 = arith.addi %mul3A_10, %add3A_11 : i32
    "tpu.region"() ({
      %run_scoped3A = tpu.sem_alloc : memref<!tpu.dma_semaphore, #tpu.memory_space<semaphore_mem>>
      %dma_start3A_159 = tpu.memref_slice %arg3[%add3A_12] : memref<65536xi32, #tpu.memory_space<hbm>> -> memref<128xi32, #tpu.memory_space<hbm>>
      %dma_start3A_160 = tpu.memref_slice %arg3[%add3A_12] : memref<65536xi32, #tpu.memory_space<hbm>> -> memref<128xi32, #tpu.memory_space<hbm>>
      tpu.enqueue_dma source(%dma_start3A_160 : memref<128xi32, #tpu.memory_space<hbm>>) target(%arg5 : memref<128xi32, #tpu.memory_space<vmem>>) target_semaphore(%run_scoped3A : memref<!tpu.dma_semaphore, #tpu.memory_space<semaphore_mem>>)
      %dma_wait3A_161 = tpu.memref_slice %arg3[%add3A_12] : memref<65536xi32, #tpu.memory_space<hbm>> -> memref<128xi32, #tpu.memory_space<hbm>>
      %dma_wait3A_162 = tpu.memref_slice %arg3[%add3A_12] : memref<65536xi32, #tpu.memory_space<hbm>> -> memref<128xi32, #tpu.memory_space<hbm>>
      tpu.wait_dma2 semaphore(%run_scoped3A : memref<!tpu.dma_semaphore, #tpu.memory_space<semaphore_mem>>) src(%dma_wait3A_162 : memref<128xi32, #tpu.memory_space<hbm>>) dst(%arg5 : memref<128xi32, #tpu.memory_space<vmem>>)
      tpu.yield
    }) : () -> ()
    %dma_start3A_13 = arith.constant 0 : i32
    %dma_start3A_14 = arith.constant 0 : i32
    %dma_start3A_15 = tpu.memref_slice %arg2[%dma_start3A_13, %dma_start3A_14] : memref<100000x128xf32, #tpu.memory_space<hbm>> -> memref<100000x128xf32, #tpu.memory_space<hbm>>
    tpu.enqueue_indirect_dma source(%dma_start3A_15 : memref<100000x128xf32, #tpu.memory_space<hbm>>) target(%arg6 : memref<128x128xf32, #tpu.memory_space<vmem>>) offsets(%arg5 : memref<128xi32, #tpu.memory_space<vmem>>) semaphore(%arg7 : memref<!tpu.dma_semaphore, #tpu.memory_space<semaphore_mem>>)
    %dma_wait3A_16 = arith.constant 0 : i32
    %dma_wait3A_17 = arith.constant 0 : i32
    %dma_wait3A_18 = tpu.memref_slice %arg2[%dma_wait3A_16, %dma_wait3A_17] : memref<100000x128xf32, #tpu.memory_space<hbm>> -> memref<100000x128xf32, #tpu.memory_space<hbm>>
    tpu.wait_indirect_dma semaphore(%arg7 : memref<!tpu.dma_semaphore, #tpu.memory_space<semaphore_mem>>) src(%dma_wait3A_18 : memref<100000x128xf32, #tpu.memory_space<hbm>>) dst(%arg6 : memref<128x128xf32, #tpu.memory_space<vmem>>)
    "tpu.region"() ({
      %run_scoped3A = tpu.sem_alloc : memref<!tpu.dma_semaphore, #tpu.memory_space<semaphore_mem>>
      %dma_start3A_159 = arith.constant 0 : i32
      %dma_start3A_160 = tpu.memref_slice %arg4[%add3A_12, %dma_start3A_159] : memref<65536x128xf32, #tpu.memory_space<hbm>> -> memref<128x128xf32, #tpu.memory_space<hbm>>
      %dma_start3A_161 = arith.constant 0 : i32
      %dma_start3A_162 = tpu.memref_slice %arg4[%add3A_12, %dma_start3A_161] : memref<65536x128xf32, #tpu.memory_space<hbm>> -> memref<128x128xf32, #tpu.memory_space<hbm>>
      tpu.enqueue_dma source(%arg6 : memref<128x128xf32, #tpu.memory_space<vmem>>) target(%dma_start3A_162 : memref<128x128xf32, #tpu.memory_space<hbm>>) target_semaphore(%run_scoped3A : memref<!tpu.dma_semaphore, #tpu.memory_space<semaphore_mem>>)
      %dma_wait3A_163 = arith.constant 0 : i32
      %dma_wait3A_164 = tpu.memref_slice %arg4[%add3A_12, %dma_wait3A_163] : memref<65536x128xf32, #tpu.memory_space<hbm>> -> memref<128x128xf32, #tpu.memory_space<hbm>>
      %dma_wait3A_165 = arith.constant 0 : i32
      %dma_wait3A_166 = tpu.memref_slice %arg4[%add3A_12, %dma_wait3A_165] : memref<65536x128xf32, #tpu.memory_space<hbm>> -> memref<128x128xf32, #tpu.memory_space<hbm>>
      tpu.wait_dma2 semaphore(%run_scoped3A : memref<!tpu.dma_semaphore, #tpu.memory_space<semaphore_mem>>) src(%arg6 : memref<128x128xf32, #tpu.memory_space<vmem>>) dst(%dma_wait3A_166 : memref<128x128xf32, #tpu.memory_space<hbm>>)
      tpu.yield
    }) : () -> ()
    %mul3A_19 = arith.constant 2048 : i32
    %mul3A_20 = arith.muli %add3A, %mul3A_19 : i32
    %add3A_21 = arith.constant 256 : i32
    %add3A_22 = arith.addi %mul3A_20, %add3A_21 : i32
    "tpu.region"() ({
      %run_scoped3A = tpu.sem_alloc : memref<!tpu.dma_semaphore, #tpu.memory_space<semaphore_mem>>
      %dma_start3A_159 = tpu.memref_slice %arg3[%add3A_22] : memref<65536xi32, #tpu.memory_space<hbm>> -> memref<128xi32, #tpu.memory_space<hbm>>
      %dma_start3A_160 = tpu.memref_slice %arg3[%add3A_22] : memref<65536xi32, #tpu.memory_space<hbm>> -> memref<128xi32, #tpu.memory_space<hbm>>
      tpu.enqueue_dma source(%dma_start3A_160 : memref<128xi32, #tpu.memory_space<hbm>>) target(%arg5 : memref<128xi32, #tpu.memory_space<vmem>>) target_semaphore(%run_scoped3A : memref<!tpu.dma_semaphore, #tpu.memory_space<semaphore_mem>>)
      %dma_wait3A_161 = tpu.memref_slice %arg3[%add3A_22] : memref<65536xi32, #tpu.memory_space<hbm>> -> memref<128xi32, #tpu.memory_space<hbm>>
      %dma_wait3A_162 = tpu.memref_slice %arg3[%add3A_22] : memref<65536xi32, #tpu.memory_space<hbm>> -> memref<128xi32, #tpu.memory_space<hbm>>
      tpu.wait_dma2 semaphore(%run_scoped3A : memref<!tpu.dma_semaphore, #tpu.memory_space<semaphore_mem>>) src(%dma_wait3A_162 : memref<128xi32, #tpu.memory_space<hbm>>) dst(%arg5 : memref<128xi32, #tpu.memory_space<vmem>>)
      tpu.yield
    }) : () -> ()
    %dma_start3A_23 = arith.constant 0 : i32
    %dma_start3A_24 = arith.constant 0 : i32
    %dma_start3A_25 = tpu.memref_slice %arg2[%dma_start3A_23, %dma_start3A_24] : memref<100000x128xf32, #tpu.memory_space<hbm>> -> memref<100000x128xf32, #tpu.memory_space<hbm>>
    tpu.enqueue_indirect_dma source(%dma_start3A_25 : memref<100000x128xf32, #tpu.memory_space<hbm>>) target(%arg6 : memref<128x128xf32, #tpu.memory_space<vmem>>) offsets(%arg5 : memref<128xi32, #tpu.memory_space<vmem>>) semaphore(%arg7 : memref<!tpu.dma_semaphore, #tpu.memory_space<semaphore_mem>>)
    %dma_wait3A_26 = arith.constant 0 : i32
    %dma_wait3A_27 = arith.constant 0 : i32
    %dma_wait3A_28 = tpu.memref_slice %arg2[%dma_wait3A_26, %dma_wait3A_27] : memref<100000x128xf32, #tpu.memory_space<hbm>> -> memref<100000x128xf32, #tpu.memory_space<hbm>>
    tpu.wait_indirect_dma semaphore(%arg7 : memref<!tpu.dma_semaphore, #tpu.memory_space<semaphore_mem>>) src(%dma_wait3A_28 : memref<100000x128xf32, #tpu.memory_space<hbm>>) dst(%arg6 : memref<128x128xf32, #tpu.memory_space<vmem>>)
    "tpu.region"() ({
      %run_scoped3A = tpu.sem_alloc : memref<!tpu.dma_semaphore, #tpu.memory_space<semaphore_mem>>
      %dma_start3A_159 = arith.constant 0 : i32
      %dma_start3A_160 = tpu.memref_slice %arg4[%add3A_22, %dma_start3A_159] : memref<65536x128xf32, #tpu.memory_space<hbm>> -> memref<128x128xf32, #tpu.memory_space<hbm>>
      %dma_start3A_161 = arith.constant 0 : i32
      %dma_start3A_162 = tpu.memref_slice %arg4[%add3A_22, %dma_start3A_161] : memref<65536x128xf32, #tpu.memory_space<hbm>> -> memref<128x128xf32, #tpu.memory_space<hbm>>
      tpu.enqueue_dma source(%arg6 : memref<128x128xf32, #tpu.memory_space<vmem>>) target(%dma_start3A_162 : memref<128x128xf32, #tpu.memory_space<hbm>>) target_semaphore(%run_scoped3A : memref<!tpu.dma_semaphore, #tpu.memory_space<semaphore_mem>>)
      %dma_wait3A_163 = arith.constant 0 : i32
      %dma_wait3A_164 = tpu.memref_slice %arg4[%add3A_22, %dma_wait3A_163] : memref<65536x128xf32, #tpu.memory_space<hbm>> -> memref<128x128xf32, #tpu.memory_space<hbm>>
      %dma_wait3A_165 = arith.constant 0 : i32
      %dma_wait3A_166 = tpu.memref_slice %arg4[%add3A_22, %dma_wait3A_165] : memref<65536x128xf32, #tpu.memory_space<hbm>> -> memref<128x128xf32, #tpu.memory_space<hbm>>
      tpu.wait_dma2 semaphore(%run_scoped3A : memref<!tpu.dma_semaphore, #tpu.memory_space<semaphore_mem>>) src(%arg6 : memref<128x128xf32, #tpu.memory_space<vmem>>) dst(%dma_wait3A_166 : memref<128x128xf32, #tpu.memory_space<hbm>>)
      tpu.yield
    }) : () -> ()
    %mul3A_29 = arith.constant 2048 : i32
    %mul3A_30 = arith.muli %add3A, %mul3A_29 : i32
    %add3A_31 = arith.constant 384 : i32
    %add3A_32 = arith.addi %mul3A_30, %add3A_31 : i32
    "tpu.region"() ({
      %run_scoped3A = tpu.sem_alloc : memref<!tpu.dma_semaphore, #tpu.memory_space<semaphore_mem>>
      %dma_start3A_159 = tpu.memref_slice %arg3[%add3A_32] : memref<65536xi32, #tpu.memory_space<hbm>> -> memref<128xi32, #tpu.memory_space<hbm>>
      %dma_start3A_160 = tpu.memref_slice %arg3[%add3A_32] : memref<65536xi32, #tpu.memory_space<hbm>> -> memref<128xi32, #tpu.memory_space<hbm>>
      tpu.enqueue_dma source(%dma_start3A_160 : memref<128xi32, #tpu.memory_space<hbm>>) target(%arg5 : memref<128xi32, #tpu.memory_space<vmem>>) target_semaphore(%run_scoped3A : memref<!tpu.dma_semaphore, #tpu.memory_space<semaphore_mem>>)
      %dma_wait3A_161 = tpu.memref_slice %arg3[%add3A_32] : memref<65536xi32, #tpu.memory_space<hbm>> -> memref<128xi32, #tpu.memory_space<hbm>>
      %dma_wait3A_162 = tpu.memref_slice %arg3[%add3A_32] : memref<65536xi32, #tpu.memory_space<hbm>> -> memref<128xi32, #tpu.memory_space<hbm>>
      tpu.wait_dma2 semaphore(%run_scoped3A : memref<!tpu.dma_semaphore, #tpu.memory_space<semaphore_mem>>) src(%dma_wait3A_162 : memref<128xi32, #tpu.memory_space<hbm>>) dst(%arg5 : memref<128xi32, #tpu.memory_space<vmem>>)
      tpu.yield
    }) : () -> ()
    %dma_start3A_33 = arith.constant 0 : i32
    %dma_start3A_34 = arith.constant 0 : i32
    %dma_start3A_35 = tpu.memref_slice %arg2[%dma_start3A_33, %dma_start3A_34] : memref<100000x128xf32, #tpu.memory_space<hbm>> -> memref<100000x128xf32, #tpu.memory_space<hbm>>
    tpu.enqueue_indirect_dma source(%dma_start3A_35 : memref<100000x128xf32, #tpu.memory_space<hbm>>) target(%arg6 : memref<128x128xf32, #tpu.memory_space<vmem>>) offsets(%arg5 : memref<128xi32, #tpu.memory_space<vmem>>) semaphore(%arg7 : memref<!tpu.dma_semaphore, #tpu.memory_space<semaphore_mem>>)
    %dma_wait3A_36 = arith.constant 0 : i32
    %dma_wait3A_37 = arith.constant 0 : i32
    %dma_wait3A_38 = tpu.memref_slice %arg2[%dma_wait3A_36, %dma_wait3A_37] : memref<100000x128xf32, #tpu.memory_space<hbm>> -> memref<100000x128xf32, #tpu.memory_space<hbm>>
    tpu.wait_indirect_dma semaphore(%arg7 : memref<!tpu.dma_semaphore, #tpu.memory_space<semaphore_mem>>) src(%dma_wait3A_38 : memref<100000x128xf32, #tpu.memory_space<hbm>>) dst(%arg6 : memref<128x128xf32, #tpu.memory_space<vmem>>)
    "tpu.region"() ({
      %run_scoped3A = tpu.sem_alloc : memref<!tpu.dma_semaphore, #tpu.memory_space<semaphore_mem>>
      %dma_start3A_159 = arith.constant 0 : i32
      %dma_start3A_160 = tpu.memref_slice %arg4[%add3A_32, %dma_start3A_159] : memref<65536x128xf32, #tpu.memory_space<hbm>> -> memref<128x128xf32, #tpu.memory_space<hbm>>
      %dma_start3A_161 = arith.constant 0 : i32
      %dma_start3A_162 = tpu.memref_slice %arg4[%add3A_32, %dma_start3A_161] : memref<65536x128xf32, #tpu.memory_space<hbm>> -> memref<128x128xf32, #tpu.memory_space<hbm>>
      tpu.enqueue_dma source(%arg6 : memref<128x128xf32, #tpu.memory_space<vmem>>) target(%dma_start3A_162 : memref<128x128xf32, #tpu.memory_space<hbm>>) target_semaphore(%run_scoped3A : memref<!tpu.dma_semaphore, #tpu.memory_space<semaphore_mem>>)
      %dma_wait3A_163 = arith.constant 0 : i32
      %dma_wait3A_164 = tpu.memref_slice %arg4[%add3A_32, %dma_wait3A_163] : memref<65536x128xf32, #tpu.memory_space<hbm>> -> memref<128x128xf32, #tpu.memory_space<hbm>>
      %dma_wait3A_165 = arith.constant 0 : i32
      %dma_wait3A_166 = tpu.memref_slice %arg4[%add3A_32, %dma_wait3A_165] : memref<65536x128xf32, #tpu.memory_space<hbm>> -> memref<128x128xf32, #tpu.memory_space<hbm>>
      tpu.wait_dma2 semaphore(%run_scoped3A : memref<!tpu.dma_semaphore, #tpu.memory_space<semaphore_mem>>) src(%arg6 : memref<128x128xf32, #tpu.memory_space<vmem>>) dst(%dma_wait3A_166 : memref<128x128xf32, #tpu.memory_space<hbm>>)
      tpu.yield
    }) : () -> ()
    %mul3A_39 = arith.constant 2048 : i32
    %mul3A_40 = arith.muli %add3A, %mul3A_39 : i32
    %add3A_41 = arith.constant 512 : i32
    %add3A_42 = arith.addi %mul3A_40, %add3A_41 : i32
    "tpu.region"() ({
      %run_scoped3A = tpu.sem_alloc : memref<!tpu.dma_semaphore, #tpu.memory_space<semaphore_mem>>
      %dma_start3A_159 = tpu.memref_slice %arg3[%add3A_42] : memref<65536xi32, #tpu.memory_space<hbm>> -> memref<128xi32, #tpu.memory_space<hbm>>
      %dma_start3A_160 = tpu.memref_slice %arg3[%add3A_42] : memref<65536xi32, #tpu.memory_space<hbm>> -> memref<128xi32, #tpu.memory_space<hbm>>
      tpu.enqueue_dma source(%dma_start3A_160 : memref<128xi32, #tpu.memory_space<hbm>>) target(%arg5 : memref<128xi32, #tpu.memory_space<vmem>>) target_semaphore(%run_scoped3A : memref<!tpu.dma_semaphore, #tpu.memory_space<semaphore_mem>>)
      %dma_wait3A_161 = tpu.memref_slice %arg3[%add3A_42] : memref<65536xi32, #tpu.memory_space<hbm>> -> memref<128xi32, #tpu.memory_space<hbm>>
      %dma_wait3A_162 = tpu.memref_slice %arg3[%add3A_42] : memref<65536xi32, #tpu.memory_space<hbm>> -> memref<128xi32, #tpu.memory_space<hbm>>
      tpu.wait_dma2 semaphore(%run_scoped3A : memref<!tpu.dma_semaphore, #tpu.memory_space<semaphore_mem>>) src(%dma_wait3A_162 : memref<128xi32, #tpu.memory_space<hbm>>) dst(%arg5 : memref<128xi32, #tpu.memory_space<vmem>>)
      tpu.yield
    }) : () -> ()
    %dma_start3A_43 = arith.constant 0 : i32
    %dma_start3A_44 = arith.constant 0 : i32
    %dma_start3A_45 = tpu.memref_slice %arg2[%dma_start3A_43, %dma_start3A_44] : memref<100000x128xf32, #tpu.memory_space<hbm>> -> memref<100000x128xf32, #tpu.memory_space<hbm>>
    tpu.enqueue_indirect_dma source(%dma_start3A_45 : memref<100000x128xf32, #tpu.memory_space<hbm>>) target(%arg6 : memref<128x128xf32, #tpu.memory_space<vmem>>) offsets(%arg5 : memref<128xi32, #tpu.memory_space<vmem>>) semaphore(%arg7 : memref<!tpu.dma_semaphore, #tpu.memory_space<semaphore_mem>>)
    %dma_wait3A_46 = arith.constant 0 : i32
    %dma_wait3A_47 = arith.constant 0 : i32
    %dma_wait3A_48 = tpu.memref_slice %arg2[%dma_wait3A_46, %dma_wait3A_47] : memref<100000x128xf32, #tpu.memory_space<hbm>> -> memref<100000x128xf32, #tpu.memory_space<hbm>>
    tpu.wait_indirect_dma semaphore(%arg7 : memref<!tpu.dma_semaphore, #tpu.memory_space<semaphore_mem>>) src(%dma_wait3A_48 : memref<100000x128xf32, #tpu.memory_space<hbm>>) dst(%arg6 : memref<128x128xf32, #tpu.memory_space<vmem>>)
    "tpu.region"() ({
      %run_scoped3A = tpu.sem_alloc : memref<!tpu.dma_semaphore, #tpu.memory_space<semaphore_mem>>
      %dma_start3A_159 = arith.constant 0 : i32
      %dma_start3A_160 = tpu.memref_slice %arg4[%add3A_42, %dma_start3A_159] : memref<65536x128xf32, #tpu.memory_space<hbm>> -> memref<128x128xf32, #tpu.memory_space<hbm>>
      %dma_start3A_161 = arith.constant 0 : i32
      %dma_start3A_162 = tpu.memref_slice %arg4[%add3A_42, %dma_start3A_161] : memref<65536x128xf32, #tpu.memory_space<hbm>> -> memref<128x128xf32, #tpu.memory_space<hbm>>
      tpu.enqueue_dma source(%arg6 : memref<128x128xf32, #tpu.memory_space<vmem>>) target(%dma_start3A_162 : memref<128x128xf32, #tpu.memory_space<hbm>>) target_semaphore(%run_scoped3A : memref<!tpu.dma_semaphore, #tpu.memory_space<semaphore_mem>>)
      %dma_wait3A_163 = arith.constant 0 : i32
      %dma_wait3A_164 = tpu.memref_slice %arg4[%add3A_42, %dma_wait3A_163] : memref<65536x128xf32, #tpu.memory_space<hbm>> -> memref<128x128xf32, #tpu.memory_space<hbm>>
      %dma_wait3A_165 = arith.constant 0 : i32
      %dma_wait3A_166 = tpu.memref_slice %arg4[%add3A_42, %dma_wait3A_165] : memref<65536x128xf32, #tpu.memory_space<hbm>> -> memref<128x128xf32, #tpu.memory_space<hbm>>
      tpu.wait_dma2 semaphore(%run_scoped3A : memref<!tpu.dma_semaphore, #tpu.memory_space<semaphore_mem>>) src(%arg6 : memref<128x128xf32, #tpu.memory_space<vmem>>) dst(%dma_wait3A_166 : memref<128x128xf32, #tpu.memory_space<hbm>>)
      tpu.yield
    }) : () -> ()
    %mul3A_49 = arith.constant 2048 : i32
    %mul3A_50 = arith.muli %add3A, %mul3A_49 : i32
    %add3A_51 = arith.constant 640 : i32
    %add3A_52 = arith.addi %mul3A_50, %add3A_51 : i32
    "tpu.region"() ({
      %run_scoped3A = tpu.sem_alloc : memref<!tpu.dma_semaphore, #tpu.memory_space<semaphore_mem>>
      %dma_start3A_159 = tpu.memref_slice %arg3[%add3A_52] : memref<65536xi32, #tpu.memory_space<hbm>> -> memref<128xi32, #tpu.memory_space<hbm>>
      %dma_start3A_160 = tpu.memref_slice %arg3[%add3A_52] : memref<65536xi32, #tpu.memory_space<hbm>> -> memref<128xi32, #tpu.memory_space<hbm>>
      tpu.enqueue_dma source(%dma_start3A_160 : memref<128xi32, #tpu.memory_space<hbm>>) target(%arg5 : memref<128xi32, #tpu.memory_space<vmem>>) target_semaphore(%run_scoped3A : memref<!tpu.dma_semaphore, #tpu.memory_space<semaphore_mem>>)
      %dma_wait3A_161 = tpu.memref_slice %arg3[%add3A_52] : memref<65536xi32, #tpu.memory_space<hbm>> -> memref<128xi32, #tpu.memory_space<hbm>>
      %dma_wait3A_162 = tpu.memref_slice %arg3[%add3A_52] : memref<65536xi32, #tpu.memory_space<hbm>> -> memref<128xi32, #tpu.memory_space<hbm>>
      tpu.wait_dma2 semaphore(%run_scoped3A : memref<!tpu.dma_semaphore, #tpu.memory_space<semaphore_mem>>) src(%dma_wait3A_162 : memref<128xi32, #tpu.memory_space<hbm>>) dst(%arg5 : memref<128xi32, #tpu.memory_space<vmem>>)
      tpu.yield
    }) : () -> ()
    %dma_start3A_53 = arith.constant 0 : i32
    %dma_start3A_54 = arith.constant 0 : i32
    %dma_start3A_55 = tpu.memref_slice %arg2[%dma_start3A_53, %dma_start3A_54] : memref<100000x128xf32, #tpu.memory_space<hbm>> -> memref<100000x128xf32, #tpu.memory_space<hbm>>
    tpu.enqueue_indirect_dma source(%dma_start3A_55 : memref<100000x128xf32, #tpu.memory_space<hbm>>) target(%arg6 : memref<128x128xf32, #tpu.memory_space<vmem>>) offsets(%arg5 : memref<128xi32, #tpu.memory_space<vmem>>) semaphore(%arg7 : memref<!tpu.dma_semaphore, #tpu.memory_space<semaphore_mem>>)
    %dma_wait3A_56 = arith.constant 0 : i32
    %dma_wait3A_57 = arith.constant 0 : i32
    %dma_wait3A_58 = tpu.memref_slice %arg2[%dma_wait3A_56, %dma_wait3A_57] : memref<100000x128xf32, #tpu.memory_space<hbm>> -> memref<100000x128xf32, #tpu.memory_space<hbm>>
    tpu.wait_indirect_dma semaphore(%arg7 : memref<!tpu.dma_semaphore, #tpu.memory_space<semaphore_mem>>) src(%dma_wait3A_58 : memref<100000x128xf32, #tpu.memory_space<hbm>>) dst(%arg6 : memref<128x128xf32, #tpu.memory_space<vmem>>)
    "tpu.region"() ({
      %run_scoped3A = tpu.sem_alloc : memref<!tpu.dma_semaphore, #tpu.memory_space<semaphore_mem>>
      %dma_start3A_159 = arith.constant 0 : i32
      %dma_start3A_160 = tpu.memref_slice %arg4[%add3A_52, %dma_start3A_159] : memref<65536x128xf32, #tpu.memory_space<hbm>> -> memref<128x128xf32, #tpu.memory_space<hbm>>
      %dma_start3A_161 = arith.constant 0 : i32
      %dma_start3A_162 = tpu.memref_slice %arg4[%add3A_52, %dma_start3A_161] : memref<65536x128xf32, #tpu.memory_space<hbm>> -> memref<128x128xf32, #tpu.memory_space<hbm>>
      tpu.enqueue_dma source(%arg6 : memref<128x128xf32, #tpu.memory_space<vmem>>) target(%dma_start3A_162 : memref<128x128xf32, #tpu.memory_space<hbm>>) target_semaphore(%run_scoped3A : memref<!tpu.dma_semaphore, #tpu.memory_space<semaphore_mem>>)
      %dma_wait3A_163 = arith.constant 0 : i32
      %dma_wait3A_164 = tpu.memref_slice %arg4[%add3A_52, %dma_wait3A_163] : memref<65536x128xf32, #tpu.memory_space<hbm>> -> memref<128x128xf32, #tpu.memory_space<hbm>>
      %dma_wait3A_165 = arith.constant 0 : i32
      %dma_wait3A_166 = tpu.memref_slice %arg4[%add3A_52, %dma_wait3A_165] : memref<65536x128xf32, #tpu.memory_space<hbm>> -> memref<128x128xf32, #tpu.memory_space<hbm>>
      tpu.wait_dma2 semaphore(%run_scoped3A : memref<!tpu.dma_semaphore, #tpu.memory_space<semaphore_mem>>) src(%arg6 : memref<128x128xf32, #tpu.memory_space<vmem>>) dst(%dma_wait3A_166 : memref<128x128xf32, #tpu.memory_space<hbm>>)
      tpu.yield
    }) : () -> ()
    %mul3A_59 = arith.constant 2048 : i32
    %mul3A_60 = arith.muli %add3A, %mul3A_59 : i32
    %add3A_61 = arith.constant 768 : i32
    %add3A_62 = arith.addi %mul3A_60, %add3A_61 : i32
    "tpu.region"() ({
      %run_scoped3A = tpu.sem_alloc : memref<!tpu.dma_semaphore, #tpu.memory_space<semaphore_mem>>
      %dma_start3A_159 = tpu.memref_slice %arg3[%add3A_62] : memref<65536xi32, #tpu.memory_space<hbm>> -> memref<128xi32, #tpu.memory_space<hbm>>
      %dma_start3A_160 = tpu.memref_slice %arg3[%add3A_62] : memref<65536xi32, #tpu.memory_space<hbm>> -> memref<128xi32, #tpu.memory_space<hbm>>
      tpu.enqueue_dma source(%dma_start3A_160 : memref<128xi32, #tpu.memory_space<hbm>>) target(%arg5 : memref<128xi32, #tpu.memory_space<vmem>>) target_semaphore(%run_scoped3A : memref<!tpu.dma_semaphore, #tpu.memory_space<semaphore_mem>>)
      %dma_wait3A_161 = tpu.memref_slice %arg3[%add3A_62] : memref<65536xi32, #tpu.memory_space<hbm>> -> memref<128xi32, #tpu.memory_space<hbm>>
      %dma_wait3A_162 = tpu.memref_slice %arg3[%add3A_62] : memref<65536xi32, #tpu.memory_space<hbm>> -> memref<128xi32, #tpu.memory_space<hbm>>
      tpu.wait_dma2 semaphore(%run_scoped3A : memref<!tpu.dma_semaphore, #tpu.memory_space<semaphore_mem>>) src(%dma_wait3A_162 : memref<128xi32, #tpu.memory_space<hbm>>) dst(%arg5 : memref<128xi32, #tpu.memory_space<vmem>>)
      tpu.yield
    }) : () -> ()
    %dma_start3A_63 = arith.constant 0 : i32
    %dma_start3A_64 = arith.constant 0 : i32
    %dma_start3A_65 = tpu.memref_slice %arg2[%dma_start3A_63, %dma_start3A_64] : memref<100000x128xf32, #tpu.memory_space<hbm>> -> memref<100000x128xf32, #tpu.memory_space<hbm>>
    tpu.enqueue_indirect_dma source(%dma_start3A_65 : memref<100000x128xf32, #tpu.memory_space<hbm>>) target(%arg6 : memref<128x128xf32, #tpu.memory_space<vmem>>) offsets(%arg5 : memref<128xi32, #tpu.memory_space<vmem>>) semaphore(%arg7 : memref<!tpu.dma_semaphore, #tpu.memory_space<semaphore_mem>>)
    %dma_wait3A_66 = arith.constant 0 : i32
    %dma_wait3A_67 = arith.constant 0 : i32
    %dma_wait3A_68 = tpu.memref_slice %arg2[%dma_wait3A_66, %dma_wait3A_67] : memref<100000x128xf32, #tpu.memory_space<hbm>> -> memref<100000x128xf32, #tpu.memory_space<hbm>>
    tpu.wait_indirect_dma semaphore(%arg7 : memref<!tpu.dma_semaphore, #tpu.memory_space<semaphore_mem>>) src(%dma_wait3A_68 : memref<100000x128xf32, #tpu.memory_space<hbm>>) dst(%arg6 : memref<128x128xf32, #tpu.memory_space<vmem>>)
    "tpu.region"() ({
      %run_scoped3A = tpu.sem_alloc : memref<!tpu.dma_semaphore, #tpu.memory_space<semaphore_mem>>
      %dma_start3A_159 = arith.constant 0 : i32
      %dma_start3A_160 = tpu.memref_slice %arg4[%add3A_62, %dma_start3A_159] : memref<65536x128xf32, #tpu.memory_space<hbm>> -> memref<128x128xf32, #tpu.memory_space<hbm>>
      %dma_start3A_161 = arith.constant 0 : i32
      %dma_start3A_162 = tpu.memref_slice %arg4[%add3A_62, %dma_start3A_161] : memref<65536x128xf32, #tpu.memory_space<hbm>> -> memref<128x128xf32, #tpu.memory_space<hbm>>
      tpu.enqueue_dma source(%arg6 : memref<128x128xf32, #tpu.memory_space<vmem>>) target(%dma_start3A_162 : memref<128x128xf32, #tpu.memory_space<hbm>>) target_semaphore(%run_scoped3A : memref<!tpu.dma_semaphore, #tpu.memory_space<semaphore_mem>>)
      %dma_wait3A_163 = arith.constant 0 : i32
      %dma_wait3A_164 = tpu.memref_slice %arg4[%add3A_62, %dma_wait3A_163] : memref<65536x128xf32, #tpu.memory_space<hbm>> -> memref<128x128xf32, #tpu.memory_space<hbm>>
      %dma_wait3A_165 = arith.constant 0 : i32
      %dma_wait3A_166 = tpu.memref_slice %arg4[%add3A_62, %dma_wait3A_165] : memref<65536x128xf32, #tpu.memory_space<hbm>> -> memref<128x128xf32, #tpu.memory_space<hbm>>
      tpu.wait_dma2 semaphore(%run_scoped3A : memref<!tpu.dma_semaphore, #tpu.memory_space<semaphore_mem>>) src(%arg6 : memref<128x128xf32, #tpu.memory_space<vmem>>) dst(%dma_wait3A_166 : memref<128x128xf32, #tpu.memory_space<hbm>>)
      tpu.yield
    }) : () -> ()
    %mul3A_69 = arith.constant 2048 : i32
    %mul3A_70 = arith.muli %add3A, %mul3A_69 : i32
    %add3A_71 = arith.constant 896 : i32
    %add3A_72 = arith.addi %mul3A_70, %add3A_71 : i32
    "tpu.region"() ({
      %run_scoped3A = tpu.sem_alloc : memref<!tpu.dma_semaphore, #tpu.memory_space<semaphore_mem>>
      %dma_start3A_159 = tpu.memref_slice %arg3[%add3A_72] : memref<65536xi32, #tpu.memory_space<hbm>> -> memref<128xi32, #tpu.memory_space<hbm>>
      %dma_start3A_160 = tpu.memref_slice %arg3[%add3A_72] : memref<65536xi32, #tpu.memory_space<hbm>> -> memref<128xi32, #tpu.memory_space<hbm>>
      tpu.enqueue_dma source(%dma_start3A_160 : memref<128xi32, #tpu.memory_space<hbm>>) target(%arg5 : memref<128xi32, #tpu.memory_space<vmem>>) target_semaphore(%run_scoped3A : memref<!tpu.dma_semaphore, #tpu.memory_space<semaphore_mem>>)
      %dma_wait3A_161 = tpu.memref_slice %arg3[%add3A_72] : memref<65536xi32, #tpu.memory_space<hbm>> -> memref<128xi32, #tpu.memory_space<hbm>>
      %dma_wait3A_162 = tpu.memref_slice %arg3[%add3A_72] : memref<65536xi32, #tpu.memory_space<hbm>> -> memref<128xi32, #tpu.memory_space<hbm>>
      tpu.wait_dma2 semaphore(%run_scoped3A : memref<!tpu.dma_semaphore, #tpu.memory_space<semaphore_mem>>) src(%dma_wait3A_162 : memref<128xi32, #tpu.memory_space<hbm>>) dst(%arg5 : memref<128xi32, #tpu.memory_space<vmem>>)
      tpu.yield
    }) : () -> ()
    %dma_start3A_73 = arith.constant 0 : i32
    %dma_start3A_74 = arith.constant 0 : i32
    %dma_start3A_75 = tpu.memref_slice %arg2[%dma_start3A_73, %dma_start3A_74] : memref<100000x128xf32, #tpu.memory_space<hbm>> -> memref<100000x128xf32, #tpu.memory_space<hbm>>
    tpu.enqueue_indirect_dma source(%dma_start3A_75 : memref<100000x128xf32, #tpu.memory_space<hbm>>) target(%arg6 : memref<128x128xf32, #tpu.memory_space<vmem>>) offsets(%arg5 : memref<128xi32, #tpu.memory_space<vmem>>) semaphore(%arg7 : memref<!tpu.dma_semaphore, #tpu.memory_space<semaphore_mem>>)
    %dma_wait3A_76 = arith.constant 0 : i32
    %dma_wait3A_77 = arith.constant 0 : i32
    %dma_wait3A_78 = tpu.memref_slice %arg2[%dma_wait3A_76, %dma_wait3A_77] : memref<100000x128xf32, #tpu.memory_space<hbm>> -> memref<100000x128xf32, #tpu.memory_space<hbm>>
    tpu.wait_indirect_dma semaphore(%arg7 : memref<!tpu.dma_semaphore, #tpu.memory_space<semaphore_mem>>) src(%dma_wait3A_78 : memref<100000x128xf32, #tpu.memory_space<hbm>>) dst(%arg6 : memref<128x128xf32, #tpu.memory_space<vmem>>)
    "tpu.region"() ({
      %run_scoped3A = tpu.sem_alloc : memref<!tpu.dma_semaphore, #tpu.memory_space<semaphore_mem>>
      %dma_start3A_159 = arith.constant 0 : i32
      %dma_start3A_160 = tpu.memref_slice %arg4[%add3A_72, %dma_start3A_159] : memref<65536x128xf32, #tpu.memory_space<hbm>> -> memref<128x128xf32, #tpu.memory_space<hbm>>
      %dma_start3A_161 = arith.constant 0 : i32
      %dma_start3A_162 = tpu.memref_slice %arg4[%add3A_72, %dma_start3A_161] : memref<65536x128xf32, #tpu.memory_space<hbm>> -> memref<128x128xf32, #tpu.memory_space<hbm>>
      tpu.enqueue_dma source(%arg6 : memref<128x128xf32, #tpu.memory_space<vmem>>) target(%dma_start3A_162 : memref<128x128xf32, #tpu.memory_space<hbm>>) target_semaphore(%run_scoped3A : memref<!tpu.dma_semaphore, #tpu.memory_space<semaphore_mem>>)
      %dma_wait3A_163 = arith.constant 0 : i32
      %dma_wait3A_164 = tpu.memref_slice %arg4[%add3A_72, %dma_wait3A_163] : memref<65536x128xf32, #tpu.memory_space<hbm>> -> memref<128x128xf32, #tpu.memory_space<hbm>>
      %dma_wait3A_165 = arith.constant 0 : i32
      %dma_wait3A_166 = tpu.memref_slice %arg4[%add3A_72, %dma_wait3A_165] : memref<65536x128xf32, #tpu.memory_space<hbm>> -> memref<128x128xf32, #tpu.memory_space<hbm>>
      tpu.wait_dma2 semaphore(%run_scoped3A : memref<!tpu.dma_semaphore, #tpu.memory_space<semaphore_mem>>) src(%arg6 : memref<128x128xf32, #tpu.memory_space<vmem>>) dst(%dma_wait3A_166 : memref<128x128xf32, #tpu.memory_space<hbm>>)
      tpu.yield
    }) : () -> ()
    %mul3A_79 = arith.constant 2048 : i32
    %mul3A_80 = arith.muli %add3A, %mul3A_79 : i32
    %add3A_81 = arith.constant 1024 : i32
    %add3A_82 = arith.addi %mul3A_80, %add3A_81 : i32
    "tpu.region"() ({
      %run_scoped3A = tpu.sem_alloc : memref<!tpu.dma_semaphore, #tpu.memory_space<semaphore_mem>>
      %dma_start3A_159 = tpu.memref_slice %arg3[%add3A_82] : memref<65536xi32, #tpu.memory_space<hbm>> -> memref<128xi32, #tpu.memory_space<hbm>>
      %dma_start3A_160 = tpu.memref_slice %arg3[%add3A_82] : memref<65536xi32, #tpu.memory_space<hbm>> -> memref<128xi32, #tpu.memory_space<hbm>>
      tpu.enqueue_dma source(%dma_start3A_160 : memref<128xi32, #tpu.memory_space<hbm>>) target(%arg5 : memref<128xi32, #tpu.memory_space<vmem>>) target_semaphore(%run_scoped3A : memref<!tpu.dma_semaphore, #tpu.memory_space<semaphore_mem>>)
      %dma_wait3A_161 = tpu.memref_slice %arg3[%add3A_82] : memref<65536xi32, #tpu.memory_space<hbm>> -> memref<128xi32, #tpu.memory_space<hbm>>
      %dma_wait3A_162 = tpu.memref_slice %arg3[%add3A_82] : memref<65536xi32, #tpu.memory_space<hbm>> -> memref<128xi32, #tpu.memory_space<hbm>>
      tpu.wait_dma2 semaphore(%run_scoped3A : memref<!tpu.dma_semaphore, #tpu.memory_space<semaphore_mem>>) src(%dma_wait3A_162 : memref<128xi32, #tpu.memory_space<hbm>>) dst(%arg5 : memref<128xi32, #tpu.memory_space<vmem>>)
      tpu.yield
    }) : () -> ()
    %dma_start3A_83 = arith.constant 0 : i32
    %dma_start3A_84 = arith.constant 0 : i32
    %dma_start3A_85 = tpu.memref_slice %arg2[%dma_start3A_83, %dma_start3A_84] : memref<100000x128xf32, #tpu.memory_space<hbm>> -> memref<100000x128xf32, #tpu.memory_space<hbm>>
    tpu.enqueue_indirect_dma source(%dma_start3A_85 : memref<100000x128xf32, #tpu.memory_space<hbm>>) target(%arg6 : memref<128x128xf32, #tpu.memory_space<vmem>>) offsets(%arg5 : memref<128xi32, #tpu.memory_space<vmem>>) semaphore(%arg7 : memref<!tpu.dma_semaphore, #tpu.memory_space<semaphore_mem>>)
    %dma_wait3A_86 = arith.constant 0 : i32
    %dma_wait3A_87 = arith.constant 0 : i32
    %dma_wait3A_88 = tpu.memref_slice %arg2[%dma_wait3A_86, %dma_wait3A_87] : memref<100000x128xf32, #tpu.memory_space<hbm>> -> memref<100000x128xf32, #tpu.memory_space<hbm>>
    tpu.wait_indirect_dma semaphore(%arg7 : memref<!tpu.dma_semaphore, #tpu.memory_space<semaphore_mem>>) src(%dma_wait3A_88 : memref<100000x128xf32, #tpu.memory_space<hbm>>) dst(%arg6 : memref<128x128xf32, #tpu.memory_space<vmem>>)
    "tpu.region"() ({
      %run_scoped3A = tpu.sem_alloc : memref<!tpu.dma_semaphore, #tpu.memory_space<semaphore_mem>>
      %dma_start3A_159 = arith.constant 0 : i32
      %dma_start3A_160 = tpu.memref_slice %arg4[%add3A_82, %dma_start3A_159] : memref<65536x128xf32, #tpu.memory_space<hbm>> -> memref<128x128xf32, #tpu.memory_space<hbm>>
      %dma_start3A_161 = arith.constant 0 : i32
      %dma_start3A_162 = tpu.memref_slice %arg4[%add3A_82, %dma_start3A_161] : memref<65536x128xf32, #tpu.memory_space<hbm>> -> memref<128x128xf32, #tpu.memory_space<hbm>>
      tpu.enqueue_dma source(%arg6 : memref<128x128xf32, #tpu.memory_space<vmem>>) target(%dma_start3A_162 : memref<128x128xf32, #tpu.memory_space<hbm>>) target_semaphore(%run_scoped3A : memref<!tpu.dma_semaphore, #tpu.memory_space<semaphore_mem>>)
      %dma_wait3A_163 = arith.constant 0 : i32
      %dma_wait3A_164 = tpu.memref_slice %arg4[%add3A_82, %dma_wait3A_163] : memref<65536x128xf32, #tpu.memory_space<hbm>> -> memref<128x128xf32, #tpu.memory_space<hbm>>
      %dma_wait3A_165 = arith.constant 0 : i32
      %dma_wait3A_166 = tpu.memref_slice %arg4[%add3A_82, %dma_wait3A_165] : memref<65536x128xf32, #tpu.memory_space<hbm>> -> memref<128x128xf32, #tpu.memory_space<hbm>>
      tpu.wait_dma2 semaphore(%run_scoped3A : memref<!tpu.dma_semaphore, #tpu.memory_space<semaphore_mem>>) src(%arg6 : memref<128x128xf32, #tpu.memory_space<vmem>>) dst(%dma_wait3A_166 : memref<128x128xf32, #tpu.memory_space<hbm>>)
      tpu.yield
    }) : () -> ()
    %mul3A_89 = arith.constant 2048 : i32
    %mul3A_90 = arith.muli %add3A, %mul3A_89 : i32
    %add3A_91 = arith.constant 1152 : i32
    %add3A_92 = arith.addi %mul3A_90, %add3A_91 : i32
    "tpu.region"() ({
      %run_scoped3A = tpu.sem_alloc : memref<!tpu.dma_semaphore, #tpu.memory_space<semaphore_mem>>
      %dma_start3A_159 = tpu.memref_slice %arg3[%add3A_92] : memref<65536xi32, #tpu.memory_space<hbm>> -> memref<128xi32, #tpu.memory_space<hbm>>
      %dma_start3A_160 = tpu.memref_slice %arg3[%add3A_92] : memref<65536xi32, #tpu.memory_space<hbm>> -> memref<128xi32, #tpu.memory_space<hbm>>
      tpu.enqueue_dma source(%dma_start3A_160 : memref<128xi32, #tpu.memory_space<hbm>>) target(%arg5 : memref<128xi32, #tpu.memory_space<vmem>>) target_semaphore(%run_scoped3A : memref<!tpu.dma_semaphore, #tpu.memory_space<semaphore_mem>>)
      %dma_wait3A_161 = tpu.memref_slice %arg3[%add3A_92] : memref<65536xi32, #tpu.memory_space<hbm>> -> memref<128xi32, #tpu.memory_space<hbm>>
      %dma_wait3A_162 = tpu.memref_slice %arg3[%add3A_92] : memref<65536xi32, #tpu.memory_space<hbm>> -> memref<128xi32, #tpu.memory_space<hbm>>
      tpu.wait_dma2 semaphore(%run_scoped3A : memref<!tpu.dma_semaphore, #tpu.memory_space<semaphore_mem>>) src(%dma_wait3A_162 : memref<128xi32, #tpu.memory_space<hbm>>) dst(%arg5 : memref<128xi32, #tpu.memory_space<vmem>>)
      tpu.yield
    }) : () -> ()
    %dma_start3A_93 = arith.constant 0 : i32
    %dma_start3A_94 = arith.constant 0 : i32
    %dma_start3A_95 = tpu.memref_slice %arg2[%dma_start3A_93, %dma_start3A_94] : memref<100000x128xf32, #tpu.memory_space<hbm>> -> memref<100000x128xf32, #tpu.memory_space<hbm>>
    tpu.enqueue_indirect_dma source(%dma_start3A_95 : memref<100000x128xf32, #tpu.memory_space<hbm>>) target(%arg6 : memref<128x128xf32, #tpu.memory_space<vmem>>) offsets(%arg5 : memref<128xi32, #tpu.memory_space<vmem>>) semaphore(%arg7 : memref<!tpu.dma_semaphore, #tpu.memory_space<semaphore_mem>>)
    %dma_wait3A_96 = arith.constant 0 : i32
    %dma_wait3A_97 = arith.constant 0 : i32
    %dma_wait3A_98 = tpu.memref_slice %arg2[%dma_wait3A_96, %dma_wait3A_97] : memref<100000x128xf32, #tpu.memory_space<hbm>> -> memref<100000x128xf32, #tpu.memory_space<hbm>>
    tpu.wait_indirect_dma semaphore(%arg7 : memref<!tpu.dma_semaphore, #tpu.memory_space<semaphore_mem>>) src(%dma_wait3A_98 : memref<100000x128xf32, #tpu.memory_space<hbm>>) dst(%arg6 : memref<128x128xf32, #tpu.memory_space<vmem>>)
    "tpu.region"() ({
      %run_scoped3A = tpu.sem_alloc : memref<!tpu.dma_semaphore, #tpu.memory_space<semaphore_mem>>
      %dma_start3A_159 = arith.constant 0 : i32
      %dma_start3A_160 = tpu.memref_slice %arg4[%add3A_92, %dma_start3A_159] : memref<65536x128xf32, #tpu.memory_space<hbm>> -> memref<128x128xf32, #tpu.memory_space<hbm>>
      %dma_start3A_161 = arith.constant 0 : i32
      %dma_start3A_162 = tpu.memref_slice %arg4[%add3A_92, %dma_start3A_161] : memref<65536x128xf32, #tpu.memory_space<hbm>> -> memref<128x128xf32, #tpu.memory_space<hbm>>
      tpu.enqueue_dma source(%arg6 : memref<128x128xf32, #tpu.memory_space<vmem>>) target(%dma_start3A_162 : memref<128x128xf32, #tpu.memory_space<hbm>>) target_semaphore(%run_scoped3A : memref<!tpu.dma_semaphore, #tpu.memory_space<semaphore_mem>>)
      %dma_wait3A_163 = arith.constant 0 : i32
      %dma_wait3A_164 = tpu.memref_slice %arg4[%add3A_92, %dma_wait3A_163] : memref<65536x128xf32, #tpu.memory_space<hbm>> -> memref<128x128xf32, #tpu.memory_space<hbm>>
      %dma_wait3A_165 = arith.constant 0 : i32
      %dma_wait3A_166 = tpu.memref_slice %arg4[%add3A_92, %dma_wait3A_165] : memref<65536x128xf32, #tpu.memory_space<hbm>> -> memref<128x128xf32, #tpu.memory_space<hbm>>
      tpu.wait_dma2 semaphore(%run_scoped3A : memref<!tpu.dma_semaphore, #tpu.memory_space<semaphore_mem>>) src(%arg6 : memref<128x128xf32, #tpu.memory_space<vmem>>) dst(%dma_wait3A_166 : memref<128x128xf32, #tpu.memory_space<hbm>>)
      tpu.yield
    }) : () -> ()
    %mul3A_99 = arith.constant 2048 : i32
    %mul3A_100 = arith.muli %add3A, %mul3A_99 : i32
    %add3A_101 = arith.constant 1280 : i32
    %add3A_102 = arith.addi %mul3A_100, %add3A_101 : i32
    "tpu.region"() ({
      %run_scoped3A = tpu.sem_alloc : memref<!tpu.dma_semaphore, #tpu.memory_space<semaphore_mem>>
      %dma_start3A_159 = tpu.memref_slice %arg3[%add3A_102] : memref<65536xi32, #tpu.memory_space<hbm>> -> memref<128xi32, #tpu.memory_space<hbm>>
      %dma_start3A_160 = tpu.memref_slice %arg3[%add3A_102] : memref<65536xi32, #tpu.memory_space<hbm>> -> memref<128xi32, #tpu.memory_space<hbm>>
      tpu.enqueue_dma source(%dma_start3A_160 : memref<128xi32, #tpu.memory_space<hbm>>) target(%arg5 : memref<128xi32, #tpu.memory_space<vmem>>) target_semaphore(%run_scoped3A : memref<!tpu.dma_semaphore, #tpu.memory_space<semaphore_mem>>)
      %dma_wait3A_161 = tpu.memref_slice %arg3[%add3A_102] : memref<65536xi32, #tpu.memory_space<hbm>> -> memref<128xi32, #tpu.memory_space<hbm>>
      %dma_wait3A_162 = tpu.memref_slice %arg3[%add3A_102] : memref<65536xi32, #tpu.memory_space<hbm>> -> memref<128xi32, #tpu.memory_space<hbm>>
      tpu.wait_dma2 semaphore(%run_scoped3A : memref<!tpu.dma_semaphore, #tpu.memory_space<semaphore_mem>>) src(%dma_wait3A_162 : memref<128xi32, #tpu.memory_space<hbm>>) dst(%arg5 : memref<128xi32, #tpu.memory_space<vmem>>)
      tpu.yield
    }) : () -> ()
    %dma_start3A_103 = arith.constant 0 : i32
    %dma_start3A_104 = arith.constant 0 : i32
    %dma_start3A_105 = tpu.memref_slice %arg2[%dma_start3A_103, %dma_start3A_104] : memref<100000x128xf32, #tpu.memory_space<hbm>> -> memref<100000x128xf32, #tpu.memory_space<hbm>>
    tpu.enqueue_indirect_dma source(%dma_start3A_105 : memref<100000x128xf32, #tpu.memory_space<hbm>>) target(%arg6 : memref<128x128xf32, #tpu.memory_space<vmem>>) offsets(%arg5 : memref<128xi32, #tpu.memory_space<vmem>>) semaphore(%arg7 : memref<!tpu.dma_semaphore, #tpu.memory_space<semaphore_mem>>)
    %dma_wait3A_106 = arith.constant 0 : i32
    %dma_wait3A_107 = arith.constant 0 : i32
    %dma_wait3A_108 = tpu.memref_slice %arg2[%dma_wait3A_106, %dma_wait3A_107] : memref<100000x128xf32, #tpu.memory_space<hbm>> -> memref<100000x128xf32, #tpu.memory_space<hbm>>
    tpu.wait_indirect_dma semaphore(%arg7 : memref<!tpu.dma_semaphore, #tpu.memory_space<semaphore_mem>>) src(%dma_wait3A_108 : memref<100000x128xf32, #tpu.memory_space<hbm>>) dst(%arg6 : memref<128x128xf32, #tpu.memory_space<vmem>>)
    "tpu.region"() ({
      %run_scoped3A = tpu.sem_alloc : memref<!tpu.dma_semaphore, #tpu.memory_space<semaphore_mem>>
      %dma_start3A_159 = arith.constant 0 : i32
      %dma_start3A_160 = tpu.memref_slice %arg4[%add3A_102, %dma_start3A_159] : memref<65536x128xf32, #tpu.memory_space<hbm>> -> memref<128x128xf32, #tpu.memory_space<hbm>>
      %dma_start3A_161 = arith.constant 0 : i32
      %dma_start3A_162 = tpu.memref_slice %arg4[%add3A_102, %dma_start3A_161] : memref<65536x128xf32, #tpu.memory_space<hbm>> -> memref<128x128xf32, #tpu.memory_space<hbm>>
      tpu.enqueue_dma source(%arg6 : memref<128x128xf32, #tpu.memory_space<vmem>>) target(%dma_start3A_162 : memref<128x128xf32, #tpu.memory_space<hbm>>) target_semaphore(%run_scoped3A : memref<!tpu.dma_semaphore, #tpu.memory_space<semaphore_mem>>)
      %dma_wait3A_163 = arith.constant 0 : i32
      %dma_wait3A_164 = tpu.memref_slice %arg4[%add3A_102, %dma_wait3A_163] : memref<65536x128xf32, #tpu.memory_space<hbm>> -> memref<128x128xf32, #tpu.memory_space<hbm>>
      %dma_wait3A_165 = arith.constant 0 : i32
      %dma_wait3A_166 = tpu.memref_slice %arg4[%add3A_102, %dma_wait3A_165] : memref<65536x128xf32, #tpu.memory_space<hbm>> -> memref<128x128xf32, #tpu.memory_space<hbm>>
      tpu.wait_dma2 semaphore(%run_scoped3A : memref<!tpu.dma_semaphore, #tpu.memory_space<semaphore_mem>>) src(%arg6 : memref<128x128xf32, #tpu.memory_space<vmem>>) dst(%dma_wait3A_166 : memref<128x128xf32, #tpu.memory_space<hbm>>)
      tpu.yield
    }) : () -> ()
    %mul3A_109 = arith.constant 2048 : i32
    %mul3A_110 = arith.muli %add3A, %mul3A_109 : i32
    %add3A_111 = arith.constant 1408 : i32
    %add3A_112 = arith.addi %mul3A_110, %add3A_111 : i32
    "tpu.region"() ({
      %run_scoped3A = tpu.sem_alloc : memref<!tpu.dma_semaphore, #tpu.memory_space<semaphore_mem>>
      %dma_start3A_159 = tpu.memref_slice %arg3[%add3A_112] : memref<65536xi32, #tpu.memory_space<hbm>> -> memref<128xi32, #tpu.memory_space<hbm>>
      %dma_start3A_160 = tpu.memref_slice %arg3[%add3A_112] : memref<65536xi32, #tpu.memory_space<hbm>> -> memref<128xi32, #tpu.memory_space<hbm>>
      tpu.enqueue_dma source(%dma_start3A_160 : memref<128xi32, #tpu.memory_space<hbm>>) target(%arg5 : memref<128xi32, #tpu.memory_space<vmem>>) target_semaphore(%run_scoped3A : memref<!tpu.dma_semaphore, #tpu.memory_space<semaphore_mem>>)
      %dma_wait3A_161 = tpu.memref_slice %arg3[%add3A_112] : memref<65536xi32, #tpu.memory_space<hbm>> -> memref<128xi32, #tpu.memory_space<hbm>>
      %dma_wait3A_162 = tpu.memref_slice %arg3[%add3A_112] : memref<65536xi32, #tpu.memory_space<hbm>> -> memref<128xi32, #tpu.memory_space<hbm>>
      tpu.wait_dma2 semaphore(%run_scoped3A : memref<!tpu.dma_semaphore, #tpu.memory_space<semaphore_mem>>) src(%dma_wait3A_162 : memref<128xi32, #tpu.memory_space<hbm>>) dst(%arg5 : memref<128xi32, #tpu.memory_space<vmem>>)
      tpu.yield
    }) : () -> ()
    %dma_start3A_113 = arith.constant 0 : i32
    %dma_start3A_114 = arith.constant 0 : i32
    %dma_start3A_115 = tpu.memref_slice %arg2[%dma_start3A_113, %dma_start3A_114] : memref<100000x128xf32, #tpu.memory_space<hbm>> -> memref<100000x128xf32, #tpu.memory_space<hbm>>
    tpu.enqueue_indirect_dma source(%dma_start3A_115 : memref<100000x128xf32, #tpu.memory_space<hbm>>) target(%arg6 : memref<128x128xf32, #tpu.memory_space<vmem>>) offsets(%arg5 : memref<128xi32, #tpu.memory_space<vmem>>) semaphore(%arg7 : memref<!tpu.dma_semaphore, #tpu.memory_space<semaphore_mem>>)
    %dma_wait3A_116 = arith.constant 0 : i32
    %dma_wait3A_117 = arith.constant 0 : i32
    %dma_wait3A_118 = tpu.memref_slice %arg2[%dma_wait3A_116, %dma_wait3A_117] : memref<100000x128xf32, #tpu.memory_space<hbm>> -> memref<100000x128xf32, #tpu.memory_space<hbm>>
    tpu.wait_indirect_dma semaphore(%arg7 : memref<!tpu.dma_semaphore, #tpu.memory_space<semaphore_mem>>) src(%dma_wait3A_118 : memref<100000x128xf32, #tpu.memory_space<hbm>>) dst(%arg6 : memref<128x128xf32, #tpu.memory_space<vmem>>)
    "tpu.region"() ({
      %run_scoped3A = tpu.sem_alloc : memref<!tpu.dma_semaphore, #tpu.memory_space<semaphore_mem>>
      %dma_start3A_159 = arith.constant 0 : i32
      %dma_start3A_160 = tpu.memref_slice %arg4[%add3A_112, %dma_start3A_159] : memref<65536x128xf32, #tpu.memory_space<hbm>> -> memref<128x128xf32, #tpu.memory_space<hbm>>
      %dma_start3A_161 = arith.constant 0 : i32
      %dma_start3A_162 = tpu.memref_slice %arg4[%add3A_112, %dma_start3A_161] : memref<65536x128xf32, #tpu.memory_space<hbm>> -> memref<128x128xf32, #tpu.memory_space<hbm>>
      tpu.enqueue_dma source(%arg6 : memref<128x128xf32, #tpu.memory_space<vmem>>) target(%dma_start3A_162 : memref<128x128xf32, #tpu.memory_space<hbm>>) target_semaphore(%run_scoped3A : memref<!tpu.dma_semaphore, #tpu.memory_space<semaphore_mem>>)
      %dma_wait3A_163 = arith.constant 0 : i32
      %dma_wait3A_164 = tpu.memref_slice %arg4[%add3A_112, %dma_wait3A_163] : memref<65536x128xf32, #tpu.memory_space<hbm>> -> memref<128x128xf32, #tpu.memory_space<hbm>>
      %dma_wait3A_165 = arith.constant 0 : i32
      %dma_wait3A_166 = tpu.memref_slice %arg4[%add3A_112, %dma_wait3A_165] : memref<65536x128xf32, #tpu.memory_space<hbm>> -> memref<128x128xf32, #tpu.memory_space<hbm>>
      tpu.wait_dma2 semaphore(%run_scoped3A : memref<!tpu.dma_semaphore, #tpu.memory_space<semaphore_mem>>) src(%arg6 : memref<128x128xf32, #tpu.memory_space<vmem>>) dst(%dma_wait3A_166 : memref<128x128xf32, #tpu.memory_space<hbm>>)
      tpu.yield
    }) : () -> ()
    %mul3A_119 = arith.constant 2048 : i32
    %mul3A_120 = arith.muli %add3A, %mul3A_119 : i32
    %add3A_121 = arith.constant 1536 : i32
    %add3A_122 = arith.addi %mul3A_120, %add3A_121 : i32
    "tpu.region"() ({
      %run_scoped3A = tpu.sem_alloc : memref<!tpu.dma_semaphore, #tpu.memory_space<semaphore_mem>>
      %dma_start3A_159 = tpu.memref_slice %arg3[%add3A_122] : memref<65536xi32, #tpu.memory_space<hbm>> -> memref<128xi32, #tpu.memory_space<hbm>>
      %dma_start3A_160 = tpu.memref_slice %arg3[%add3A_122] : memref<65536xi32, #tpu.memory_space<hbm>> -> memref<128xi32, #tpu.memory_space<hbm>>
      tpu.enqueue_dma source(%dma_start3A_160 : memref<128xi32, #tpu.memory_space<hbm>>) target(%arg5 : memref<128xi32, #tpu.memory_space<vmem>>) target_semaphore(%run_scoped3A : memref<!tpu.dma_semaphore, #tpu.memory_space<semaphore_mem>>)
      %dma_wait3A_161 = tpu.memref_slice %arg3[%add3A_122] : memref<65536xi32, #tpu.memory_space<hbm>> -> memref<128xi32, #tpu.memory_space<hbm>>
      %dma_wait3A_162 = tpu.memref_slice %arg3[%add3A_122] : memref<65536xi32, #tpu.memory_space<hbm>> -> memref<128xi32, #tpu.memory_space<hbm>>
      tpu.wait_dma2 semaphore(%run_scoped3A : memref<!tpu.dma_semaphore, #tpu.memory_space<semaphore_mem>>) src(%dma_wait3A_162 : memref<128xi32, #tpu.memory_space<hbm>>) dst(%arg5 : memref<128xi32, #tpu.memory_space<vmem>>)
      tpu.yield
    }) : () -> ()
    %dma_start3A_123 = arith.constant 0 : i32
    %dma_start3A_124 = arith.constant 0 : i32
    %dma_start3A_125 = tpu.memref_slice %arg2[%dma_start3A_123, %dma_start3A_124] : memref<100000x128xf32, #tpu.memory_space<hbm>> -> memref<100000x128xf32, #tpu.memory_space<hbm>>
    tpu.enqueue_indirect_dma source(%dma_start3A_125 : memref<100000x128xf32, #tpu.memory_space<hbm>>) target(%arg6 : memref<128x128xf32, #tpu.memory_space<vmem>>) offsets(%arg5 : memref<128xi32, #tpu.memory_space<vmem>>) semaphore(%arg7 : memref<!tpu.dma_semaphore, #tpu.memory_space<semaphore_mem>>)
    %dma_wait3A_126 = arith.constant 0 : i32
    %dma_wait3A_127 = arith.constant 0 : i32
    %dma_wait3A_128 = tpu.memref_slice %arg2[%dma_wait3A_126, %dma_wait3A_127] : memref<100000x128xf32, #tpu.memory_space<hbm>> -> memref<100000x128xf32, #tpu.memory_space<hbm>>
    tpu.wait_indirect_dma semaphore(%arg7 : memref<!tpu.dma_semaphore, #tpu.memory_space<semaphore_mem>>) src(%dma_wait3A_128 : memref<100000x128xf32, #tpu.memory_space<hbm>>) dst(%arg6 : memref<128x128xf32, #tpu.memory_space<vmem>>)
    "tpu.region"() ({
      %run_scoped3A = tpu.sem_alloc : memref<!tpu.dma_semaphore, #tpu.memory_space<semaphore_mem>>
      %dma_start3A_159 = arith.constant 0 : i32
      %dma_start3A_160 = tpu.memref_slice %arg4[%add3A_122, %dma_start3A_159] : memref<65536x128xf32, #tpu.memory_space<hbm>> -> memref<128x128xf32, #tpu.memory_space<hbm>>
      %dma_start3A_161 = arith.constant 0 : i32
      %dma_start3A_162 = tpu.memref_slice %arg4[%add3A_122, %dma_start3A_161] : memref<65536x128xf32, #tpu.memory_space<hbm>> -> memref<128x128xf32, #tpu.memory_space<hbm>>
      tpu.enqueue_dma source(%arg6 : memref<128x128xf32, #tpu.memory_space<vmem>>) target(%dma_start3A_162 : memref<128x128xf32, #tpu.memory_space<hbm>>) target_semaphore(%run_scoped3A : memref<!tpu.dma_semaphore, #tpu.memory_space<semaphore_mem>>)
      %dma_wait3A_163 = arith.constant 0 : i32
      %dma_wait3A_164 = tpu.memref_slice %arg4[%add3A_122, %dma_wait3A_163] : memref<65536x128xf32, #tpu.memory_space<hbm>> -> memref<128x128xf32, #tpu.memory_space<hbm>>
      %dma_wait3A_165 = arith.constant 0 : i32
      %dma_wait3A_166 = tpu.memref_slice %arg4[%add3A_122, %dma_wait3A_165] : memref<65536x128xf32, #tpu.memory_space<hbm>> -> memref<128x128xf32, #tpu.memory_space<hbm>>
      tpu.wait_dma2 semaphore(%run_scoped3A : memref<!tpu.dma_semaphore, #tpu.memory_space<semaphore_mem>>) src(%arg6 : memref<128x128xf32, #tpu.memory_space<vmem>>) dst(%dma_wait3A_166 : memref<128x128xf32, #tpu.memory_space<hbm>>)
      tpu.yield
    }) : () -> ()
    %mul3A_129 = arith.constant 2048 : i32
    %mul3A_130 = arith.muli %add3A, %mul3A_129 : i32
    %add3A_131 = arith.constant 1664 : i32
    %add3A_132 = arith.addi %mul3A_130, %add3A_131 : i32
    "tpu.region"() ({
      %run_scoped3A = tpu.sem_alloc : memref<!tpu.dma_semaphore, #tpu.memory_space<semaphore_mem>>
      %dma_start3A_159 = tpu.memref_slice %arg3[%add3A_132] : memref<65536xi32, #tpu.memory_space<hbm>> -> memref<128xi32, #tpu.memory_space<hbm>>
      %dma_start3A_160 = tpu.memref_slice %arg3[%add3A_132] : memref<65536xi32, #tpu.memory_space<hbm>> -> memref<128xi32, #tpu.memory_space<hbm>>
      tpu.enqueue_dma source(%dma_start3A_160 : memref<128xi32, #tpu.memory_space<hbm>>) target(%arg5 : memref<128xi32, #tpu.memory_space<vmem>>) target_semaphore(%run_scoped3A : memref<!tpu.dma_semaphore, #tpu.memory_space<semaphore_mem>>)
      %dma_wait3A_161 = tpu.memref_slice %arg3[%add3A_132] : memref<65536xi32, #tpu.memory_space<hbm>> -> memref<128xi32, #tpu.memory_space<hbm>>
      %dma_wait3A_162 = tpu.memref_slice %arg3[%add3A_132] : memref<65536xi32, #tpu.memory_space<hbm>> -> memref<128xi32, #tpu.memory_space<hbm>>
      tpu.wait_dma2 semaphore(%run_scoped3A : memref<!tpu.dma_semaphore, #tpu.memory_space<semaphore_mem>>) src(%dma_wait3A_162 : memref<128xi32, #tpu.memory_space<hbm>>) dst(%arg5 : memref<128xi32, #tpu.memory_space<vmem>>)
      tpu.yield
    }) : () -> ()
    %dma_start3A_133 = arith.constant 0 : i32
    %dma_start3A_134 = arith.constant 0 : i32
    %dma_start3A_135 = tpu.memref_slice %arg2[%dma_start3A_133, %dma_start3A_134] : memref<100000x128xf32, #tpu.memory_space<hbm>> -> memref<100000x128xf32, #tpu.memory_space<hbm>>
    tpu.enqueue_indirect_dma source(%dma_start3A_135 : memref<100000x128xf32, #tpu.memory_space<hbm>>) target(%arg6 : memref<128x128xf32, #tpu.memory_space<vmem>>) offsets(%arg5 : memref<128xi32, #tpu.memory_space<vmem>>) semaphore(%arg7 : memref<!tpu.dma_semaphore, #tpu.memory_space<semaphore_mem>>)
    %dma_wait3A_136 = arith.constant 0 : i32
    %dma_wait3A_137 = arith.constant 0 : i32
    %dma_wait3A_138 = tpu.memref_slice %arg2[%dma_wait3A_136, %dma_wait3A_137] : memref<100000x128xf32, #tpu.memory_space<hbm>> -> memref<100000x128xf32, #tpu.memory_space<hbm>>
    tpu.wait_indirect_dma semaphore(%arg7 : memref<!tpu.dma_semaphore, #tpu.memory_space<semaphore_mem>>) src(%dma_wait3A_138 : memref<100000x128xf32, #tpu.memory_space<hbm>>) dst(%arg6 : memref<128x128xf32, #tpu.memory_space<vmem>>)
    "tpu.region"() ({
      %run_scoped3A = tpu.sem_alloc : memref<!tpu.dma_semaphore, #tpu.memory_space<semaphore_mem>>
      %dma_start3A_159 = arith.constant 0 : i32
      %dma_start3A_160 = tpu.memref_slice %arg4[%add3A_132, %dma_start3A_159] : memref<65536x128xf32, #tpu.memory_space<hbm>> -> memref<128x128xf32, #tpu.memory_space<hbm>>
      %dma_start3A_161 = arith.constant 0 : i32
      %dma_start3A_162 = tpu.memref_slice %arg4[%add3A_132, %dma_start3A_161] : memref<65536x128xf32, #tpu.memory_space<hbm>> -> memref<128x128xf32, #tpu.memory_space<hbm>>
      tpu.enqueue_dma source(%arg6 : memref<128x128xf32, #tpu.memory_space<vmem>>) target(%dma_start3A_162 : memref<128x128xf32, #tpu.memory_space<hbm>>) target_semaphore(%run_scoped3A : memref<!tpu.dma_semaphore, #tpu.memory_space<semaphore_mem>>)
      %dma_wait3A_163 = arith.constant 0 : i32
      %dma_wait3A_164 = tpu.memref_slice %arg4[%add3A_132, %dma_wait3A_163] : memref<65536x128xf32, #tpu.memory_space<hbm>> -> memref<128x128xf32, #tpu.memory_space<hbm>>
      %dma_wait3A_165 = arith.constant 0 : i32
      %dma_wait3A_166 = tpu.memref_slice %arg4[%add3A_132, %dma_wait3A_165] : memref<65536x128xf32, #tpu.memory_space<hbm>> -> memref<128x128xf32, #tpu.memory_space<hbm>>
      tpu.wait_dma2 semaphore(%run_scoped3A : memref<!tpu.dma_semaphore, #tpu.memory_space<semaphore_mem>>) src(%arg6 : memref<128x128xf32, #tpu.memory_space<vmem>>) dst(%dma_wait3A_166 : memref<128x128xf32, #tpu.memory_space<hbm>>)
      tpu.yield
    }) : () -> ()
    %mul3A_139 = arith.constant 2048 : i32
    %mul3A_140 = arith.muli %add3A, %mul3A_139 : i32
    %add3A_141 = arith.constant 1792 : i32
    %add3A_142 = arith.addi %mul3A_140, %add3A_141 : i32
    "tpu.region"() ({
      %run_scoped3A = tpu.sem_alloc : memref<!tpu.dma_semaphore, #tpu.memory_space<semaphore_mem>>
      %dma_start3A_159 = tpu.memref_slice %arg3[%add3A_142] : memref<65536xi32, #tpu.memory_space<hbm>> -> memref<128xi32, #tpu.memory_space<hbm>>
      %dma_start3A_160 = tpu.memref_slice %arg3[%add3A_142] : memref<65536xi32, #tpu.memory_space<hbm>> -> memref<128xi32, #tpu.memory_space<hbm>>
      tpu.enqueue_dma source(%dma_start3A_160 : memref<128xi32, #tpu.memory_space<hbm>>) target(%arg5 : memref<128xi32, #tpu.memory_space<vmem>>) target_semaphore(%run_scoped3A : memref<!tpu.dma_semaphore, #tpu.memory_space<semaphore_mem>>)
      %dma_wait3A_161 = tpu.memref_slice %arg3[%add3A_142] : memref<65536xi32, #tpu.memory_space<hbm>> -> memref<128xi32, #tpu.memory_space<hbm>>
      %dma_wait3A_162 = tpu.memref_slice %arg3[%add3A_142] : memref<65536xi32, #tpu.memory_space<hbm>> -> memref<128xi32, #tpu.memory_space<hbm>>
      tpu.wait_dma2 semaphore(%run_scoped3A : memref<!tpu.dma_semaphore, #tpu.memory_space<semaphore_mem>>) src(%dma_wait3A_162 : memref<128xi32, #tpu.memory_space<hbm>>) dst(%arg5 : memref<128xi32, #tpu.memory_space<vmem>>)
      tpu.yield
    }) : () -> ()
    %dma_start3A_143 = arith.constant 0 : i32
    %dma_start3A_144 = arith.constant 0 : i32
    %dma_start3A_145 = tpu.memref_slice %arg2[%dma_start3A_143, %dma_start3A_144] : memref<100000x128xf32, #tpu.memory_space<hbm>> -> memref<100000x128xf32, #tpu.memory_space<hbm>>
    tpu.enqueue_indirect_dma source(%dma_start3A_145 : memref<100000x128xf32, #tpu.memory_space<hbm>>) target(%arg6 : memref<128x128xf32, #tpu.memory_space<vmem>>) offsets(%arg5 : memref<128xi32, #tpu.memory_space<vmem>>) semaphore(%arg7 : memref<!tpu.dma_semaphore, #tpu.memory_space<semaphore_mem>>)
    %dma_wait3A_146 = arith.constant 0 : i32
    %dma_wait3A_147 = arith.constant 0 : i32
    %dma_wait3A_148 = tpu.memref_slice %arg2[%dma_wait3A_146, %dma_wait3A_147] : memref<100000x128xf32, #tpu.memory_space<hbm>> -> memref<100000x128xf32, #tpu.memory_space<hbm>>
    tpu.wait_indirect_dma semaphore(%arg7 : memref<!tpu.dma_semaphore, #tpu.memory_space<semaphore_mem>>) src(%dma_wait3A_148 : memref<100000x128xf32, #tpu.memory_space<hbm>>) dst(%arg6 : memref<128x128xf32, #tpu.memory_space<vmem>>)
    "tpu.region"() ({
      %run_scoped3A = tpu.sem_alloc : memref<!tpu.dma_semaphore, #tpu.memory_space<semaphore_mem>>
      %dma_start3A_159 = arith.constant 0 : i32
      %dma_start3A_160 = tpu.memref_slice %arg4[%add3A_142, %dma_start3A_159] : memref<65536x128xf32, #tpu.memory_space<hbm>> -> memref<128x128xf32, #tpu.memory_space<hbm>>
      %dma_start3A_161 = arith.constant 0 : i32
      %dma_start3A_162 = tpu.memref_slice %arg4[%add3A_142, %dma_start3A_161] : memref<65536x128xf32, #tpu.memory_space<hbm>> -> memref<128x128xf32, #tpu.memory_space<hbm>>
      tpu.enqueue_dma source(%arg6 : memref<128x128xf32, #tpu.memory_space<vmem>>) target(%dma_start3A_162 : memref<128x128xf32, #tpu.memory_space<hbm>>) target_semaphore(%run_scoped3A : memref<!tpu.dma_semaphore, #tpu.memory_space<semaphore_mem>>)
      %dma_wait3A_163 = arith.constant 0 : i32
      %dma_wait3A_164 = tpu.memref_slice %arg4[%add3A_142, %dma_wait3A_163] : memref<65536x128xf32, #tpu.memory_space<hbm>> -> memref<128x128xf32, #tpu.memory_space<hbm>>
      %dma_wait3A_165 = arith.constant 0 : i32
      %dma_wait3A_166 = tpu.memref_slice %arg4[%add3A_142, %dma_wait3A_165] : memref<65536x128xf32, #tpu.memory_space<hbm>> -> memref<128x128xf32, #tpu.memory_space<hbm>>
      tpu.wait_dma2 semaphore(%run_scoped3A : memref<!tpu.dma_semaphore, #tpu.memory_space<semaphore_mem>>) src(%arg6 : memref<128x128xf32, #tpu.memory_space<vmem>>) dst(%dma_wait3A_166 : memref<128x128xf32, #tpu.memory_space<hbm>>)
      tpu.yield
    }) : () -> ()
    %mul3A_149 = arith.constant 2048 : i32
    %mul3A_150 = arith.muli %add3A, %mul3A_149 : i32
    %add3A_151 = arith.constant 1920 : i32
    %add3A_152 = arith.addi %mul3A_150, %add3A_151 : i32
    "tpu.region"() ({
      %run_scoped3A = tpu.sem_alloc : memref<!tpu.dma_semaphore, #tpu.memory_space<semaphore_mem>>
      %dma_start3A_159 = tpu.memref_slice %arg3[%add3A_152] : memref<65536xi32, #tpu.memory_space<hbm>> -> memref<128xi32, #tpu.memory_space<hbm>>
      %dma_start3A_160 = tpu.memref_slice %arg3[%add3A_152] : memref<65536xi32, #tpu.memory_space<hbm>> -> memref<128xi32, #tpu.memory_space<hbm>>
      tpu.enqueue_dma source(%dma_start3A_160 : memref<128xi32, #tpu.memory_space<hbm>>) target(%arg5 : memref<128xi32, #tpu.memory_space<vmem>>) target_semaphore(%run_scoped3A : memref<!tpu.dma_semaphore, #tpu.memory_space<semaphore_mem>>)
      %dma_wait3A_161 = tpu.memref_slice %arg3[%add3A_152] : memref<65536xi32, #tpu.memory_space<hbm>> -> memref<128xi32, #tpu.memory_space<hbm>>
      %dma_wait3A_162 = tpu.memref_slice %arg3[%add3A_152] : memref<65536xi32, #tpu.memory_space<hbm>> -> memref<128xi32, #tpu.memory_space<hbm>>
      tpu.wait_dma2 semaphore(%run_scoped3A : memref<!tpu.dma_semaphore, #tpu.memory_space<semaphore_mem>>) src(%dma_wait3A_162 : memref<128xi32, #tpu.memory_space<hbm>>) dst(%arg5 : memref<128xi32, #tpu.memory_space<vmem>>)
      tpu.yield
    }) : () -> ()
    %dma_start3A_153 = arith.constant 0 : i32
    %dma_start3A_154 = arith.constant 0 : i32
    %dma_start3A_155 = tpu.memref_slice %arg2[%dma_start3A_153, %dma_start3A_154] : memref<100000x128xf32, #tpu.memory_space<hbm>> -> memref<100000x128xf32, #tpu.memory_space<hbm>>
    tpu.enqueue_indirect_dma source(%dma_start3A_155 : memref<100000x128xf32, #tpu.memory_space<hbm>>) target(%arg6 : memref<128x128xf32, #tpu.memory_space<vmem>>) offsets(%arg5 : memref<128xi32, #tpu.memory_space<vmem>>) semaphore(%arg7 : memref<!tpu.dma_semaphore, #tpu.memory_space<semaphore_mem>>)
    %dma_wait3A_156 = arith.constant 0 : i32
    %dma_wait3A_157 = arith.constant 0 : i32
    %dma_wait3A_158 = tpu.memref_slice %arg2[%dma_wait3A_156, %dma_wait3A_157] : memref<100000x128xf32, #tpu.memory_space<hbm>> -> memref<100000x128xf32, #tpu.memory_space<hbm>>
    tpu.wait_indirect_dma semaphore(%arg7 : memref<!tpu.dma_semaphore, #tpu.memory_space<semaphore_mem>>) src(%dma_wait3A_158 : memref<100000x128xf32, #tpu.memory_space<hbm>>) dst(%arg6 : memref<128x128xf32, #tpu.memory_space<vmem>>)
    "tpu.region"() ({
      %run_scoped3A = tpu.sem_alloc : memref<!tpu.dma_semaphore, #tpu.memory_space<semaphore_mem>>
      %dma_start3A_159 = arith.constant 0 : i32
      %dma_start3A_160 = tpu.memref_slice %arg4[%add3A_152, %dma_start3A_159] : memref<65536x128xf32, #tpu.memory_space<hbm>> -> memref<128x128xf32, #tpu.memory_space<hbm>>
      %dma_start3A_161 = arith.constant 0 : i32
      %dma_start3A_162 = tpu.memref_slice %arg4[%add3A_152, %dma_start3A_161] : memref<65536x128xf32, #tpu.memory_space<hbm>> -> memref<128x128xf32, #tpu.memory_space<hbm>>
      tpu.enqueue_dma source(%arg6 : memref<128x128xf32, #tpu.memory_space<vmem>>) target(%dma_start3A_162 : memref<128x128xf32, #tpu.memory_space<hbm>>) target_semaphore(%run_scoped3A : memref<!tpu.dma_semaphore, #tpu.memory_space<semaphore_mem>>)
      %dma_wait3A_163 = arith.constant 0 : i32
      %dma_wait3A_164 = tpu.memref_slice %arg4[%add3A_152, %dma_wait3A_163] : memref<65536x128xf32, #tpu.memory_space<hbm>> -> memref<128x128xf32, #tpu.memory_space<hbm>>
      %dma_wait3A_165 = arith.constant 0 : i32
      %dma_wait3A_166 = tpu.memref_slice %arg4[%add3A_152, %dma_wait3A_165] : memref<65536x128xf32, #tpu.memory_space<hbm>> -> memref<128x128xf32, #tpu.memory_space<hbm>>
      tpu.wait_dma2 semaphore(%run_scoped3A : memref<!tpu.dma_semaphore, #tpu.memory_space<semaphore_mem>>) src(%arg6 : memref<128x128xf32, #tpu.memory_space<vmem>>) dst(%dma_wait3A_166 : memref<128x128xf32, #tpu.memory_space<hbm>>)
      tpu.yield
    }) : () -> ()
    return
  }
}

module attributes {stable_mosaic.version = 14 : i64} {
  func.func @_prep_body(%arg0: i32, %arg1: memref<2000x3xf32, #tpu.memory_space<vmem>>, %arg2: memref<2000x16xf32, #tpu.memory_space<vmem>>, %arg3: memref<1x3xf32, #tpu.memory_space<vmem>>, %arg4: memref<16x64xf32, #tpu.memory_space<vmem>>, %arg5: memref<1x64xf32, #tpu.memory_space<vmem>>, %arg6: memref<64x64xf32, #tpu.memory_space<vmem>>, %arg7: memref<1x64xf32, #tpu.memory_space<vmem>>, %arg8: memref<64x64xf32, #tpu.memory_space<vmem>>, %arg9: memref<1x64xf32, #tpu.memory_space<vmem>>, %arg10: memref<2000x128xf32, #tpu.memory_space<vmem>>, %arg11: memref<1x64xf32, #tpu.memory_space<vmem>>) attributes {dimension_semantics = [#tpu.dimension_semantics<arbitrary>], iteration_bounds = array<i64: 50>, scalar_prefetch = 0 : i64, scratch_operands = 0 : i64, tpu.core_type = #tpu.core_type<tc>, window_params = [{transform_indices = @transform_0, window_bounds = array<i64: 2000, 3>}, {transform_indices = @transform_1, window_bounds = array<i64: 2000, 16>}, {pipeline_mode = #tpu.pipeline_mode<synchronous>, transform_indices = @transform_2, window_bounds = array<i64: 1, 3>}, {pipeline_mode = #tpu.pipeline_mode<synchronous>, transform_indices = @transform_3, window_bounds = array<i64: 16, 64>}, {pipeline_mode = #tpu.pipeline_mode<synchronous>, transform_indices = @transform_4, window_bounds = array<i64: 1, 64>}, {pipeline_mode = #tpu.pipeline_mode<synchronous>, transform_indices = @transform_5, window_bounds = array<i64: 64, 64>}, {pipeline_mode = #tpu.pipeline_mode<synchronous>, transform_indices = @transform_6, window_bounds = array<i64: 1, 64>}, {pipeline_mode = #tpu.pipeline_mode<synchronous>, transform_indices = @transform_7, window_bounds = array<i64: 64, 64>}, {pipeline_mode = #tpu.pipeline_mode<synchronous>, transform_indices = @transform_8, window_bounds = array<i64: 1, 64>}, {transform_indices = @transform_9, window_bounds = array<i64: 2000, 128>}, {pipeline_mode = #tpu.pipeline_mode<synchronous>, transform_indices = @transform_10, window_bounds = array<i64: 1, 64>}]} {
    %get3A = arith.constant 0 : index
    %get3A_0 = arith.constant 0 : index
    %get3A_1 = vector.load %arg2[%get3A, %get3A_0] : memref<2000x16xf32, #tpu.memory_space<vmem>>, vector<2000x16xf32>
    %get3A_2 = arith.constant 0 : index
    %get3A_3 = arith.constant 0 : index
    %get3A_4 = vector.load %arg4[%get3A_2, %get3A_3] : memref<16x64xf32, #tpu.memory_space<vmem>>, vector<16x64xf32>
    %get3A_5 = arith.constant 0 : index
    %get3A_6 = arith.constant 0 : index
    %get3A_7 = vector.load %arg5[%get3A_5, %get3A_6] : memref<1x64xf32, #tpu.memory_space<vmem>>, vector<1x64xf32>
    %get3A_8 = arith.constant 0 : index
    %get3A_9 = arith.constant 0 : index
    %get3A_10 = vector.load %arg6[%get3A_8, %get3A_9] : memref<64x64xf32, #tpu.memory_space<vmem>>, vector<64x64xf32>
    %get3A_11 = arith.constant 0 : index
    %get3A_12 = arith.constant 0 : index
    %get3A_13 = vector.load %arg7[%get3A_11, %get3A_12] : memref<1x64xf32, #tpu.memory_space<vmem>>, vector<1x64xf32>
    %get3A_14 = arith.constant 0 : index
    %get3A_15 = arith.constant 0 : index
    %get3A_16 = vector.load %arg8[%get3A_14, %get3A_15] : memref<64x64xf32, #tpu.memory_space<vmem>>, vector<64x64xf32>
    %get3A_17 = arith.constant 0 : index
    %get3A_18 = arith.constant 0 : index
    %get3A_19 = vector.load %arg9[%get3A_17, %get3A_18] : memref<1x64xf32, #tpu.memory_space<vmem>>, vector<1x64xf32>
    %convert_element_type3A = arith.truncf %get3A_1 : vector<2000x16xf32> to vector<2000x16xbf16>
    %convert_element_type3A_20 = arith.truncf %get3A_4 : vector<16x64xf32> to vector<16x64xbf16>
    %dot_general3A = arith.constant dense<0.000000e+00> : vector<2000x64xf32>
    %dot_general3A_21 = tpu.matmul %convert_element_type3A, %convert_element_type3A_20, %dot_general3A {dimension_numbers = #tpu.dot_dimension_numbers<[1], [0], [0], [1], [0, 0, 1, 1], [], []>, transpose_lhs_hint = false} : vector<2000x16xbf16>, vector<16x64xbf16>, vector<2000x64xf32> -> vector<2000x64xf32>
    %add3A = vector.broadcast %get3A_7 : vector<1x64xf32> to vector<2000x64xf32>
    %add3A_22 = arith.addf %dot_general3A_21, %add3A : vector<2000x64xf32>
    %mul3A = arith.constant 5.000000e-01 : f32
    %mul3A_23 = vector.broadcast %mul3A : f32 to vector<2000x64xf32>
    %mul3A_24 = arith.mulf %mul3A_23, %add3A_22 : vector<2000x64xf32>
    %mul3A_25 = arith.constant 0.707106769 : f32
    %mul3A_26 = vector.broadcast %mul3A_25 : f32 to vector<2000x64xf32>
    %mul3A_27 = arith.mulf %add3A_22, %mul3A_26 : vector<2000x64xf32>
    %erf3A = math.erf %mul3A_27 : vector<2000x64xf32>
    %add3A_28 = arith.constant 1.000000e+00 : f32
    %add3A_29 = vector.broadcast %add3A_28 : f32 to vector<2000x64xf32>
    %add3A_30 = arith.addf %add3A_29, %erf3A : vector<2000x64xf32>
    %mul3A_31 = arith.mulf %mul3A_24, %add3A_30 : vector<2000x64xf32>
    %convert_element_type3A_32 = arith.truncf %mul3A_31 : vector<2000x64xf32> to vector<2000x64xbf16>
    %convert_element_type3A_33 = arith.truncf %get3A_10 : vector<64x64xf32> to vector<64x64xbf16>
    %dot_general3A_34 = arith.constant dense<0.000000e+00> : vector<2000x64xf32>
    %dot_general3A_35 = tpu.matmul %convert_element_type3A_32, %convert_element_type3A_33, %dot_general3A_34 {dimension_numbers = #tpu.dot_dimension_numbers<[1], [0], [0], [1], [0, 0, 1, 1], [], []>, transpose_lhs_hint = false} : vector<2000x64xbf16>, vector<64x64xbf16>, vector<2000x64xf32> -> vector<2000x64xf32>
    %add3A_36 = vector.broadcast %get3A_13 : vector<1x64xf32> to vector<2000x64xf32>
    %add3A_37 = arith.addf %dot_general3A_35, %add3A_36 : vector<2000x64xf32>
    %mul3A_38 = arith.constant 5.000000e-01 : f32
    %mul3A_39 = vector.broadcast %mul3A_38 : f32 to vector<2000x64xf32>
    %mul3A_40 = arith.mulf %mul3A_39, %add3A_37 : vector<2000x64xf32>
    %mul3A_41 = arith.constant 0.707106769 : f32
    %mul3A_42 = vector.broadcast %mul3A_41 : f32 to vector<2000x64xf32>
    %mul3A_43 = arith.mulf %add3A_37, %mul3A_42 : vector<2000x64xf32>
    %erf3A_44 = math.erf %mul3A_43 : vector<2000x64xf32>
    %add3A_45 = arith.constant 1.000000e+00 : f32
    %add3A_46 = vector.broadcast %add3A_45 : f32 to vector<2000x64xf32>
    %add3A_47 = arith.addf %add3A_46, %erf3A_44 : vector<2000x64xf32>
    %mul3A_48 = arith.mulf %mul3A_40, %add3A_47 : vector<2000x64xf32>
    %convert_element_type3A_49 = arith.truncf %mul3A_48 : vector<2000x64xf32> to vector<2000x64xbf16>
    %convert_element_type3A_50 = arith.truncf %get3A_16 : vector<64x64xf32> to vector<64x64xbf16>
    %dot_general3A_51 = arith.constant dense<0.000000e+00> : vector<2000x64xf32>
    %dot_general3A_52 = tpu.matmul %convert_element_type3A_49, %convert_element_type3A_50, %dot_general3A_51 {dimension_numbers = #tpu.dot_dimension_numbers<[1], [0], [0], [1], [0, 0, 1, 1], [], []>, transpose_lhs_hint = false} : vector<2000x64xbf16>, vector<64x64xbf16>, vector<2000x64xf32> -> vector<2000x64xf32>
    %add3A_53 = vector.broadcast %get3A_19 : vector<1x64xf32> to vector<2000x64xf32>
    %add3A_54 = arith.addf %dot_general3A_52, %add3A_53 : vector<2000x64xf32>
    %get3A_55 = arith.constant 0 : index
    %get3A_56 = arith.constant 0 : index
    %get3A_57 = vector.load %arg1[%get3A_55, %get3A_56] : memref<2000x3xf32, #tpu.memory_space<vmem>>, vector<2000x3xf32>
    %convert_element_type3A_58 = arith.truncf %get3A_57 : vector<2000x3xf32> to vector<2000x3xbf16>
    %convert_element_type3A_59 = arith.extf %convert_element_type3A_58 : vector<2000x3xbf16> to vector<2000x3xf32>
    %get3A_60 = arith.constant 0 : index
    %get3A_61 = arith.constant 0 : index
    %get3A_62 = vector.load %arg3[%get3A_60, %get3A_61] : memref<1x3xf32, #tpu.memory_space<vmem>>, vector<1x3xf32>
    %convert_element_type3A_63 = arith.truncf %get3A_62 : vector<1x3xf32> to vector<1x3xbf16>
    %convert_element_type3A_64 = arith.extf %convert_element_type3A_63 : vector<1x3xbf16> to vector<1x3xf32>
    %mul3A_65 = vector.broadcast %convert_element_type3A_64 : vector<1x3xf32> to vector<2000x3xf32>
    %mul3A_66 = arith.mulf %convert_element_type3A_59, %mul3A_65 : vector<2000x3xf32>
    %slice3A = vector.extract_strided_slice %mul3A_66 {offsets = [0, 0], sizes = [2000, 1], strides = [1, 1]} : vector<2000x3xf32> to vector<2000x1xf32>
    %slice3A_67 = vector.extract_strided_slice %mul3A_66 {offsets = [0, 1], sizes = [2000, 1], strides = [1, 1]} : vector<2000x3xf32> to vector<2000x1xf32>
    %add3A_68 = arith.addf %slice3A, %slice3A_67 : vector<2000x1xf32>
    %slice3A_69 = vector.extract_strided_slice %mul3A_66 {offsets = [0, 2], sizes = [2000, 1], strides = [1, 1]} : vector<2000x3xf32> to vector<2000x1xf32>
    %add3A_70 = arith.addf %add3A_68, %slice3A_69 : vector<2000x1xf32>
    %get3A_71 = arith.constant 0 : index
    %get3A_72 = arith.constant 0 : index
    %get3A_73 = vector.load %arg1[%get3A_71, %get3A_72] : memref<2000x3xf32, #tpu.memory_space<vmem>>, vector<2000x3xf32>
    %get3A_74 = arith.constant 0 : index
    %get3A_75 = arith.constant 0 : index
    %get3A_76 = vector.load %arg3[%get3A_74, %get3A_75] : memref<1x3xf32, #tpu.memory_space<vmem>>, vector<1x3xf32>
    %mul3A_77 = vector.broadcast %get3A_76 : vector<1x3xf32> to vector<2000x3xf32>
    %mul3A_78 = arith.mulf %get3A_73, %mul3A_77 : vector<2000x3xf32>
    %slice3A_79 = vector.extract_strided_slice %mul3A_78 {offsets = [0, 0], sizes = [2000, 1], strides = [1, 1]} : vector<2000x3xf32> to vector<2000x1xf32>
    %slice3A_80 = vector.extract_strided_slice %mul3A_78 {offsets = [0, 1], sizes = [2000, 1], strides = [1, 1]} : vector<2000x3xf32> to vector<2000x1xf32>
    %add3A_81 = arith.addf %slice3A_79, %slice3A_80 : vector<2000x1xf32>
    %slice3A_82 = vector.extract_strided_slice %mul3A_78 {offsets = [0, 2], sizes = [2000, 1], strides = [1, 1]} : vector<2000x3xf32> to vector<2000x1xf32>
    %add3A_83 = arith.addf %add3A_81, %slice3A_82 : vector<2000x1xf32>
    %broadcast_in_dim3A = arith.constant 0.000000e+00 : f32
    %broadcast_in_dim3A_84 = vector.broadcast %broadcast_in_dim3A : f32 to vector<2000x62xf32>
    %concatenate3A = tpu.concatenate %add3A_54, %add3A_70, %add3A_83, %broadcast_in_dim3A_84 in 1 : vector<2000x64xf32>, vector<2000x1xf32>, vector<2000x1xf32>, vector<2000x62xf32> -> vector<2000x128xf32>
    %swap3A = arith.constant 0 : index
    %swap3A_85 = arith.constant 0 : index
    %swap3A_86 = vector.load %arg10[%swap3A, %swap3A_85] : memref<2000x128xf32, #tpu.memory_space<vmem>>, vector<2000x128xf32>
    tpu.vector_store %arg10[%swap3A, %swap3A_85], %concatenate3A {strides = array<i32>} : memref<2000x128xf32, #tpu.memory_space<vmem>>, vector<2000x128xf32>,
    %reduce_sum3A = arith.constant dense<0.000000e+00> : vector<64xf32>
    %reduce_sum3A_87 = vector.multi_reduction <add>, %add3A_54, %reduce_sum3A [0] : vector<2000x64xf32> to vector<64xf32>
    %broadcast_in_dim3A_88 = vector.shape_cast %reduce_sum3A_87 : vector<64xf32> to vector<1x64xf32>
    %eq3A = arith.constant 0 : i32
    %eq3A_89 = arith.cmpi eq, %arg0, %eq3A : i32
    %convert_element_type3A_90 = arith.extui %eq3A_89 : i1 to i32
    %cond3A = arith.constant 0 : i32
    %cond3A_91 = arith.cmpi ne, %convert_element_type3A_90, %cond3A : i32
    scf.if %cond3A_91 {
      %swap3A_96 = arith.constant 0 : index
      %swap3A_97 = arith.constant 0 : index
      %swap3A_98 = vector.load %arg11[%swap3A_96, %swap3A_97] : memref<1x64xf32, #tpu.memory_space<vmem>>, vector<1x64xf32>
      tpu.vector_store %arg11[%swap3A_96, %swap3A_97], %broadcast_in_dim3A_88 {strides = array<i32>} : memref<1x64xf32, #tpu.memory_space<vmem>>, vector<1x64xf32>,
    } else {
    }
    %ne3A = arith.constant 0 : i32
    %ne3A_92 = arith.cmpi ne, %arg0, %ne3A : i32
    %convert_element_type3A_93 = arith.extui %ne3A_92 : i1 to i32
    %cond3A_94 = arith.constant 0 : i32
    %cond3A_95 = arith.cmpi ne, %convert_element_type3A_93, %cond3A_94 : i32
    scf.if %cond3A_95 {
      %get3A_96 = arith.constant 0 : index
      %get3A_97 = arith.constant 0 : index
      %get3A_98 = vector.load %arg11[%get3A_96, %get3A_97] : memref<1x64xf32, #tpu.memory_space<vmem>>, vector<1x64xf32>
      %add3A_99 = arith.addf %get3A_98, %broadcast_in_dim3A_88 : vector<1x64xf32>
      %swap3A_100 = arith.constant 0 : index
      %swap3A_101 = arith.constant 0 : index
      %swap3A_102 = vector.load %arg11[%swap3A_100, %swap3A_101] : memref<1x64xf32, #tpu.memory_space<vmem>>, vector<1x64xf32>
      tpu.vector_store %arg11[%swap3A_100, %swap3A_101], %add3A_99 {strides = array<i32>} : memref<1x64xf32, #tpu.memory_space<vmem>>, vector<1x64xf32>,
    } else {
    }
    return
  }
  func.func @transform_0(%arg0: i32) -> (i32, i32) {
    %c0_i32 = arith.constant 0 : i32
    %c0_i32_0 = arith.constant 0 : i32
    return %arg0, %c0_i32 : i32, i32
  }
  func.func @transform_1(%arg0: i32) -> (i32, i32) {
    %c0_i32 = arith.constant 0 : i32
    %c0_i32_0 = arith.constant 0 : i32
    return %arg0, %c0_i32 : i32, i32
  }
  func.func @transform_2(%arg0: i32) -> (i32, i32) {
    %c0_i32 = arith.constant 0 : i32
    %c0_i32_0 = arith.constant 0 : i32
    %c0_i32_1 = arith.constant 0 : i32
    return %c0_i32, %c0_i32_0 : i32, i32
  }
  func.func @transform_3(%arg0: i32) -> (i32, i32) {
    %c0_i32 = arith.constant 0 : i32
    %c0_i32_0 = arith.constant 0 : i32
    %c0_i32_1 = arith.constant 0 : i32
    return %c0_i32, %c0_i32_0 : i32, i32
  }
  func.func @transform_4(%arg0: i32) -> (i32, i32) {
    %c0_i32 = arith.constant 0 : i32
    %c0_i32_0 = arith.constant 0 : i32
    %c0_i32_1 = arith.constant 0 : i32
    return %c0_i32, %c0_i32_0 : i32, i32
  }
  func.func @transform_5(%arg0: i32) -> (i32, i32) {
    %c0_i32 = arith.constant 0 : i32
    %c0_i32_0 = arith.constant 0 : i32
    %c0_i32_1 = arith.constant 0 : i32
    return %c0_i32, %c0_i32_0 : i32, i32
  }
  func.func @transform_6(%arg0: i32) -> (i32, i32) {
    %c0_i32 = arith.constant 0 : i32
    %c0_i32_0 = arith.constant 0 : i32
    %c0_i32_1 = arith.constant 0 : i32
    return %c0_i32, %c0_i32_0 : i32, i32
  }
  func.func @transform_7(%arg0: i32) -> (i32, i32) {
    %c0_i32 = arith.constant 0 : i32
    %c0_i32_0 = arith.constant 0 : i32
    %c0_i32_1 = arith.constant 0 : i32
    return %c0_i32, %c0_i32_0 : i32, i32
  }
  func.func @transform_8(%arg0: i32) -> (i32, i32) {
    %c0_i32 = arith.constant 0 : i32
    %c0_i32_0 = arith.constant 0 : i32
    %c0_i32_1 = arith.constant 0 : i32
    return %c0_i32, %c0_i32_0 : i32, i32
  }
  func.func @transform_9(%arg0: i32) -> (i32, i32) {
    %c0_i32 = arith.constant 0 : i32
    %c0_i32_0 = arith.constant 0 : i32
    return %arg0, %c0_i32 : i32, i32
  }
  func.func @transform_10(%arg0: i32) -> (i32, i32) {
    %c0_i32 = arith.constant 0 : i32
    %c0_i32_0 = arith.constant 0 : i32
    %c0_i32_1 = arith.constant 0 : i32
    return %c0_i32, %c0_i32_0 : i32, i32
  }
}

module attributes {stable_mosaic.version = 14 : i64} {
  func.func @_select_body(%arg0: i32, %arg1: memref<3x4096xf32, #tpu.memory_space<vmem>>, %arg2: memref<512x3xf32, #tpu.memory_space<vmem>>, %arg3: memref<1x3xf32, #tpu.memory_space<vmem>>, %arg4: memref<512x128xf32, #tpu.memory_space<vmem>>, %arg5: memref<512x128xi32, #tpu.memory_space<vmem>>, %arg6: memref<512x128xf32, #tpu.memory_space<vmem>>, %arg7: memref<512x128xf32, #tpu.memory_space<vmem>>, %arg8: memref<512x4096xf32, #tpu.memory_space<vmem>>) attributes {dimension_semantics = [#tpu.dimension_semantics<arbitrary>], iteration_bounds = array<i64: 25>, scalar_prefetch = 0 : i64, scratch_operands = 1 : i64, tpu.core_type = #tpu.core_type<tc>, window_params = [{transform_indices = @transform_0, window_bounds = array<i64: 3, 4096>}, {pipeline_mode = #tpu.pipeline_mode<synchronous>, transform_indices = @transform_1, window_bounds = array<i64: 512, 3>}, {pipeline_mode = #tpu.pipeline_mode<synchronous>, transform_indices = @transform_2, window_bounds = array<i64: 1, 3>}, {pipeline_mode = #tpu.pipeline_mode<synchronous>, transform_indices = @transform_3, window_bounds = array<i64: 512, 128>}, {pipeline_mode = #tpu.pipeline_mode<synchronous>, transform_indices = @transform_4, window_bounds = array<i64: 512, 128>}, {pipeline_mode = #tpu.pipeline_mode<synchronous>, transform_indices = @transform_5, window_bounds = array<i64: 512, 128>}, {pipeline_mode = #tpu.pipeline_mode<synchronous>, transform_indices = @transform_6, window_bounds = array<i64: 512, 128>}]} {
    %eq3A = arith.constant 0 : i32
    %eq3A_0 = arith.cmpi eq, %arg0, %eq3A : i32
    %convert_element_type3A = arith.extui %eq3A_0 : i1 to i32
    %cond3A = arith.constant 0 : i32
    %cond3A_1 = arith.cmpi ne, %convert_element_type3A, %cond3A : i32
    scf.if %cond3A_1 {
      %broadcast_in_dim3A_1600 = arith.constant 3.400000e+38 : f32
      %broadcast_in_dim3A_1601 = vector.broadcast %broadcast_in_dim3A_1600 : f32 to vector<512x128xf32>
      %swap3A_1602 = arith.constant 0 : index
      %swap3A_1603 = arith.constant 0 : index
      %swap3A_1604 = vector.load %arg4[%swap3A_1602, %swap3A_1603] : memref<512x128xf32, #tpu.memory_space<vmem>>, vector<512x128xf32>
      tpu.vector_store %arg4[%swap3A_1602, %swap3A_1603], %broadcast_in_dim3A_1601 {strides = array<i32>} : memref<512x128xf32, #tpu.memory_space<vmem>>, vector<512x128xf32>,
      %broadcast_in_dim3A_1605 = arith.constant 0 : i32
      %broadcast_in_dim3A_1606 = vector.broadcast %broadcast_in_dim3A_1605 : i32 to vector<512x128xi32>
      %swap3A_1607 = arith.constant 0 : index
      %swap3A_1608 = arith.constant 0 : index
      %swap3A_1609 = vector.load %arg5[%swap3A_1607, %swap3A_1608] : memref<512x128xi32, #tpu.memory_space<vmem>>, vector<512x128xi32>
      tpu.vector_store %arg5[%swap3A_1607, %swap3A_1608], %broadcast_in_dim3A_1606 {strides = array<i32>} : memref<512x128xi32, #tpu.memory_space<vmem>>, vector<512x128xi32>,
      %get3A_1610 = arith.constant 0 : index
      %get3A_1611 = arith.constant 0 : index
      %get3A_1612 = vector.load %arg2[%get3A_1610, %get3A_1611] : memref<512x3xf32, #tpu.memory_space<vmem>>, vector<512x3xf32>
      %convert_element_type3A_1613 = arith.truncf %get3A_1612 : vector<512x3xf32> to vector<512x3xbf16>
      %convert_element_type3A_1614 = arith.extf %convert_element_type3A_1613 : vector<512x3xbf16> to vector<512x3xf32>
      %get3A_1615 = arith.constant 0 : index
      %get3A_1616 = arith.constant 0 : index
      %get3A_1617 = vector.load %arg3[%get3A_1615, %get3A_1616] : memref<1x3xf32, #tpu.memory_space<vmem>>, vector<1x3xf32>
      %convert_element_type3A_1618 = arith.truncf %get3A_1617 : vector<1x3xf32> to vector<1x3xbf16>
      %convert_element_type3A_1619 = arith.extf %convert_element_type3A_1618 : vector<1x3xbf16> to vector<1x3xf32>
      %mul3A_1620 = vector.broadcast %convert_element_type3A_1619 : vector<1x3xf32> to vector<512x3xf32>
      %mul3A_1621 = arith.mulf %convert_element_type3A_1614, %mul3A_1620 : vector<512x3xf32>
      %slice3A = vector.extract_strided_slice %mul3A_1621 {offsets = [0, 0], sizes = [512, 1], strides = [1, 1]} : vector<512x3xf32> to vector<512x1xf32>
      %slice3A_1622 = vector.extract_strided_slice %mul3A_1621 {offsets = [0, 1], sizes = [512, 1], strides = [1, 1]} : vector<512x3xf32> to vector<512x1xf32>
      %add3A_1623 = arith.addf %slice3A, %slice3A_1622 : vector<512x1xf32>
      %slice3A_1624 = vector.extract_strided_slice %mul3A_1621 {offsets = [0, 2], sizes = [512, 1], strides = [1, 1]} : vector<512x3xf32> to vector<512x1xf32>
      %add3A_1625 = arith.addf %add3A_1623, %slice3A_1624 : vector<512x1xf32>
      %get3A_1626 = arith.constant 0 : index
      %get3A_1627 = arith.constant 0 : index
      %get3A_1628 = vector.load %arg2[%get3A_1626, %get3A_1627] : memref<512x3xf32, #tpu.memory_space<vmem>>, vector<512x3xf32>
      %get3A_1629 = arith.constant 0 : index
      %get3A_1630 = arith.constant 0 : index
      %get3A_1631 = vector.load %arg3[%get3A_1629, %get3A_1630] : memref<1x3xf32, #tpu.memory_space<vmem>>, vector<1x3xf32>
      %mul3A_1632 = vector.broadcast %get3A_1631 : vector<1x3xf32> to vector<512x3xf32>
      %mul3A_1633 = arith.mulf %get3A_1628, %mul3A_1632 : vector<512x3xf32>
      %slice3A_1634 = vector.extract_strided_slice %mul3A_1633 {offsets = [0, 0], sizes = [512, 1], strides = [1, 1]} : vector<512x3xf32> to vector<512x1xf32>
      %slice3A_1635 = vector.extract_strided_slice %mul3A_1633 {offsets = [0, 1], sizes = [512, 1], strides = [1, 1]} : vector<512x3xf32> to vector<512x1xf32>
      %add3A_1636 = arith.addf %slice3A_1634, %slice3A_1635 : vector<512x1xf32>
      %slice3A_1637 = vector.extract_strided_slice %mul3A_1633 {offsets = [0, 2], sizes = [512, 1], strides = [1, 1]} : vector<512x3xf32> to vector<512x1xf32>
      %add3A_1638 = arith.addf %add3A_1636, %slice3A_1637 : vector<512x1xf32>
      %broadcast_in_dim3A_1639 = vector.shape_cast %add3A_1625 : vector<512x1xf32> to vector<512x1xf32>
      %broadcast_in_dim3A_1640 = vector.broadcast %broadcast_in_dim3A_1639 : vector<512x1xf32> to vector<512x128xf32>
      %swap3A_1641 = arith.constant 0 : index
      %swap3A_1642 = arith.constant 0 : index
      %swap3A_1643 = vector.load %arg6[%swap3A_1641, %swap3A_1642] : memref<512x128xf32, #tpu.memory_space<vmem>>, vector<512x128xf32>
      tpu.vector_store %arg6[%swap3A_1641, %swap3A_1642], %broadcast_in_dim3A_1640 {strides = array<i32>} : memref<512x128xf32, #tpu.memory_space<vmem>>, vector<512x128xf32>,
      %broadcast_in_dim3A_1644 = vector.shape_cast %add3A_1638 : vector<512x1xf32> to vector<512x1xf32>
      %broadcast_in_dim3A_1645 = vector.broadcast %broadcast_in_dim3A_1644 : vector<512x1xf32> to vector<512x128xf32>
      %swap3A_1646 = arith.constant 0 : index
      %swap3A_1647 = arith.constant 0 : index
      %swap3A_1648 = vector.load %arg7[%swap3A_1646, %swap3A_1647] : memref<512x128xf32, #tpu.memory_space<vmem>>, vector<512x128xf32>
      tpu.vector_store %arg7[%swap3A_1646, %swap3A_1647], %broadcast_in_dim3A_1645 {strides = array<i32>} : memref<512x128xf32, #tpu.memory_space<vmem>>, vector<512x128xf32>,
    } else {
    }
    %get3A = arith.constant 0 : index
    %get3A_2 = arith.constant 0 : index
    %get3A_3 = vector.load %arg2[%get3A, %get3A_2] : memref<512x3xf32, #tpu.memory_space<vmem>>, vector<512x1xf32>
    %get3A_4 = arith.constant 0 : index
    %get3A_5 = arith.constant 1 : index
    %get3A_6 = vector.load %arg2[%get3A_4, %get3A_5] : memref<512x3xf32, #tpu.memory_space<vmem>>, vector<512x1xf32>
    %get3A_7 = arith.constant 0 : index
    %get3A_8 = arith.constant 2 : index
    %get3A_9 = vector.load %arg2[%get3A_7, %get3A_8] : memref<512x3xf32, #tpu.memory_space<vmem>>, vector<512x1xf32>
    %mul3A = arith.mulf %get3A_3, %get3A_3 : vector<512x1xf32>
    %mul3A_10 = arith.mulf %get3A_6, %get3A_6 : vector<512x1xf32>
    %add3A = arith.addf %mul3A, %mul3A_10 : vector<512x1xf32>
    %mul3A_11 = arith.mulf %get3A_9, %get3A_9 : vector<512x1xf32>
    %add3A_12 = arith.addf %add3A, %mul3A_11 : vector<512x1xf32>
    %convert_element_type3A_13 = arith.truncf %get3A_3 : vector<512x1xf32> to vector<512x1xbf16>
    %convert_element_type3A_14 = arith.extf %convert_element_type3A_13 : vector<512x1xbf16> to vector<512x1xf32>
    %convert_element_type3A_15 = arith.truncf %get3A_6 : vector<512x1xf32> to vector<512x1xbf16>
    %convert_element_type3A_16 = arith.extf %convert_element_type3A_15 : vector<512x1xbf16> to vector<512x1xf32>
    %convert_element_type3A_17 = arith.truncf %get3A_9 : vector<512x1xf32> to vector<512x1xbf16>
    %convert_element_type3A_18 = arith.extf %convert_element_type3A_17 : vector<512x1xbf16> to vector<512x1xf32>
    %broadcast_in_dim3A = arith.constant 3.400000e+38 : f32
    %broadcast_in_dim3A_19 = vector.broadcast %broadcast_in_dim3A : f32 to vector<512x128xf32>
    %broadcast_in_dim3A_20 = arith.constant 0 : i32
    %broadcast_in_dim3A_21 = vector.broadcast %broadcast_in_dim3A_20 : i32 to vector<512x128xi32>
    %get3A_22 = arith.constant 0 : index
    %get3A_23 = arith.constant 0 : index
    %get3A_24 = vector.load %arg1[%get3A_22, %get3A_23] : memref<3x4096xf32, #tpu.memory_space<vmem>>, vector<1x128xf32>
    %get3A_25 = arith.constant 1 : index
    %get3A_26 = arith.constant 0 : index
    %get3A_27 = vector.load %arg1[%get3A_25, %get3A_26] : memref<3x4096xf32, #tpu.memory_space<vmem>>, vector<1x128xf32>
    %get3A_28 = arith.constant 2 : index
    %get3A_29 = arith.constant 0 : index
    %get3A_30 = vector.load %arg1[%get3A_28, %get3A_29] : memref<3x4096xf32, #tpu.memory_space<vmem>>, vector<1x128xf32>
    %mul3A_31 = arith.mulf %get3A_24, %get3A_24 : vector<1x128xf32>
    %mul3A_32 = arith.mulf %get3A_27, %get3A_27 : vector<1x128xf32>
    %add3A_33 = arith.addf %mul3A_31, %mul3A_32 : vector<1x128xf32>
    %mul3A_34 = arith.mulf %get3A_30, %get3A_30 : vector<1x128xf32>
    %add3A_35 = arith.addf %add3A_33, %mul3A_34 : vector<1x128xf32>
    %convert_element_type3A_36 = arith.truncf %get3A_24 : vector<1x128xf32> to vector<1x128xbf16>
    %convert_element_type3A_37 = arith.extf %convert_element_type3A_36 : vector<1x128xbf16> to vector<1x128xf32>
    %mul3A_38 = vector.broadcast %convert_element_type3A_14 : vector<512x1xf32> to vector<512x128xf32>
    %mul3A_39 = vector.broadcast %convert_element_type3A_37 : vector<1x128xf32> to vector<512x128xf32>
    %mul3A_40 = arith.mulf %mul3A_38, %mul3A_39 : vector<512x128xf32>
    %convert_element_type3A_41 = arith.truncf %get3A_27 : vector<1x128xf32> to vector<1x128xbf16>
    %convert_element_type3A_42 = arith.extf %convert_element_type3A_41 : vector<1x128xbf16> to vector<1x128xf32>
    %mul3A_43 = vector.broadcast %convert_element_type3A_16 : vector<512x1xf32> to vector<512x128xf32>
    %mul3A_44 = vector.broadcast %convert_element_type3A_42 : vector<1x128xf32> to vector<512x128xf32>
    %mul3A_45 = arith.mulf %mul3A_43, %mul3A_44 : vector<512x128xf32>
    %add3A_46 = arith.addf %mul3A_40, %mul3A_45 : vector<512x128xf32>
    %convert_element_type3A_47 = arith.truncf %get3A_30 : vector<1x128xf32> to vector<1x128xbf16>
    %convert_element_type3A_48 = arith.extf %convert_element_type3A_47 : vector<1x128xbf16> to vector<1x128xf32>
    %mul3A_49 = vector.broadcast %convert_element_type3A_18 : vector<512x1xf32> to vector<512x128xf32>
    %mul3A_50 = vector.broadcast %convert_element_type3A_48 : vector<1x128xf32> to vector<512x128xf32>
    %mul3A_51 = arith.mulf %mul3A_49, %mul3A_50 : vector<512x128xf32>
    %add3A_52 = arith.addf %add3A_46, %mul3A_51 : vector<512x128xf32>
    %add3A_53 = vector.broadcast %add3A_12 : vector<512x1xf32> to vector<512x128xf32>
    %add3A_54 = vector.broadcast %add3A_35 : vector<1x128xf32> to vector<512x128xf32>
    %add3A_55 = arith.addf %add3A_53, %add3A_54 : vector<512x128xf32>
    %mul3A_56 = arith.constant 2.000000e+00 : f32
    %mul3A_57 = vector.broadcast %mul3A_56 : f32 to vector<512x128xf32>
    %mul3A_58 = arith.mulf %mul3A_57, %add3A_52 : vector<512x128xf32>
    %sub3A = arith.subf %add3A_55, %mul3A_58 : vector<512x128xf32>
    %max3A = arith.constant 0.000000e+00 : f32
    %max3A_59 = vector.broadcast %max3A : f32 to vector<512x128xf32>
    %max3A_60 = arith.maximumf %sub3A, %max3A_59 : vector<512x128xf32>
    %swap3A = arith.constant 0 : index
    %swap3A_61 = arith.constant 0 : index
    %swap3A_62 = vector.load %arg8[%swap3A, %swap3A_61] : memref<512x4096xf32, #tpu.memory_space<vmem>>, vector<512x128xf32>
    tpu.vector_store %arg8[%swap3A, %swap3A_61], %max3A_60 {strides = array<i32>} : memref<512x4096xf32, #tpu.memory_space<vmem>>, vector<512x128xf32>,
    %lt3A = arith.cmpf olt, %max3A_60, %broadcast_in_dim3A_19 : vector<512x128xf32>
    %select_n3A = arith.select %lt3A, %max3A_60, %broadcast_in_dim3A_19 : vector<512x128xi1>, vector<512x128xf32>
    %jit3A = arith.constant 0 : i32
    %broadcast_in_dim3A_63 = vector.broadcast %jit3A : i32 to vector<512x128xi32>
    %select_n3A_64 = arith.select %lt3A, %broadcast_in_dim3A_63, %broadcast_in_dim3A_21 : vector<512x128xi1>, vector<512x128xi32>
    %get3A_65 = arith.constant 0 : index
    %get3A_66 = arith.constant 128 : index
    %get3A_67 = vector.load %arg1[%get3A_65, %get3A_66] : memref<3x4096xf32, #tpu.memory_space<vmem>>, vector<1x128xf32>
    %get3A_68 = arith.constant 1 : index
    %get3A_69 = arith.constant 128 : index
    %get3A_70 = vector.load %arg1[%get3A_68, %get3A_69] : memref<3x4096xf32, #tpu.memory_space<vmem>>, vector<1x128xf32>
    %get3A_71 = arith.constant 2 : index
    %get3A_72 = arith.constant 128 : index
    %get3A_73 = vector.load %arg1[%get3A_71, %get3A_72] : memref<3x4096xf32, #tpu.memory_space<vmem>>, vector<1x128xf32>
    %mul3A_74 = arith.mulf %get3A_67, %get3A_67 : vector<1x128xf32>
    %mul3A_75 = arith.mulf %get3A_70, %get3A_70 : vector<1x128xf32>
    %add3A_76 = arith.addf %mul3A_74, %mul3A_75 : vector<1x128xf32>
    %mul3A_77 = arith.mulf %get3A_73, %get3A_73 : vector<1x128xf32>
    %add3A_78 = arith.addf %add3A_76, %mul3A_77 : vector<1x128xf32>
    %convert_element_type3A_79 = arith.truncf %get3A_67 : vector<1x128xf32> to vector<1x128xbf16>
    %convert_element_type3A_80 = arith.extf %convert_element_type3A_79 : vector<1x128xbf16> to vector<1x128xf32>
    %mul3A_81 = vector.broadcast %convert_element_type3A_14 : vector<512x1xf32> to vector<512x128xf32>
    %mul3A_82 = vector.broadcast %convert_element_type3A_80 : vector<1x128xf32> to vector<512x128xf32>
    %mul3A_83 = arith.mulf %mul3A_81, %mul3A_82 : vector<512x128xf32>
    %convert_element_type3A_84 = arith.truncf %get3A_70 : vector<1x128xf32> to vector<1x128xbf16>
    %convert_element_type3A_85 = arith.extf %convert_element_type3A_84 : vector<1x128xbf16> to vector<1x128xf32>
    %mul3A_86 = vector.broadcast %convert_element_type3A_16 : vector<512x1xf32> to vector<512x128xf32>
    %mul3A_87 = vector.broadcast %convert_element_type3A_85 : vector<1x128xf32> to vector<512x128xf32>
    %mul3A_88 = arith.mulf %mul3A_86, %mul3A_87 : vector<512x128xf32>
    %add3A_89 = arith.addf %mul3A_83, %mul3A_88 : vector<512x128xf32>
    %convert_element_type3A_90 = arith.truncf %get3A_73 : vector<1x128xf32> to vector<1x128xbf16>
    %convert_element_type3A_91 = arith.extf %convert_element_type3A_90 : vector<1x128xbf16> to vector<1x128xf32>
    %mul3A_92 = vector.broadcast %convert_element_type3A_18 : vector<512x1xf32> to vector<512x128xf32>
    %mul3A_93 = vector.broadcast %convert_element_type3A_91 : vector<1x128xf32> to vector<512x128xf32>
    %mul3A_94 = arith.mulf %mul3A_92, %mul3A_93 : vector<512x128xf32>
    %add3A_95 = arith.addf %add3A_89, %mul3A_94 : vector<512x128xf32>
    %add3A_96 = vector.broadcast %add3A_12 : vector<512x1xf32> to vector<512x128xf32>
    %add3A_97 = vector.broadcast %add3A_78 : vector<1x128xf32> to vector<512x128xf32>
    %add3A_98 = arith.addf %add3A_96, %add3A_97 : vector<512x128xf32>
    %mul3A_99 = arith.constant 2.000000e+00 : f32
    %mul3A_100 = vector.broadcast %mul3A_99 : f32 to vector<512x128xf32>
    %mul3A_101 = arith.mulf %mul3A_100, %add3A_95 : vector<512x128xf32>
    %sub3A_102 = arith.subf %add3A_98, %mul3A_101 : vector<512x128xf32>
    %max3A_103 = arith.constant 0.000000e+00 : f32
    %max3A_104 = vector.broadcast %max3A_103 : f32 to vector<512x128xf32>
    %max3A_105 = arith.maximumf %sub3A_102, %max3A_104 : vector<512x128xf32>
    %swap3A_106 = arith.constant 0 : index
    %swap3A_107 = arith.constant 128 : index
    %swap3A_108 = vector.load %arg8[%swap3A_106, %swap3A_107] : memref<512x4096xf32, #tpu.memory_space<vmem>>, vector<512x128xf32>
    tpu.vector_store %arg8[%swap3A_106, %swap3A_107], %max3A_105 {strides = array<i32>} : memref<512x4096xf32, #tpu.memory_space<vmem>>, vector<512x128xf32>,
    %lt3A_109 = arith.cmpf olt, %max3A_105, %select_n3A : vector<512x128xf32>
    %select_n3A_110 = arith.select %lt3A_109, %max3A_105, %select_n3A : vector<512x128xi1>, vector<512x128xf32>
    %jit3A_111 = arith.constant 1 : i32
    %broadcast_in_dim3A_112 = vector.broadcast %jit3A_111 : i32 to vector<512x128xi32>
    %select_n3A_113 = arith.select %lt3A_109, %broadcast_in_dim3A_112, %select_n3A_64 : vector<512x128xi1>, vector<512x128xi32>
    %get3A_114 = arith.constant 0 : index
    %get3A_115 = arith.constant 256 : index
    %get3A_116 = vector.load %arg1[%get3A_114, %get3A_115] : memref<3x4096xf32, #tpu.memory_space<vmem>>, vector<1x128xf32>
    %get3A_117 = arith.constant 1 : index
    %get3A_118 = arith.constant 256 : index
    %get3A_119 = vector.load %arg1[%get3A_117, %get3A_118] : memref<3x4096xf32, #tpu.memory_space<vmem>>, vector<1x128xf32>
    %get3A_120 = arith.constant 2 : index
    %get3A_121 = arith.constant 256 : index
    %get3A_122 = vector.load %arg1[%get3A_120, %get3A_121] : memref<3x4096xf32, #tpu.memory_space<vmem>>, vector<1x128xf32>
    %mul3A_123 = arith.mulf %get3A_116, %get3A_116 : vector<1x128xf32>
    %mul3A_124 = arith.mulf %get3A_119, %get3A_119 : vector<1x128xf32>
    %add3A_125 = arith.addf %mul3A_123, %mul3A_124 : vector<1x128xf32>
    %mul3A_126 = arith.mulf %get3A_122, %get3A_122 : vector<1x128xf32>
    %add3A_127 = arith.addf %add3A_125, %mul3A_126 : vector<1x128xf32>
    %convert_element_type3A_128 = arith.truncf %get3A_116 : vector<1x128xf32> to vector<1x128xbf16>
    %convert_element_type3A_129 = arith.extf %convert_element_type3A_128 : vector<1x128xbf16> to vector<1x128xf32>
    %mul3A_130 = vector.broadcast %convert_element_type3A_14 : vector<512x1xf32> to vector<512x128xf32>
    %mul3A_131 = vector.broadcast %convert_element_type3A_129 : vector<1x128xf32> to vector<512x128xf32>
    %mul3A_132 = arith.mulf %mul3A_130, %mul3A_131 : vector<512x128xf32>
    %convert_element_type3A_133 = arith.truncf %get3A_119 : vector<1x128xf32> to vector<1x128xbf16>
    %convert_element_type3A_134 = arith.extf %convert_element_type3A_133 : vector<1x128xbf16> to vector<1x128xf32>
    %mul3A_135 = vector.broadcast %convert_element_type3A_16 : vector<512x1xf32> to vector<512x128xf32>
    %mul3A_136 = vector.broadcast %convert_element_type3A_134 : vector<1x128xf32> to vector<512x128xf32>
    %mul3A_137 = arith.mulf %mul3A_135, %mul3A_136 : vector<512x128xf32>
    %add3A_138 = arith.addf %mul3A_132, %mul3A_137 : vector<512x128xf32>
    %convert_element_type3A_139 = arith.truncf %get3A_122 : vector<1x128xf32> to vector<1x128xbf16>
    %convert_element_type3A_140 = arith.extf %convert_element_type3A_139 : vector<1x128xbf16> to vector<1x128xf32>
    %mul3A_141 = vector.broadcast %convert_element_type3A_18 : vector<512x1xf32> to vector<512x128xf32>
    %mul3A_142 = vector.broadcast %convert_element_type3A_140 : vector<1x128xf32> to vector<512x128xf32>
    %mul3A_143 = arith.mulf %mul3A_141, %mul3A_142 : vector<512x128xf32>
    %add3A_144 = arith.addf %add3A_138, %mul3A_143 : vector<512x128xf32>
    %add3A_145 = vector.broadcast %add3A_12 : vector<512x1xf32> to vector<512x128xf32>
    %add3A_146 = vector.broadcast %add3A_127 : vector<1x128xf32> to vector<512x128xf32>
    %add3A_147 = arith.addf %add3A_145, %add3A_146 : vector<512x128xf32>
    %mul3A_148 = arith.constant 2.000000e+00 : f32
    %mul3A_149 = vector.broadcast %mul3A_148 : f32 to vector<512x128xf32>
    %mul3A_150 = arith.mulf %mul3A_149, %add3A_144 : vector<512x128xf32>
    %sub3A_151 = arith.subf %add3A_147, %mul3A_150 : vector<512x128xf32>
    %max3A_152 = arith.constant 0.000000e+00 : f32
    %max3A_153 = vector.broadcast %max3A_152 : f32 to vector<512x128xf32>
    %max3A_154 = arith.maximumf %sub3A_151, %max3A_153 : vector<512x128xf32>
    %swap3A_155 = arith.constant 0 : index
    %swap3A_156 = arith.constant 256 : index
    %swap3A_157 = vector.load %arg8[%swap3A_155, %swap3A_156] : memref<512x4096xf32, #tpu.memory_space<vmem>>, vector<512x128xf32>
    tpu.vector_store %arg8[%swap3A_155, %swap3A_156], %max3A_154 {strides = array<i32>} : memref<512x4096xf32, #tpu.memory_space<vmem>>, vector<512x128xf32>,
    %lt3A_158 = arith.cmpf olt, %max3A_154, %select_n3A_110 : vector<512x128xf32>
    %select_n3A_159 = arith.select %lt3A_158, %max3A_154, %select_n3A_110 : vector<512x128xi1>, vector<512x128xf32>
    %jit3A_160 = arith.constant 2 : i32
    %broadcast_in_dim3A_161 = vector.broadcast %jit3A_160 : i32 to vector<512x128xi32>
    %select_n3A_162 = arith.select %lt3A_158, %broadcast_in_dim3A_161, %select_n3A_113 : vector<512x128xi1>, vector<512x128xi32>
    %get3A_163 = arith.constant 0 : index
    %get3A_164 = arith.constant 384 : index
    %get3A_165 = vector.load %arg1[%get3A_163, %get3A_164] : memref<3x4096xf32, #tpu.memory_space<vmem>>, vector<1x128xf32>
    %get3A_166 = arith.constant 1 : index
    %get3A_167 = arith.constant 384 : index
    %get3A_168 = vector.load %arg1[%get3A_166, %get3A_167] : memref<3x4096xf32, #tpu.memory_space<vmem>>, vector<1x128xf32>
    %get3A_169 = arith.constant 2 : index
    %get3A_170 = arith.constant 384 : index
    %get3A_171 = vector.load %arg1[%get3A_169, %get3A_170] : memref<3x4096xf32, #tpu.memory_space<vmem>>, vector<1x128xf32>
    %mul3A_172 = arith.mulf %get3A_165, %get3A_165 : vector<1x128xf32>
    %mul3A_173 = arith.mulf %get3A_168, %get3A_168 : vector<1x128xf32>
    %add3A_174 = arith.addf %mul3A_172, %mul3A_173 : vector<1x128xf32>
    %mul3A_175 = arith.mulf %get3A_171, %get3A_171 : vector<1x128xf32>
    %add3A_176 = arith.addf %add3A_174, %mul3A_175 : vector<1x128xf32>
    %convert_element_type3A_177 = arith.truncf %get3A_165 : vector<1x128xf32> to vector<1x128xbf16>
    %convert_element_type3A_178 = arith.extf %convert_element_type3A_177 : vector<1x128xbf16> to vector<1x128xf32>
    %mul3A_179 = vector.broadcast %convert_element_type3A_14 : vector<512x1xf32> to vector<512x128xf32>
    %mul3A_180 = vector.broadcast %convert_element_type3A_178 : vector<1x128xf32> to vector<512x128xf32>
    %mul3A_181 = arith.mulf %mul3A_179, %mul3A_180 : vector<512x128xf32>
    %convert_element_type3A_182 = arith.truncf %get3A_168 : vector<1x128xf32> to vector<1x128xbf16>
    %convert_element_type3A_183 = arith.extf %convert_element_type3A_182 : vector<1x128xbf16> to vector<1x128xf32>
    %mul3A_184 = vector.broadcast %convert_element_type3A_16 : vector<512x1xf32> to vector<512x128xf32>
    %mul3A_185 = vector.broadcast %convert_element_type3A_183 : vector<1x128xf32> to vector<512x128xf32>
    %mul3A_186 = arith.mulf %mul3A_184, %mul3A_185 : vector<512x128xf32>
    %add3A_187 = arith.addf %mul3A_181, %mul3A_186 : vector<512x128xf32>
    %convert_element_type3A_188 = arith.truncf %get3A_171 : vector<1x128xf32> to vector<1x128xbf16>
    %convert_element_type3A_189 = arith.extf %convert_element_type3A_188 : vector<1x128xbf16> to vector<1x128xf32>
    %mul3A_190 = vector.broadcast %convert_element_type3A_18 : vector<512x1xf32> to vector<512x128xf32>
    %mul3A_191 = vector.broadcast %convert_element_type3A_189 : vector<1x128xf32> to vector<512x128xf32>
    %mul3A_192 = arith.mulf %mul3A_190, %mul3A_191 : vector<512x128xf32>
    %add3A_193 = arith.addf %add3A_187, %mul3A_192 : vector<512x128xf32>
    %add3A_194 = vector.broadcast %add3A_12 : vector<512x1xf32> to vector<512x128xf32>
    %add3A_195 = vector.broadcast %add3A_176 : vector<1x128xf32> to vector<512x128xf32>
    %add3A_196 = arith.addf %add3A_194, %add3A_195 : vector<512x128xf32>
    %mul3A_197 = arith.constant 2.000000e+00 : f32
    %mul3A_198 = vector.broadcast %mul3A_197 : f32 to vector<512x128xf32>
    %mul3A_199 = arith.mulf %mul3A_198, %add3A_193 : vector<512x128xf32>
    %sub3A_200 = arith.subf %add3A_196, %mul3A_199 : vector<512x128xf32>
    %max3A_201 = arith.constant 0.000000e+00 : f32
    %max3A_202 = vector.broadcast %max3A_201 : f32 to vector<512x128xf32>
    %max3A_203 = arith.maximumf %sub3A_200, %max3A_202 : vector<512x128xf32>
    %swap3A_204 = arith.constant 0 : index
    %swap3A_205 = arith.constant 384 : index
    %swap3A_206 = vector.load %arg8[%swap3A_204, %swap3A_205] : memref<512x4096xf32, #tpu.memory_space<vmem>>, vector<512x128xf32>
    tpu.vector_store %arg8[%swap3A_204, %swap3A_205], %max3A_203 {strides = array<i32>} : memref<512x4096xf32, #tpu.memory_space<vmem>>, vector<512x128xf32>,
    %lt3A_207 = arith.cmpf olt, %max3A_203, %select_n3A_159 : vector<512x128xf32>
    %select_n3A_208 = arith.select %lt3A_207, %max3A_203, %select_n3A_159 : vector<512x128xi1>, vector<512x128xf32>
    %jit3A_209 = arith.constant 3 : i32
    %broadcast_in_dim3A_210 = vector.broadcast %jit3A_209 : i32 to vector<512x128xi32>
    %select_n3A_211 = arith.select %lt3A_207, %broadcast_in_dim3A_210, %select_n3A_162 : vector<512x128xi1>, vector<512x128xi32>
    %get3A_212 = arith.constant 0 : index
    %get3A_213 = arith.constant 512 : index
    %get3A_214 = vector.load %arg1[%get3A_212, %get3A_213] : memref<3x4096xf32, #tpu.memory_space<vmem>>, vector<1x128xf32>
    %get3A_215 = arith.constant 1 : index
    %get3A_216 = arith.constant 512 : index
    %get3A_217 = vector.load %arg1[%get3A_215, %get3A_216] : memref<3x4096xf32, #tpu.memory_space<vmem>>, vector<1x128xf32>
    %get3A_218 = arith.constant 2 : index
    %get3A_219 = arith.constant 512 : index
    %get3A_220 = vector.load %arg1[%get3A_218, %get3A_219] : memref<3x4096xf32, #tpu.memory_space<vmem>>, vector<1x128xf32>
    %mul3A_221 = arith.mulf %get3A_214, %get3A_214 : vector<1x128xf32>
    %mul3A_222 = arith.mulf %get3A_217, %get3A_217 : vector<1x128xf32>
    %add3A_223 = arith.addf %mul3A_221, %mul3A_222 : vector<1x128xf32>
    %mul3A_224 = arith.mulf %get3A_220, %get3A_220 : vector<1x128xf32>
    %add3A_225 = arith.addf %add3A_223, %mul3A_224 : vector<1x128xf32>
    %convert_element_type3A_226 = arith.truncf %get3A_214 : vector<1x128xf32> to vector<1x128xbf16>
    %convert_element_type3A_227 = arith.extf %convert_element_type3A_226 : vector<1x128xbf16> to vector<1x128xf32>
    %mul3A_228 = vector.broadcast %convert_element_type3A_14 : vector<512x1xf32> to vector<512x128xf32>
    %mul3A_229 = vector.broadcast %convert_element_type3A_227 : vector<1x128xf32> to vector<512x128xf32>
    %mul3A_230 = arith.mulf %mul3A_228, %mul3A_229 : vector<512x128xf32>
    %convert_element_type3A_231 = arith.truncf %get3A_217 : vector<1x128xf32> to vector<1x128xbf16>
    %convert_element_type3A_232 = arith.extf %convert_element_type3A_231 : vector<1x128xbf16> to vector<1x128xf32>
    %mul3A_233 = vector.broadcast %convert_element_type3A_16 : vector<512x1xf32> to vector<512x128xf32>
    %mul3A_234 = vector.broadcast %convert_element_type3A_232 : vector<1x128xf32> to vector<512x128xf32>
    %mul3A_235 = arith.mulf %mul3A_233, %mul3A_234 : vector<512x128xf32>
    %add3A_236 = arith.addf %mul3A_230, %mul3A_235 : vector<512x128xf32>
    %convert_element_type3A_237 = arith.truncf %get3A_220 : vector<1x128xf32> to vector<1x128xbf16>
    %convert_element_type3A_238 = arith.extf %convert_element_type3A_237 : vector<1x128xbf16> to vector<1x128xf32>
    %mul3A_239 = vector.broadcast %convert_element_type3A_18 : vector<512x1xf32> to vector<512x128xf32>
    %mul3A_240 = vector.broadcast %convert_element_type3A_238 : vector<1x128xf32> to vector<512x128xf32>
    %mul3A_241 = arith.mulf %mul3A_239, %mul3A_240 : vector<512x128xf32>
    %add3A_242 = arith.addf %add3A_236, %mul3A_241 : vector<512x128xf32>
    %add3A_243 = vector.broadcast %add3A_12 : vector<512x1xf32> to vector<512x128xf32>
    %add3A_244 = vector.broadcast %add3A_225 : vector<1x128xf32> to vector<512x128xf32>
    %add3A_245 = arith.addf %add3A_243, %add3A_244 : vector<512x128xf32>
    %mul3A_246 = arith.constant 2.000000e+00 : f32
    %mul3A_247 = vector.broadcast %mul3A_246 : f32 to vector<512x128xf32>
    %mul3A_248 = arith.mulf %mul3A_247, %add3A_242 : vector<512x128xf32>
    %sub3A_249 = arith.subf %add3A_245, %mul3A_248 : vector<512x128xf32>
    %max3A_250 = arith.constant 0.000000e+00 : f32
    %max3A_251 = vector.broadcast %max3A_250 : f32 to vector<512x128xf32>
    %max3A_252 = arith.maximumf %sub3A_249, %max3A_251 : vector<512x128xf32>
    %swap3A_253 = arith.constant 0 : index
    %swap3A_254 = arith.constant 512 : index
    %swap3A_255 = vector.load %arg8[%swap3A_253, %swap3A_254] : memref<512x4096xf32, #tpu.memory_space<vmem>>, vector<512x128xf32>
    tpu.vector_store %arg8[%swap3A_253, %swap3A_254], %max3A_252 {strides = array<i32>} : memref<512x4096xf32, #tpu.memory_space<vmem>>, vector<512x128xf32>,
    %lt3A_256 = arith.cmpf olt, %max3A_252, %select_n3A_208 : vector<512x128xf32>
    %select_n3A_257 = arith.select %lt3A_256, %max3A_252, %select_n3A_208 : vector<512x128xi1>, vector<512x128xf32>
    %jit3A_258 = arith.constant 4 : i32
    %broadcast_in_dim3A_259 = vector.broadcast %jit3A_258 : i32 to vector<512x128xi32>
    %select_n3A_260 = arith.select %lt3A_256, %broadcast_in_dim3A_259, %select_n3A_211 : vector<512x128xi1>, vector<512x128xi32>
    %get3A_261 = arith.constant 0 : index
    %get3A_262 = arith.constant 640 : index
    %get3A_263 = vector.load %arg1[%get3A_261, %get3A_262] : memref<3x4096xf32, #tpu.memory_space<vmem>>, vector<1x128xf32>
    %get3A_264 = arith.constant 1 : index
    %get3A_265 = arith.constant 640 : index
    %get3A_266 = vector.load %arg1[%get3A_264, %get3A_265] : memref<3x4096xf32, #tpu.memory_space<vmem>>, vector<1x128xf32>
    %get3A_267 = arith.constant 2 : index
    %get3A_268 = arith.constant 640 : index
    %get3A_269 = vector.load %arg1[%get3A_267, %get3A_268] : memref<3x4096xf32, #tpu.memory_space<vmem>>, vector<1x128xf32>
    %mul3A_270 = arith.mulf %get3A_263, %get3A_263 : vector<1x128xf32>
    %mul3A_271 = arith.mulf %get3A_266, %get3A_266 : vector<1x128xf32>
    %add3A_272 = arith.addf %mul3A_270, %mul3A_271 : vector<1x128xf32>
    %mul3A_273 = arith.mulf %get3A_269, %get3A_269 : vector<1x128xf32>
    %add3A_274 = arith.addf %add3A_272, %mul3A_273 : vector<1x128xf32>
    %convert_element_type3A_275 = arith.truncf %get3A_263 : vector<1x128xf32> to vector<1x128xbf16>
    %convert_element_type3A_276 = arith.extf %convert_element_type3A_275 : vector<1x128xbf16> to vector<1x128xf32>
    %mul3A_277 = vector.broadcast %convert_element_type3A_14 : vector<512x1xf32> to vector<512x128xf32>
    %mul3A_278 = vector.broadcast %convert_element_type3A_276 : vector<1x128xf32> to vector<512x128xf32>
    %mul3A_279 = arith.mulf %mul3A_277, %mul3A_278 : vector<512x128xf32>
    %convert_element_type3A_280 = arith.truncf %get3A_266 : vector<1x128xf32> to vector<1x128xbf16>
    %convert_element_type3A_281 = arith.extf %convert_element_type3A_280 : vector<1x128xbf16> to vector<1x128xf32>
    %mul3A_282 = vector.broadcast %convert_element_type3A_16 : vector<512x1xf32> to vector<512x128xf32>
    %mul3A_283 = vector.broadcast %convert_element_type3A_281 : vector<1x128xf32> to vector<512x128xf32>
    %mul3A_284 = arith.mulf %mul3A_282, %mul3A_283 : vector<512x128xf32>
    %add3A_285 = arith.addf %mul3A_279, %mul3A_284 : vector<512x128xf32>
    %convert_element_type3A_286 = arith.truncf %get3A_269 : vector<1x128xf32> to vector<1x128xbf16>
    %convert_element_type3A_287 = arith.extf %convert_element_type3A_286 : vector<1x128xbf16> to vector<1x128xf32>
    %mul3A_288 = vector.broadcast %convert_element_type3A_18 : vector<512x1xf32> to vector<512x128xf32>
    %mul3A_289 = vector.broadcast %convert_element_type3A_287 : vector<1x128xf32> to vector<512x128xf32>
    %mul3A_290 = arith.mulf %mul3A_288, %mul3A_289 : vector<512x128xf32>
    %add3A_291 = arith.addf %add3A_285, %mul3A_290 : vector<512x128xf32>
    %add3A_292 = vector.broadcast %add3A_12 : vector<512x1xf32> to vector<512x128xf32>
    %add3A_293 = vector.broadcast %add3A_274 : vector<1x128xf32> to vector<512x128xf32>
    %add3A_294 = arith.addf %add3A_292, %add3A_293 : vector<512x128xf32>
    %mul3A_295 = arith.constant 2.000000e+00 : f32
    %mul3A_296 = vector.broadcast %mul3A_295 : f32 to vector<512x128xf32>
    %mul3A_297 = arith.mulf %mul3A_296, %add3A_291 : vector<512x128xf32>
    %sub3A_298 = arith.subf %add3A_294, %mul3A_297 : vector<512x128xf32>
    %max3A_299 = arith.constant 0.000000e+00 : f32
    %max3A_300 = vector.broadcast %max3A_299 : f32 to vector<512x128xf32>
    %max3A_301 = arith.maximumf %sub3A_298, %max3A_300 : vector<512x128xf32>
    %swap3A_302 = arith.constant 0 : index
    %swap3A_303 = arith.constant 640 : index
    %swap3A_304 = vector.load %arg8[%swap3A_302, %swap3A_303] : memref<512x4096xf32, #tpu.memory_space<vmem>>, vector<512x128xf32>
    tpu.vector_store %arg8[%swap3A_302, %swap3A_303], %max3A_301 {strides = array<i32>} : memref<512x4096xf32, #tpu.memory_space<vmem>>, vector<512x128xf32>,
    %lt3A_305 = arith.cmpf olt, %max3A_301, %select_n3A_257 : vector<512x128xf32>
    %select_n3A_306 = arith.select %lt3A_305, %max3A_301, %select_n3A_257 : vector<512x128xi1>, vector<512x128xf32>
    %jit3A_307 = arith.constant 5 : i32
    %broadcast_in_dim3A_308 = vector.broadcast %jit3A_307 : i32 to vector<512x128xi32>
    %select_n3A_309 = arith.select %lt3A_305, %broadcast_in_dim3A_308, %select_n3A_260 : vector<512x128xi1>, vector<512x128xi32>
    %get3A_310 = arith.constant 0 : index
    %get3A_311 = arith.constant 768 : index
    %get3A_312 = vector.load %arg1[%get3A_310, %get3A_311] : memref<3x4096xf32, #tpu.memory_space<vmem>>, vector<1x128xf32>
    %get3A_313 = arith.constant 1 : index
    %get3A_314 = arith.constant 768 : index
    %get3A_315 = vector.load %arg1[%get3A_313, %get3A_314] : memref<3x4096xf32, #tpu.memory_space<vmem>>, vector<1x128xf32>
    %get3A_316 = arith.constant 2 : index
    %get3A_317 = arith.constant 768 : index
    %get3A_318 = vector.load %arg1[%get3A_316, %get3A_317] : memref<3x4096xf32, #tpu.memory_space<vmem>>, vector<1x128xf32>
    %mul3A_319 = arith.mulf %get3A_312, %get3A_312 : vector<1x128xf32>
    %mul3A_320 = arith.mulf %get3A_315, %get3A_315 : vector<1x128xf32>
    %add3A_321 = arith.addf %mul3A_319, %mul3A_320 : vector<1x128xf32>
    %mul3A_322 = arith.mulf %get3A_318, %get3A_318 : vector<1x128xf32>
    %add3A_323 = arith.addf %add3A_321, %mul3A_322 : vector<1x128xf32>
    %convert_element_type3A_324 = arith.truncf %get3A_312 : vector<1x128xf32> to vector<1x128xbf16>
    %convert_element_type3A_325 = arith.extf %convert_element_type3A_324 : vector<1x128xbf16> to vector<1x128xf32>
    %mul3A_326 = vector.broadcast %convert_element_type3A_14 : vector<512x1xf32> to vector<512x128xf32>
    %mul3A_327 = vector.broadcast %convert_element_type3A_325 : vector<1x128xf32> to vector<512x128xf32>
    %mul3A_328 = arith.mulf %mul3A_326, %mul3A_327 : vector<512x128xf32>
    %convert_element_type3A_329 = arith.truncf %get3A_315 : vector<1x128xf32> to vector<1x128xbf16>
    %convert_element_type3A_330 = arith.extf %convert_element_type3A_329 : vector<1x128xbf16> to vector<1x128xf32>
    %mul3A_331 = vector.broadcast %convert_element_type3A_16 : vector<512x1xf32> to vector<512x128xf32>
    %mul3A_332 = vector.broadcast %convert_element_type3A_330 : vector<1x128xf32> to vector<512x128xf32>
    %mul3A_333 = arith.mulf %mul3A_331, %mul3A_332 : vector<512x128xf32>
    %add3A_334 = arith.addf %mul3A_328, %mul3A_333 : vector<512x128xf32>
    %convert_element_type3A_335 = arith.truncf %get3A_318 : vector<1x128xf32> to vector<1x128xbf16>
    %convert_element_type3A_336 = arith.extf %convert_element_type3A_335 : vector<1x128xbf16> to vector<1x128xf32>
    %mul3A_337 = vector.broadcast %convert_element_type3A_18 : vector<512x1xf32> to vector<512x128xf32>
    %mul3A_338 = vector.broadcast %convert_element_type3A_336 : vector<1x128xf32> to vector<512x128xf32>
    %mul3A_339 = arith.mulf %mul3A_337, %mul3A_338 : vector<512x128xf32>
    %add3A_340 = arith.addf %add3A_334, %mul3A_339 : vector<512x128xf32>
    %add3A_341 = vector.broadcast %add3A_12 : vector<512x1xf32> to vector<512x128xf32>
    %add3A_342 = vector.broadcast %add3A_323 : vector<1x128xf32> to vector<512x128xf32>
    %add3A_343 = arith.addf %add3A_341, %add3A_342 : vector<512x128xf32>
    %mul3A_344 = arith.constant 2.000000e+00 : f32
    %mul3A_345 = vector.broadcast %mul3A_344 : f32 to vector<512x128xf32>
    %mul3A_346 = arith.mulf %mul3A_345, %add3A_340 : vector<512x128xf32>
    %sub3A_347 = arith.subf %add3A_343, %mul3A_346 : vector<512x128xf32>
    %max3A_348 = arith.constant 0.000000e+00 : f32
    %max3A_349 = vector.broadcast %max3A_348 : f32 to vector<512x128xf32>
    %max3A_350 = arith.maximumf %sub3A_347, %max3A_349 : vector<512x128xf32>
    %swap3A_351 = arith.constant 0 : index
    %swap3A_352 = arith.constant 768 : index
    %swap3A_353 = vector.load %arg8[%swap3A_351, %swap3A_352] : memref<512x4096xf32, #tpu.memory_space<vmem>>, vector<512x128xf32>
    tpu.vector_store %arg8[%swap3A_351, %swap3A_352], %max3A_350 {strides = array<i32>} : memref<512x4096xf32, #tpu.memory_space<vmem>>, vector<512x128xf32>,
    %lt3A_354 = arith.cmpf olt, %max3A_350, %select_n3A_306 : vector<512x128xf32>
    %select_n3A_355 = arith.select %lt3A_354, %max3A_350, %select_n3A_306 : vector<512x128xi1>, vector<512x128xf32>
    %jit3A_356 = arith.constant 6 : i32
    %broadcast_in_dim3A_357 = vector.broadcast %jit3A_356 : i32 to vector<512x128xi32>
    %select_n3A_358 = arith.select %lt3A_354, %broadcast_in_dim3A_357, %select_n3A_309 : vector<512x128xi1>, vector<512x128xi32>
    %get3A_359 = arith.constant 0 : index
    %get3A_360 = arith.constant 896 : index
    %get3A_361 = vector.load %arg1[%get3A_359, %get3A_360] : memref<3x4096xf32, #tpu.memory_space<vmem>>, vector<1x128xf32>
    %get3A_362 = arith.constant 1 : index
    %get3A_363 = arith.constant 896 : index
    %get3A_364 = vector.load %arg1[%get3A_362, %get3A_363] : memref<3x4096xf32, #tpu.memory_space<vmem>>, vector<1x128xf32>
    %get3A_365 = arith.constant 2 : index
    %get3A_366 = arith.constant 896 : index
    %get3A_367 = vector.load %arg1[%get3A_365, %get3A_366] : memref<3x4096xf32, #tpu.memory_space<vmem>>, vector<1x128xf32>
    %mul3A_368 = arith.mulf %get3A_361, %get3A_361 : vector<1x128xf32>
    %mul3A_369 = arith.mulf %get3A_364, %get3A_364 : vector<1x128xf32>
    %add3A_370 = arith.addf %mul3A_368, %mul3A_369 : vector<1x128xf32>
    %mul3A_371 = arith.mulf %get3A_367, %get3A_367 : vector<1x128xf32>
    %add3A_372 = arith.addf %add3A_370, %mul3A_371 : vector<1x128xf32>
    %convert_element_type3A_373 = arith.truncf %get3A_361 : vector<1x128xf32> to vector<1x128xbf16>
    %convert_element_type3A_374 = arith.extf %convert_element_type3A_373 : vector<1x128xbf16> to vector<1x128xf32>
    %mul3A_375 = vector.broadcast %convert_element_type3A_14 : vector<512x1xf32> to vector<512x128xf32>
    %mul3A_376 = vector.broadcast %convert_element_type3A_374 : vector<1x128xf32> to vector<512x128xf32>
    %mul3A_377 = arith.mulf %mul3A_375, %mul3A_376 : vector<512x128xf32>
    %convert_element_type3A_378 = arith.truncf %get3A_364 : vector<1x128xf32> to vector<1x128xbf16>
    %convert_element_type3A_379 = arith.extf %convert_element_type3A_378 : vector<1x128xbf16> to vector<1x128xf32>
    %mul3A_380 = vector.broadcast %convert_element_type3A_16 : vector<512x1xf32> to vector<512x128xf32>
    %mul3A_381 = vector.broadcast %convert_element_type3A_379 : vector<1x128xf32> to vector<512x128xf32>
    %mul3A_382 = arith.mulf %mul3A_380, %mul3A_381 : vector<512x128xf32>
    %add3A_383 = arith.addf %mul3A_377, %mul3A_382 : vector<512x128xf32>
    %convert_element_type3A_384 = arith.truncf %get3A_367 : vector<1x128xf32> to vector<1x128xbf16>
    %convert_element_type3A_385 = arith.extf %convert_element_type3A_384 : vector<1x128xbf16> to vector<1x128xf32>
    %mul3A_386 = vector.broadcast %convert_element_type3A_18 : vector<512x1xf32> to vector<512x128xf32>
    %mul3A_387 = vector.broadcast %convert_element_type3A_385 : vector<1x128xf32> to vector<512x128xf32>
    %mul3A_388 = arith.mulf %mul3A_386, %mul3A_387 : vector<512x128xf32>
    %add3A_389 = arith.addf %add3A_383, %mul3A_388 : vector<512x128xf32>
    %add3A_390 = vector.broadcast %add3A_12 : vector<512x1xf32> to vector<512x128xf32>
    %add3A_391 = vector.broadcast %add3A_372 : vector<1x128xf32> to vector<512x128xf32>
    %add3A_392 = arith.addf %add3A_390, %add3A_391 : vector<512x128xf32>
    %mul3A_393 = arith.constant 2.000000e+00 : f32
    %mul3A_394 = vector.broadcast %mul3A_393 : f32 to vector<512x128xf32>
    %mul3A_395 = arith.mulf %mul3A_394, %add3A_389 : vector<512x128xf32>
    %sub3A_396 = arith.subf %add3A_392, %mul3A_395 : vector<512x128xf32>
    %max3A_397 = arith.constant 0.000000e+00 : f32
    %max3A_398 = vector.broadcast %max3A_397 : f32 to vector<512x128xf32>
    %max3A_399 = arith.maximumf %sub3A_396, %max3A_398 : vector<512x128xf32>
    %swap3A_400 = arith.constant 0 : index
    %swap3A_401 = arith.constant 896 : index
    %swap3A_402 = vector.load %arg8[%swap3A_400, %swap3A_401] : memref<512x4096xf32, #tpu.memory_space<vmem>>, vector<512x128xf32>
    tpu.vector_store %arg8[%swap3A_400, %swap3A_401], %max3A_399 {strides = array<i32>} : memref<512x4096xf32, #tpu.memory_space<vmem>>, vector<512x128xf32>,
    %lt3A_403 = arith.cmpf olt, %max3A_399, %select_n3A_355 : vector<512x128xf32>
    %select_n3A_404 = arith.select %lt3A_403, %max3A_399, %select_n3A_355 : vector<512x128xi1>, vector<512x128xf32>
    %jit3A_405 = arith.constant 7 : i32
    %broadcast_in_dim3A_406 = vector.broadcast %jit3A_405 : i32 to vector<512x128xi32>
    %select_n3A_407 = arith.select %lt3A_403, %broadcast_in_dim3A_406, %select_n3A_358 : vector<512x128xi1>, vector<512x128xi32>
    %get3A_408 = arith.constant 0 : index
    %get3A_409 = arith.constant 1024 : index
    %get3A_410 = vector.load %arg1[%get3A_408, %get3A_409] : memref<3x4096xf32, #tpu.memory_space<vmem>>, vector<1x128xf32>
    %get3A_411 = arith.constant 1 : index
    %get3A_412 = arith.constant 1024 : index
    %get3A_413 = vector.load %arg1[%get3A_411, %get3A_412] : memref<3x4096xf32, #tpu.memory_space<vmem>>, vector<1x128xf32>
    %get3A_414 = arith.constant 2 : index
    %get3A_415 = arith.constant 1024 : index
    %get3A_416 = vector.load %arg1[%get3A_414, %get3A_415] : memref<3x4096xf32, #tpu.memory_space<vmem>>, vector<1x128xf32>
    %mul3A_417 = arith.mulf %get3A_410, %get3A_410 : vector<1x128xf32>
    %mul3A_418 = arith.mulf %get3A_413, %get3A_413 : vector<1x128xf32>
    %add3A_419 = arith.addf %mul3A_417, %mul3A_418 : vector<1x128xf32>
    %mul3A_420 = arith.mulf %get3A_416, %get3A_416 : vector<1x128xf32>
    %add3A_421 = arith.addf %add3A_419, %mul3A_420 : vector<1x128xf32>
    %convert_element_type3A_422 = arith.truncf %get3A_410 : vector<1x128xf32> to vector<1x128xbf16>
    %convert_element_type3A_423 = arith.extf %convert_element_type3A_422 : vector<1x128xbf16> to vector<1x128xf32>
    %mul3A_424 = vector.broadcast %convert_element_type3A_14 : vector<512x1xf32> to vector<512x128xf32>
    %mul3A_425 = vector.broadcast %convert_element_type3A_423 : vector<1x128xf32> to vector<512x128xf32>
    %mul3A_426 = arith.mulf %mul3A_424, %mul3A_425 : vector<512x128xf32>
    %convert_element_type3A_427 = arith.truncf %get3A_413 : vector<1x128xf32> to vector<1x128xbf16>
    %convert_element_type3A_428 = arith.extf %convert_element_type3A_427 : vector<1x128xbf16> to vector<1x128xf32>
    %mul3A_429 = vector.broadcast %convert_element_type3A_16 : vector<512x1xf32> to vector<512x128xf32>
    %mul3A_430 = vector.broadcast %convert_element_type3A_428 : vector<1x128xf32> to vector<512x128xf32>
    %mul3A_431 = arith.mulf %mul3A_429, %mul3A_430 : vector<512x128xf32>
    %add3A_432 = arith.addf %mul3A_426, %mul3A_431 : vector<512x128xf32>
    %convert_element_type3A_433 = arith.truncf %get3A_416 : vector<1x128xf32> to vector<1x128xbf16>
    %convert_element_type3A_434 = arith.extf %convert_element_type3A_433 : vector<1x128xbf16> to vector<1x128xf32>
    %mul3A_435 = vector.broadcast %convert_element_type3A_18 : vector<512x1xf32> to vector<512x128xf32>
    %mul3A_436 = vector.broadcast %convert_element_type3A_434 : vector<1x128xf32> to vector<512x128xf32>
    %mul3A_437 = arith.mulf %mul3A_435, %mul3A_436 : vector<512x128xf32>
    %add3A_438 = arith.addf %add3A_432, %mul3A_437 : vector<512x128xf32>
    %add3A_439 = vector.broadcast %add3A_12 : vector<512x1xf32> to vector<512x128xf32>
    %add3A_440 = vector.broadcast %add3A_421 : vector<1x128xf32> to vector<512x128xf32>
    %add3A_441 = arith.addf %add3A_439, %add3A_440 : vector<512x128xf32>
    %mul3A_442 = arith.constant 2.000000e+00 : f32
    %mul3A_443 = vector.broadcast %mul3A_442 : f32 to vector<512x128xf32>
    %mul3A_444 = arith.mulf %mul3A_443, %add3A_438 : vector<512x128xf32>
    %sub3A_445 = arith.subf %add3A_441, %mul3A_444 : vector<512x128xf32>
    %max3A_446 = arith.constant 0.000000e+00 : f32
    %max3A_447 = vector.broadcast %max3A_446 : f32 to vector<512x128xf32>
    %max3A_448 = arith.maximumf %sub3A_445, %max3A_447 : vector<512x128xf32>
    %swap3A_449 = arith.constant 0 : index
    %swap3A_450 = arith.constant 1024 : index
    %swap3A_451 = vector.load %arg8[%swap3A_449, %swap3A_450] : memref<512x4096xf32, #tpu.memory_space<vmem>>, vector<512x128xf32>
    tpu.vector_store %arg8[%swap3A_449, %swap3A_450], %max3A_448 {strides = array<i32>} : memref<512x4096xf32, #tpu.memory_space<vmem>>, vector<512x128xf32>,
    %lt3A_452 = arith.cmpf olt, %max3A_448, %select_n3A_404 : vector<512x128xf32>
    %select_n3A_453 = arith.select %lt3A_452, %max3A_448, %select_n3A_404 : vector<512x128xi1>, vector<512x128xf32>
    %jit3A_454 = arith.constant 8 : i32
    %broadcast_in_dim3A_455 = vector.broadcast %jit3A_454 : i32 to vector<512x128xi32>
    %select_n3A_456 = arith.select %lt3A_452, %broadcast_in_dim3A_455, %select_n3A_407 : vector<512x128xi1>, vector<512x128xi32>
    %get3A_457 = arith.constant 0 : index
    %get3A_458 = arith.constant 1152 : index
    %get3A_459 = vector.load %arg1[%get3A_457, %get3A_458] : memref<3x4096xf32, #tpu.memory_space<vmem>>, vector<1x128xf32>
    %get3A_460 = arith.constant 1 : index
    %get3A_461 = arith.constant 1152 : index
    %get3A_462 = vector.load %arg1[%get3A_460, %get3A_461] : memref<3x4096xf32, #tpu.memory_space<vmem>>, vector<1x128xf32>
    %get3A_463 = arith.constant 2 : index
    %get3A_464 = arith.constant 1152 : index
    %get3A_465 = vector.load %arg1[%get3A_463, %get3A_464] : memref<3x4096xf32, #tpu.memory_space<vmem>>, vector<1x128xf32>
    %mul3A_466 = arith.mulf %get3A_459, %get3A_459 : vector<1x128xf32>
    %mul3A_467 = arith.mulf %get3A_462, %get3A_462 : vector<1x128xf32>
    %add3A_468 = arith.addf %mul3A_466, %mul3A_467 : vector<1x128xf32>
    %mul3A_469 = arith.mulf %get3A_465, %get3A_465 : vector<1x128xf32>
    %add3A_470 = arith.addf %add3A_468, %mul3A_469 : vector<1x128xf32>
    %convert_element_type3A_471 = arith.truncf %get3A_459 : vector<1x128xf32> to vector<1x128xbf16>
    %convert_element_type3A_472 = arith.extf %convert_element_type3A_471 : vector<1x128xbf16> to vector<1x128xf32>
    %mul3A_473 = vector.broadcast %convert_element_type3A_14 : vector<512x1xf32> to vector<512x128xf32>
    %mul3A_474 = vector.broadcast %convert_element_type3A_472 : vector<1x128xf32> to vector<512x128xf32>
    %mul3A_475 = arith.mulf %mul3A_473, %mul3A_474 : vector<512x128xf32>
    %convert_element_type3A_476 = arith.truncf %get3A_462 : vector<1x128xf32> to vector<1x128xbf16>
    %convert_element_type3A_477 = arith.extf %convert_element_type3A_476 : vector<1x128xbf16> to vector<1x128xf32>
    %mul3A_478 = vector.broadcast %convert_element_type3A_16 : vector<512x1xf32> to vector<512x128xf32>
    %mul3A_479 = vector.broadcast %convert_element_type3A_477 : vector<1x128xf32> to vector<512x128xf32>
    %mul3A_480 = arith.mulf %mul3A_478, %mul3A_479 : vector<512x128xf32>
    %add3A_481 = arith.addf %mul3A_475, %mul3A_480 : vector<512x128xf32>
    %convert_element_type3A_482 = arith.truncf %get3A_465 : vector<1x128xf32> to vector<1x128xbf16>
    %convert_element_type3A_483 = arith.extf %convert_element_type3A_482 : vector<1x128xbf16> to vector<1x128xf32>
    %mul3A_484 = vector.broadcast %convert_element_type3A_18 : vector<512x1xf32> to vector<512x128xf32>
    %mul3A_485 = vector.broadcast %convert_element_type3A_483 : vector<1x128xf32> to vector<512x128xf32>
    %mul3A_486 = arith.mulf %mul3A_484, %mul3A_485 : vector<512x128xf32>
    %add3A_487 = arith.addf %add3A_481, %mul3A_486 : vector<512x128xf32>
    %add3A_488 = vector.broadcast %add3A_12 : vector<512x1xf32> to vector<512x128xf32>
    %add3A_489 = vector.broadcast %add3A_470 : vector<1x128xf32> to vector<512x128xf32>
    %add3A_490 = arith.addf %add3A_488, %add3A_489 : vector<512x128xf32>
    %mul3A_491 = arith.constant 2.000000e+00 : f32
    %mul3A_492 = vector.broadcast %mul3A_491 : f32 to vector<512x128xf32>
    %mul3A_493 = arith.mulf %mul3A_492, %add3A_487 : vector<512x128xf32>
    %sub3A_494 = arith.subf %add3A_490, %mul3A_493 : vector<512x128xf32>
    %max3A_495 = arith.constant 0.000000e+00 : f32
    %max3A_496 = vector.broadcast %max3A_495 : f32 to vector<512x128xf32>
    %max3A_497 = arith.maximumf %sub3A_494, %max3A_496 : vector<512x128xf32>
    %swap3A_498 = arith.constant 0 : index
    %swap3A_499 = arith.constant 1152 : index
    %swap3A_500 = vector.load %arg8[%swap3A_498, %swap3A_499] : memref<512x4096xf32, #tpu.memory_space<vmem>>, vector<512x128xf32>
    tpu.vector_store %arg8[%swap3A_498, %swap3A_499], %max3A_497 {strides = array<i32>} : memref<512x4096xf32, #tpu.memory_space<vmem>>, vector<512x128xf32>,
    %lt3A_501 = arith.cmpf olt, %max3A_497, %select_n3A_453 : vector<512x128xf32>
    %select_n3A_502 = arith.select %lt3A_501, %max3A_497, %select_n3A_453 : vector<512x128xi1>, vector<512x128xf32>
    %jit3A_503 = arith.constant 9 : i32
    %broadcast_in_dim3A_504 = vector.broadcast %jit3A_503 : i32 to vector<512x128xi32>
    %select_n3A_505 = arith.select %lt3A_501, %broadcast_in_dim3A_504, %select_n3A_456 : vector<512x128xi1>, vector<512x128xi32>
    %get3A_506 = arith.constant 0 : index
    %get3A_507 = arith.constant 1280 : index
    %get3A_508 = vector.load %arg1[%get3A_506, %get3A_507] : memref<3x4096xf32, #tpu.memory_space<vmem>>, vector<1x128xf32>
    %get3A_509 = arith.constant 1 : index
    %get3A_510 = arith.constant 1280 : index
    %get3A_511 = vector.load %arg1[%get3A_509, %get3A_510] : memref<3x4096xf32, #tpu.memory_space<vmem>>, vector<1x128xf32>
    %get3A_512 = arith.constant 2 : index
    %get3A_513 = arith.constant 1280 : index
    %get3A_514 = vector.load %arg1[%get3A_512, %get3A_513] : memref<3x4096xf32, #tpu.memory_space<vmem>>, vector<1x128xf32>
    %mul3A_515 = arith.mulf %get3A_508, %get3A_508 : vector<1x128xf32>
    %mul3A_516 = arith.mulf %get3A_511, %get3A_511 : vector<1x128xf32>
    %add3A_517 = arith.addf %mul3A_515, %mul3A_516 : vector<1x128xf32>
    %mul3A_518 = arith.mulf %get3A_514, %get3A_514 : vector<1x128xf32>
    %add3A_519 = arith.addf %add3A_517, %mul3A_518 : vector<1x128xf32>
    %convert_element_type3A_520 = arith.truncf %get3A_508 : vector<1x128xf32> to vector<1x128xbf16>
    %convert_element_type3A_521 = arith.extf %convert_element_type3A_520 : vector<1x128xbf16> to vector<1x128xf32>
    %mul3A_522 = vector.broadcast %convert_element_type3A_14 : vector<512x1xf32> to vector<512x128xf32>
    %mul3A_523 = vector.broadcast %convert_element_type3A_521 : vector<1x128xf32> to vector<512x128xf32>
    %mul3A_524 = arith.mulf %mul3A_522, %mul3A_523 : vector<512x128xf32>
    %convert_element_type3A_525 = arith.truncf %get3A_511 : vector<1x128xf32> to vector<1x128xbf16>
    %convert_element_type3A_526 = arith.extf %convert_element_type3A_525 : vector<1x128xbf16> to vector<1x128xf32>
    %mul3A_527 = vector.broadcast %convert_element_type3A_16 : vector<512x1xf32> to vector<512x128xf32>
    %mul3A_528 = vector.broadcast %convert_element_type3A_526 : vector<1x128xf32> to vector<512x128xf32>
    %mul3A_529 = arith.mulf %mul3A_527, %mul3A_528 : vector<512x128xf32>
    %add3A_530 = arith.addf %mul3A_524, %mul3A_529 : vector<512x128xf32>
    %convert_element_type3A_531 = arith.truncf %get3A_514 : vector<1x128xf32> to vector<1x128xbf16>
    %convert_element_type3A_532 = arith.extf %convert_element_type3A_531 : vector<1x128xbf16> to vector<1x128xf32>
    %mul3A_533 = vector.broadcast %convert_element_type3A_18 : vector<512x1xf32> to vector<512x128xf32>
    %mul3A_534 = vector.broadcast %convert_element_type3A_532 : vector<1x128xf32> to vector<512x128xf32>
    %mul3A_535 = arith.mulf %mul3A_533, %mul3A_534 : vector<512x128xf32>
    %add3A_536 = arith.addf %add3A_530, %mul3A_535 : vector<512x128xf32>
    %add3A_537 = vector.broadcast %add3A_12 : vector<512x1xf32> to vector<512x128xf32>
    %add3A_538 = vector.broadcast %add3A_519 : vector<1x128xf32> to vector<512x128xf32>
    %add3A_539 = arith.addf %add3A_537, %add3A_538 : vector<512x128xf32>
    %mul3A_540 = arith.constant 2.000000e+00 : f32
    %mul3A_541 = vector.broadcast %mul3A_540 : f32 to vector<512x128xf32>
    %mul3A_542 = arith.mulf %mul3A_541, %add3A_536 : vector<512x128xf32>
    %sub3A_543 = arith.subf %add3A_539, %mul3A_542 : vector<512x128xf32>
    %max3A_544 = arith.constant 0.000000e+00 : f32
    %max3A_545 = vector.broadcast %max3A_544 : f32 to vector<512x128xf32>
    %max3A_546 = arith.maximumf %sub3A_543, %max3A_545 : vector<512x128xf32>
    %swap3A_547 = arith.constant 0 : index
    %swap3A_548 = arith.constant 1280 : index
    %swap3A_549 = vector.load %arg8[%swap3A_547, %swap3A_548] : memref<512x4096xf32, #tpu.memory_space<vmem>>, vector<512x128xf32>
    tpu.vector_store %arg8[%swap3A_547, %swap3A_548], %max3A_546 {strides = array<i32>} : memref<512x4096xf32, #tpu.memory_space<vmem>>, vector<512x128xf32>,
    %lt3A_550 = arith.cmpf olt, %max3A_546, %select_n3A_502 : vector<512x128xf32>
    %select_n3A_551 = arith.select %lt3A_550, %max3A_546, %select_n3A_502 : vector<512x128xi1>, vector<512x128xf32>
    %jit3A_552 = arith.constant 10 : i32
    %broadcast_in_dim3A_553 = vector.broadcast %jit3A_552 : i32 to vector<512x128xi32>
    %select_n3A_554 = arith.select %lt3A_550, %broadcast_in_dim3A_553, %select_n3A_505 : vector<512x128xi1>, vector<512x128xi32>
    %get3A_555 = arith.constant 0 : index
    %get3A_556 = arith.constant 1408 : index
    %get3A_557 = vector.load %arg1[%get3A_555, %get3A_556] : memref<3x4096xf32, #tpu.memory_space<vmem>>, vector<1x128xf32>
    %get3A_558 = arith.constant 1 : index
    %get3A_559 = arith.constant 1408 : index
    %get3A_560 = vector.load %arg1[%get3A_558, %get3A_559] : memref<3x4096xf32, #tpu.memory_space<vmem>>, vector<1x128xf32>
    %get3A_561 = arith.constant 2 : index
    %get3A_562 = arith.constant 1408 : index
    %get3A_563 = vector.load %arg1[%get3A_561, %get3A_562] : memref<3x4096xf32, #tpu.memory_space<vmem>>, vector<1x128xf32>
    %mul3A_564 = arith.mulf %get3A_557, %get3A_557 : vector<1x128xf32>
    %mul3A_565 = arith.mulf %get3A_560, %get3A_560 : vector<1x128xf32>
    %add3A_566 = arith.addf %mul3A_564, %mul3A_565 : vector<1x128xf32>
    %mul3A_567 = arith.mulf %get3A_563, %get3A_563 : vector<1x128xf32>
    %add3A_568 = arith.addf %add3A_566, %mul3A_567 : vector<1x128xf32>
    %convert_element_type3A_569 = arith.truncf %get3A_557 : vector<1x128xf32> to vector<1x128xbf16>
    %convert_element_type3A_570 = arith.extf %convert_element_type3A_569 : vector<1x128xbf16> to vector<1x128xf32>
    %mul3A_571 = vector.broadcast %convert_element_type3A_14 : vector<512x1xf32> to vector<512x128xf32>
    %mul3A_572 = vector.broadcast %convert_element_type3A_570 : vector<1x128xf32> to vector<512x128xf32>
    %mul3A_573 = arith.mulf %mul3A_571, %mul3A_572 : vector<512x128xf32>
    %convert_element_type3A_574 = arith.truncf %get3A_560 : vector<1x128xf32> to vector<1x128xbf16>
    %convert_element_type3A_575 = arith.extf %convert_element_type3A_574 : vector<1x128xbf16> to vector<1x128xf32>
    %mul3A_576 = vector.broadcast %convert_element_type3A_16 : vector<512x1xf32> to vector<512x128xf32>
    %mul3A_577 = vector.broadcast %convert_element_type3A_575 : vector<1x128xf32> to vector<512x128xf32>
    %mul3A_578 = arith.mulf %mul3A_576, %mul3A_577 : vector<512x128xf32>
    %add3A_579 = arith.addf %mul3A_573, %mul3A_578 : vector<512x128xf32>
    %convert_element_type3A_580 = arith.truncf %get3A_563 : vector<1x128xf32> to vector<1x128xbf16>
    %convert_element_type3A_581 = arith.extf %convert_element_type3A_580 : vector<1x128xbf16> to vector<1x128xf32>
    %mul3A_582 = vector.broadcast %convert_element_type3A_18 : vector<512x1xf32> to vector<512x128xf32>
    %mul3A_583 = vector.broadcast %convert_element_type3A_581 : vector<1x128xf32> to vector<512x128xf32>
    %mul3A_584 = arith.mulf %mul3A_582, %mul3A_583 : vector<512x128xf32>
    %add3A_585 = arith.addf %add3A_579, %mul3A_584 : vector<512x128xf32>
    %add3A_586 = vector.broadcast %add3A_12 : vector<512x1xf32> to vector<512x128xf32>
    %add3A_587 = vector.broadcast %add3A_568 : vector<1x128xf32> to vector<512x128xf32>
    %add3A_588 = arith.addf %add3A_586, %add3A_587 : vector<512x128xf32>
    %mul3A_589 = arith.constant 2.000000e+00 : f32
    %mul3A_590 = vector.broadcast %mul3A_589 : f32 to vector<512x128xf32>
    %mul3A_591 = arith.mulf %mul3A_590, %add3A_585 : vector<512x128xf32>
    %sub3A_592 = arith.subf %add3A_588, %mul3A_591 : vector<512x128xf32>
    %max3A_593 = arith.constant 0.000000e+00 : f32
    %max3A_594 = vector.broadcast %max3A_593 : f32 to vector<512x128xf32>
    %max3A_595 = arith.maximumf %sub3A_592, %max3A_594 : vector<512x128xf32>
    %swap3A_596 = arith.constant 0 : index
    %swap3A_597 = arith.constant 1408 : index
    %swap3A_598 = vector.load %arg8[%swap3A_596, %swap3A_597] : memref<512x4096xf32, #tpu.memory_space<vmem>>, vector<512x128xf32>
    tpu.vector_store %arg8[%swap3A_596, %swap3A_597], %max3A_595 {strides = array<i32>} : memref<512x4096xf32, #tpu.memory_space<vmem>>, vector<512x128xf32>,
    %lt3A_599 = arith.cmpf olt, %max3A_595, %select_n3A_551 : vector<512x128xf32>
    %select_n3A_600 = arith.select %lt3A_599, %max3A_595, %select_n3A_551 : vector<512x128xi1>, vector<512x128xf32>
    %jit3A_601 = arith.constant 11 : i32
    %broadcast_in_dim3A_602 = vector.broadcast %jit3A_601 : i32 to vector<512x128xi32>
    %select_n3A_603 = arith.select %lt3A_599, %broadcast_in_dim3A_602, %select_n3A_554 : vector<512x128xi1>, vector<512x128xi32>
    %get3A_604 = arith.constant 0 : index
    %get3A_605 = arith.constant 1536 : index
    %get3A_606 = vector.load %arg1[%get3A_604, %get3A_605] : memref<3x4096xf32, #tpu.memory_space<vmem>>, vector<1x128xf32>
    %get3A_607 = arith.constant 1 : index
    %get3A_608 = arith.constant 1536 : index
    %get3A_609 = vector.load %arg1[%get3A_607, %get3A_608] : memref<3x4096xf32, #tpu.memory_space<vmem>>, vector<1x128xf32>
    %get3A_610 = arith.constant 2 : index
    %get3A_611 = arith.constant 1536 : index
    %get3A_612 = vector.load %arg1[%get3A_610, %get3A_611] : memref<3x4096xf32, #tpu.memory_space<vmem>>, vector<1x128xf32>
    %mul3A_613 = arith.mulf %get3A_606, %get3A_606 : vector<1x128xf32>
    %mul3A_614 = arith.mulf %get3A_609, %get3A_609 : vector<1x128xf32>
    %add3A_615 = arith.addf %mul3A_613, %mul3A_614 : vector<1x128xf32>
    %mul3A_616 = arith.mulf %get3A_612, %get3A_612 : vector<1x128xf32>
    %add3A_617 = arith.addf %add3A_615, %mul3A_616 : vector<1x128xf32>
    %convert_element_type3A_618 = arith.truncf %get3A_606 : vector<1x128xf32> to vector<1x128xbf16>
    %convert_element_type3A_619 = arith.extf %convert_element_type3A_618 : vector<1x128xbf16> to vector<1x128xf32>
    %mul3A_620 = vector.broadcast %convert_element_type3A_14 : vector<512x1xf32> to vector<512x128xf32>
    %mul3A_621 = vector.broadcast %convert_element_type3A_619 : vector<1x128xf32> to vector<512x128xf32>
    %mul3A_622 = arith.mulf %mul3A_620, %mul3A_621 : vector<512x128xf32>
    %convert_element_type3A_623 = arith.truncf %get3A_609 : vector<1x128xf32> to vector<1x128xbf16>
    %convert_element_type3A_624 = arith.extf %convert_element_type3A_623 : vector<1x128xbf16> to vector<1x128xf32>
    %mul3A_625 = vector.broadcast %convert_element_type3A_16 : vector<512x1xf32> to vector<512x128xf32>
    %mul3A_626 = vector.broadcast %convert_element_type3A_624 : vector<1x128xf32> to vector<512x128xf32>
    %mul3A_627 = arith.mulf %mul3A_625, %mul3A_626 : vector<512x128xf32>
    %add3A_628 = arith.addf %mul3A_622, %mul3A_627 : vector<512x128xf32>
    %convert_element_type3A_629 = arith.truncf %get3A_612 : vector<1x128xf32> to vector<1x128xbf16>
    %convert_element_type3A_630 = arith.extf %convert_element_type3A_629 : vector<1x128xbf16> to vector<1x128xf32>
    %mul3A_631 = vector.broadcast %convert_element_type3A_18 : vector<512x1xf32> to vector<512x128xf32>
    %mul3A_632 = vector.broadcast %convert_element_type3A_630 : vector<1x128xf32> to vector<512x128xf32>
    %mul3A_633 = arith.mulf %mul3A_631, %mul3A_632 : vector<512x128xf32>
    %add3A_634 = arith.addf %add3A_628, %mul3A_633 : vector<512x128xf32>
    %add3A_635 = vector.broadcast %add3A_12 : vector<512x1xf32> to vector<512x128xf32>
    %add3A_636 = vector.broadcast %add3A_617 : vector<1x128xf32> to vector<512x128xf32>
    %add3A_637 = arith.addf %add3A_635, %add3A_636 : vector<512x128xf32>
    %mul3A_638 = arith.constant 2.000000e+00 : f32
    %mul3A_639 = vector.broadcast %mul3A_638 : f32 to vector<512x128xf32>
    %mul3A_640 = arith.mulf %mul3A_639, %add3A_634 : vector<512x128xf32>
    %sub3A_641 = arith.subf %add3A_637, %mul3A_640 : vector<512x128xf32>
    %max3A_642 = arith.constant 0.000000e+00 : f32
    %max3A_643 = vector.broadcast %max3A_642 : f32 to vector<512x128xf32>
    %max3A_644 = arith.maximumf %sub3A_641, %max3A_643 : vector<512x128xf32>
    %swap3A_645 = arith.constant 0 : index
    %swap3A_646 = arith.constant 1536 : index
    %swap3A_647 = vector.load %arg8[%swap3A_645, %swap3A_646] : memref<512x4096xf32, #tpu.memory_space<vmem>>, vector<512x128xf32>
    tpu.vector_store %arg8[%swap3A_645, %swap3A_646], %max3A_644 {strides = array<i32>} : memref<512x4096xf32, #tpu.memory_space<vmem>>, vector<512x128xf32>,
    %lt3A_648 = arith.cmpf olt, %max3A_644, %select_n3A_600 : vector<512x128xf32>
    %select_n3A_649 = arith.select %lt3A_648, %max3A_644, %select_n3A_600 : vector<512x128xi1>, vector<512x128xf32>
    %jit3A_650 = arith.constant 12 : i32
    %broadcast_in_dim3A_651 = vector.broadcast %jit3A_650 : i32 to vector<512x128xi32>
    %select_n3A_652 = arith.select %lt3A_648, %broadcast_in_dim3A_651, %select_n3A_603 : vector<512x128xi1>, vector<512x128xi32>
    %get3A_653 = arith.constant 0 : index
    %get3A_654 = arith.constant 1664 : index
    %get3A_655 = vector.load %arg1[%get3A_653, %get3A_654] : memref<3x4096xf32, #tpu.memory_space<vmem>>, vector<1x128xf32>
    %get3A_656 = arith.constant 1 : index
    %get3A_657 = arith.constant 1664 : index
    %get3A_658 = vector.load %arg1[%get3A_656, %get3A_657] : memref<3x4096xf32, #tpu.memory_space<vmem>>, vector<1x128xf32>
    %get3A_659 = arith.constant 2 : index
    %get3A_660 = arith.constant 1664 : index
    %get3A_661 = vector.load %arg1[%get3A_659, %get3A_660] : memref<3x4096xf32, #tpu.memory_space<vmem>>, vector<1x128xf32>
    %mul3A_662 = arith.mulf %get3A_655, %get3A_655 : vector<1x128xf32>
    %mul3A_663 = arith.mulf %get3A_658, %get3A_658 : vector<1x128xf32>
    %add3A_664 = arith.addf %mul3A_662, %mul3A_663 : vector<1x128xf32>
    %mul3A_665 = arith.mulf %get3A_661, %get3A_661 : vector<1x128xf32>
    %add3A_666 = arith.addf %add3A_664, %mul3A_665 : vector<1x128xf32>
    %convert_element_type3A_667 = arith.truncf %get3A_655 : vector<1x128xf32> to vector<1x128xbf16>
    %convert_element_type3A_668 = arith.extf %convert_element_type3A_667 : vector<1x128xbf16> to vector<1x128xf32>
    %mul3A_669 = vector.broadcast %convert_element_type3A_14 : vector<512x1xf32> to vector<512x128xf32>
    %mul3A_670 = vector.broadcast %convert_element_type3A_668 : vector<1x128xf32> to vector<512x128xf32>
    %mul3A_671 = arith.mulf %mul3A_669, %mul3A_670 : vector<512x128xf32>
    %convert_element_type3A_672 = arith.truncf %get3A_658 : vector<1x128xf32> to vector<1x128xbf16>
    %convert_element_type3A_673 = arith.extf %convert_element_type3A_672 : vector<1x128xbf16> to vector<1x128xf32>
    %mul3A_674 = vector.broadcast %convert_element_type3A_16 : vector<512x1xf32> to vector<512x128xf32>
    %mul3A_675 = vector.broadcast %convert_element_type3A_673 : vector<1x128xf32> to vector<512x128xf32>
    %mul3A_676 = arith.mulf %mul3A_674, %mul3A_675 : vector<512x128xf32>
    %add3A_677 = arith.addf %mul3A_671, %mul3A_676 : vector<512x128xf32>
    %convert_element_type3A_678 = arith.truncf %get3A_661 : vector<1x128xf32> to vector<1x128xbf16>
    %convert_element_type3A_679 = arith.extf %convert_element_type3A_678 : vector<1x128xbf16> to vector<1x128xf32>
    %mul3A_680 = vector.broadcast %convert_element_type3A_18 : vector<512x1xf32> to vector<512x128xf32>
    %mul3A_681 = vector.broadcast %convert_element_type3A_679 : vector<1x128xf32> to vector<512x128xf32>
    %mul3A_682 = arith.mulf %mul3A_680, %mul3A_681 : vector<512x128xf32>
    %add3A_683 = arith.addf %add3A_677, %mul3A_682 : vector<512x128xf32>
    %add3A_684 = vector.broadcast %add3A_12 : vector<512x1xf32> to vector<512x128xf32>
    %add3A_685 = vector.broadcast %add3A_666 : vector<1x128xf32> to vector<512x128xf32>
    %add3A_686 = arith.addf %add3A_684, %add3A_685 : vector<512x128xf32>
    %mul3A_687 = arith.constant 2.000000e+00 : f32
    %mul3A_688 = vector.broadcast %mul3A_687 : f32 to vector<512x128xf32>
    %mul3A_689 = arith.mulf %mul3A_688, %add3A_683 : vector<512x128xf32>
    %sub3A_690 = arith.subf %add3A_686, %mul3A_689 : vector<512x128xf32>
    %max3A_691 = arith.constant 0.000000e+00 : f32
    %max3A_692 = vector.broadcast %max3A_691 : f32 to vector<512x128xf32>
    %max3A_693 = arith.maximumf %sub3A_690, %max3A_692 : vector<512x128xf32>
    %swap3A_694 = arith.constant 0 : index
    %swap3A_695 = arith.constant 1664 : index
    %swap3A_696 = vector.load %arg8[%swap3A_694, %swap3A_695] : memref<512x4096xf32, #tpu.memory_space<vmem>>, vector<512x128xf32>
    tpu.vector_store %arg8[%swap3A_694, %swap3A_695], %max3A_693 {strides = array<i32>} : memref<512x4096xf32, #tpu.memory_space<vmem>>, vector<512x128xf32>,
    %lt3A_697 = arith.cmpf olt, %max3A_693, %select_n3A_649 : vector<512x128xf32>
    %select_n3A_698 = arith.select %lt3A_697, %max3A_693, %select_n3A_649 : vector<512x128xi1>, vector<512x128xf32>
    %jit3A_699 = arith.constant 13 : i32
    %broadcast_in_dim3A_700 = vector.broadcast %jit3A_699 : i32 to vector<512x128xi32>
    %select_n3A_701 = arith.select %lt3A_697, %broadcast_in_dim3A_700, %select_n3A_652 : vector<512x128xi1>, vector<512x128xi32>
    %get3A_702 = arith.constant 0 : index
    %get3A_703 = arith.constant 1792 : index
    %get3A_704 = vector.load %arg1[%get3A_702, %get3A_703] : memref<3x4096xf32, #tpu.memory_space<vmem>>, vector<1x128xf32>
    %get3A_705 = arith.constant 1 : index
    %get3A_706 = arith.constant 1792 : index
    %get3A_707 = vector.load %arg1[%get3A_705, %get3A_706] : memref<3x4096xf32, #tpu.memory_space<vmem>>, vector<1x128xf32>
    %get3A_708 = arith.constant 2 : index
    %get3A_709 = arith.constant 1792 : index
    %get3A_710 = vector.load %arg1[%get3A_708, %get3A_709] : memref<3x4096xf32, #tpu.memory_space<vmem>>, vector<1x128xf32>
    %mul3A_711 = arith.mulf %get3A_704, %get3A_704 : vector<1x128xf32>
    %mul3A_712 = arith.mulf %get3A_707, %get3A_707 : vector<1x128xf32>
    %add3A_713 = arith.addf %mul3A_711, %mul3A_712 : vector<1x128xf32>
    %mul3A_714 = arith.mulf %get3A_710, %get3A_710 : vector<1x128xf32>
    %add3A_715 = arith.addf %add3A_713, %mul3A_714 : vector<1x128xf32>
    %convert_element_type3A_716 = arith.truncf %get3A_704 : vector<1x128xf32> to vector<1x128xbf16>
    %convert_element_type3A_717 = arith.extf %convert_element_type3A_716 : vector<1x128xbf16> to vector<1x128xf32>
    %mul3A_718 = vector.broadcast %convert_element_type3A_14 : vector<512x1xf32> to vector<512x128xf32>
    %mul3A_719 = vector.broadcast %convert_element_type3A_717 : vector<1x128xf32> to vector<512x128xf32>
    %mul3A_720 = arith.mulf %mul3A_718, %mul3A_719 : vector<512x128xf32>
    %convert_element_type3A_721 = arith.truncf %get3A_707 : vector<1x128xf32> to vector<1x128xbf16>
    %convert_element_type3A_722 = arith.extf %convert_element_type3A_721 : vector<1x128xbf16> to vector<1x128xf32>
    %mul3A_723 = vector.broadcast %convert_element_type3A_16 : vector<512x1xf32> to vector<512x128xf32>
    %mul3A_724 = vector.broadcast %convert_element_type3A_722 : vector<1x128xf32> to vector<512x128xf32>
    %mul3A_725 = arith.mulf %mul3A_723, %mul3A_724 : vector<512x128xf32>
    %add3A_726 = arith.addf %mul3A_720, %mul3A_725 : vector<512x128xf32>
    %convert_element_type3A_727 = arith.truncf %get3A_710 : vector<1x128xf32> to vector<1x128xbf16>
    %convert_element_type3A_728 = arith.extf %convert_element_type3A_727 : vector<1x128xbf16> to vector<1x128xf32>
    %mul3A_729 = vector.broadcast %convert_element_type3A_18 : vector<512x1xf32> to vector<512x128xf32>
    %mul3A_730 = vector.broadcast %convert_element_type3A_728 : vector<1x128xf32> to vector<512x128xf32>
    %mul3A_731 = arith.mulf %mul3A_729, %mul3A_730 : vector<512x128xf32>
    %add3A_732 = arith.addf %add3A_726, %mul3A_731 : vector<512x128xf32>
    %add3A_733 = vector.broadcast %add3A_12 : vector<512x1xf32> to vector<512x128xf32>
    %add3A_734 = vector.broadcast %add3A_715 : vector<1x128xf32> to vector<512x128xf32>
    %add3A_735 = arith.addf %add3A_733, %add3A_734 : vector<512x128xf32>
    %mul3A_736 = arith.constant 2.000000e+00 : f32
    %mul3A_737 = vector.broadcast %mul3A_736 : f32 to vector<512x128xf32>
    %mul3A_738 = arith.mulf %mul3A_737, %add3A_732 : vector<512x128xf32>
    %sub3A_739 = arith.subf %add3A_735, %mul3A_738 : vector<512x128xf32>
    %max3A_740 = arith.constant 0.000000e+00 : f32
    %max3A_741 = vector.broadcast %max3A_740 : f32 to vector<512x128xf32>
    %max3A_742 = arith.maximumf %sub3A_739, %max3A_741 : vector<512x128xf32>
    %swap3A_743 = arith.constant 0 : index
    %swap3A_744 = arith.constant 1792 : index
    %swap3A_745 = vector.load %arg8[%swap3A_743, %swap3A_744] : memref<512x4096xf32, #tpu.memory_space<vmem>>, vector<512x128xf32>
    tpu.vector_store %arg8[%swap3A_743, %swap3A_744], %max3A_742 {strides = array<i32>} : memref<512x4096xf32, #tpu.memory_space<vmem>>, vector<512x128xf32>,
    %lt3A_746 = arith.cmpf olt, %max3A_742, %select_n3A_698 : vector<512x128xf32>
    %select_n3A_747 = arith.select %lt3A_746, %max3A_742, %select_n3A_698 : vector<512x128xi1>, vector<512x128xf32>
    %jit3A_748 = arith.constant 14 : i32
    %broadcast_in_dim3A_749 = vector.broadcast %jit3A_748 : i32 to vector<512x128xi32>
    %select_n3A_750 = arith.select %lt3A_746, %broadcast_in_dim3A_749, %select_n3A_701 : vector<512x128xi1>, vector<512x128xi32>
    %get3A_751 = arith.constant 0 : index
    %get3A_752 = arith.constant 1920 : index
    %get3A_753 = vector.load %arg1[%get3A_751, %get3A_752] : memref<3x4096xf32, #tpu.memory_space<vmem>>, vector<1x128xf32>
    %get3A_754 = arith.constant 1 : index
    %get3A_755 = arith.constant 1920 : index
    %get3A_756 = vector.load %arg1[%get3A_754, %get3A_755] : memref<3x4096xf32, #tpu.memory_space<vmem>>, vector<1x128xf32>
    %get3A_757 = arith.constant 2 : index
    %get3A_758 = arith.constant 1920 : index
    %get3A_759 = vector.load %arg1[%get3A_757, %get3A_758] : memref<3x4096xf32, #tpu.memory_space<vmem>>, vector<1x128xf32>
    %mul3A_760 = arith.mulf %get3A_753, %get3A_753 : vector<1x128xf32>
    %mul3A_761 = arith.mulf %get3A_756, %get3A_756 : vector<1x128xf32>
    %add3A_762 = arith.addf %mul3A_760, %mul3A_761 : vector<1x128xf32>
    %mul3A_763 = arith.mulf %get3A_759, %get3A_759 : vector<1x128xf32>
    %add3A_764 = arith.addf %add3A_762, %mul3A_763 : vector<1x128xf32>
    %convert_element_type3A_765 = arith.truncf %get3A_753 : vector<1x128xf32> to vector<1x128xbf16>
    %convert_element_type3A_766 = arith.extf %convert_element_type3A_765 : vector<1x128xbf16> to vector<1x128xf32>
    %mul3A_767 = vector.broadcast %convert_element_type3A_14 : vector<512x1xf32> to vector<512x128xf32>
    %mul3A_768 = vector.broadcast %convert_element_type3A_766 : vector<1x128xf32> to vector<512x128xf32>
    %mul3A_769 = arith.mulf %mul3A_767, %mul3A_768 : vector<512x128xf32>
    %convert_element_type3A_770 = arith.truncf %get3A_756 : vector<1x128xf32> to vector<1x128xbf16>
    %convert_element_type3A_771 = arith.extf %convert_element_type3A_770 : vector<1x128xbf16> to vector<1x128xf32>
    %mul3A_772 = vector.broadcast %convert_element_type3A_16 : vector<512x1xf32> to vector<512x128xf32>
    %mul3A_773 = vector.broadcast %convert_element_type3A_771 : vector<1x128xf32> to vector<512x128xf32>
    %mul3A_774 = arith.mulf %mul3A_772, %mul3A_773 : vector<512x128xf32>
    %add3A_775 = arith.addf %mul3A_769, %mul3A_774 : vector<512x128xf32>
    %convert_element_type3A_776 = arith.truncf %get3A_759 : vector<1x128xf32> to vector<1x128xbf16>
    %convert_element_type3A_777 = arith.extf %convert_element_type3A_776 : vector<1x128xbf16> to vector<1x128xf32>
    %mul3A_778 = vector.broadcast %convert_element_type3A_18 : vector<512x1xf32> to vector<512x128xf32>
    %mul3A_779 = vector.broadcast %convert_element_type3A_777 : vector<1x128xf32> to vector<512x128xf32>
    %mul3A_780 = arith.mulf %mul3A_778, %mul3A_779 : vector<512x128xf32>
    %add3A_781 = arith.addf %add3A_775, %mul3A_780 : vector<512x128xf32>
    %add3A_782 = vector.broadcast %add3A_12 : vector<512x1xf32> to vector<512x128xf32>
    %add3A_783 = vector.broadcast %add3A_764 : vector<1x128xf32> to vector<512x128xf32>
    %add3A_784 = arith.addf %add3A_782, %add3A_783 : vector<512x128xf32>
    %mul3A_785 = arith.constant 2.000000e+00 : f32
    %mul3A_786 = vector.broadcast %mul3A_785 : f32 to vector<512x128xf32>
    %mul3A_787 = arith.mulf %mul3A_786, %add3A_781 : vector<512x128xf32>
    %sub3A_788 = arith.subf %add3A_784, %mul3A_787 : vector<512x128xf32>
    %max3A_789 = arith.constant 0.000000e+00 : f32
    %max3A_790 = vector.broadcast %max3A_789 : f32 to vector<512x128xf32>
    %max3A_791 = arith.maximumf %sub3A_788, %max3A_790 : vector<512x128xf32>
    %swap3A_792 = arith.constant 0 : index
    %swap3A_793 = arith.constant 1920 : index
    %swap3A_794 = vector.load %arg8[%swap3A_792, %swap3A_793] : memref<512x4096xf32, #tpu.memory_space<vmem>>, vector<512x128xf32>
    tpu.vector_store %arg8[%swap3A_792, %swap3A_793], %max3A_791 {strides = array<i32>} : memref<512x4096xf32, #tpu.memory_space<vmem>>, vector<512x128xf32>,
    %lt3A_795 = arith.cmpf olt, %max3A_791, %select_n3A_747 : vector<512x128xf32>
    %select_n3A_796 = arith.select %lt3A_795, %max3A_791, %select_n3A_747 : vector<512x128xi1>, vector<512x128xf32>
    %jit3A_797 = arith.constant 15 : i32
    %broadcast_in_dim3A_798 = vector.broadcast %jit3A_797 : i32 to vector<512x128xi32>
    %select_n3A_799 = arith.select %lt3A_795, %broadcast_in_dim3A_798, %select_n3A_750 : vector<512x128xi1>, vector<512x128xi32>
    %get3A_800 = arith.constant 0 : index
    %get3A_801 = arith.constant 2048 : index
    %get3A_802 = vector.load %arg1[%get3A_800, %get3A_801] : memref<3x4096xf32, #tpu.memory_space<vmem>>, vector<1x128xf32>
    %get3A_803 = arith.constant 1 : index
    %get3A_804 = arith.constant 2048 : index
    %get3A_805 = vector.load %arg1[%get3A_803, %get3A_804] : memref<3x4096xf32, #tpu.memory_space<vmem>>, vector<1x128xf32>
    %get3A_806 = arith.constant 2 : index
    %get3A_807 = arith.constant 2048 : index
    %get3A_808 = vector.load %arg1[%get3A_806, %get3A_807] : memref<3x4096xf32, #tpu.memory_space<vmem>>, vector<1x128xf32>
    %mul3A_809 = arith.mulf %get3A_802, %get3A_802 : vector<1x128xf32>
    %mul3A_810 = arith.mulf %get3A_805, %get3A_805 : vector<1x128xf32>
    %add3A_811 = arith.addf %mul3A_809, %mul3A_810 : vector<1x128xf32>
    %mul3A_812 = arith.mulf %get3A_808, %get3A_808 : vector<1x128xf32>
    %add3A_813 = arith.addf %add3A_811, %mul3A_812 : vector<1x128xf32>
    %convert_element_type3A_814 = arith.truncf %get3A_802 : vector<1x128xf32> to vector<1x128xbf16>
    %convert_element_type3A_815 = arith.extf %convert_element_type3A_814 : vector<1x128xbf16> to vector<1x128xf32>
    %mul3A_816 = vector.broadcast %convert_element_type3A_14 : vector<512x1xf32> to vector<512x128xf32>
    %mul3A_817 = vector.broadcast %convert_element_type3A_815 : vector<1x128xf32> to vector<512x128xf32>
    %mul3A_818 = arith.mulf %mul3A_816, %mul3A_817 : vector<512x128xf32>
    %convert_element_type3A_819 = arith.truncf %get3A_805 : vector<1x128xf32> to vector<1x128xbf16>
    %convert_element_type3A_820 = arith.extf %convert_element_type3A_819 : vector<1x128xbf16> to vector<1x128xf32>
    %mul3A_821 = vector.broadcast %convert_element_type3A_16 : vector<512x1xf32> to vector<512x128xf32>
    %mul3A_822 = vector.broadcast %convert_element_type3A_820 : vector<1x128xf32> to vector<512x128xf32>
    %mul3A_823 = arith.mulf %mul3A_821, %mul3A_822 : vector<512x128xf32>
    %add3A_824 = arith.addf %mul3A_818, %mul3A_823 : vector<512x128xf32>
    %convert_element_type3A_825 = arith.truncf %get3A_808 : vector<1x128xf32> to vector<1x128xbf16>
    %convert_element_type3A_826 = arith.extf %convert_element_type3A_825 : vector<1x128xbf16> to vector<1x128xf32>
    %mul3A_827 = vector.broadcast %convert_element_type3A_18 : vector<512x1xf32> to vector<512x128xf32>
    %mul3A_828 = vector.broadcast %convert_element_type3A_826 : vector<1x128xf32> to vector<512x128xf32>
    %mul3A_829 = arith.mulf %mul3A_827, %mul3A_828 : vector<512x128xf32>
    %add3A_830 = arith.addf %add3A_824, %mul3A_829 : vector<512x128xf32>
    %add3A_831 = vector.broadcast %add3A_12 : vector<512x1xf32> to vector<512x128xf32>
    %add3A_832 = vector.broadcast %add3A_813 : vector<1x128xf32> to vector<512x128xf32>
    %add3A_833 = arith.addf %add3A_831, %add3A_832 : vector<512x128xf32>
    %mul3A_834 = arith.constant 2.000000e+00 : f32
    %mul3A_835 = vector.broadcast %mul3A_834 : f32 to vector<512x128xf32>
    %mul3A_836 = arith.mulf %mul3A_835, %add3A_830 : vector<512x128xf32>
    %sub3A_837 = arith.subf %add3A_833, %mul3A_836 : vector<512x128xf32>
    %max3A_838 = arith.constant 0.000000e+00 : f32
    %max3A_839 = vector.broadcast %max3A_838 : f32 to vector<512x128xf32>
    %max3A_840 = arith.maximumf %sub3A_837, %max3A_839 : vector<512x128xf32>
    %swap3A_841 = arith.constant 0 : index
    %swap3A_842 = arith.constant 2048 : index
    %swap3A_843 = vector.load %arg8[%swap3A_841, %swap3A_842] : memref<512x4096xf32, #tpu.memory_space<vmem>>, vector<512x128xf32>
    tpu.vector_store %arg8[%swap3A_841, %swap3A_842], %max3A_840 {strides = array<i32>} : memref<512x4096xf32, #tpu.memory_space<vmem>>, vector<512x128xf32>,
    %lt3A_844 = arith.cmpf olt, %max3A_840, %select_n3A_796 : vector<512x128xf32>
    %select_n3A_845 = arith.select %lt3A_844, %max3A_840, %select_n3A_796 : vector<512x128xi1>, vector<512x128xf32>
    %jit3A_846 = arith.constant 16 : i32
    %broadcast_in_dim3A_847 = vector.broadcast %jit3A_846 : i32 to vector<512x128xi32>
    %select_n3A_848 = arith.select %lt3A_844, %broadcast_in_dim3A_847, %select_n3A_799 : vector<512x128xi1>, vector<512x128xi32>
    %get3A_849 = arith.constant 0 : index
    %get3A_850 = arith.constant 2176 : index
    %get3A_851 = vector.load %arg1[%get3A_849, %get3A_850] : memref<3x4096xf32, #tpu.memory_space<vmem>>, vector<1x128xf32>
    %get3A_852 = arith.constant 1 : index
    %get3A_853 = arith.constant 2176 : index
    %get3A_854 = vector.load %arg1[%get3A_852, %get3A_853] : memref<3x4096xf32, #tpu.memory_space<vmem>>, vector<1x128xf32>
    %get3A_855 = arith.constant 2 : index
    %get3A_856 = arith.constant 2176 : index
    %get3A_857 = vector.load %arg1[%get3A_855, %get3A_856] : memref<3x4096xf32, #tpu.memory_space<vmem>>, vector<1x128xf32>
    %mul3A_858 = arith.mulf %get3A_851, %get3A_851 : vector<1x128xf32>
    %mul3A_859 = arith.mulf %get3A_854, %get3A_854 : vector<1x128xf32>
    %add3A_860 = arith.addf %mul3A_858, %mul3A_859 : vector<1x128xf32>
    %mul3A_861 = arith.mulf %get3A_857, %get3A_857 : vector<1x128xf32>
    %add3A_862 = arith.addf %add3A_860, %mul3A_861 : vector<1x128xf32>
    %convert_element_type3A_863 = arith.truncf %get3A_851 : vector<1x128xf32> to vector<1x128xbf16>
    %convert_element_type3A_864 = arith.extf %convert_element_type3A_863 : vector<1x128xbf16> to vector<1x128xf32>
    %mul3A_865 = vector.broadcast %convert_element_type3A_14 : vector<512x1xf32> to vector<512x128xf32>
    %mul3A_866 = vector.broadcast %convert_element_type3A_864 : vector<1x128xf32> to vector<512x128xf32>
    %mul3A_867 = arith.mulf %mul3A_865, %mul3A_866 : vector<512x128xf32>
    %convert_element_type3A_868 = arith.truncf %get3A_854 : vector<1x128xf32> to vector<1x128xbf16>
    %convert_element_type3A_869 = arith.extf %convert_element_type3A_868 : vector<1x128xbf16> to vector<1x128xf32>
    %mul3A_870 = vector.broadcast %convert_element_type3A_16 : vector<512x1xf32> to vector<512x128xf32>
    %mul3A_871 = vector.broadcast %convert_element_type3A_869 : vector<1x128xf32> to vector<512x128xf32>
    %mul3A_872 = arith.mulf %mul3A_870, %mul3A_871 : vector<512x128xf32>
    %add3A_873 = arith.addf %mul3A_867, %mul3A_872 : vector<512x128xf32>
    %convert_element_type3A_874 = arith.truncf %get3A_857 : vector<1x128xf32> to vector<1x128xbf16>
    %convert_element_type3A_875 = arith.extf %convert_element_type3A_874 : vector<1x128xbf16> to vector<1x128xf32>
    %mul3A_876 = vector.broadcast %convert_element_type3A_18 : vector<512x1xf32> to vector<512x128xf32>
    %mul3A_877 = vector.broadcast %convert_element_type3A_875 : vector<1x128xf32> to vector<512x128xf32>
    %mul3A_878 = arith.mulf %mul3A_876, %mul3A_877 : vector<512x128xf32>
    %add3A_879 = arith.addf %add3A_873, %mul3A_878 : vector<512x128xf32>
    %add3A_880 = vector.broadcast %add3A_12 : vector<512x1xf32> to vector<512x128xf32>
    %add3A_881 = vector.broadcast %add3A_862 : vector<1x128xf32> to vector<512x128xf32>
    %add3A_882 = arith.addf %add3A_880, %add3A_881 : vector<512x128xf32>
    %mul3A_883 = arith.constant 2.000000e+00 : f32
    %mul3A_884 = vector.broadcast %mul3A_883 : f32 to vector<512x128xf32>
    %mul3A_885 = arith.mulf %mul3A_884, %add3A_879 : vector<512x128xf32>
    %sub3A_886 = arith.subf %add3A_882, %mul3A_885 : vector<512x128xf32>
    %max3A_887 = arith.constant 0.000000e+00 : f32
    %max3A_888 = vector.broadcast %max3A_887 : f32 to vector<512x128xf32>
    %max3A_889 = arith.maximumf %sub3A_886, %max3A_888 : vector<512x128xf32>
    %swap3A_890 = arith.constant 0 : index
    %swap3A_891 = arith.constant 2176 : index
    %swap3A_892 = vector.load %arg8[%swap3A_890, %swap3A_891] : memref<512x4096xf32, #tpu.memory_space<vmem>>, vector<512x128xf32>
    tpu.vector_store %arg8[%swap3A_890, %swap3A_891], %max3A_889 {strides = array<i32>} : memref<512x4096xf32, #tpu.memory_space<vmem>>, vector<512x128xf32>,
    %lt3A_893 = arith.cmpf olt, %max3A_889, %select_n3A_845 : vector<512x128xf32>
    %select_n3A_894 = arith.select %lt3A_893, %max3A_889, %select_n3A_845 : vector<512x128xi1>, vector<512x128xf32>
    %jit3A_895 = arith.constant 17 : i32
    %broadcast_in_dim3A_896 = vector.broadcast %jit3A_895 : i32 to vector<512x128xi32>
    %select_n3A_897 = arith.select %lt3A_893, %broadcast_in_dim3A_896, %select_n3A_848 : vector<512x128xi1>, vector<512x128xi32>
    %get3A_898 = arith.constant 0 : index
    %get3A_899 = arith.constant 2304 : index
    %get3A_900 = vector.load %arg1[%get3A_898, %get3A_899] : memref<3x4096xf32, #tpu.memory_space<vmem>>, vector<1x128xf32>
    %get3A_901 = arith.constant 1 : index
    %get3A_902 = arith.constant 2304 : index
    %get3A_903 = vector.load %arg1[%get3A_901, %get3A_902] : memref<3x4096xf32, #tpu.memory_space<vmem>>, vector<1x128xf32>
    %get3A_904 = arith.constant 2 : index
    %get3A_905 = arith.constant 2304 : index
    %get3A_906 = vector.load %arg1[%get3A_904, %get3A_905] : memref<3x4096xf32, #tpu.memory_space<vmem>>, vector<1x128xf32>
    %mul3A_907 = arith.mulf %get3A_900, %get3A_900 : vector<1x128xf32>
    %mul3A_908 = arith.mulf %get3A_903, %get3A_903 : vector<1x128xf32>
    %add3A_909 = arith.addf %mul3A_907, %mul3A_908 : vector<1x128xf32>
    %mul3A_910 = arith.mulf %get3A_906, %get3A_906 : vector<1x128xf32>
    %add3A_911 = arith.addf %add3A_909, %mul3A_910 : vector<1x128xf32>
    %convert_element_type3A_912 = arith.truncf %get3A_900 : vector<1x128xf32> to vector<1x128xbf16>
    %convert_element_type3A_913 = arith.extf %convert_element_type3A_912 : vector<1x128xbf16> to vector<1x128xf32>
    %mul3A_914 = vector.broadcast %convert_element_type3A_14 : vector<512x1xf32> to vector<512x128xf32>
    %mul3A_915 = vector.broadcast %convert_element_type3A_913 : vector<1x128xf32> to vector<512x128xf32>
    %mul3A_916 = arith.mulf %mul3A_914, %mul3A_915 : vector<512x128xf32>
    %convert_element_type3A_917 = arith.truncf %get3A_903 : vector<1x128xf32> to vector<1x128xbf16>
    %convert_element_type3A_918 = arith.extf %convert_element_type3A_917 : vector<1x128xbf16> to vector<1x128xf32>
    %mul3A_919 = vector.broadcast %convert_element_type3A_16 : vector<512x1xf32> to vector<512x128xf32>
    %mul3A_920 = vector.broadcast %convert_element_type3A_918 : vector<1x128xf32> to vector<512x128xf32>
    %mul3A_921 = arith.mulf %mul3A_919, %mul3A_920 : vector<512x128xf32>
    %add3A_922 = arith.addf %mul3A_916, %mul3A_921 : vector<512x128xf32>
    %convert_element_type3A_923 = arith.truncf %get3A_906 : vector<1x128xf32> to vector<1x128xbf16>
    %convert_element_type3A_924 = arith.extf %convert_element_type3A_923 : vector<1x128xbf16> to vector<1x128xf32>
    %mul3A_925 = vector.broadcast %convert_element_type3A_18 : vector<512x1xf32> to vector<512x128xf32>
    %mul3A_926 = vector.broadcast %convert_element_type3A_924 : vector<1x128xf32> to vector<512x128xf32>
    %mul3A_927 = arith.mulf %mul3A_925, %mul3A_926 : vector<512x128xf32>
    %add3A_928 = arith.addf %add3A_922, %mul3A_927 : vector<512x128xf32>
    %add3A_929 = vector.broadcast %add3A_12 : vector<512x1xf32> to vector<512x128xf32>
    %add3A_930 = vector.broadcast %add3A_911 : vector<1x128xf32> to vector<512x128xf32>
    %add3A_931 = arith.addf %add3A_929, %add3A_930 : vector<512x128xf32>
    %mul3A_932 = arith.constant 2.000000e+00 : f32
    %mul3A_933 = vector.broadcast %mul3A_932 : f32 to vector<512x128xf32>
    %mul3A_934 = arith.mulf %mul3A_933, %add3A_928 : vector<512x128xf32>
    %sub3A_935 = arith.subf %add3A_931, %mul3A_934 : vector<512x128xf32>
    %max3A_936 = arith.constant 0.000000e+00 : f32
    %max3A_937 = vector.broadcast %max3A_936 : f32 to vector<512x128xf32>
    %max3A_938 = arith.maximumf %sub3A_935, %max3A_937 : vector<512x128xf32>
    %swap3A_939 = arith.constant 0 : index
    %swap3A_940 = arith.constant 2304 : index
    %swap3A_941 = vector.load %arg8[%swap3A_939, %swap3A_940] : memref<512x4096xf32, #tpu.memory_space<vmem>>, vector<512x128xf32>
    tpu.vector_store %arg8[%swap3A_939, %swap3A_940], %max3A_938 {strides = array<i32>} : memref<512x4096xf32, #tpu.memory_space<vmem>>, vector<512x128xf32>,
    %lt3A_942 = arith.cmpf olt, %max3A_938, %select_n3A_894 : vector<512x128xf32>
    %select_n3A_943 = arith.select %lt3A_942, %max3A_938, %select_n3A_894 : vector<512x128xi1>, vector<512x128xf32>
    %jit3A_944 = arith.constant 18 : i32
    %broadcast_in_dim3A_945 = vector.broadcast %jit3A_944 : i32 to vector<512x128xi32>
    %select_n3A_946 = arith.select %lt3A_942, %broadcast_in_dim3A_945, %select_n3A_897 : vector<512x128xi1>, vector<512x128xi32>
    %get3A_947 = arith.constant 0 : index
    %get3A_948 = arith.constant 2432 : index
    %get3A_949 = vector.load %arg1[%get3A_947, %get3A_948] : memref<3x4096xf32, #tpu.memory_space<vmem>>, vector<1x128xf32>
    %get3A_950 = arith.constant 1 : index
    %get3A_951 = arith.constant 2432 : index
    %get3A_952 = vector.load %arg1[%get3A_950, %get3A_951] : memref<3x4096xf32, #tpu.memory_space<vmem>>, vector<1x128xf32>
    %get3A_953 = arith.constant 2 : index
    %get3A_954 = arith.constant 2432 : index
    %get3A_955 = vector.load %arg1[%get3A_953, %get3A_954] : memref<3x4096xf32, #tpu.memory_space<vmem>>, vector<1x128xf32>
    %mul3A_956 = arith.mulf %get3A_949, %get3A_949 : vector<1x128xf32>
    %mul3A_957 = arith.mulf %get3A_952, %get3A_952 : vector<1x128xf32>
    %add3A_958 = arith.addf %mul3A_956, %mul3A_957 : vector<1x128xf32>
    %mul3A_959 = arith.mulf %get3A_955, %get3A_955 : vector<1x128xf32>
    %add3A_960 = arith.addf %add3A_958, %mul3A_959 : vector<1x128xf32>
    %convert_element_type3A_961 = arith.truncf %get3A_949 : vector<1x128xf32> to vector<1x128xbf16>
    %convert_element_type3A_962 = arith.extf %convert_element_type3A_961 : vector<1x128xbf16> to vector<1x128xf32>
    %mul3A_963 = vector.broadcast %convert_element_type3A_14 : vector<512x1xf32> to vector<512x128xf32>
    %mul3A_964 = vector.broadcast %convert_element_type3A_962 : vector<1x128xf32> to vector<512x128xf32>
    %mul3A_965 = arith.mulf %mul3A_963, %mul3A_964 : vector<512x128xf32>
    %convert_element_type3A_966 = arith.truncf %get3A_952 : vector<1x128xf32> to vector<1x128xbf16>
    %convert_element_type3A_967 = arith.extf %convert_element_type3A_966 : vector<1x128xbf16> to vector<1x128xf32>
    %mul3A_968 = vector.broadcast %convert_element_type3A_16 : vector<512x1xf32> to vector<512x128xf32>
    %mul3A_969 = vector.broadcast %convert_element_type3A_967 : vector<1x128xf32> to vector<512x128xf32>
    %mul3A_970 = arith.mulf %mul3A_968, %mul3A_969 : vector<512x128xf32>
    %add3A_971 = arith.addf %mul3A_965, %mul3A_970 : vector<512x128xf32>
    %convert_element_type3A_972 = arith.truncf %get3A_955 : vector<1x128xf32> to vector<1x128xbf16>
    %convert_element_type3A_973 = arith.extf %convert_element_type3A_972 : vector<1x128xbf16> to vector<1x128xf32>
    %mul3A_974 = vector.broadcast %convert_element_type3A_18 : vector<512x1xf32> to vector<512x128xf32>
    %mul3A_975 = vector.broadcast %convert_element_type3A_973 : vector<1x128xf32> to vector<512x128xf32>
    %mul3A_976 = arith.mulf %mul3A_974, %mul3A_975 : vector<512x128xf32>
    %add3A_977 = arith.addf %add3A_971, %mul3A_976 : vector<512x128xf32>
    %add3A_978 = vector.broadcast %add3A_12 : vector<512x1xf32> to vector<512x128xf32>
    %add3A_979 = vector.broadcast %add3A_960 : vector<1x128xf32> to vector<512x128xf32>
    %add3A_980 = arith.addf %add3A_978, %add3A_979 : vector<512x128xf32>
    %mul3A_981 = arith.constant 2.000000e+00 : f32
    %mul3A_982 = vector.broadcast %mul3A_981 : f32 to vector<512x128xf32>
    %mul3A_983 = arith.mulf %mul3A_982, %add3A_977 : vector<512x128xf32>
    %sub3A_984 = arith.subf %add3A_980, %mul3A_983 : vector<512x128xf32>
    %max3A_985 = arith.constant 0.000000e+00 : f32
    %max3A_986 = vector.broadcast %max3A_985 : f32 to vector<512x128xf32>
    %max3A_987 = arith.maximumf %sub3A_984, %max3A_986 : vector<512x128xf32>
    %swap3A_988 = arith.constant 0 : index
    %swap3A_989 = arith.constant 2432 : index
    %swap3A_990 = vector.load %arg8[%swap3A_988, %swap3A_989] : memref<512x4096xf32, #tpu.memory_space<vmem>>, vector<512x128xf32>
    tpu.vector_store %arg8[%swap3A_988, %swap3A_989], %max3A_987 {strides = array<i32>} : memref<512x4096xf32, #tpu.memory_space<vmem>>, vector<512x128xf32>,
    %lt3A_991 = arith.cmpf olt, %max3A_987, %select_n3A_943 : vector<512x128xf32>
    %select_n3A_992 = arith.select %lt3A_991, %max3A_987, %select_n3A_943 : vector<512x128xi1>, vector<512x128xf32>
    %jit3A_993 = arith.constant 19 : i32
    %broadcast_in_dim3A_994 = vector.broadcast %jit3A_993 : i32 to vector<512x128xi32>
    %select_n3A_995 = arith.select %lt3A_991, %broadcast_in_dim3A_994, %select_n3A_946 : vector<512x128xi1>, vector<512x128xi32>
    %get3A_996 = arith.constant 0 : index
    %get3A_997 = arith.constant 2560 : index
    %get3A_998 = vector.load %arg1[%get3A_996, %get3A_997] : memref<3x4096xf32, #tpu.memory_space<vmem>>, vector<1x128xf32>
    %get3A_999 = arith.constant 1 : index
    %get3A_1000 = arith.constant 2560 : index
    %get3A_1001 = vector.load %arg1[%get3A_999, %get3A_1000] : memref<3x4096xf32, #tpu.memory_space<vmem>>, vector<1x128xf32>
    %get3A_1002 = arith.constant 2 : index
    %get3A_1003 = arith.constant 2560 : index
    %get3A_1004 = vector.load %arg1[%get3A_1002, %get3A_1003] : memref<3x4096xf32, #tpu.memory_space<vmem>>, vector<1x128xf32>
    %mul3A_1005 = arith.mulf %get3A_998, %get3A_998 : vector<1x128xf32>
    %mul3A_1006 = arith.mulf %get3A_1001, %get3A_1001 : vector<1x128xf32>
    %add3A_1007 = arith.addf %mul3A_1005, %mul3A_1006 : vector<1x128xf32>
    %mul3A_1008 = arith.mulf %get3A_1004, %get3A_1004 : vector<1x128xf32>
    %add3A_1009 = arith.addf %add3A_1007, %mul3A_1008 : vector<1x128xf32>
    %convert_element_type3A_1010 = arith.truncf %get3A_998 : vector<1x128xf32> to vector<1x128xbf16>
    %convert_element_type3A_1011 = arith.extf %convert_element_type3A_1010 : vector<1x128xbf16> to vector<1x128xf32>
    %mul3A_1012 = vector.broadcast %convert_element_type3A_14 : vector<512x1xf32> to vector<512x128xf32>
    %mul3A_1013 = vector.broadcast %convert_element_type3A_1011 : vector<1x128xf32> to vector<512x128xf32>
    %mul3A_1014 = arith.mulf %mul3A_1012, %mul3A_1013 : vector<512x128xf32>
    %convert_element_type3A_1015 = arith.truncf %get3A_1001 : vector<1x128xf32> to vector<1x128xbf16>
    %convert_element_type3A_1016 = arith.extf %convert_element_type3A_1015 : vector<1x128xbf16> to vector<1x128xf32>
    %mul3A_1017 = vector.broadcast %convert_element_type3A_16 : vector<512x1xf32> to vector<512x128xf32>
    %mul3A_1018 = vector.broadcast %convert_element_type3A_1016 : vector<1x128xf32> to vector<512x128xf32>
    %mul3A_1019 = arith.mulf %mul3A_1017, %mul3A_1018 : vector<512x128xf32>
    %add3A_1020 = arith.addf %mul3A_1014, %mul3A_1019 : vector<512x128xf32>
    %convert_element_type3A_1021 = arith.truncf %get3A_1004 : vector<1x128xf32> to vector<1x128xbf16>
    %convert_element_type3A_1022 = arith.extf %convert_element_type3A_1021 : vector<1x128xbf16> to vector<1x128xf32>
    %mul3A_1023 = vector.broadcast %convert_element_type3A_18 : vector<512x1xf32> to vector<512x128xf32>
    %mul3A_1024 = vector.broadcast %convert_element_type3A_1022 : vector<1x128xf32> to vector<512x128xf32>
    %mul3A_1025 = arith.mulf %mul3A_1023, %mul3A_1024 : vector<512x128xf32>
    %add3A_1026 = arith.addf %add3A_1020, %mul3A_1025 : vector<512x128xf32>
    %add3A_1027 = vector.broadcast %add3A_12 : vector<512x1xf32> to vector<512x128xf32>
    %add3A_1028 = vector.broadcast %add3A_1009 : vector<1x128xf32> to vector<512x128xf32>
    %add3A_1029 = arith.addf %add3A_1027, %add3A_1028 : vector<512x128xf32>
    %mul3A_1030 = arith.constant 2.000000e+00 : f32
    %mul3A_1031 = vector.broadcast %mul3A_1030 : f32 to vector<512x128xf32>
    %mul3A_1032 = arith.mulf %mul3A_1031, %add3A_1026 : vector<512x128xf32>
    %sub3A_1033 = arith.subf %add3A_1029, %mul3A_1032 : vector<512x128xf32>
    %max3A_1034 = arith.constant 0.000000e+00 : f32
    %max3A_1035 = vector.broadcast %max3A_1034 : f32 to vector<512x128xf32>
    %max3A_1036 = arith.maximumf %sub3A_1033, %max3A_1035 : vector<512x128xf32>
    %swap3A_1037 = arith.constant 0 : index
    %swap3A_1038 = arith.constant 2560 : index
    %swap3A_1039 = vector.load %arg8[%swap3A_1037, %swap3A_1038] : memref<512x4096xf32, #tpu.memory_space<vmem>>, vector<512x128xf32>
    tpu.vector_store %arg8[%swap3A_1037, %swap3A_1038], %max3A_1036 {strides = array<i32>} : memref<512x4096xf32, #tpu.memory_space<vmem>>, vector<512x128xf32>,
    %lt3A_1040 = arith.cmpf olt, %max3A_1036, %select_n3A_992 : vector<512x128xf32>
    %select_n3A_1041 = arith.select %lt3A_1040, %max3A_1036, %select_n3A_992 : vector<512x128xi1>, vector<512x128xf32>
    %jit3A_1042 = arith.constant 20 : i32
    %broadcast_in_dim3A_1043 = vector.broadcast %jit3A_1042 : i32 to vector<512x128xi32>
    %select_n3A_1044 = arith.select %lt3A_1040, %broadcast_in_dim3A_1043, %select_n3A_995 : vector<512x128xi1>, vector<512x128xi32>
    %get3A_1045 = arith.constant 0 : index
    %get3A_1046 = arith.constant 2688 : index
    %get3A_1047 = vector.load %arg1[%get3A_1045, %get3A_1046] : memref<3x4096xf32, #tpu.memory_space<vmem>>, vector<1x128xf32>
    %get3A_1048 = arith.constant 1 : index
    %get3A_1049 = arith.constant 2688 : index
    %get3A_1050 = vector.load %arg1[%get3A_1048, %get3A_1049] : memref<3x4096xf32, #tpu.memory_space<vmem>>, vector<1x128xf32>
    %get3A_1051 = arith.constant 2 : index
    %get3A_1052 = arith.constant 2688 : index
    %get3A_1053 = vector.load %arg1[%get3A_1051, %get3A_1052] : memref<3x4096xf32, #tpu.memory_space<vmem>>, vector<1x128xf32>
    %mul3A_1054 = arith.mulf %get3A_1047, %get3A_1047 : vector<1x128xf32>
    %mul3A_1055 = arith.mulf %get3A_1050, %get3A_1050 : vector<1x128xf32>
    %add3A_1056 = arith.addf %mul3A_1054, %mul3A_1055 : vector<1x128xf32>
    %mul3A_1057 = arith.mulf %get3A_1053, %get3A_1053 : vector<1x128xf32>
    %add3A_1058 = arith.addf %add3A_1056, %mul3A_1057 : vector<1x128xf32>
    %convert_element_type3A_1059 = arith.truncf %get3A_1047 : vector<1x128xf32> to vector<1x128xbf16>
    %convert_element_type3A_1060 = arith.extf %convert_element_type3A_1059 : vector<1x128xbf16> to vector<1x128xf32>
    %mul3A_1061 = vector.broadcast %convert_element_type3A_14 : vector<512x1xf32> to vector<512x128xf32>
    %mul3A_1062 = vector.broadcast %convert_element_type3A_1060 : vector<1x128xf32> to vector<512x128xf32>
    %mul3A_1063 = arith.mulf %mul3A_1061, %mul3A_1062 : vector<512x128xf32>
    %convert_element_type3A_1064 = arith.truncf %get3A_1050 : vector<1x128xf32> to vector<1x128xbf16>
    %convert_element_type3A_1065 = arith.extf %convert_element_type3A_1064 : vector<1x128xbf16> to vector<1x128xf32>
    %mul3A_1066 = vector.broadcast %convert_element_type3A_16 : vector<512x1xf32> to vector<512x128xf32>
    %mul3A_1067 = vector.broadcast %convert_element_type3A_1065 : vector<1x128xf32> to vector<512x128xf32>
    %mul3A_1068 = arith.mulf %mul3A_1066, %mul3A_1067 : vector<512x128xf32>
    %add3A_1069 = arith.addf %mul3A_1063, %mul3A_1068 : vector<512x128xf32>
    %convert_element_type3A_1070 = arith.truncf %get3A_1053 : vector<1x128xf32> to vector<1x128xbf16>
    %convert_element_type3A_1071 = arith.extf %convert_element_type3A_1070 : vector<1x128xbf16> to vector<1x128xf32>
    %mul3A_1072 = vector.broadcast %convert_element_type3A_18 : vector<512x1xf32> to vector<512x128xf32>
    %mul3A_1073 = vector.broadcast %convert_element_type3A_1071 : vector<1x128xf32> to vector<512x128xf32>
    %mul3A_1074 = arith.mulf %mul3A_1072, %mul3A_1073 : vector<512x128xf32>
    %add3A_1075 = arith.addf %add3A_1069, %mul3A_1074 : vector<512x128xf32>
    %add3A_1076 = vector.broadcast %add3A_12 : vector<512x1xf32> to vector<512x128xf32>
    %add3A_1077 = vector.broadcast %add3A_1058 : vector<1x128xf32> to vector<512x128xf32>
    %add3A_1078 = arith.addf %add3A_1076, %add3A_1077 : vector<512x128xf32>
    %mul3A_1079 = arith.constant 2.000000e+00 : f32
    %mul3A_1080 = vector.broadcast %mul3A_1079 : f32 to vector<512x128xf32>
    %mul3A_1081 = arith.mulf %mul3A_1080, %add3A_1075 : vector<512x128xf32>
    %sub3A_1082 = arith.subf %add3A_1078, %mul3A_1081 : vector<512x128xf32>
    %max3A_1083 = arith.constant 0.000000e+00 : f32
    %max3A_1084 = vector.broadcast %max3A_1083 : f32 to vector<512x128xf32>
    %max3A_1085 = arith.maximumf %sub3A_1082, %max3A_1084 : vector<512x128xf32>
    %swap3A_1086 = arith.constant 0 : index
    %swap3A_1087 = arith.constant 2688 : index
    %swap3A_1088 = vector.load %arg8[%swap3A_1086, %swap3A_1087] : memref<512x4096xf32, #tpu.memory_space<vmem>>, vector<512x128xf32>
    tpu.vector_store %arg8[%swap3A_1086, %swap3A_1087], %max3A_1085 {strides = array<i32>} : memref<512x4096xf32, #tpu.memory_space<vmem>>, vector<512x128xf32>,
    %lt3A_1089 = arith.cmpf olt, %max3A_1085, %select_n3A_1041 : vector<512x128xf32>
    %select_n3A_1090 = arith.select %lt3A_1089, %max3A_1085, %select_n3A_1041 : vector<512x128xi1>, vector<512x128xf32>
    %jit3A_1091 = arith.constant 21 : i32
    %broadcast_in_dim3A_1092 = vector.broadcast %jit3A_1091 : i32 to vector<512x128xi32>
    %select_n3A_1093 = arith.select %lt3A_1089, %broadcast_in_dim3A_1092, %select_n3A_1044 : vector<512x128xi1>, vector<512x128xi32>
    %get3A_1094 = arith.constant 0 : index
    %get3A_1095 = arith.constant 2816 : index
    %get3A_1096 = vector.load %arg1[%get3A_1094, %get3A_1095] : memref<3x4096xf32, #tpu.memory_space<vmem>>, vector<1x128xf32>
    %get3A_1097 = arith.constant 1 : index
    %get3A_1098 = arith.constant 2816 : index
    %get3A_1099 = vector.load %arg1[%get3A_1097, %get3A_1098] : memref<3x4096xf32, #tpu.memory_space<vmem>>, vector<1x128xf32>
    %get3A_1100 = arith.constant 2 : index
    %get3A_1101 = arith.constant 2816 : index
    %get3A_1102 = vector.load %arg1[%get3A_1100, %get3A_1101] : memref<3x4096xf32, #tpu.memory_space<vmem>>, vector<1x128xf32>
    %mul3A_1103 = arith.mulf %get3A_1096, %get3A_1096 : vector<1x128xf32>
    %mul3A_1104 = arith.mulf %get3A_1099, %get3A_1099 : vector<1x128xf32>
    %add3A_1105 = arith.addf %mul3A_1103, %mul3A_1104 : vector<1x128xf32>
    %mul3A_1106 = arith.mulf %get3A_1102, %get3A_1102 : vector<1x128xf32>
    %add3A_1107 = arith.addf %add3A_1105, %mul3A_1106 : vector<1x128xf32>
    %convert_element_type3A_1108 = arith.truncf %get3A_1096 : vector<1x128xf32> to vector<1x128xbf16>
    %convert_element_type3A_1109 = arith.extf %convert_element_type3A_1108 : vector<1x128xbf16> to vector<1x128xf32>
    %mul3A_1110 = vector.broadcast %convert_element_type3A_14 : vector<512x1xf32> to vector<512x128xf32>
    %mul3A_1111 = vector.broadcast %convert_element_type3A_1109 : vector<1x128xf32> to vector<512x128xf32>
    %mul3A_1112 = arith.mulf %mul3A_1110, %mul3A_1111 : vector<512x128xf32>
    %convert_element_type3A_1113 = arith.truncf %get3A_1099 : vector<1x128xf32> to vector<1x128xbf16>
    %convert_element_type3A_1114 = arith.extf %convert_element_type3A_1113 : vector<1x128xbf16> to vector<1x128xf32>
    %mul3A_1115 = vector.broadcast %convert_element_type3A_16 : vector<512x1xf32> to vector<512x128xf32>
    %mul3A_1116 = vector.broadcast %convert_element_type3A_1114 : vector<1x128xf32> to vector<512x128xf32>
    %mul3A_1117 = arith.mulf %mul3A_1115, %mul3A_1116 : vector<512x128xf32>
    %add3A_1118 = arith.addf %mul3A_1112, %mul3A_1117 : vector<512x128xf32>
    %convert_element_type3A_1119 = arith.truncf %get3A_1102 : vector<1x128xf32> to vector<1x128xbf16>
    %convert_element_type3A_1120 = arith.extf %convert_element_type3A_1119 : vector<1x128xbf16> to vector<1x128xf32>
    %mul3A_1121 = vector.broadcast %convert_element_type3A_18 : vector<512x1xf32> to vector<512x128xf32>
    %mul3A_1122 = vector.broadcast %convert_element_type3A_1120 : vector<1x128xf32> to vector<512x128xf32>
    %mul3A_1123 = arith.mulf %mul3A_1121, %mul3A_1122 : vector<512x128xf32>
    %add3A_1124 = arith.addf %add3A_1118, %mul3A_1123 : vector<512x128xf32>
    %add3A_1125 = vector.broadcast %add3A_12 : vector<512x1xf32> to vector<512x128xf32>
    %add3A_1126 = vector.broadcast %add3A_1107 : vector<1x128xf32> to vector<512x128xf32>
    %add3A_1127 = arith.addf %add3A_1125, %add3A_1126 : vector<512x128xf32>
    %mul3A_1128 = arith.constant 2.000000e+00 : f32
    %mul3A_1129 = vector.broadcast %mul3A_1128 : f32 to vector<512x128xf32>
    %mul3A_1130 = arith.mulf %mul3A_1129, %add3A_1124 : vector<512x128xf32>
    %sub3A_1131 = arith.subf %add3A_1127, %mul3A_1130 : vector<512x128xf32>
    %max3A_1132 = arith.constant 0.000000e+00 : f32
    %max3A_1133 = vector.broadcast %max3A_1132 : f32 to vector<512x128xf32>
    %max3A_1134 = arith.maximumf %sub3A_1131, %max3A_1133 : vector<512x128xf32>
    %swap3A_1135 = arith.constant 0 : index
    %swap3A_1136 = arith.constant 2816 : index
    %swap3A_1137 = vector.load %arg8[%swap3A_1135, %swap3A_1136] : memref<512x4096xf32, #tpu.memory_space<vmem>>, vector<512x128xf32>
    tpu.vector_store %arg8[%swap3A_1135, %swap3A_1136], %max3A_1134 {strides = array<i32>} : memref<512x4096xf32, #tpu.memory_space<vmem>>, vector<512x128xf32>,
    %lt3A_1138 = arith.cmpf olt, %max3A_1134, %select_n3A_1090 : vector<512x128xf32>
    %select_n3A_1139 = arith.select %lt3A_1138, %max3A_1134, %select_n3A_1090 : vector<512x128xi1>, vector<512x128xf32>
    %jit3A_1140 = arith.constant 22 : i32
    %broadcast_in_dim3A_1141 = vector.broadcast %jit3A_1140 : i32 to vector<512x128xi32>
    %select_n3A_1142 = arith.select %lt3A_1138, %broadcast_in_dim3A_1141, %select_n3A_1093 : vector<512x128xi1>, vector<512x128xi32>
    %get3A_1143 = arith.constant 0 : index
    %get3A_1144 = arith.constant 2944 : index
    %get3A_1145 = vector.load %arg1[%get3A_1143, %get3A_1144] : memref<3x4096xf32, #tpu.memory_space<vmem>>, vector<1x128xf32>
    %get3A_1146 = arith.constant 1 : index
    %get3A_1147 = arith.constant 2944 : index
    %get3A_1148 = vector.load %arg1[%get3A_1146, %get3A_1147] : memref<3x4096xf32, #tpu.memory_space<vmem>>, vector<1x128xf32>
    %get3A_1149 = arith.constant 2 : index
    %get3A_1150 = arith.constant 2944 : index
    %get3A_1151 = vector.load %arg1[%get3A_1149, %get3A_1150] : memref<3x4096xf32, #tpu.memory_space<vmem>>, vector<1x128xf32>
    %mul3A_1152 = arith.mulf %get3A_1145, %get3A_1145 : vector<1x128xf32>
    %mul3A_1153 = arith.mulf %get3A_1148, %get3A_1148 : vector<1x128xf32>
    %add3A_1154 = arith.addf %mul3A_1152, %mul3A_1153 : vector<1x128xf32>
    %mul3A_1155 = arith.mulf %get3A_1151, %get3A_1151 : vector<1x128xf32>
    %add3A_1156 = arith.addf %add3A_1154, %mul3A_1155 : vector<1x128xf32>
    %convert_element_type3A_1157 = arith.truncf %get3A_1145 : vector<1x128xf32> to vector<1x128xbf16>
    %convert_element_type3A_1158 = arith.extf %convert_element_type3A_1157 : vector<1x128xbf16> to vector<1x128xf32>
    %mul3A_1159 = vector.broadcast %convert_element_type3A_14 : vector<512x1xf32> to vector<512x128xf32>
    %mul3A_1160 = vector.broadcast %convert_element_type3A_1158 : vector<1x128xf32> to vector<512x128xf32>
    %mul3A_1161 = arith.mulf %mul3A_1159, %mul3A_1160 : vector<512x128xf32>
    %convert_element_type3A_1162 = arith.truncf %get3A_1148 : vector<1x128xf32> to vector<1x128xbf16>
    %convert_element_type3A_1163 = arith.extf %convert_element_type3A_1162 : vector<1x128xbf16> to vector<1x128xf32>
    %mul3A_1164 = vector.broadcast %convert_element_type3A_16 : vector<512x1xf32> to vector<512x128xf32>
    %mul3A_1165 = vector.broadcast %convert_element_type3A_1163 : vector<1x128xf32> to vector<512x128xf32>
    %mul3A_1166 = arith.mulf %mul3A_1164, %mul3A_1165 : vector<512x128xf32>
    %add3A_1167 = arith.addf %mul3A_1161, %mul3A_1166 : vector<512x128xf32>
    %convert_element_type3A_1168 = arith.truncf %get3A_1151 : vector<1x128xf32> to vector<1x128xbf16>
    %convert_element_type3A_1169 = arith.extf %convert_element_type3A_1168 : vector<1x128xbf16> to vector<1x128xf32>
    %mul3A_1170 = vector.broadcast %convert_element_type3A_18 : vector<512x1xf32> to vector<512x128xf32>
    %mul3A_1171 = vector.broadcast %convert_element_type3A_1169 : vector<1x128xf32> to vector<512x128xf32>
    %mul3A_1172 = arith.mulf %mul3A_1170, %mul3A_1171 : vector<512x128xf32>
    %add3A_1173 = arith.addf %add3A_1167, %mul3A_1172 : vector<512x128xf32>
    %add3A_1174 = vector.broadcast %add3A_12 : vector<512x1xf32> to vector<512x128xf32>
    %add3A_1175 = vector.broadcast %add3A_1156 : vector<1x128xf32> to vector<512x128xf32>
    %add3A_1176 = arith.addf %add3A_1174, %add3A_1175 : vector<512x128xf32>
    %mul3A_1177 = arith.constant 2.000000e+00 : f32
    %mul3A_1178 = vector.broadcast %mul3A_1177 : f32 to vector<512x128xf32>
    %mul3A_1179 = arith.mulf %mul3A_1178, %add3A_1173 : vector<512x128xf32>
    %sub3A_1180 = arith.subf %add3A_1176, %mul3A_1179 : vector<512x128xf32>
    %max3A_1181 = arith.constant 0.000000e+00 : f32
    %max3A_1182 = vector.broadcast %max3A_1181 : f32 to vector<512x128xf32>
    %max3A_1183 = arith.maximumf %sub3A_1180, %max3A_1182 : vector<512x128xf32>
    %swap3A_1184 = arith.constant 0 : index
    %swap3A_1185 = arith.constant 2944 : index
    %swap3A_1186 = vector.load %arg8[%swap3A_1184, %swap3A_1185] : memref<512x4096xf32, #tpu.memory_space<vmem>>, vector<512x128xf32>
    tpu.vector_store %arg8[%swap3A_1184, %swap3A_1185], %max3A_1183 {strides = array<i32>} : memref<512x4096xf32, #tpu.memory_space<vmem>>, vector<512x128xf32>,
    %lt3A_1187 = arith.cmpf olt, %max3A_1183, %select_n3A_1139 : vector<512x128xf32>
    %select_n3A_1188 = arith.select %lt3A_1187, %max3A_1183, %select_n3A_1139 : vector<512x128xi1>, vector<512x128xf32>
    %jit3A_1189 = arith.constant 23 : i32
    %broadcast_in_dim3A_1190 = vector.broadcast %jit3A_1189 : i32 to vector<512x128xi32>
    %select_n3A_1191 = arith.select %lt3A_1187, %broadcast_in_dim3A_1190, %select_n3A_1142 : vector<512x128xi1>, vector<512x128xi32>
    %get3A_1192 = arith.constant 0 : index
    %get3A_1193 = arith.constant 3072 : index
    %get3A_1194 = vector.load %arg1[%get3A_1192, %get3A_1193] : memref<3x4096xf32, #tpu.memory_space<vmem>>, vector<1x128xf32>
    %get3A_1195 = arith.constant 1 : index
    %get3A_1196 = arith.constant 3072 : index
    %get3A_1197 = vector.load %arg1[%get3A_1195, %get3A_1196] : memref<3x4096xf32, #tpu.memory_space<vmem>>, vector<1x128xf32>
    %get3A_1198 = arith.constant 2 : index
    %get3A_1199 = arith.constant 3072 : index
    %get3A_1200 = vector.load %arg1[%get3A_1198, %get3A_1199] : memref<3x4096xf32, #tpu.memory_space<vmem>>, vector<1x128xf32>
    %mul3A_1201 = arith.mulf %get3A_1194, %get3A_1194 : vector<1x128xf32>
    %mul3A_1202 = arith.mulf %get3A_1197, %get3A_1197 : vector<1x128xf32>
    %add3A_1203 = arith.addf %mul3A_1201, %mul3A_1202 : vector<1x128xf32>
    %mul3A_1204 = arith.mulf %get3A_1200, %get3A_1200 : vector<1x128xf32>
    %add3A_1205 = arith.addf %add3A_1203, %mul3A_1204 : vector<1x128xf32>
    %convert_element_type3A_1206 = arith.truncf %get3A_1194 : vector<1x128xf32> to vector<1x128xbf16>
    %convert_element_type3A_1207 = arith.extf %convert_element_type3A_1206 : vector<1x128xbf16> to vector<1x128xf32>
    %mul3A_1208 = vector.broadcast %convert_element_type3A_14 : vector<512x1xf32> to vector<512x128xf32>
    %mul3A_1209 = vector.broadcast %convert_element_type3A_1207 : vector<1x128xf32> to vector<512x128xf32>
    %mul3A_1210 = arith.mulf %mul3A_1208, %mul3A_1209 : vector<512x128xf32>
    %convert_element_type3A_1211 = arith.truncf %get3A_1197 : vector<1x128xf32> to vector<1x128xbf16>
    %convert_element_type3A_1212 = arith.extf %convert_element_type3A_1211 : vector<1x128xbf16> to vector<1x128xf32>
    %mul3A_1213 = vector.broadcast %convert_element_type3A_16 : vector<512x1xf32> to vector<512x128xf32>
    %mul3A_1214 = vector.broadcast %convert_element_type3A_1212 : vector<1x128xf32> to vector<512x128xf32>
    %mul3A_1215 = arith.mulf %mul3A_1213, %mul3A_1214 : vector<512x128xf32>
    %add3A_1216 = arith.addf %mul3A_1210, %mul3A_1215 : vector<512x128xf32>
    %convert_element_type3A_1217 = arith.truncf %get3A_1200 : vector<1x128xf32> to vector<1x128xbf16>
    %convert_element_type3A_1218 = arith.extf %convert_element_type3A_1217 : vector<1x128xbf16> to vector<1x128xf32>
    %mul3A_1219 = vector.broadcast %convert_element_type3A_18 : vector<512x1xf32> to vector<512x128xf32>
    %mul3A_1220 = vector.broadcast %convert_element_type3A_1218 : vector<1x128xf32> to vector<512x128xf32>
    %mul3A_1221 = arith.mulf %mul3A_1219, %mul3A_1220 : vector<512x128xf32>
    %add3A_1222 = arith.addf %add3A_1216, %mul3A_1221 : vector<512x128xf32>
    %add3A_1223 = vector.broadcast %add3A_12 : vector<512x1xf32> to vector<512x128xf32>
    %add3A_1224 = vector.broadcast %add3A_1205 : vector<1x128xf32> to vector<512x128xf32>
    %add3A_1225 = arith.addf %add3A_1223, %add3A_1224 : vector<512x128xf32>
    %mul3A_1226 = arith.constant 2.000000e+00 : f32
    %mul3A_1227 = vector.broadcast %mul3A_1226 : f32 to vector<512x128xf32>
    %mul3A_1228 = arith.mulf %mul3A_1227, %add3A_1222 : vector<512x128xf32>
    %sub3A_1229 = arith.subf %add3A_1225, %mul3A_1228 : vector<512x128xf32>
    %max3A_1230 = arith.constant 0.000000e+00 : f32
    %max3A_1231 = vector.broadcast %max3A_1230 : f32 to vector<512x128xf32>
    %max3A_1232 = arith.maximumf %sub3A_1229, %max3A_1231 : vector<512x128xf32>
    %swap3A_1233 = arith.constant 0 : index
    %swap3A_1234 = arith.constant 3072 : index
    %swap3A_1235 = vector.load %arg8[%swap3A_1233, %swap3A_1234] : memref<512x4096xf32, #tpu.memory_space<vmem>>, vector<512x128xf32>
    tpu.vector_store %arg8[%swap3A_1233, %swap3A_1234], %max3A_1232 {strides = array<i32>} : memref<512x4096xf32, #tpu.memory_space<vmem>>, vector<512x128xf32>,
    %lt3A_1236 = arith.cmpf olt, %max3A_1232, %select_n3A_1188 : vector<512x128xf32>
    %select_n3A_1237 = arith.select %lt3A_1236, %max3A_1232, %select_n3A_1188 : vector<512x128xi1>, vector<512x128xf32>
    %jit3A_1238 = arith.constant 24 : i32
    %broadcast_in_dim3A_1239 = vector.broadcast %jit3A_1238 : i32 to vector<512x128xi32>
    %select_n3A_1240 = arith.select %lt3A_1236, %broadcast_in_dim3A_1239, %select_n3A_1191 : vector<512x128xi1>, vector<512x128xi32>
    %get3A_1241 = arith.constant 0 : index
    %get3A_1242 = arith.constant 3200 : index
    %get3A_1243 = vector.load %arg1[%get3A_1241, %get3A_1242] : memref<3x4096xf32, #tpu.memory_space<vmem>>, vector<1x128xf32>
    %get3A_1244 = arith.constant 1 : index
    %get3A_1245 = arith.constant 3200 : index
    %get3A_1246 = vector.load %arg1[%get3A_1244, %get3A_1245] : memref<3x4096xf32, #tpu.memory_space<vmem>>, vector<1x128xf32>
    %get3A_1247 = arith.constant 2 : index
    %get3A_1248 = arith.constant 3200 : index
    %get3A_1249 = vector.load %arg1[%get3A_1247, %get3A_1248] : memref<3x4096xf32, #tpu.memory_space<vmem>>, vector<1x128xf32>
    %mul3A_1250 = arith.mulf %get3A_1243, %get3A_1243 : vector<1x128xf32>
    %mul3A_1251 = arith.mulf %get3A_1246, %get3A_1246 : vector<1x128xf32>
    %add3A_1252 = arith.addf %mul3A_1250, %mul3A_1251 : vector<1x128xf32>
    %mul3A_1253 = arith.mulf %get3A_1249, %get3A_1249 : vector<1x128xf32>
    %add3A_1254 = arith.addf %add3A_1252, %mul3A_1253 : vector<1x128xf32>
    %convert_element_type3A_1255 = arith.truncf %get3A_1243 : vector<1x128xf32> to vector<1x128xbf16>
    %convert_element_type3A_1256 = arith.extf %convert_element_type3A_1255 : vector<1x128xbf16> to vector<1x128xf32>
    %mul3A_1257 = vector.broadcast %convert_element_type3A_14 : vector<512x1xf32> to vector<512x128xf32>
    %mul3A_1258 = vector.broadcast %convert_element_type3A_1256 : vector<1x128xf32> to vector<512x128xf32>
    %mul3A_1259 = arith.mulf %mul3A_1257, %mul3A_1258 : vector<512x128xf32>
    %convert_element_type3A_1260 = arith.truncf %get3A_1246 : vector<1x128xf32> to vector<1x128xbf16>
    %convert_element_type3A_1261 = arith.extf %convert_element_type3A_1260 : vector<1x128xbf16> to vector<1x128xf32>
    %mul3A_1262 = vector.broadcast %convert_element_type3A_16 : vector<512x1xf32> to vector<512x128xf32>
    %mul3A_1263 = vector.broadcast %convert_element_type3A_1261 : vector<1x128xf32> to vector<512x128xf32>
    %mul3A_1264 = arith.mulf %mul3A_1262, %mul3A_1263 : vector<512x128xf32>
    %add3A_1265 = arith.addf %mul3A_1259, %mul3A_1264 : vector<512x128xf32>
    %convert_element_type3A_1266 = arith.truncf %get3A_1249 : vector<1x128xf32> to vector<1x128xbf16>
    %convert_element_type3A_1267 = arith.extf %convert_element_type3A_1266 : vector<1x128xbf16> to vector<1x128xf32>
    %mul3A_1268 = vector.broadcast %convert_element_type3A_18 : vector<512x1xf32> to vector<512x128xf32>
    %mul3A_1269 = vector.broadcast %convert_element_type3A_1267 : vector<1x128xf32> to vector<512x128xf32>
    %mul3A_1270 = arith.mulf %mul3A_1268, %mul3A_1269 : vector<512x128xf32>
    %add3A_1271 = arith.addf %add3A_1265, %mul3A_1270 : vector<512x128xf32>
    %add3A_1272 = vector.broadcast %add3A_12 : vector<512x1xf32> to vector<512x128xf32>
    %add3A_1273 = vector.broadcast %add3A_1254 : vector<1x128xf32> to vector<512x128xf32>
    %add3A_1274 = arith.addf %add3A_1272, %add3A_1273 : vector<512x128xf32>
    %mul3A_1275 = arith.constant 2.000000e+00 : f32
    %mul3A_1276 = vector.broadcast %mul3A_1275 : f32 to vector<512x128xf32>
    %mul3A_1277 = arith.mulf %mul3A_1276, %add3A_1271 : vector<512x128xf32>
    %sub3A_1278 = arith.subf %add3A_1274, %mul3A_1277 : vector<512x128xf32>
    %max3A_1279 = arith.constant 0.000000e+00 : f32
    %max3A_1280 = vector.broadcast %max3A_1279 : f32 to vector<512x128xf32>
    %max3A_1281 = arith.maximumf %sub3A_1278, %max3A_1280 : vector<512x128xf32>
    %swap3A_1282 = arith.constant 0 : index
    %swap3A_1283 = arith.constant 3200 : index
    %swap3A_1284 = vector.load %arg8[%swap3A_1282, %swap3A_1283] : memref<512x4096xf32, #tpu.memory_space<vmem>>, vector<512x128xf32>
    tpu.vector_store %arg8[%swap3A_1282, %swap3A_1283], %max3A_1281 {strides = array<i32>} : memref<512x4096xf32, #tpu.memory_space<vmem>>, vector<512x128xf32>,
    %lt3A_1285 = arith.cmpf olt, %max3A_1281, %select_n3A_1237 : vector<512x128xf32>
    %select_n3A_1286 = arith.select %lt3A_1285, %max3A_1281, %select_n3A_1237 : vector<512x128xi1>, vector<512x128xf32>
    %jit3A_1287 = arith.constant 25 : i32
    %broadcast_in_dim3A_1288 = vector.broadcast %jit3A_1287 : i32 to vector<512x128xi32>
    %select_n3A_1289 = arith.select %lt3A_1285, %broadcast_in_dim3A_1288, %select_n3A_1240 : vector<512x128xi1>, vector<512x128xi32>
    %get3A_1290 = arith.constant 0 : index
    %get3A_1291 = arith.constant 3328 : index
    %get3A_1292 = vector.load %arg1[%get3A_1290, %get3A_1291] : memref<3x4096xf32, #tpu.memory_space<vmem>>, vector<1x128xf32>
    %get3A_1293 = arith.constant 1 : index
    %get3A_1294 = arith.constant 3328 : index
    %get3A_1295 = vector.load %arg1[%get3A_1293, %get3A_1294] : memref<3x4096xf32, #tpu.memory_space<vmem>>, vector<1x128xf32>
    %get3A_1296 = arith.constant 2 : index
    %get3A_1297 = arith.constant 3328 : index
    %get3A_1298 = vector.load %arg1[%get3A_1296, %get3A_1297] : memref<3x4096xf32, #tpu.memory_space<vmem>>, vector<1x128xf32>
    %mul3A_1299 = arith.mulf %get3A_1292, %get3A_1292 : vector<1x128xf32>
    %mul3A_1300 = arith.mulf %get3A_1295, %get3A_1295 : vector<1x128xf32>
    %add3A_1301 = arith.addf %mul3A_1299, %mul3A_1300 : vector<1x128xf32>
    %mul3A_1302 = arith.mulf %get3A_1298, %get3A_1298 : vector<1x128xf32>
    %add3A_1303 = arith.addf %add3A_1301, %mul3A_1302 : vector<1x128xf32>
    %convert_element_type3A_1304 = arith.truncf %get3A_1292 : vector<1x128xf32> to vector<1x128xbf16>
    %convert_element_type3A_1305 = arith.extf %convert_element_type3A_1304 : vector<1x128xbf16> to vector<1x128xf32>
    %mul3A_1306 = vector.broadcast %convert_element_type3A_14 : vector<512x1xf32> to vector<512x128xf32>
    %mul3A_1307 = vector.broadcast %convert_element_type3A_1305 : vector<1x128xf32> to vector<512x128xf32>
    %mul3A_1308 = arith.mulf %mul3A_1306, %mul3A_1307 : vector<512x128xf32>
    %convert_element_type3A_1309 = arith.truncf %get3A_1295 : vector<1x128xf32> to vector<1x128xbf16>
    %convert_element_type3A_1310 = arith.extf %convert_element_type3A_1309 : vector<1x128xbf16> to vector<1x128xf32>
    %mul3A_1311 = vector.broadcast %convert_element_type3A_16 : vector<512x1xf32> to vector<512x128xf32>
    %mul3A_1312 = vector.broadcast %convert_element_type3A_1310 : vector<1x128xf32> to vector<512x128xf32>
    %mul3A_1313 = arith.mulf %mul3A_1311, %mul3A_1312 : vector<512x128xf32>
    %add3A_1314 = arith.addf %mul3A_1308, %mul3A_1313 : vector<512x128xf32>
    %convert_element_type3A_1315 = arith.truncf %get3A_1298 : vector<1x128xf32> to vector<1x128xbf16>
    %convert_element_type3A_1316 = arith.extf %convert_element_type3A_1315 : vector<1x128xbf16> to vector<1x128xf32>
    %mul3A_1317 = vector.broadcast %convert_element_type3A_18 : vector<512x1xf32> to vector<512x128xf32>
    %mul3A_1318 = vector.broadcast %convert_element_type3A_1316 : vector<1x128xf32> to vector<512x128xf32>
    %mul3A_1319 = arith.mulf %mul3A_1317, %mul3A_1318 : vector<512x128xf32>
    %add3A_1320 = arith.addf %add3A_1314, %mul3A_1319 : vector<512x128xf32>
    %add3A_1321 = vector.broadcast %add3A_12 : vector<512x1xf32> to vector<512x128xf32>
    %add3A_1322 = vector.broadcast %add3A_1303 : vector<1x128xf32> to vector<512x128xf32>
    %add3A_1323 = arith.addf %add3A_1321, %add3A_1322 : vector<512x128xf32>
    %mul3A_1324 = arith.constant 2.000000e+00 : f32
    %mul3A_1325 = vector.broadcast %mul3A_1324 : f32 to vector<512x128xf32>
    %mul3A_1326 = arith.mulf %mul3A_1325, %add3A_1320 : vector<512x128xf32>
    %sub3A_1327 = arith.subf %add3A_1323, %mul3A_1326 : vector<512x128xf32>
    %max3A_1328 = arith.constant 0.000000e+00 : f32
    %max3A_1329 = vector.broadcast %max3A_1328 : f32 to vector<512x128xf32>
    %max3A_1330 = arith.maximumf %sub3A_1327, %max3A_1329 : vector<512x128xf32>
    %swap3A_1331 = arith.constant 0 : index
    %swap3A_1332 = arith.constant 3328 : index
    %swap3A_1333 = vector.load %arg8[%swap3A_1331, %swap3A_1332] : memref<512x4096xf32, #tpu.memory_space<vmem>>, vector<512x128xf32>
    tpu.vector_store %arg8[%swap3A_1331, %swap3A_1332], %max3A_1330 {strides = array<i32>} : memref<512x4096xf32, #tpu.memory_space<vmem>>, vector<512x128xf32>,
    %lt3A_1334 = arith.cmpf olt, %max3A_1330, %select_n3A_1286 : vector<512x128xf32>
    %select_n3A_1335 = arith.select %lt3A_1334, %max3A_1330, %select_n3A_1286 : vector<512x128xi1>, vector<512x128xf32>
    %jit3A_1336 = arith.constant 26 : i32
    %broadcast_in_dim3A_1337 = vector.broadcast %jit3A_1336 : i32 to vector<512x128xi32>
    %select_n3A_1338 = arith.select %lt3A_1334, %broadcast_in_dim3A_1337, %select_n3A_1289 : vector<512x128xi1>, vector<512x128xi32>
    %get3A_1339 = arith.constant 0 : index
    %get3A_1340 = arith.constant 3456 : index
    %get3A_1341 = vector.load %arg1[%get3A_1339, %get3A_1340] : memref<3x4096xf32, #tpu.memory_space<vmem>>, vector<1x128xf32>
    %get3A_1342 = arith.constant 1 : index
    %get3A_1343 = arith.constant 3456 : index
    %get3A_1344 = vector.load %arg1[%get3A_1342, %get3A_1343] : memref<3x4096xf32, #tpu.memory_space<vmem>>, vector<1x128xf32>
    %get3A_1345 = arith.constant 2 : index
    %get3A_1346 = arith.constant 3456 : index
    %get3A_1347 = vector.load %arg1[%get3A_1345, %get3A_1346] : memref<3x4096xf32, #tpu.memory_space<vmem>>, vector<1x128xf32>
    %mul3A_1348 = arith.mulf %get3A_1341, %get3A_1341 : vector<1x128xf32>
    %mul3A_1349 = arith.mulf %get3A_1344, %get3A_1344 : vector<1x128xf32>
    %add3A_1350 = arith.addf %mul3A_1348, %mul3A_1349 : vector<1x128xf32>
    %mul3A_1351 = arith.mulf %get3A_1347, %get3A_1347 : vector<1x128xf32>
    %add3A_1352 = arith.addf %add3A_1350, %mul3A_1351 : vector<1x128xf32>
    %convert_element_type3A_1353 = arith.truncf %get3A_1341 : vector<1x128xf32> to vector<1x128xbf16>
    %convert_element_type3A_1354 = arith.extf %convert_element_type3A_1353 : vector<1x128xbf16> to vector<1x128xf32>
    %mul3A_1355 = vector.broadcast %convert_element_type3A_14 : vector<512x1xf32> to vector<512x128xf32>
    %mul3A_1356 = vector.broadcast %convert_element_type3A_1354 : vector<1x128xf32> to vector<512x128xf32>
    %mul3A_1357 = arith.mulf %mul3A_1355, %mul3A_1356 : vector<512x128xf32>
    %convert_element_type3A_1358 = arith.truncf %get3A_1344 : vector<1x128xf32> to vector<1x128xbf16>
    %convert_element_type3A_1359 = arith.extf %convert_element_type3A_1358 : vector<1x128xbf16> to vector<1x128xf32>
    %mul3A_1360 = vector.broadcast %convert_element_type3A_16 : vector<512x1xf32> to vector<512x128xf32>
    %mul3A_1361 = vector.broadcast %convert_element_type3A_1359 : vector<1x128xf32> to vector<512x128xf32>
    %mul3A_1362 = arith.mulf %mul3A_1360, %mul3A_1361 : vector<512x128xf32>
    %add3A_1363 = arith.addf %mul3A_1357, %mul3A_1362 : vector<512x128xf32>
    %convert_element_type3A_1364 = arith.truncf %get3A_1347 : vector<1x128xf32> to vector<1x128xbf16>
    %convert_element_type3A_1365 = arith.extf %convert_element_type3A_1364 : vector<1x128xbf16> to vector<1x128xf32>
    %mul3A_1366 = vector.broadcast %convert_element_type3A_18 : vector<512x1xf32> to vector<512x128xf32>
    %mul3A_1367 = vector.broadcast %convert_element_type3A_1365 : vector<1x128xf32> to vector<512x128xf32>
    %mul3A_1368 = arith.mulf %mul3A_1366, %mul3A_1367 : vector<512x128xf32>
    %add3A_1369 = arith.addf %add3A_1363, %mul3A_1368 : vector<512x128xf32>
    %add3A_1370 = vector.broadcast %add3A_12 : vector<512x1xf32> to vector<512x128xf32>
    %add3A_1371 = vector.broadcast %add3A_1352 : vector<1x128xf32> to vector<512x128xf32>
    %add3A_1372 = arith.addf %add3A_1370, %add3A_1371 : vector<512x128xf32>
    %mul3A_1373 = arith.constant 2.000000e+00 : f32
    %mul3A_1374 = vector.broadcast %mul3A_1373 : f32 to vector<512x128xf32>
    %mul3A_1375 = arith.mulf %mul3A_1374, %add3A_1369 : vector<512x128xf32>
    %sub3A_1376 = arith.subf %add3A_1372, %mul3A_1375 : vector<512x128xf32>
    %max3A_1377 = arith.constant 0.000000e+00 : f32
    %max3A_1378 = vector.broadcast %max3A_1377 : f32 to vector<512x128xf32>
    %max3A_1379 = arith.maximumf %sub3A_1376, %max3A_1378 : vector<512x128xf32>
    %swap3A_1380 = arith.constant 0 : index
    %swap3A_1381 = arith.constant 3456 : index
    %swap3A_1382 = vector.load %arg8[%swap3A_1380, %swap3A_1381] : memref<512x4096xf32, #tpu.memory_space<vmem>>, vector<512x128xf32>
    tpu.vector_store %arg8[%swap3A_1380, %swap3A_1381], %max3A_1379 {strides = array<i32>} : memref<512x4096xf32, #tpu.memory_space<vmem>>, vector<512x128xf32>,
    %lt3A_1383 = arith.cmpf olt, %max3A_1379, %select_n3A_1335 : vector<512x128xf32>
    %select_n3A_1384 = arith.select %lt3A_1383, %max3A_1379, %select_n3A_1335 : vector<512x128xi1>, vector<512x128xf32>
    %jit3A_1385 = arith.constant 27 : i32
    %broadcast_in_dim3A_1386 = vector.broadcast %jit3A_1385 : i32 to vector<512x128xi32>
    %select_n3A_1387 = arith.select %lt3A_1383, %broadcast_in_dim3A_1386, %select_n3A_1338 : vector<512x128xi1>, vector<512x128xi32>
    %get3A_1388 = arith.constant 0 : index
    %get3A_1389 = arith.constant 3584 : index
    %get3A_1390 = vector.load %arg1[%get3A_1388, %get3A_1389] : memref<3x4096xf32, #tpu.memory_space<vmem>>, vector<1x128xf32>
    %get3A_1391 = arith.constant 1 : index
    %get3A_1392 = arith.constant 3584 : index
    %get3A_1393 = vector.load %arg1[%get3A_1391, %get3A_1392] : memref<3x4096xf32, #tpu.memory_space<vmem>>, vector<1x128xf32>
    %get3A_1394 = arith.constant 2 : index
    %get3A_1395 = arith.constant 3584 : index
    %get3A_1396 = vector.load %arg1[%get3A_1394, %get3A_1395] : memref<3x4096xf32, #tpu.memory_space<vmem>>, vector<1x128xf32>
    %mul3A_1397 = arith.mulf %get3A_1390, %get3A_1390 : vector<1x128xf32>
    %mul3A_1398 = arith.mulf %get3A_1393, %get3A_1393 : vector<1x128xf32>
    %add3A_1399 = arith.addf %mul3A_1397, %mul3A_1398 : vector<1x128xf32>
    %mul3A_1400 = arith.mulf %get3A_1396, %get3A_1396 : vector<1x128xf32>
    %add3A_1401 = arith.addf %add3A_1399, %mul3A_1400 : vector<1x128xf32>
    %convert_element_type3A_1402 = arith.truncf %get3A_1390 : vector<1x128xf32> to vector<1x128xbf16>
    %convert_element_type3A_1403 = arith.extf %convert_element_type3A_1402 : vector<1x128xbf16> to vector<1x128xf32>
    %mul3A_1404 = vector.broadcast %convert_element_type3A_14 : vector<512x1xf32> to vector<512x128xf32>
    %mul3A_1405 = vector.broadcast %convert_element_type3A_1403 : vector<1x128xf32> to vector<512x128xf32>
    %mul3A_1406 = arith.mulf %mul3A_1404, %mul3A_1405 : vector<512x128xf32>
    %convert_element_type3A_1407 = arith.truncf %get3A_1393 : vector<1x128xf32> to vector<1x128xbf16>
    %convert_element_type3A_1408 = arith.extf %convert_element_type3A_1407 : vector<1x128xbf16> to vector<1x128xf32>
    %mul3A_1409 = vector.broadcast %convert_element_type3A_16 : vector<512x1xf32> to vector<512x128xf32>
    %mul3A_1410 = vector.broadcast %convert_element_type3A_1408 : vector<1x128xf32> to vector<512x128xf32>
    %mul3A_1411 = arith.mulf %mul3A_1409, %mul3A_1410 : vector<512x128xf32>
    %add3A_1412 = arith.addf %mul3A_1406, %mul3A_1411 : vector<512x128xf32>
    %convert_element_type3A_1413 = arith.truncf %get3A_1396 : vector<1x128xf32> to vector<1x128xbf16>
    %convert_element_type3A_1414 = arith.extf %convert_element_type3A_1413 : vector<1x128xbf16> to vector<1x128xf32>
    %mul3A_1415 = vector.broadcast %convert_element_type3A_18 : vector<512x1xf32> to vector<512x128xf32>
    %mul3A_1416 = vector.broadcast %convert_element_type3A_1414 : vector<1x128xf32> to vector<512x128xf32>
    %mul3A_1417 = arith.mulf %mul3A_1415, %mul3A_1416 : vector<512x128xf32>
    %add3A_1418 = arith.addf %add3A_1412, %mul3A_1417 : vector<512x128xf32>
    %add3A_1419 = vector.broadcast %add3A_12 : vector<512x1xf32> to vector<512x128xf32>
    %add3A_1420 = vector.broadcast %add3A_1401 : vector<1x128xf32> to vector<512x128xf32>
    %add3A_1421 = arith.addf %add3A_1419, %add3A_1420 : vector<512x128xf32>
    %mul3A_1422 = arith.constant 2.000000e+00 : f32
    %mul3A_1423 = vector.broadcast %mul3A_1422 : f32 to vector<512x128xf32>
    %mul3A_1424 = arith.mulf %mul3A_1423, %add3A_1418 : vector<512x128xf32>
    %sub3A_1425 = arith.subf %add3A_1421, %mul3A_1424 : vector<512x128xf32>
    %max3A_1426 = arith.constant 0.000000e+00 : f32
    %max3A_1427 = vector.broadcast %max3A_1426 : f32 to vector<512x128xf32>
    %max3A_1428 = arith.maximumf %sub3A_1425, %max3A_1427 : vector<512x128xf32>
    %swap3A_1429 = arith.constant 0 : index
    %swap3A_1430 = arith.constant 3584 : index
    %swap3A_1431 = vector.load %arg8[%swap3A_1429, %swap3A_1430] : memref<512x4096xf32, #tpu.memory_space<vmem>>, vector<512x128xf32>
    tpu.vector_store %arg8[%swap3A_1429, %swap3A_1430], %max3A_1428 {strides = array<i32>} : memref<512x4096xf32, #tpu.memory_space<vmem>>, vector<512x128xf32>,
    %lt3A_1432 = arith.cmpf olt, %max3A_1428, %select_n3A_1384 : vector<512x128xf32>
    %select_n3A_1433 = arith.select %lt3A_1432, %max3A_1428, %select_n3A_1384 : vector<512x128xi1>, vector<512x128xf32>
    %jit3A_1434 = arith.constant 28 : i32
    %broadcast_in_dim3A_1435 = vector.broadcast %jit3A_1434 : i32 to vector<512x128xi32>
    %select_n3A_1436 = arith.select %lt3A_1432, %broadcast_in_dim3A_1435, %select_n3A_1387 : vector<512x128xi1>, vector<512x128xi32>
    %get3A_1437 = arith.constant 0 : index
    %get3A_1438 = arith.constant 3712 : index
    %get3A_1439 = vector.load %arg1[%get3A_1437, %get3A_1438] : memref<3x4096xf32, #tpu.memory_space<vmem>>, vector<1x128xf32>
    %get3A_1440 = arith.constant 1 : index
    %get3A_1441 = arith.constant 3712 : index
    %get3A_1442 = vector.load %arg1[%get3A_1440, %get3A_1441] : memref<3x4096xf32, #tpu.memory_space<vmem>>, vector<1x128xf32>
    %get3A_1443 = arith.constant 2 : index
    %get3A_1444 = arith.constant 3712 : index
    %get3A_1445 = vector.load %arg1[%get3A_1443, %get3A_1444] : memref<3x4096xf32, #tpu.memory_space<vmem>>, vector<1x128xf32>
    %mul3A_1446 = arith.mulf %get3A_1439, %get3A_1439 : vector<1x128xf32>
    %mul3A_1447 = arith.mulf %get3A_1442, %get3A_1442 : vector<1x128xf32>
    %add3A_1448 = arith.addf %mul3A_1446, %mul3A_1447 : vector<1x128xf32>
    %mul3A_1449 = arith.mulf %get3A_1445, %get3A_1445 : vector<1x128xf32>
    %add3A_1450 = arith.addf %add3A_1448, %mul3A_1449 : vector<1x128xf32>
    %convert_element_type3A_1451 = arith.truncf %get3A_1439 : vector<1x128xf32> to vector<1x128xbf16>
    %convert_element_type3A_1452 = arith.extf %convert_element_type3A_1451 : vector<1x128xbf16> to vector<1x128xf32>
    %mul3A_1453 = vector.broadcast %convert_element_type3A_14 : vector<512x1xf32> to vector<512x128xf32>
    %mul3A_1454 = vector.broadcast %convert_element_type3A_1452 : vector<1x128xf32> to vector<512x128xf32>
    %mul3A_1455 = arith.mulf %mul3A_1453, %mul3A_1454 : vector<512x128xf32>
    %convert_element_type3A_1456 = arith.truncf %get3A_1442 : vector<1x128xf32> to vector<1x128xbf16>
    %convert_element_type3A_1457 = arith.extf %convert_element_type3A_1456 : vector<1x128xbf16> to vector<1x128xf32>
    %mul3A_1458 = vector.broadcast %convert_element_type3A_16 : vector<512x1xf32> to vector<512x128xf32>
    %mul3A_1459 = vector.broadcast %convert_element_type3A_1457 : vector<1x128xf32> to vector<512x128xf32>
    %mul3A_1460 = arith.mulf %mul3A_1458, %mul3A_1459 : vector<512x128xf32>
    %add3A_1461 = arith.addf %mul3A_1455, %mul3A_1460 : vector<512x128xf32>
    %convert_element_type3A_1462 = arith.truncf %get3A_1445 : vector<1x128xf32> to vector<1x128xbf16>
    %convert_element_type3A_1463 = arith.extf %convert_element_type3A_1462 : vector<1x128xbf16> to vector<1x128xf32>
    %mul3A_1464 = vector.broadcast %convert_element_type3A_18 : vector<512x1xf32> to vector<512x128xf32>
    %mul3A_1465 = vector.broadcast %convert_element_type3A_1463 : vector<1x128xf32> to vector<512x128xf32>
    %mul3A_1466 = arith.mulf %mul3A_1464, %mul3A_1465 : vector<512x128xf32>
    %add3A_1467 = arith.addf %add3A_1461, %mul3A_1466 : vector<512x128xf32>
    %add3A_1468 = vector.broadcast %add3A_12 : vector<512x1xf32> to vector<512x128xf32>
    %add3A_1469 = vector.broadcast %add3A_1450 : vector<1x128xf32> to vector<512x128xf32>
    %add3A_1470 = arith.addf %add3A_1468, %add3A_1469 : vector<512x128xf32>
    %mul3A_1471 = arith.constant 2.000000e+00 : f32
    %mul3A_1472 = vector.broadcast %mul3A_1471 : f32 to vector<512x128xf32>
    %mul3A_1473 = arith.mulf %mul3A_1472, %add3A_1467 : vector<512x128xf32>
    %sub3A_1474 = arith.subf %add3A_1470, %mul3A_1473 : vector<512x128xf32>
    %max3A_1475 = arith.constant 0.000000e+00 : f32
    %max3A_1476 = vector.broadcast %max3A_1475 : f32 to vector<512x128xf32>
    %max3A_1477 = arith.maximumf %sub3A_1474, %max3A_1476 : vector<512x128xf32>
    %swap3A_1478 = arith.constant 0 : index
    %swap3A_1479 = arith.constant 3712 : index
    %swap3A_1480 = vector.load %arg8[%swap3A_1478, %swap3A_1479] : memref<512x4096xf32, #tpu.memory_space<vmem>>, vector<512x128xf32>
    tpu.vector_store %arg8[%swap3A_1478, %swap3A_1479], %max3A_1477 {strides = array<i32>} : memref<512x4096xf32, #tpu.memory_space<vmem>>, vector<512x128xf32>,
    %lt3A_1481 = arith.cmpf olt, %max3A_1477, %select_n3A_1433 : vector<512x128xf32>
    %select_n3A_1482 = arith.select %lt3A_1481, %max3A_1477, %select_n3A_1433 : vector<512x128xi1>, vector<512x128xf32>
    %jit3A_1483 = arith.constant 29 : i32
    %broadcast_in_dim3A_1484 = vector.broadcast %jit3A_1483 : i32 to vector<512x128xi32>
    %select_n3A_1485 = arith.select %lt3A_1481, %broadcast_in_dim3A_1484, %select_n3A_1436 : vector<512x128xi1>, vector<512x128xi32>
    %get3A_1486 = arith.constant 0 : index
    %get3A_1487 = arith.constant 3840 : index
    %get3A_1488 = vector.load %arg1[%get3A_1486, %get3A_1487] : memref<3x4096xf32, #tpu.memory_space<vmem>>, vector<1x128xf32>
    %get3A_1489 = arith.constant 1 : index
    %get3A_1490 = arith.constant 3840 : index
    %get3A_1491 = vector.load %arg1[%get3A_1489, %get3A_1490] : memref<3x4096xf32, #tpu.memory_space<vmem>>, vector<1x128xf32>
    %get3A_1492 = arith.constant 2 : index
    %get3A_1493 = arith.constant 3840 : index
    %get3A_1494 = vector.load %arg1[%get3A_1492, %get3A_1493] : memref<3x4096xf32, #tpu.memory_space<vmem>>, vector<1x128xf32>
    %mul3A_1495 = arith.mulf %get3A_1488, %get3A_1488 : vector<1x128xf32>
    %mul3A_1496 = arith.mulf %get3A_1491, %get3A_1491 : vector<1x128xf32>
    %add3A_1497 = arith.addf %mul3A_1495, %mul3A_1496 : vector<1x128xf32>
    %mul3A_1498 = arith.mulf %get3A_1494, %get3A_1494 : vector<1x128xf32>
    %add3A_1499 = arith.addf %add3A_1497, %mul3A_1498 : vector<1x128xf32>
    %convert_element_type3A_1500 = arith.truncf %get3A_1488 : vector<1x128xf32> to vector<1x128xbf16>
    %convert_element_type3A_1501 = arith.extf %convert_element_type3A_1500 : vector<1x128xbf16> to vector<1x128xf32>
    %mul3A_1502 = vector.broadcast %convert_element_type3A_14 : vector<512x1xf32> to vector<512x128xf32>
    %mul3A_1503 = vector.broadcast %convert_element_type3A_1501 : vector<1x128xf32> to vector<512x128xf32>
    %mul3A_1504 = arith.mulf %mul3A_1502, %mul3A_1503 : vector<512x128xf32>
    %convert_element_type3A_1505 = arith.truncf %get3A_1491 : vector<1x128xf32> to vector<1x128xbf16>
    %convert_element_type3A_1506 = arith.extf %convert_element_type3A_1505 : vector<1x128xbf16> to vector<1x128xf32>
    %mul3A_1507 = vector.broadcast %convert_element_type3A_16 : vector<512x1xf32> to vector<512x128xf32>
    %mul3A_1508 = vector.broadcast %convert_element_type3A_1506 : vector<1x128xf32> to vector<512x128xf32>
    %mul3A_1509 = arith.mulf %mul3A_1507, %mul3A_1508 : vector<512x128xf32>
    %add3A_1510 = arith.addf %mul3A_1504, %mul3A_1509 : vector<512x128xf32>
    %convert_element_type3A_1511 = arith.truncf %get3A_1494 : vector<1x128xf32> to vector<1x128xbf16>
    %convert_element_type3A_1512 = arith.extf %convert_element_type3A_1511 : vector<1x128xbf16> to vector<1x128xf32>
    %mul3A_1513 = vector.broadcast %convert_element_type3A_18 : vector<512x1xf32> to vector<512x128xf32>
    %mul3A_1514 = vector.broadcast %convert_element_type3A_1512 : vector<1x128xf32> to vector<512x128xf32>
    %mul3A_1515 = arith.mulf %mul3A_1513, %mul3A_1514 : vector<512x128xf32>
    %add3A_1516 = arith.addf %add3A_1510, %mul3A_1515 : vector<512x128xf32>
    %add3A_1517 = vector.broadcast %add3A_12 : vector<512x1xf32> to vector<512x128xf32>
    %add3A_1518 = vector.broadcast %add3A_1499 : vector<1x128xf32> to vector<512x128xf32>
    %add3A_1519 = arith.addf %add3A_1517, %add3A_1518 : vector<512x128xf32>
    %mul3A_1520 = arith.constant 2.000000e+00 : f32
    %mul3A_1521 = vector.broadcast %mul3A_1520 : f32 to vector<512x128xf32>
    %mul3A_1522 = arith.mulf %mul3A_1521, %add3A_1516 : vector<512x128xf32>
    %sub3A_1523 = arith.subf %add3A_1519, %mul3A_1522 : vector<512x128xf32>
    %max3A_1524 = arith.constant 0.000000e+00 : f32
    %max3A_1525 = vector.broadcast %max3A_1524 : f32 to vector<512x128xf32>
    %max3A_1526 = arith.maximumf %sub3A_1523, %max3A_1525 : vector<512x128xf32>
    %swap3A_1527 = arith.constant 0 : index
    %swap3A_1528 = arith.constant 3840 : index
    %swap3A_1529 = vector.load %arg8[%swap3A_1527, %swap3A_1528] : memref<512x4096xf32, #tpu.memory_space<vmem>>, vector<512x128xf32>
    tpu.vector_store %arg8[%swap3A_1527, %swap3A_1528], %max3A_1526 {strides = array<i32>} : memref<512x4096xf32, #tpu.memory_space<vmem>>, vector<512x128xf32>,
    %lt3A_1530 = arith.cmpf olt, %max3A_1526, %select_n3A_1482 : vector<512x128xf32>
    %select_n3A_1531 = arith.select %lt3A_1530, %max3A_1526, %select_n3A_1482 : vector<512x128xi1>, vector<512x128xf32>
    %jit3A_1532 = arith.constant 30 : i32
    %broadcast_in_dim3A_1533 = vector.broadcast %jit3A_1532 : i32 to vector<512x128xi32>
    %select_n3A_1534 = arith.select %lt3A_1530, %broadcast_in_dim3A_1533, %select_n3A_1485 : vector<512x128xi1>, vector<512x128xi32>
    %get3A_1535 = arith.constant 0 : index
    %get3A_1536 = arith.constant 3968 : index
    %get3A_1537 = vector.load %arg1[%get3A_1535, %get3A_1536] : memref<3x4096xf32, #tpu.memory_space<vmem>>, vector<1x128xf32>
    %get3A_1538 = arith.constant 1 : index
    %get3A_1539 = arith.constant 3968 : index
    %get3A_1540 = vector.load %arg1[%get3A_1538, %get3A_1539] : memref<3x4096xf32, #tpu.memory_space<vmem>>, vector<1x128xf32>
    %get3A_1541 = arith.constant 2 : index
    %get3A_1542 = arith.constant 3968 : index
    %get3A_1543 = vector.load %arg1[%get3A_1541, %get3A_1542] : memref<3x4096xf32, #tpu.memory_space<vmem>>, vector<1x128xf32>
    %mul3A_1544 = arith.mulf %get3A_1537, %get3A_1537 : vector<1x128xf32>
    %mul3A_1545 = arith.mulf %get3A_1540, %get3A_1540 : vector<1x128xf32>
    %add3A_1546 = arith.addf %mul3A_1544, %mul3A_1545 : vector<1x128xf32>
    %mul3A_1547 = arith.mulf %get3A_1543, %get3A_1543 : vector<1x128xf32>
    %add3A_1548 = arith.addf %add3A_1546, %mul3A_1547 : vector<1x128xf32>
    %convert_element_type3A_1549 = arith.truncf %get3A_1537 : vector<1x128xf32> to vector<1x128xbf16>
    %convert_element_type3A_1550 = arith.extf %convert_element_type3A_1549 : vector<1x128xbf16> to vector<1x128xf32>
    %mul3A_1551 = vector.broadcast %convert_element_type3A_14 : vector<512x1xf32> to vector<512x128xf32>
    %mul3A_1552 = vector.broadcast %convert_element_type3A_1550 : vector<1x128xf32> to vector<512x128xf32>
    %mul3A_1553 = arith.mulf %mul3A_1551, %mul3A_1552 : vector<512x128xf32>
    %convert_element_type3A_1554 = arith.truncf %get3A_1540 : vector<1x128xf32> to vector<1x128xbf16>
    %convert_element_type3A_1555 = arith.extf %convert_element_type3A_1554 : vector<1x128xbf16> to vector<1x128xf32>
    %mul3A_1556 = vector.broadcast %convert_element_type3A_16 : vector<512x1xf32> to vector<512x128xf32>
    %mul3A_1557 = vector.broadcast %convert_element_type3A_1555 : vector<1x128xf32> to vector<512x128xf32>
    %mul3A_1558 = arith.mulf %mul3A_1556, %mul3A_1557 : vector<512x128xf32>
    %add3A_1559 = arith.addf %mul3A_1553, %mul3A_1558 : vector<512x128xf32>
    %convert_element_type3A_1560 = arith.truncf %get3A_1543 : vector<1x128xf32> to vector<1x128xbf16>
    %convert_element_type3A_1561 = arith.extf %convert_element_type3A_1560 : vector<1x128xbf16> to vector<1x128xf32>
    %mul3A_1562 = vector.broadcast %convert_element_type3A_18 : vector<512x1xf32> to vector<512x128xf32>
    %mul3A_1563 = vector.broadcast %convert_element_type3A_1561 : vector<1x128xf32> to vector<512x128xf32>
    %mul3A_1564 = arith.mulf %mul3A_1562, %mul3A_1563 : vector<512x128xf32>
    %add3A_1565 = arith.addf %add3A_1559, %mul3A_1564 : vector<512x128xf32>
    %add3A_1566 = vector.broadcast %add3A_12 : vector<512x1xf32> to vector<512x128xf32>
    %add3A_1567 = vector.broadcast %add3A_1548 : vector<1x128xf32> to vector<512x128xf32>
    %add3A_1568 = arith.addf %add3A_1566, %add3A_1567 : vector<512x128xf32>
    %mul3A_1569 = arith.constant 2.000000e+00 : f32
    %mul3A_1570 = vector.broadcast %mul3A_1569 : f32 to vector<512x128xf32>
    %mul3A_1571 = arith.mulf %mul3A_1570, %add3A_1565 : vector<512x128xf32>
    %sub3A_1572 = arith.subf %add3A_1568, %mul3A_1571 : vector<512x128xf32>
    %max3A_1573 = arith.constant 0.000000e+00 : f32
    %max3A_1574 = vector.broadcast %max3A_1573 : f32 to vector<512x128xf32>
    %max3A_1575 = arith.maximumf %sub3A_1572, %max3A_1574 : vector<512x128xf32>
    %swap3A_1576 = arith.constant 0 : index
    %swap3A_1577 = arith.constant 3968 : index
    %swap3A_1578 = vector.load %arg8[%swap3A_1576, %swap3A_1577] : memref<512x4096xf32, #tpu.memory_space<vmem>>, vector<512x128xf32>
    tpu.vector_store %arg8[%swap3A_1576, %swap3A_1577], %max3A_1575 {strides = array<i32>} : memref<512x4096xf32, #tpu.memory_space<vmem>>, vector<512x128xf32>,
    %lt3A_1579 = arith.cmpf olt, %max3A_1575, %select_n3A_1531 : vector<512x128xf32>
    %select_n3A_1580 = arith.select %lt3A_1579, %max3A_1575, %select_n3A_1531 : vector<512x128xi1>, vector<512x128xf32>
    %jit3A_1581 = arith.constant 31 : i32
    %broadcast_in_dim3A_1582 = vector.broadcast %jit3A_1581 : i32 to vector<512x128xi32>
    %select_n3A_1583 = arith.select %lt3A_1579, %broadcast_in_dim3A_1582, %select_n3A_1534 : vector<512x128xi1>, vector<512x128xi32>
    %iota3A = tpu.iota {dimensions = array<i32: 1>} : vector<512x128xi32>
    %mul3A_1584 = arith.constant 4096 : i32
    %mul3A_1585 = arith.muli %arg0, %mul3A_1584 : i32
    %get3A_1586 = arith.constant 0 : index
    %get3A_1587 = arith.constant 127 : index
    %get3A_1588 = vector.load %arg4[%get3A_1586, %get3A_1587] : memref<512x128xf32, #tpu.memory_space<vmem>>, vector<512x1xf32>
    %lt3A_1589 = vector.broadcast %get3A_1588 : vector<512x1xf32> to vector<512x128xf32>
    %lt3A_1590 = arith.cmpf olt, %select_n3A_1580, %lt3A_1589 : vector<512x128xf32>
    %jit3A_1591 = arith.constant 1 : i32
    %jit3A_1592 = arith.constant 0 : i32
    %broadcast_in_dim3A_1593 = vector.broadcast %jit3A_1591 : i32 to vector<512x128xi32>
    %broadcast_in_dim3A_1594 = vector.broadcast %jit3A_1592 : i32 to vector<512x128xi32>
    %select_n3A_1595 = arith.select %lt3A_1590, %broadcast_in_dim3A_1593, %broadcast_in_dim3A_1594 : vector<512x128xi1>, vector<512x128xi32>
    %reduce_max3A = vector.shape_cast %select_n3A_1595 : vector<512x128xi32> to vector<1x512x128xi32>
    %reduce_max3A_1596 = arith.constant dense<-2147483648> : vector<1xi32>
    %reduce_max3A_1597 = vector.multi_reduction <maxsi>, %reduce_max3A, %reduce_max3A_1596 [1, 2] : vector<1x512x128xi32> to vector<1xi32>
    %reduce_max3A_1598 = vector.shape_cast %reduce_max3A_1597 : vector<1xi32> to vector<1x1x1xi32>
    %reduce_max3A_1599 = vector.extract %reduce_max3A_1598[0, 0, 0] : i32 from vector<1x1x1xi32>
    %while3A:3 = scf.while (%while3A_1600 = %reduce_max3A_1599, %while3A_1601 = %select_n3A_1580, %while3A_1602 = %select_n3A_1583) : (i32, vector<512x128xf32>, vector<512x128xi32>) -> (i32, vector<512x128xf32>, vector<512x128xi32>) {
      %ne3A = arith.constant 0 : i32
      %ne3A_1603 = arith.cmpi ne, %while3A_1600, %ne3A : i32
      scf.condition(%ne3A_1603) %while3A_1600, %while3A_1601, %while3A_1602 : i32, vector<512x128xf32>, vector<512x128xi32>
    } do {
    ^bb0(%while3A_1600: i32, %while3A_1601: vector<512x128xf32>, %while3A_1602: vector<512x128xi32>):
      %mul3A_1603 = arith.constant 128 : i32
      %mul3A_1604 = vector.broadcast %mul3A_1603 : i32 to vector<512x128xi32>
      %mul3A_1605 = arith.muli %while3A_1602, %mul3A_1604 : vector<512x128xi32>
      %add3A_1606 = vector.broadcast %mul3A_1585 : i32 to vector<512x128xi32>
      %add3A_1607 = arith.addi %add3A_1606, %mul3A_1605 : vector<512x128xi32>
      %add3A_1608 = arith.addi %add3A_1607, %iota3A : vector<512x128xi32>
      %get3A_1609 = arith.constant 0 : index
      %get3A_1610 = arith.constant 0 : index
      %get3A_1611 = vector.load %arg4[%get3A_1609, %get3A_1610] : memref<512x128xf32, #tpu.memory_space<vmem>>, vector<512x128xf32>
      %get3A_1612 = arith.constant 0 : index
      %get3A_1613 = arith.constant 0 : index
      %get3A_1614 = vector.load %arg5[%get3A_1612, %get3A_1613] : memref<512x128xi32, #tpu.memory_space<vmem>>, vector<512x128xi32>
      %slice3A = vector.extract_strided_slice %get3A_1611 {offsets = [0, 127], sizes = [512, 1], strides = [1, 1]} : vector<512x128xf32> to vector<512x1xf32>
      %lt3A_1615 = vector.broadcast %slice3A : vector<512x1xf32> to vector<512x128xf32>
      %lt3A_1616 = arith.cmpf olt, %while3A_1601, %lt3A_1615 : vector<512x128xf32>
      %jit3A_1617 = arith.constant 1 : i32
      %jit3A_1618 = arith.constant 0 : i32
      %broadcast_in_dim3A_1619 = vector.broadcast %jit3A_1617 : i32 to vector<512x128xi32>
      %broadcast_in_dim3A_1620 = vector.broadcast %jit3A_1618 : i32 to vector<512x128xi32>
      %select_n3A_1621 = arith.select %lt3A_1616, %broadcast_in_dim3A_1619, %broadcast_in_dim3A_1620 : vector<512x128xi1>, vector<512x128xi32>
      %reduce_sum3A = arith.constant dense<0> : vector<512xi32>
      %reduce_sum3A_1622 = vector.multi_reduction <add>, %select_n3A_1621, %reduce_sum3A [1] : vector<512x128xi32> to vector<512xi32>
      %broadcast_in_dim3A_1623 = vector.shape_cast %reduce_sum3A_1622 : vector<512xi32> to vector<512x1xi32>
      %reduce_max3A_1624 = vector.shape_cast %broadcast_in_dim3A_1623 : vector<512x1xi32> to vector<1x512x1xi32>
      %reduce_max3A_1625 = arith.constant dense<-2147483648> : vector<1xi32>
      %reduce_max3A_1626 = vector.multi_reduction <maxsi>, %reduce_max3A_1624, %reduce_max3A_1625 [1, 2] : vector<1x512x1xi32> to vector<1xi32>
      %reduce_max3A_1627 = vector.shape_cast %reduce_max3A_1626 : vector<1xi32> to vector<1x1x1xi32>
      %reduce_max3A_1628 = vector.extract %reduce_max3A_1627[0, 0, 0] : i32 from vector<1x1x1xi32>
      %gt3A = arith.constant 4 : i32
      %gt3A_1629 = arith.cmpi sgt, %reduce_max3A_1628, %gt3A : i32
      %convert_element_type3A_1630 = arith.extui %gt3A_1629 : i1 to i32
      %cond3A_1631 = arith.constant 0 : i32
      %cond3A_1632 = arith.cmpi ne, %convert_element_type3A_1630, %cond3A_1631 : i32
      %cond3A_1633:2 = scf.if %cond3A_1632 -> (vector<512x128xf32>, vector<512x128xi32>) {
        %iota3A_2201 = tpu.iota {dimensions = array<i32: 1>} : vector<512x128xi32>
        %and3A = arith.constant 2 : i32
        %and3A_2202 = vector.broadcast %and3A : i32 to vector<512x128xi32>
        %and3A_2203 = arith.andi %iota3A_2201, %and3A_2202 : vector<512x128xi32>
        %eq3A_2204 = arith.constant 0 : i32
        %eq3A_2205 = vector.broadcast %eq3A_2204 : i32 to vector<512x128xi32>
        %eq3A_2206 = arith.cmpi eq, %and3A_2203, %eq3A_2205 : vector<512x128xi32>
        %slice3A_2207 = vector.extract_strided_slice %while3A_1601 {offsets = [0, 1], sizes = [512, 127], strides = [1, 1]} : vector<512x128xf32> to vector<512x127xf32>
        %slice3A_2208 = vector.extract_strided_slice %while3A_1601 {offsets = [0, 0], sizes = [512, 1], strides = [1, 1]} : vector<512x128xf32> to vector<512x1xf32>
        %concatenate3A = tpu.concatenate %slice3A_2207, %slice3A_2208 in 1 : vector<512x127xf32>, vector<512x1xf32> -> vector<512x128xf32>
        %slice3A_2209 = vector.extract_strided_slice %while3A_1601 {offsets = [0, 127], sizes = [512, 1], strides = [1, 1]} : vector<512x128xf32> to vector<512x1xf32>
        %slice3A_2210 = vector.extract_strided_slice %while3A_1601 {offsets = [0, 0], sizes = [512, 127], strides = [1, 1]} : vector<512x128xf32> to vector<512x127xf32>
        %concatenate3A_2211 = tpu.concatenate %slice3A_2209, %slice3A_2210 in 1 : vector<512x1xf32>, vector<512x127xf32> -> vector<512x128xf32>
        %slice3A_2212 = vector.extract_strided_slice %add3A_1608 {offsets = [0, 1], sizes = [512, 127], strides = [1, 1]} : vector<512x128xi32> to vector<512x127xi32>
        %slice3A_2213 = vector.extract_strided_slice %add3A_1608 {offsets = [0, 0], sizes = [512, 1], strides = [1, 1]} : vector<512x128xi32> to vector<512x1xi32>
        %concatenate3A_2214 = tpu.concatenate %slice3A_2212, %slice3A_2213 in 1 : vector<512x127xi32>, vector<512x1xi32> -> vector<512x128xi32>
        %slice3A_2215 = vector.extract_strided_slice %add3A_1608 {offsets = [0, 127], sizes = [512, 1], strides = [1, 1]} : vector<512x128xi32> to vector<512x1xi32>
        %slice3A_2216 = vector.extract_strided_slice %add3A_1608 {offsets = [0, 0], sizes = [512, 127], strides = [1, 1]} : vector<512x128xi32> to vector<512x127xi32>
        %concatenate3A_2217 = tpu.concatenate %slice3A_2215, %slice3A_2216 in 1 : vector<512x1xi32>, vector<512x127xi32> -> vector<512x128xi32>
        %iota3A_2218 = tpu.iota {dimensions = array<i32: 1>} : vector<512x128xi32>
        %and3A_2219 = arith.constant 1 : i32
        %and3A_2220 = vector.broadcast %and3A_2219 : i32 to vector<512x128xi32>
        %and3A_2221 = arith.andi %iota3A_2218, %and3A_2220 : vector<512x128xi32>
        %ne3A = arith.constant 0 : i32
        %ne3A_2222 = vector.broadcast %ne3A : i32 to vector<512x128xi32>
        %ne3A_2223 = arith.cmpi ne, %and3A_2221, %ne3A_2222 : vector<512x128xi32>
        %select_n3A_2224 = arith.select %ne3A_2223, %concatenate3A_2211, %concatenate3A : vector<512x128xi1>, vector<512x128xf32>
        %select_n3A_2225 = arith.select %ne3A_2223, %concatenate3A_2217, %concatenate3A_2214 : vector<512x128xi1>, vector<512x128xi32>
        %xor3A = arith.xori %eq3A_2206, %ne3A_2223 : vector<512x128xi1>
        %ge3A = arith.cmpf oge, %while3A_1601, %select_n3A_2224 : vector<512x128xf32>
        %and3A_2226 = arith.andi %xor3A, %ge3A : vector<512x128xi1>
        %not3A = arith.constant dense<true> : vector<512x128xi1>
        %not3A_2227 = arith.xori %xor3A, %not3A : vector<512x128xi1>
        %le3A = arith.cmpf ole, %while3A_1601, %select_n3A_2224 : vector<512x128xf32>
        %and3A_2228 = arith.andi %not3A_2227, %le3A : vector<512x128xi1>
        %or3A = arith.ori %and3A_2226, %and3A_2228 : vector<512x128xi1>
        %select_n3A_2229 = arith.select %or3A, %while3A_1601, %select_n3A_2224 : vector<512x128xi1>, vector<512x128xf32>
        %select_n3A_2230 = arith.select %or3A, %add3A_1608, %select_n3A_2225 : vector<512x128xi1>, vector<512x128xi32>
        %and3A_2231 = arith.constant 4 : i32
        %and3A_2232 = vector.broadcast %and3A_2231 : i32 to vector<512x128xi32>
        %and3A_2233 = arith.andi %iota3A_2201, %and3A_2232 : vector<512x128xi32>
        %eq3A_2234 = arith.constant 0 : i32
        %eq3A_2235 = vector.broadcast %eq3A_2234 : i32 to vector<512x128xi32>
        %eq3A_2236 = arith.cmpi eq, %and3A_2233, %eq3A_2235 : vector<512x128xi32>
        %slice3A_2237 = vector.extract_strided_slice %select_n3A_2229 {offsets = [0, 2], sizes = [512, 126], strides = [1, 1]} : vector<512x128xf32> to vector<512x126xf32>
        %slice3A_2238 = vector.extract_strided_slice %select_n3A_2229 {offsets = [0, 0], sizes = [512, 2], strides = [1, 1]} : vector<512x128xf32> to vector<512x2xf32>
        %concatenate3A_2239 = tpu.concatenate %slice3A_2237, %slice3A_2238 in 1 : vector<512x126xf32>, vector<512x2xf32> -> vector<512x128xf32>
        %slice3A_2240 = vector.extract_strided_slice %select_n3A_2229 {offsets = [0, 126], sizes = [512, 2], strides = [1, 1]} : vector<512x128xf32> to vector<512x2xf32>
        %slice3A_2241 = vector.extract_strided_slice %select_n3A_2229 {offsets = [0, 0], sizes = [512, 126], strides = [1, 1]} : vector<512x128xf32> to vector<512x126xf32>
        %concatenate3A_2242 = tpu.concatenate %slice3A_2240, %slice3A_2241 in 1 : vector<512x2xf32>, vector<512x126xf32> -> vector<512x128xf32>
        %slice3A_2243 = vector.extract_strided_slice %select_n3A_2230 {offsets = [0, 2], sizes = [512, 126], strides = [1, 1]} : vector<512x128xi32> to vector<512x126xi32>
        %slice3A_2244 = vector.extract_strided_slice %select_n3A_2230 {offsets = [0, 0], sizes = [512, 2], strides = [1, 1]} : vector<512x128xi32> to vector<512x2xi32>
        %concatenate3A_2245 = tpu.concatenate %slice3A_2243, %slice3A_2244 in 1 : vector<512x126xi32>, vector<512x2xi32> -> vector<512x128xi32>
        %slice3A_2246 = vector.extract_strided_slice %select_n3A_2230 {offsets = [0, 126], sizes = [512, 2], strides = [1, 1]} : vector<512x128xi32> to vector<512x2xi32>
        %slice3A_2247 = vector.extract_strided_slice %select_n3A_2230 {offsets = [0, 0], sizes = [512, 126], strides = [1, 1]} : vector<512x128xi32> to vector<512x126xi32>
        %concatenate3A_2248 = tpu.concatenate %slice3A_2246, %slice3A_2247 in 1 : vector<512x2xi32>, vector<512x126xi32> -> vector<512x128xi32>
        %iota3A_2249 = tpu.iota {dimensions = array<i32: 1>} : vector<512x128xi32>
        %and3A_2250 = arith.constant 2 : i32
        %and3A_2251 = vector.broadcast %and3A_2250 : i32 to vector<512x128xi32>
        %and3A_2252 = arith.andi %iota3A_2249, %and3A_2251 : vector<512x128xi32>
        %ne3A_2253 = arith.constant 0 : i32
        %ne3A_2254 = vector.broadcast %ne3A_2253 : i32 to vector<512x128xi32>
        %ne3A_2255 = arith.cmpi ne, %and3A_2252, %ne3A_2254 : vector<512x128xi32>
        %select_n3A_2256 = arith.select %ne3A_2255, %concatenate3A_2242, %concatenate3A_2239 : vector<512x128xi1>, vector<512x128xf32>
        %select_n3A_2257 = arith.select %ne3A_2255, %concatenate3A_2248, %concatenate3A_2245 : vector<512x128xi1>, vector<512x128xi32>
        %xor3A_2258 = arith.xori %eq3A_2236, %ne3A_2255 : vector<512x128xi1>
        %ge3A_2259 = arith.cmpf oge, %select_n3A_2229, %select_n3A_2256 : vector<512x128xf32>
        %and3A_2260 = arith.andi %xor3A_2258, %ge3A_2259 : vector<512x128xi1>
        %not3A_2261 = arith.constant dense<true> : vector<512x128xi1>
        %not3A_2262 = arith.xori %xor3A_2258, %not3A_2261 : vector<512x128xi1>
        %le3A_2263 = arith.cmpf ole, %select_n3A_2229, %select_n3A_2256 : vector<512x128xf32>
        %and3A_2264 = arith.andi %not3A_2262, %le3A_2263 : vector<512x128xi1>
        %or3A_2265 = arith.ori %and3A_2260, %and3A_2264 : vector<512x128xi1>
        %select_n3A_2266 = arith.select %or3A_2265, %select_n3A_2229, %select_n3A_2256 : vector<512x128xi1>, vector<512x128xf32>
        %select_n3A_2267 = arith.select %or3A_2265, %select_n3A_2230, %select_n3A_2257 : vector<512x128xi1>, vector<512x128xi32>
        %slice3A_2268 = vector.extract_strided_slice %select_n3A_2266 {offsets = [0, 1], sizes = [512, 127], strides = [1, 1]} : vector<512x128xf32> to vector<512x127xf32>
        %slice3A_2269 = vector.extract_strided_slice %select_n3A_2266 {offsets = [0, 0], sizes = [512, 1], strides = [1, 1]} : vector<512x128xf32> to vector<512x1xf32>
        %concatenate3A_2270 = tpu.concatenate %slice3A_2268, %slice3A_2269 in 1 : vector<512x127xf32>, vector<512x1xf32> -> vector<512x128xf32>
        %slice3A_2271 = vector.extract_strided_slice %select_n3A_2266 {offsets = [0, 127], sizes = [512, 1], strides = [1, 1]} : vector<512x128xf32> to vector<512x1xf32>
        %slice3A_2272 = vector.extract_strided_slice %select_n3A_2266 {offsets = [0, 0], sizes = [512, 127], strides = [1, 1]} : vector<512x128xf32> to vector<512x127xf32>
        %concatenate3A_2273 = tpu.concatenate %slice3A_2271, %slice3A_2272 in 1 : vector<512x1xf32>, vector<512x127xf32> -> vector<512x128xf32>
        %slice3A_2274 = vector.extract_strided_slice %select_n3A_2267 {offsets = [0, 1], sizes = [512, 127], strides = [1, 1]} : vector<512x128xi32> to vector<512x127xi32>
        %slice3A_2275 = vector.extract_strided_slice %select_n3A_2267 {offsets = [0, 0], sizes = [512, 1], strides = [1, 1]} : vector<512x128xi32> to vector<512x1xi32>
        %concatenate3A_2276 = tpu.concatenate %slice3A_2274, %slice3A_2275 in 1 : vector<512x127xi32>, vector<512x1xi32> -> vector<512x128xi32>
        %slice3A_2277 = vector.extract_strided_slice %select_n3A_2267 {offsets = [0, 127], sizes = [512, 1], strides = [1, 1]} : vector<512x128xi32> to vector<512x1xi32>
        %slice3A_2278 = vector.extract_strided_slice %select_n3A_2267 {offsets = [0, 0], sizes = [512, 127], strides = [1, 1]} : vector<512x128xi32> to vector<512x127xi32>
        %concatenate3A_2279 = tpu.concatenate %slice3A_2277, %slice3A_2278 in 1 : vector<512x1xi32>, vector<512x127xi32> -> vector<512x128xi32>
        %iota3A_2280 = tpu.iota {dimensions = array<i32: 1>} : vector<512x128xi32>
        %and3A_2281 = arith.constant 1 : i32
        %and3A_2282 = vector.broadcast %and3A_2281 : i32 to vector<512x128xi32>
        %and3A_2283 = arith.andi %iota3A_2280, %and3A_2282 : vector<512x128xi32>
        %ne3A_2284 = arith.constant 0 : i32
        %ne3A_2285 = vector.broadcast %ne3A_2284 : i32 to vector<512x128xi32>
        %ne3A_2286 = arith.cmpi ne, %and3A_2283, %ne3A_2285 : vector<512x128xi32>
        %select_n3A_2287 = arith.select %ne3A_2286, %concatenate3A_2273, %concatenate3A_2270 : vector<512x128xi1>, vector<512x128xf32>
        %select_n3A_2288 = arith.select %ne3A_2286, %concatenate3A_2279, %concatenate3A_2276 : vector<512x128xi1>, vector<512x128xi32>
        %xor3A_2289 = arith.xori %eq3A_2236, %ne3A_2286 : vector<512x128xi1>
        %ge3A_2290 = arith.cmpf oge, %select_n3A_2266, %select_n3A_2287 : vector<512x128xf32>
        %and3A_2291 = arith.andi %xor3A_2289, %ge3A_2290 : vector<512x128xi1>
        %not3A_2292 = arith.constant dense<true> : vector<512x128xi1>
        %not3A_2293 = arith.xori %xor3A_2289, %not3A_2292 : vector<512x128xi1>
        %le3A_2294 = arith.cmpf ole, %select_n3A_2266, %select_n3A_2287 : vector<512x128xf32>
        %and3A_2295 = arith.andi %not3A_2293, %le3A_2294 : vector<512x128xi1>
        %or3A_2296 = arith.ori %and3A_2291, %and3A_2295 : vector<512x128xi1>
        %select_n3A_2297 = arith.select %or3A_2296, %select_n3A_2266, %select_n3A_2287 : vector<512x128xi1>, vector<512x128xf32>
        %select_n3A_2298 = arith.select %or3A_2296, %select_n3A_2267, %select_n3A_2288 : vector<512x128xi1>, vector<512x128xi32>
        %and3A_2299 = arith.constant 8 : i32
        %and3A_2300 = vector.broadcast %and3A_2299 : i32 to vector<512x128xi32>
        %and3A_2301 = arith.andi %iota3A_2201, %and3A_2300 : vector<512x128xi32>
        %eq3A_2302 = arith.constant 0 : i32
        %eq3A_2303 = vector.broadcast %eq3A_2302 : i32 to vector<512x128xi32>
        %eq3A_2304 = arith.cmpi eq, %and3A_2301, %eq3A_2303 : vector<512x128xi32>
        %slice3A_2305 = vector.extract_strided_slice %select_n3A_2297 {offsets = [0, 4], sizes = [512, 124], strides = [1, 1]} : vector<512x128xf32> to vector<512x124xf32>
        %slice3A_2306 = vector.extract_strided_slice %select_n3A_2297 {offsets = [0, 0], sizes = [512, 4], strides = [1, 1]} : vector<512x128xf32> to vector<512x4xf32>
        %concatenate3A_2307 = tpu.concatenate %slice3A_2305, %slice3A_2306 in 1 : vector<512x124xf32>, vector<512x4xf32> -> vector<512x128xf32>
        %slice3A_2308 = vector.extract_strided_slice %select_n3A_2297 {offsets = [0, 124], sizes = [512, 4], strides = [1, 1]} : vector<512x128xf32> to vector<512x4xf32>
        %slice3A_2309 = vector.extract_strided_slice %select_n3A_2297 {offsets = [0, 0], sizes = [512, 124], strides = [1, 1]} : vector<512x128xf32> to vector<512x124xf32>
        %concatenate3A_2310 = tpu.concatenate %slice3A_2308, %slice3A_2309 in 1 : vector<512x4xf32>, vector<512x124xf32> -> vector<512x128xf32>
        %slice3A_2311 = vector.extract_strided_slice %select_n3A_2298 {offsets = [0, 4], sizes = [512, 124], strides = [1, 1]} : vector<512x128xi32> to vector<512x124xi32>
        %slice3A_2312 = vector.extract_strided_slice %select_n3A_2298 {offsets = [0, 0], sizes = [512, 4], strides = [1, 1]} : vector<512x128xi32> to vector<512x4xi32>
        %concatenate3A_2313 = tpu.concatenate %slice3A_2311, %slice3A_2312 in 1 : vector<512x124xi32>, vector<512x4xi32> -> vector<512x128xi32>
        %slice3A_2314 = vector.extract_strided_slice %select_n3A_2298 {offsets = [0, 124], sizes = [512, 4], strides = [1, 1]} : vector<512x128xi32> to vector<512x4xi32>
        %slice3A_2315 = vector.extract_strided_slice %select_n3A_2298 {offsets = [0, 0], sizes = [512, 124], strides = [1, 1]} : vector<512x128xi32> to vector<512x124xi32>
        %concatenate3A_2316 = tpu.concatenate %slice3A_2314, %slice3A_2315 in 1 : vector<512x4xi32>, vector<512x124xi32> -> vector<512x128xi32>
        %iota3A_2317 = tpu.iota {dimensions = array<i32: 1>} : vector<512x128xi32>
        %and3A_2318 = arith.constant 4 : i32
        %and3A_2319 = vector.broadcast %and3A_2318 : i32 to vector<512x128xi32>
        %and3A_2320 = arith.andi %iota3A_2317, %and3A_2319 : vector<512x128xi32>
        %ne3A_2321 = arith.constant 0 : i32
        %ne3A_2322 = vector.broadcast %ne3A_2321 : i32 to vector<512x128xi32>
        %ne3A_2323 = arith.cmpi ne, %and3A_2320, %ne3A_2322 : vector<512x128xi32>
        %select_n3A_2324 = arith.select %ne3A_2323, %concatenate3A_2310, %concatenate3A_2307 : vector<512x128xi1>, vector<512x128xf32>
        %select_n3A_2325 = arith.select %ne3A_2323, %concatenate3A_2316, %concatenate3A_2313 : vector<512x128xi1>, vector<512x128xi32>
        %xor3A_2326 = arith.xori %eq3A_2304, %ne3A_2323 : vector<512x128xi1>
        %ge3A_2327 = arith.cmpf oge, %select_n3A_2297, %select_n3A_2324 : vector<512x128xf32>
        %and3A_2328 = arith.andi %xor3A_2326, %ge3A_2327 : vector<512x128xi1>
        %not3A_2329 = arith.constant dense<true> : vector<512x128xi1>
        %not3A_2330 = arith.xori %xor3A_2326, %not3A_2329 : vector<512x128xi1>
        %le3A_2331 = arith.cmpf ole, %select_n3A_2297, %select_n3A_2324 : vector<512x128xf32>
        %and3A_2332 = arith.andi %not3A_2330, %le3A_2331 : vector<512x128xi1>
        %or3A_2333 = arith.ori %and3A_2328, %and3A_2332 : vector<512x128xi1>
        %select_n3A_2334 = arith.select %or3A_2333, %select_n3A_2297, %select_n3A_2324 : vector<512x128xi1>, vector<512x128xf32>
        %select_n3A_2335 = arith.select %or3A_2333, %select_n3A_2298, %select_n3A_2325 : vector<512x128xi1>, vector<512x128xi32>
        %slice3A_2336 = vector.extract_strided_slice %select_n3A_2334 {offsets = [0, 2], sizes = [512, 126], strides = [1, 1]} : vector<512x128xf32> to vector<512x126xf32>
        %slice3A_2337 = vector.extract_strided_slice %select_n3A_2334 {offsets = [0, 0], sizes = [512, 2], strides = [1, 1]} : vector<512x128xf32> to vector<512x2xf32>
        %concatenate3A_2338 = tpu.concatenate %slice3A_2336, %slice3A_2337 in 1 : vector<512x126xf32>, vector<512x2xf32> -> vector<512x128xf32>
        %slice3A_2339 = vector.extract_strided_slice %select_n3A_2334 {offsets = [0, 126], sizes = [512, 2], strides = [1, 1]} : vector<512x128xf32> to vector<512x2xf32>
        %slice3A_2340 = vector.extract_strided_slice %select_n3A_2334 {offsets = [0, 0], sizes = [512, 126], strides = [1, 1]} : vector<512x128xf32> to vector<512x126xf32>
        %concatenate3A_2341 = tpu.concatenate %slice3A_2339, %slice3A_2340 in 1 : vector<512x2xf32>, vector<512x126xf32> -> vector<512x128xf32>
        %slice3A_2342 = vector.extract_strided_slice %select_n3A_2335 {offsets = [0, 2], sizes = [512, 126], strides = [1, 1]} : vector<512x128xi32> to vector<512x126xi32>
        %slice3A_2343 = vector.extract_strided_slice %select_n3A_2335 {offsets = [0, 0], sizes = [512, 2], strides = [1, 1]} : vector<512x128xi32> to vector<512x2xi32>
        %concatenate3A_2344 = tpu.concatenate %slice3A_2342, %slice3A_2343 in 1 : vector<512x126xi32>, vector<512x2xi32> -> vector<512x128xi32>
        %slice3A_2345 = vector.extract_strided_slice %select_n3A_2335 {offsets = [0, 126], sizes = [512, 2], strides = [1, 1]} : vector<512x128xi32> to vector<512x2xi32>
        %slice3A_2346 = vector.extract_strided_slice %select_n3A_2335 {offsets = [0, 0], sizes = [512, 126], strides = [1, 1]} : vector<512x128xi32> to vector<512x126xi32>
        %concatenate3A_2347 = tpu.concatenate %slice3A_2345, %slice3A_2346 in 1 : vector<512x2xi32>, vector<512x126xi32> -> vector<512x128xi32>
        %iota3A_2348 = tpu.iota {dimensions = array<i32: 1>} : vector<512x128xi32>
        %and3A_2349 = arith.constant 2 : i32
        %and3A_2350 = vector.broadcast %and3A_2349 : i32 to vector<512x128xi32>
        %and3A_2351 = arith.andi %iota3A_2348, %and3A_2350 : vector<512x128xi32>
        %ne3A_2352 = arith.constant 0 : i32
        %ne3A_2353 = vector.broadcast %ne3A_2352 : i32 to vector<512x128xi32>
        %ne3A_2354 = arith.cmpi ne, %and3A_2351, %ne3A_2353 : vector<512x128xi32>
        %select_n3A_2355 = arith.select %ne3A_2354, %concatenate3A_2341, %concatenate3A_2338 : vector<512x128xi1>, vector<512x128xf32>
        %select_n3A_2356 = arith.select %ne3A_2354, %concatenate3A_2347, %concatenate3A_2344 : vector<512x128xi1>, vector<512x128xi32>
        %xor3A_2357 = arith.xori %eq3A_2304, %ne3A_2354 : vector<512x128xi1>
        %ge3A_2358 = arith.cmpf oge, %select_n3A_2334, %select_n3A_2355 : vector<512x128xf32>
        %and3A_2359 = arith.andi %xor3A_2357, %ge3A_2358 : vector<512x128xi1>
        %not3A_2360 = arith.constant dense<true> : vector<512x128xi1>
        %not3A_2361 = arith.xori %xor3A_2357, %not3A_2360 : vector<512x128xi1>
        %le3A_2362 = arith.cmpf ole, %select_n3A_2334, %select_n3A_2355 : vector<512x128xf32>
        %and3A_2363 = arith.andi %not3A_2361, %le3A_2362 : vector<512x128xi1>
        %or3A_2364 = arith.ori %and3A_2359, %and3A_2363 : vector<512x128xi1>
        %select_n3A_2365 = arith.select %or3A_2364, %select_n3A_2334, %select_n3A_2355 : vector<512x128xi1>, vector<512x128xf32>
        %select_n3A_2366 = arith.select %or3A_2364, %select_n3A_2335, %select_n3A_2356 : vector<512x128xi1>, vector<512x128xi32>
        %slice3A_2367 = vector.extract_strided_slice %select_n3A_2365 {offsets = [0, 1], sizes = [512, 127], strides = [1, 1]} : vector<512x128xf32> to vector<512x127xf32>
        %slice3A_2368 = vector.extract_strided_slice %select_n3A_2365 {offsets = [0, 0], sizes = [512, 1], strides = [1, 1]} : vector<512x128xf32> to vector<512x1xf32>
        %concatenate3A_2369 = tpu.concatenate %slice3A_2367, %slice3A_2368 in 1 : vector<512x127xf32>, vector<512x1xf32> -> vector<512x128xf32>
        %slice3A_2370 = vector.extract_strided_slice %select_n3A_2365 {offsets = [0, 127], sizes = [512, 1], strides = [1, 1]} : vector<512x128xf32> to vector<512x1xf32>
        %slice3A_2371 = vector.extract_strided_slice %select_n3A_2365 {offsets = [0, 0], sizes = [512, 127], strides = [1, 1]} : vector<512x128xf32> to vector<512x127xf32>
        %concatenate3A_2372 = tpu.concatenate %slice3A_2370, %slice3A_2371 in 1 : vector<512x1xf32>, vector<512x127xf32> -> vector<512x128xf32>
        %slice3A_2373 = vector.extract_strided_slice %select_n3A_2366 {offsets = [0, 1], sizes = [512, 127], strides = [1, 1]} : vector<512x128xi32> to vector<512x127xi32>
        %slice3A_2374 = vector.extract_strided_slice %select_n3A_2366 {offsets = [0, 0], sizes = [512, 1], strides = [1, 1]} : vector<512x128xi32> to vector<512x1xi32>
        %concatenate3A_2375 = tpu.concatenate %slice3A_2373, %slice3A_2374 in 1 : vector<512x127xi32>, vector<512x1xi32> -> vector<512x128xi32>
        %slice3A_2376 = vector.extract_strided_slice %select_n3A_2366 {offsets = [0, 127], sizes = [512, 1], strides = [1, 1]} : vector<512x128xi32> to vector<512x1xi32>
        %slice3A_2377 = vector.extract_strided_slice %select_n3A_2366 {offsets = [0, 0], sizes = [512, 127], strides = [1, 1]} : vector<512x128xi32> to vector<512x127xi32>
        %concatenate3A_2378 = tpu.concatenate %slice3A_2376, %slice3A_2377 in 1 : vector<512x1xi32>, vector<512x127xi32> -> vector<512x128xi32>
        %iota3A_2379 = tpu.iota {dimensions = array<i32: 1>} : vector<512x128xi32>
        %and3A_2380 = arith.constant 1 : i32
        %and3A_2381 = vector.broadcast %and3A_2380 : i32 to vector<512x128xi32>
        %and3A_2382 = arith.andi %iota3A_2379, %and3A_2381 : vector<512x128xi32>
        %ne3A_2383 = arith.constant 0 : i32
        %ne3A_2384 = vector.broadcast %ne3A_2383 : i32 to vector<512x128xi32>
        %ne3A_2385 = arith.cmpi ne, %and3A_2382, %ne3A_2384 : vector<512x128xi32>
        %select_n3A_2386 = arith.select %ne3A_2385, %concatenate3A_2372, %concatenate3A_2369 : vector<512x128xi1>, vector<512x128xf32>
        %select_n3A_2387 = arith.select %ne3A_2385, %concatenate3A_2378, %concatenate3A_2375 : vector<512x128xi1>, vector<512x128xi32>
        %xor3A_2388 = arith.xori %eq3A_2304, %ne3A_2385 : vector<512x128xi1>
        %ge3A_2389 = arith.cmpf oge, %select_n3A_2365, %select_n3A_2386 : vector<512x128xf32>
        %and3A_2390 = arith.andi %xor3A_2388, %ge3A_2389 : vector<512x128xi1>
        %not3A_2391 = arith.constant dense<true> : vector<512x128xi1>
        %not3A_2392 = arith.xori %xor3A_2388, %not3A_2391 : vector<512x128xi1>
        %le3A_2393 = arith.cmpf ole, %select_n3A_2365, %select_n3A_2386 : vector<512x128xf32>
        %and3A_2394 = arith.andi %not3A_2392, %le3A_2393 : vector<512x128xi1>
        %or3A_2395 = arith.ori %and3A_2390, %and3A_2394 : vector<512x128xi1>
        %select_n3A_2396 = arith.select %or3A_2395, %select_n3A_2365, %select_n3A_2386 : vector<512x128xi1>, vector<512x128xf32>
        %select_n3A_2397 = arith.select %or3A_2395, %select_n3A_2366, %select_n3A_2387 : vector<512x128xi1>, vector<512x128xi32>
        %and3A_2398 = arith.constant 16 : i32
        %and3A_2399 = vector.broadcast %and3A_2398 : i32 to vector<512x128xi32>
        %and3A_2400 = arith.andi %iota3A_2201, %and3A_2399 : vector<512x128xi32>
        %eq3A_2401 = arith.constant 0 : i32
        %eq3A_2402 = vector.broadcast %eq3A_2401 : i32 to vector<512x128xi32>
        %eq3A_2403 = arith.cmpi eq, %and3A_2400, %eq3A_2402 : vector<512x128xi32>
        %slice3A_2404 = vector.extract_strided_slice %select_n3A_2396 {offsets = [0, 8], sizes = [512, 120], strides = [1, 1]} : vector<512x128xf32> to vector<512x120xf32>
        %slice3A_2405 = vector.extract_strided_slice %select_n3A_2396 {offsets = [0, 0], sizes = [512, 8], strides = [1, 1]} : vector<512x128xf32> to vector<512x8xf32>
        %concatenate3A_2406 = tpu.concatenate %slice3A_2404, %slice3A_2405 in 1 : vector<512x120xf32>, vector<512x8xf32> -> vector<512x128xf32>
        %slice3A_2407 = vector.extract_strided_slice %select_n3A_2396 {offsets = [0, 120], sizes = [512, 8], strides = [1, 1]} : vector<512x128xf32> to vector<512x8xf32>
        %slice3A_2408 = vector.extract_strided_slice %select_n3A_2396 {offsets = [0, 0], sizes = [512, 120], strides = [1, 1]} : vector<512x128xf32> to vector<512x120xf32>
        %concatenate3A_2409 = tpu.concatenate %slice3A_2407, %slice3A_2408 in 1 : vector<512x8xf32>, vector<512x120xf32> -> vector<512x128xf32>
        %slice3A_2410 = vector.extract_strided_slice %select_n3A_2397 {offsets = [0, 8], sizes = [512, 120], strides = [1, 1]} : vector<512x128xi32> to vector<512x120xi32>
        %slice3A_2411 = vector.extract_strided_slice %select_n3A_2397 {offsets = [0, 0], sizes = [512, 8], strides = [1, 1]} : vector<512x128xi32> to vector<512x8xi32>
        %concatenate3A_2412 = tpu.concatenate %slice3A_2410, %slice3A_2411 in 1 : vector<512x120xi32>, vector<512x8xi32> -> vector<512x128xi32>
        %slice3A_2413 = vector.extract_strided_slice %select_n3A_2397 {offsets = [0, 120], sizes = [512, 8], strides = [1, 1]} : vector<512x128xi32> to vector<512x8xi32>
        %slice3A_2414 = vector.extract_strided_slice %select_n3A_2397 {offsets = [0, 0], sizes = [512, 120], strides = [1, 1]} : vector<512x128xi32> to vector<512x120xi32>
        %concatenate3A_2415 = tpu.concatenate %slice3A_2413, %slice3A_2414 in 1 : vector<512x8xi32>, vector<512x120xi32> -> vector<512x128xi32>
        %iota3A_2416 = tpu.iota {dimensions = array<i32: 1>} : vector<512x128xi32>
        %and3A_2417 = arith.constant 8 : i32
        %and3A_2418 = vector.broadcast %and3A_2417 : i32 to vector<512x128xi32>
        %and3A_2419 = arith.andi %iota3A_2416, %and3A_2418 : vector<512x128xi32>
        %ne3A_2420 = arith.constant 0 : i32
        %ne3A_2421 = vector.broadcast %ne3A_2420 : i32 to vector<512x128xi32>
        %ne3A_2422 = arith.cmpi ne, %and3A_2419, %ne3A_2421 : vector<512x128xi32>
        %select_n3A_2423 = arith.select %ne3A_2422, %concatenate3A_2409, %concatenate3A_2406 : vector<512x128xi1>, vector<512x128xf32>
        %select_n3A_2424 = arith.select %ne3A_2422, %concatenate3A_2415, %concatenate3A_2412 : vector<512x128xi1>, vector<512x128xi32>
        %xor3A_2425 = arith.xori %eq3A_2403, %ne3A_2422 : vector<512x128xi1>
        %ge3A_2426 = arith.cmpf oge, %select_n3A_2396, %select_n3A_2423 : vector<512x128xf32>
        %and3A_2427 = arith.andi %xor3A_2425, %ge3A_2426 : vector<512x128xi1>
        %not3A_2428 = arith.constant dense<true> : vector<512x128xi1>
        %not3A_2429 = arith.xori %xor3A_2425, %not3A_2428 : vector<512x128xi1>
        %le3A_2430 = arith.cmpf ole, %select_n3A_2396, %select_n3A_2423 : vector<512x128xf32>
        %and3A_2431 = arith.andi %not3A_2429, %le3A_2430 : vector<512x128xi1>
        %or3A_2432 = arith.ori %and3A_2427, %and3A_2431 : vector<512x128xi1>
        %select_n3A_2433 = arith.select %or3A_2432, %select_n3A_2396, %select_n3A_2423 : vector<512x128xi1>, vector<512x128xf32>
        %select_n3A_2434 = arith.select %or3A_2432, %select_n3A_2397, %select_n3A_2424 : vector<512x128xi1>, vector<512x128xi32>
        %slice3A_2435 = vector.extract_strided_slice %select_n3A_2433 {offsets = [0, 4], sizes = [512, 124], strides = [1, 1]} : vector<512x128xf32> to vector<512x124xf32>
        %slice3A_2436 = vector.extract_strided_slice %select_n3A_2433 {offsets = [0, 0], sizes = [512, 4], strides = [1, 1]} : vector<512x128xf32> to vector<512x4xf32>
        %concatenate3A_2437 = tpu.concatenate %slice3A_2435, %slice3A_2436 in 1 : vector<512x124xf32>, vector<512x4xf32> -> vector<512x128xf32>
        %slice3A_2438 = vector.extract_strided_slice %select_n3A_2433 {offsets = [0, 124], sizes = [512, 4], strides = [1, 1]} : vector<512x128xf32> to vector<512x4xf32>
        %slice3A_2439 = vector.extract_strided_slice %select_n3A_2433 {offsets = [0, 0], sizes = [512, 124], strides = [1, 1]} : vector<512x128xf32> to vector<512x124xf32>
        %concatenate3A_2440 = tpu.concatenate %slice3A_2438, %slice3A_2439 in 1 : vector<512x4xf32>, vector<512x124xf32> -> vector<512x128xf32>
        %slice3A_2441 = vector.extract_strided_slice %select_n3A_2434 {offsets = [0, 4], sizes = [512, 124], strides = [1, 1]} : vector<512x128xi32> to vector<512x124xi32>
        %slice3A_2442 = vector.extract_strided_slice %select_n3A_2434 {offsets = [0, 0], sizes = [512, 4], strides = [1, 1]} : vector<512x128xi32> to vector<512x4xi32>
        %concatenate3A_2443 = tpu.concatenate %slice3A_2441, %slice3A_2442 in 1 : vector<512x124xi32>, vector<512x4xi32> -> vector<512x128xi32>
        %slice3A_2444 = vector.extract_strided_slice %select_n3A_2434 {offsets = [0, 124], sizes = [512, 4], strides = [1, 1]} : vector<512x128xi32> to vector<512x4xi32>
        %slice3A_2445 = vector.extract_strided_slice %select_n3A_2434 {offsets = [0, 0], sizes = [512, 124], strides = [1, 1]} : vector<512x128xi32> to vector<512x124xi32>
        %concatenate3A_2446 = tpu.concatenate %slice3A_2444, %slice3A_2445 in 1 : vector<512x4xi32>, vector<512x124xi32> -> vector<512x128xi32>
        %iota3A_2447 = tpu.iota {dimensions = array<i32: 1>} : vector<512x128xi32>
        %and3A_2448 = arith.constant 4 : i32
        %and3A_2449 = vector.broadcast %and3A_2448 : i32 to vector<512x128xi32>
        %and3A_2450 = arith.andi %iota3A_2447, %and3A_2449 : vector<512x128xi32>
        %ne3A_2451 = arith.constant 0 : i32
        %ne3A_2452 = vector.broadcast %ne3A_2451 : i32 to vector<512x128xi32>
        %ne3A_2453 = arith.cmpi ne, %and3A_2450, %ne3A_2452 : vector<512x128xi32>
        %select_n3A_2454 = arith.select %ne3A_2453, %concatenate3A_2440, %concatenate3A_2437 : vector<512x128xi1>, vector<512x128xf32>
        %select_n3A_2455 = arith.select %ne3A_2453, %concatenate3A_2446, %concatenate3A_2443 : vector<512x128xi1>, vector<512x128xi32>
        %xor3A_2456 = arith.xori %eq3A_2403, %ne3A_2453 : vector<512x128xi1>
        %ge3A_2457 = arith.cmpf oge, %select_n3A_2433, %select_n3A_2454 : vector<512x128xf32>
        %and3A_2458 = arith.andi %xor3A_2456, %ge3A_2457 : vector<512x128xi1>
        %not3A_2459 = arith.constant dense<true> : vector<512x128xi1>
        %not3A_2460 = arith.xori %xor3A_2456, %not3A_2459 : vector<512x128xi1>
        %le3A_2461 = arith.cmpf ole, %select_n3A_2433, %select_n3A_2454 : vector<512x128xf32>
        %and3A_2462 = arith.andi %not3A_2460, %le3A_2461 : vector<512x128xi1>
        %or3A_2463 = arith.ori %and3A_2458, %and3A_2462 : vector<512x128xi1>
        %select_n3A_2464 = arith.select %or3A_2463, %select_n3A_2433, %select_n3A_2454 : vector<512x128xi1>, vector<512x128xf32>
        %select_n3A_2465 = arith.select %or3A_2463, %select_n3A_2434, %select_n3A_2455 : vector<512x128xi1>, vector<512x128xi32>
        %slice3A_2466 = vector.extract_strided_slice %select_n3A_2464 {offsets = [0, 2], sizes = [512, 126], strides = [1, 1]} : vector<512x128xf32> to vector<512x126xf32>
        %slice3A_2467 = vector.extract_strided_slice %select_n3A_2464 {offsets = [0, 0], sizes = [512, 2], strides = [1, 1]} : vector<512x128xf32> to vector<512x2xf32>
        %concatenate3A_2468 = tpu.concatenate %slice3A_2466, %slice3A_2467 in 1 : vector<512x126xf32>, vector<512x2xf32> -> vector<512x128xf32>
        %slice3A_2469 = vector.extract_strided_slice %select_n3A_2464 {offsets = [0, 126], sizes = [512, 2], strides = [1, 1]} : vector<512x128xf32> to vector<512x2xf32>
        %slice3A_2470 = vector.extract_strided_slice %select_n3A_2464 {offsets = [0, 0], sizes = [512, 126], strides = [1, 1]} : vector<512x128xf32> to vector<512x126xf32>
        %concatenate3A_2471 = tpu.concatenate %slice3A_2469, %slice3A_2470 in 1 : vector<512x2xf32>, vector<512x126xf32> -> vector<512x128xf32>
        %slice3A_2472 = vector.extract_strided_slice %select_n3A_2465 {offsets = [0, 2], sizes = [512, 126], strides = [1, 1]} : vector<512x128xi32> to vector<512x126xi32>
        %slice3A_2473 = vector.extract_strided_slice %select_n3A_2465 {offsets = [0, 0], sizes = [512, 2], strides = [1, 1]} : vector<512x128xi32> to vector<512x2xi32>
        %concatenate3A_2474 = tpu.concatenate %slice3A_2472, %slice3A_2473 in 1 : vector<512x126xi32>, vector<512x2xi32> -> vector<512x128xi32>
        %slice3A_2475 = vector.extract_strided_slice %select_n3A_2465 {offsets = [0, 126], sizes = [512, 2], strides = [1, 1]} : vector<512x128xi32> to vector<512x2xi32>
        %slice3A_2476 = vector.extract_strided_slice %select_n3A_2465 {offsets = [0, 0], sizes = [512, 126], strides = [1, 1]} : vector<512x128xi32> to vector<512x126xi32>
        %concatenate3A_2477 = tpu.concatenate %slice3A_2475, %slice3A_2476 in 1 : vector<512x2xi32>, vector<512x126xi32> -> vector<512x128xi32>
        %iota3A_2478 = tpu.iota {dimensions = array<i32: 1>} : vector<512x128xi32>
        %and3A_2479 = arith.constant 2 : i32
        %and3A_2480 = vector.broadcast %and3A_2479 : i32 to vector<512x128xi32>
        %and3A_2481 = arith.andi %iota3A_2478, %and3A_2480 : vector<512x128xi32>
        %ne3A_2482 = arith.constant 0 : i32
        %ne3A_2483 = vector.broadcast %ne3A_2482 : i32 to vector<512x128xi32>
        %ne3A_2484 = arith.cmpi ne, %and3A_2481, %ne3A_2483 : vector<512x128xi32>
        %select_n3A_2485 = arith.select %ne3A_2484, %concatenate3A_2471, %concatenate3A_2468 : vector<512x128xi1>, vector<512x128xf32>
        %select_n3A_2486 = arith.select %ne3A_2484, %concatenate3A_2477, %concatenate3A_2474 : vector<512x128xi1>, vector<512x128xi32>
        %xor3A_2487 = arith.xori %eq3A_2403, %ne3A_2484 : vector<512x128xi1>
        %ge3A_2488 = arith.cmpf oge, %select_n3A_2464, %select_n3A_2485 : vector<512x128xf32>
        %and3A_2489 = arith.andi %xor3A_2487, %ge3A_2488 : vector<512x128xi1>
        %not3A_2490 = arith.constant dense<true> : vector<512x128xi1>
        %not3A_2491 = arith.xori %xor3A_2487, %not3A_2490 : vector<512x128xi1>
        %le3A_2492 = arith.cmpf ole, %select_n3A_2464, %select_n3A_2485 : vector<512x128xf32>
        %and3A_2493 = arith.andi %not3A_2491, %le3A_2492 : vector<512x128xi1>
        %or3A_2494 = arith.ori %and3A_2489, %and3A_2493 : vector<512x128xi1>
        %select_n3A_2495 = arith.select %or3A_2494, %select_n3A_2464, %select_n3A_2485 : vector<512x128xi1>, vector<512x128xf32>
        %select_n3A_2496 = arith.select %or3A_2494, %select_n3A_2465, %select_n3A_2486 : vector<512x128xi1>, vector<512x128xi32>
        %slice3A_2497 = vector.extract_strided_slice %select_n3A_2495 {offsets = [0, 1], sizes = [512, 127], strides = [1, 1]} : vector<512x128xf32> to vector<512x127xf32>
        %slice3A_2498 = vector.extract_strided_slice %select_n3A_2495 {offsets = [0, 0], sizes = [512, 1], strides = [1, 1]} : vector<512x128xf32> to vector<512x1xf32>
        %concatenate3A_2499 = tpu.concatenate %slice3A_2497, %slice3A_2498 in 1 : vector<512x127xf32>, vector<512x1xf32> -> vector<512x128xf32>
        %slice3A_2500 = vector.extract_strided_slice %select_n3A_2495 {offsets = [0, 127], sizes = [512, 1], strides = [1, 1]} : vector<512x128xf32> to vector<512x1xf32>
        %slice3A_2501 = vector.extract_strided_slice %select_n3A_2495 {offsets = [0, 0], sizes = [512, 127], strides = [1, 1]} : vector<512x128xf32> to vector<512x127xf32>
        %concatenate3A_2502 = tpu.concatenate %slice3A_2500, %slice3A_2501 in 1 : vector<512x1xf32>, vector<512x127xf32> -> vector<512x128xf32>
        %slice3A_2503 = vector.extract_strided_slice %select_n3A_2496 {offsets = [0, 1], sizes = [512, 127], strides = [1, 1]} : vector<512x128xi32> to vector<512x127xi32>
        %slice3A_2504 = vector.extract_strided_slice %select_n3A_2496 {offsets = [0, 0], sizes = [512, 1], strides = [1, 1]} : vector<512x128xi32> to vector<512x1xi32>
        %concatenate3A_2505 = tpu.concatenate %slice3A_2503, %slice3A_2504 in 1 : vector<512x127xi32>, vector<512x1xi32> -> vector<512x128xi32>
        %slice3A_2506 = vector.extract_strided_slice %select_n3A_2496 {offsets = [0, 127], sizes = [512, 1], strides = [1, 1]} : vector<512x128xi32> to vector<512x1xi32>
        %slice3A_2507 = vector.extract_strided_slice %select_n3A_2496 {offsets = [0, 0], sizes = [512, 127], strides = [1, 1]} : vector<512x128xi32> to vector<512x127xi32>
        %concatenate3A_2508 = tpu.concatenate %slice3A_2506, %slice3A_2507 in 1 : vector<512x1xi32>, vector<512x127xi32> -> vector<512x128xi32>
        %iota3A_2509 = tpu.iota {dimensions = array<i32: 1>} : vector<512x128xi32>
        %and3A_2510 = arith.constant 1 : i32
        %and3A_2511 = vector.broadcast %and3A_2510 : i32 to vector<512x128xi32>
        %and3A_2512 = arith.andi %iota3A_2509, %and3A_2511 : vector<512x128xi32>
        %ne3A_2513 = arith.constant 0 : i32
        %ne3A_2514 = vector.broadcast %ne3A_2513 : i32 to vector<512x128xi32>
        %ne3A_2515 = arith.cmpi ne, %and3A_2512, %ne3A_2514 : vector<512x128xi32>
        %select_n3A_2516 = arith.select %ne3A_2515, %concatenate3A_2502, %concatenate3A_2499 : vector<512x128xi1>, vector<512x128xf32>
        %select_n3A_2517 = arith.select %ne3A_2515, %concatenate3A_2508, %concatenate3A_2505 : vector<512x128xi1>, vector<512x128xi32>
        %xor3A_2518 = arith.xori %eq3A_2403, %ne3A_2515 : vector<512x128xi1>
        %ge3A_2519 = arith.cmpf oge, %select_n3A_2495, %select_n3A_2516 : vector<512x128xf32>
        %and3A_2520 = arith.andi %xor3A_2518, %ge3A_2519 : vector<512x128xi1>
        %not3A_2521 = arith.constant dense<true> : vector<512x128xi1>
        %not3A_2522 = arith.xori %xor3A_2518, %not3A_2521 : vector<512x128xi1>
        %le3A_2523 = arith.cmpf ole, %select_n3A_2495, %select_n3A_2516 : vector<512x128xf32>
        %and3A_2524 = arith.andi %not3A_2522, %le3A_2523 : vector<512x128xi1>
        %or3A_2525 = arith.ori %and3A_2520, %and3A_2524 : vector<512x128xi1>
        %select_n3A_2526 = arith.select %or3A_2525, %select_n3A_2495, %select_n3A_2516 : vector<512x128xi1>, vector<512x128xf32>
        %select_n3A_2527 = arith.select %or3A_2525, %select_n3A_2496, %select_n3A_2517 : vector<512x128xi1>, vector<512x128xi32>
        %and3A_2528 = arith.constant 32 : i32
        %and3A_2529 = vector.broadcast %and3A_2528 : i32 to vector<512x128xi32>
        %and3A_2530 = arith.andi %iota3A_2201, %and3A_2529 : vector<512x128xi32>
        %eq3A_2531 = arith.constant 0 : i32
        %eq3A_2532 = vector.broadcast %eq3A_2531 : i32 to vector<512x128xi32>
        %eq3A_2533 = arith.cmpi eq, %and3A_2530, %eq3A_2532 : vector<512x128xi32>
        %slice3A_2534 = vector.extract_strided_slice %select_n3A_2526 {offsets = [0, 16], sizes = [512, 112], strides = [1, 1]} : vector<512x128xf32> to vector<512x112xf32>
        %slice3A_2535 = vector.extract_strided_slice %select_n3A_2526 {offsets = [0, 0], sizes = [512, 16], strides = [1, 1]} : vector<512x128xf32> to vector<512x16xf32>
        %concatenate3A_2536 = tpu.concatenate %slice3A_2534, %slice3A_2535 in 1 : vector<512x112xf32>, vector<512x16xf32> -> vector<512x128xf32>
        %slice3A_2537 = vector.extract_strided_slice %select_n3A_2526 {offsets = [0, 112], sizes = [512, 16], strides = [1, 1]} : vector<512x128xf32> to vector<512x16xf32>
        %slice3A_2538 = vector.extract_strided_slice %select_n3A_2526 {offsets = [0, 0], sizes = [512, 112], strides = [1, 1]} : vector<512x128xf32> to vector<512x112xf32>
        %concatenate3A_2539 = tpu.concatenate %slice3A_2537, %slice3A_2538 in 1 : vector<512x16xf32>, vector<512x112xf32> -> vector<512x128xf32>
        %slice3A_2540 = vector.extract_strided_slice %select_n3A_2527 {offsets = [0, 16], sizes = [512, 112], strides = [1, 1]} : vector<512x128xi32> to vector<512x112xi32>
        %slice3A_2541 = vector.extract_strided_slice %select_n3A_2527 {offsets = [0, 0], sizes = [512, 16], strides = [1, 1]} : vector<512x128xi32> to vector<512x16xi32>
        %concatenate3A_2542 = tpu.concatenate %slice3A_2540, %slice3A_2541 in 1 : vector<512x112xi32>, vector<512x16xi32> -> vector<512x128xi32>
        %slice3A_2543 = vector.extract_strided_slice %select_n3A_2527 {offsets = [0, 112], sizes = [512, 16], strides = [1, 1]} : vector<512x128xi32> to vector<512x16xi32>
        %slice3A_2544 = vector.extract_strided_slice %select_n3A_2527 {offsets = [0, 0], sizes = [512, 112], strides = [1, 1]} : vector<512x128xi32> to vector<512x112xi32>
        %concatenate3A_2545 = tpu.concatenate %slice3A_2543, %slice3A_2544 in 1 : vector<512x16xi32>, vector<512x112xi32> -> vector<512x128xi32>
        %iota3A_2546 = tpu.iota {dimensions = array<i32: 1>} : vector<512x128xi32>
        %and3A_2547 = arith.constant 16 : i32
        %and3A_2548 = vector.broadcast %and3A_2547 : i32 to vector<512x128xi32>
        %and3A_2549 = arith.andi %iota3A_2546, %and3A_2548 : vector<512x128xi32>
        %ne3A_2550 = arith.constant 0 : i32
        %ne3A_2551 = vector.broadcast %ne3A_2550 : i32 to vector<512x128xi32>
        %ne3A_2552 = arith.cmpi ne, %and3A_2549, %ne3A_2551 : vector<512x128xi32>
        %select_n3A_2553 = arith.select %ne3A_2552, %concatenate3A_2539, %concatenate3A_2536 : vector<512x128xi1>, vector<512x128xf32>
        %select_n3A_2554 = arith.select %ne3A_2552, %concatenate3A_2545, %concatenate3A_2542 : vector<512x128xi1>, vector<512x128xi32>
        %xor3A_2555 = arith.xori %eq3A_2533, %ne3A_2552 : vector<512x128xi1>
        %ge3A_2556 = arith.cmpf oge, %select_n3A_2526, %select_n3A_2553 : vector<512x128xf32>
        %and3A_2557 = arith.andi %xor3A_2555, %ge3A_2556 : vector<512x128xi1>
        %not3A_2558 = arith.constant dense<true> : vector<512x128xi1>
        %not3A_2559 = arith.xori %xor3A_2555, %not3A_2558 : vector<512x128xi1>
        %le3A_2560 = arith.cmpf ole, %select_n3A_2526, %select_n3A_2553 : vector<512x128xf32>
        %and3A_2561 = arith.andi %not3A_2559, %le3A_2560 : vector<512x128xi1>
        %or3A_2562 = arith.ori %and3A_2557, %and3A_2561 : vector<512x128xi1>
        %select_n3A_2563 = arith.select %or3A_2562, %select_n3A_2526, %select_n3A_2553 : vector<512x128xi1>, vector<512x128xf32>
        %select_n3A_2564 = arith.select %or3A_2562, %select_n3A_2527, %select_n3A_2554 : vector<512x128xi1>, vector<512x128xi32>
        %slice3A_2565 = vector.extract_strided_slice %select_n3A_2563 {offsets = [0, 8], sizes = [512, 120], strides = [1, 1]} : vector<512x128xf32> to vector<512x120xf32>
        %slice3A_2566 = vector.extract_strided_slice %select_n3A_2563 {offsets = [0, 0], sizes = [512, 8], strides = [1, 1]} : vector<512x128xf32> to vector<512x8xf32>
        %concatenate3A_2567 = tpu.concatenate %slice3A_2565, %slice3A_2566 in 1 : vector<512x120xf32>, vector<512x8xf32> -> vector<512x128xf32>
        %slice3A_2568 = vector.extract_strided_slice %select_n3A_2563 {offsets = [0, 120], sizes = [512, 8], strides = [1, 1]} : vector<512x128xf32> to vector<512x8xf32>
        %slice3A_2569 = vector.extract_strided_slice %select_n3A_2563 {offsets = [0, 0], sizes = [512, 120], strides = [1, 1]} : vector<512x128xf32> to vector<512x120xf32>
        %concatenate3A_2570 = tpu.concatenate %slice3A_2568, %slice3A_2569 in 1 : vector<512x8xf32>, vector<512x120xf32> -> vector<512x128xf32>
        %slice3A_2571 = vector.extract_strided_slice %select_n3A_2564 {offsets = [0, 8], sizes = [512, 120], strides = [1, 1]} : vector<512x128xi32> to vector<512x120xi32>
        %slice3A_2572 = vector.extract_strided_slice %select_n3A_2564 {offsets = [0, 0], sizes = [512, 8], strides = [1, 1]} : vector<512x128xi32> to vector<512x8xi32>
        %concatenate3A_2573 = tpu.concatenate %slice3A_2571, %slice3A_2572 in 1 : vector<512x120xi32>, vector<512x8xi32> -> vector<512x128xi32>
        %slice3A_2574 = vector.extract_strided_slice %select_n3A_2564 {offsets = [0, 120], sizes = [512, 8], strides = [1, 1]} : vector<512x128xi32> to vector<512x8xi32>
        %slice3A_2575 = vector.extract_strided_slice %select_n3A_2564 {offsets = [0, 0], sizes = [512, 120], strides = [1, 1]} : vector<512x128xi32> to vector<512x120xi32>
        %concatenate3A_2576 = tpu.concatenate %slice3A_2574, %slice3A_2575 in 1 : vector<512x8xi32>, vector<512x120xi32> -> vector<512x128xi32>
        %iota3A_2577 = tpu.iota {dimensions = array<i32: 1>} : vector<512x128xi32>
        %and3A_2578 = arith.constant 8 : i32
        %and3A_2579 = vector.broadcast %and3A_2578 : i32 to vector<512x128xi32>
        %and3A_2580 = arith.andi %iota3A_2577, %and3A_2579 : vector<512x128xi32>
        %ne3A_2581 = arith.constant 0 : i32
        %ne3A_2582 = vector.broadcast %ne3A_2581 : i32 to vector<512x128xi32>
        %ne3A_2583 = arith.cmpi ne, %and3A_2580, %ne3A_2582 : vector<512x128xi32>
        %select_n3A_2584 = arith.select %ne3A_2583, %concatenate3A_2570, %concatenate3A_2567 : vector<512x128xi1>, vector<512x128xf32>
        %select_n3A_2585 = arith.select %ne3A_2583, %concatenate3A_2576, %concatenate3A_2573 : vector<512x128xi1>, vector<512x128xi32>
        %xor3A_2586 = arith.xori %eq3A_2533, %ne3A_2583 : vector<512x128xi1>
        %ge3A_2587 = arith.cmpf oge, %select_n3A_2563, %select_n3A_2584 : vector<512x128xf32>
        %and3A_2588 = arith.andi %xor3A_2586, %ge3A_2587 : vector<512x128xi1>
        %not3A_2589 = arith.constant dense<true> : vector<512x128xi1>
        %not3A_2590 = arith.xori %xor3A_2586, %not3A_2589 : vector<512x128xi1>
        %le3A_2591 = arith.cmpf ole, %select_n3A_2563, %select_n3A_2584 : vector<512x128xf32>
        %and3A_2592 = arith.andi %not3A_2590, %le3A_2591 : vector<512x128xi1>
        %or3A_2593 = arith.ori %and3A_2588, %and3A_2592 : vector<512x128xi1>
        %select_n3A_2594 = arith.select %or3A_2593, %select_n3A_2563, %select_n3A_2584 : vector<512x128xi1>, vector<512x128xf32>
        %select_n3A_2595 = arith.select %or3A_2593, %select_n3A_2564, %select_n3A_2585 : vector<512x128xi1>, vector<512x128xi32>
        %slice3A_2596 = vector.extract_strided_slice %select_n3A_2594 {offsets = [0, 4], sizes = [512, 124], strides = [1, 1]} : vector<512x128xf32> to vector<512x124xf32>
        %slice3A_2597 = vector.extract_strided_slice %select_n3A_2594 {offsets = [0, 0], sizes = [512, 4], strides = [1, 1]} : vector<512x128xf32> to vector<512x4xf32>
        %concatenate3A_2598 = tpu.concatenate %slice3A_2596, %slice3A_2597 in 1 : vector<512x124xf32>, vector<512x4xf32> -> vector<512x128xf32>
        %slice3A_2599 = vector.extract_strided_slice %select_n3A_2594 {offsets = [0, 124], sizes = [512, 4], strides = [1, 1]} : vector<512x128xf32> to vector<512x4xf32>
        %slice3A_2600 = vector.extract_strided_slice %select_n3A_2594 {offsets = [0, 0], sizes = [512, 124], strides = [1, 1]} : vector<512x128xf32> to vector<512x124xf32>
        %concatenate3A_2601 = tpu.concatenate %slice3A_2599, %slice3A_2600 in 1 : vector<512x4xf32>, vector<512x124xf32> -> vector<512x128xf32>
        %slice3A_2602 = vector.extract_strided_slice %select_n3A_2595 {offsets = [0, 4], sizes = [512, 124], strides = [1, 1]} : vector<512x128xi32> to vector<512x124xi32>
        %slice3A_2603 = vector.extract_strided_slice %select_n3A_2595 {offsets = [0, 0], sizes = [512, 4], strides = [1, 1]} : vector<512x128xi32> to vector<512x4xi32>
        %concatenate3A_2604 = tpu.concatenate %slice3A_2602, %slice3A_2603 in 1 : vector<512x124xi32>, vector<512x4xi32> -> vector<512x128xi32>
        %slice3A_2605 = vector.extract_strided_slice %select_n3A_2595 {offsets = [0, 124], sizes = [512, 4], strides = [1, 1]} : vector<512x128xi32> to vector<512x4xi32>
        %slice3A_2606 = vector.extract_strided_slice %select_n3A_2595 {offsets = [0, 0], sizes = [512, 124], strides = [1, 1]} : vector<512x128xi32> to vector<512x124xi32>
        %concatenate3A_2607 = tpu.concatenate %slice3A_2605, %slice3A_2606 in 1 : vector<512x4xi32>, vector<512x124xi32> -> vector<512x128xi32>
        %iota3A_2608 = tpu.iota {dimensions = array<i32: 1>} : vector<512x128xi32>
        %and3A_2609 = arith.constant 4 : i32
        %and3A_2610 = vector.broadcast %and3A_2609 : i32 to vector<512x128xi32>
        %and3A_2611 = arith.andi %iota3A_2608, %and3A_2610 : vector<512x128xi32>
        %ne3A_2612 = arith.constant 0 : i32
        %ne3A_2613 = vector.broadcast %ne3A_2612 : i32 to vector<512x128xi32>
        %ne3A_2614 = arith.cmpi ne, %and3A_2611, %ne3A_2613 : vector<512x128xi32>
        %select_n3A_2615 = arith.select %ne3A_2614, %concatenate3A_2601, %concatenate3A_2598 : vector<512x128xi1>, vector<512x128xf32>
        %select_n3A_2616 = arith.select %ne3A_2614, %concatenate3A_2607, %concatenate3A_2604 : vector<512x128xi1>, vector<512x128xi32>
        %xor3A_2617 = arith.xori %eq3A_2533, %ne3A_2614 : vector<512x128xi1>
        %ge3A_2618 = arith.cmpf oge, %select_n3A_2594, %select_n3A_2615 : vector<512x128xf32>
        %and3A_2619 = arith.andi %xor3A_2617, %ge3A_2618 : vector<512x128xi1>
        %not3A_2620 = arith.constant dense<true> : vector<512x128xi1>
        %not3A_2621 = arith.xori %xor3A_2617, %not3A_2620 : vector<512x128xi1>
        %le3A_2622 = arith.cmpf ole, %select_n3A_2594, %select_n3A_2615 : vector<512x128xf32>
        %and3A_2623 = arith.andi %not3A_2621, %le3A_2622 : vector<512x128xi1>
        %or3A_2624 = arith.ori %and3A_2619, %and3A_2623 : vector<512x128xi1>
        %select_n3A_2625 = arith.select %or3A_2624, %select_n3A_2594, %select_n3A_2615 : vector<512x128xi1>, vector<512x128xf32>
        %select_n3A_2626 = arith.select %or3A_2624, %select_n3A_2595, %select_n3A_2616 : vector<512x128xi1>, vector<512x128xi32>
        %slice3A_2627 = vector.extract_strided_slice %select_n3A_2625 {offsets = [0, 2], sizes = [512, 126], strides = [1, 1]} : vector<512x128xf32> to vector<512x126xf32>
        %slice3A_2628 = vector.extract_strided_slice %select_n3A_2625 {offsets = [0, 0], sizes = [512, 2], strides = [1, 1]} : vector<512x128xf32> to vector<512x2xf32>
        %concatenate3A_2629 = tpu.concatenate %slice3A_2627, %slice3A_2628 in 1 : vector<512x126xf32>, vector<512x2xf32> -> vector<512x128xf32>
        %slice3A_2630 = vector.extract_strided_slice %select_n3A_2625 {offsets = [0, 126], sizes = [512, 2], strides = [1, 1]} : vector<512x128xf32> to vector<512x2xf32>
        %slice3A_2631 = vector.extract_strided_slice %select_n3A_2625 {offsets = [0, 0], sizes = [512, 126], strides = [1, 1]} : vector<512x128xf32> to vector<512x126xf32>
        %concatenate3A_2632 = tpu.concatenate %slice3A_2630, %slice3A_2631 in 1 : vector<512x2xf32>, vector<512x126xf32> -> vector<512x128xf32>
        %slice3A_2633 = vector.extract_strided_slice %select_n3A_2626 {offsets = [0, 2], sizes = [512, 126], strides = [1, 1]} : vector<512x128xi32> to vector<512x126xi32>
        %slice3A_2634 = vector.extract_strided_slice %select_n3A_2626 {offsets = [0, 0], sizes = [512, 2], strides = [1, 1]} : vector<512x128xi32> to vector<512x2xi32>
        %concatenate3A_2635 = tpu.concatenate %slice3A_2633, %slice3A_2634 in 1 : vector<512x126xi32>, vector<512x2xi32> -> vector<512x128xi32>
        %slice3A_2636 = vector.extract_strided_slice %select_n3A_2626 {offsets = [0, 126], sizes = [512, 2], strides = [1, 1]} : vector<512x128xi32> to vector<512x2xi32>
        %slice3A_2637 = vector.extract_strided_slice %select_n3A_2626 {offsets = [0, 0], sizes = [512, 126], strides = [1, 1]} : vector<512x128xi32> to vector<512x126xi32>
        %concatenate3A_2638 = tpu.concatenate %slice3A_2636, %slice3A_2637 in 1 : vector<512x2xi32>, vector<512x126xi32> -> vector<512x128xi32>
        %iota3A_2639 = tpu.iota {dimensions = array<i32: 1>} : vector<512x128xi32>
        %and3A_2640 = arith.constant 2 : i32
        %and3A_2641 = vector.broadcast %and3A_2640 : i32 to vector<512x128xi32>
        %and3A_2642 = arith.andi %iota3A_2639, %and3A_2641 : vector<512x128xi32>
        %ne3A_2643 = arith.constant 0 : i32
        %ne3A_2644 = vector.broadcast %ne3A_2643 : i32 to vector<512x128xi32>
        %ne3A_2645 = arith.cmpi ne, %and3A_2642, %ne3A_2644 : vector<512x128xi32>
        %select_n3A_2646 = arith.select %ne3A_2645, %concatenate3A_2632, %concatenate3A_2629 : vector<512x128xi1>, vector<512x128xf32>
        %select_n3A_2647 = arith.select %ne3A_2645, %concatenate3A_2638, %concatenate3A_2635 : vector<512x128xi1>, vector<512x128xi32>
        %xor3A_2648 = arith.xori %eq3A_2533, %ne3A_2645 : vector<512x128xi1>
        %ge3A_2649 = arith.cmpf oge, %select_n3A_2625, %select_n3A_2646 : vector<512x128xf32>
        %and3A_2650 = arith.andi %xor3A_2648, %ge3A_2649 : vector<512x128xi1>
        %not3A_2651 = arith.constant dense<true> : vector<512x128xi1>
        %not3A_2652 = arith.xori %xor3A_2648, %not3A_2651 : vector<512x128xi1>
        %le3A_2653 = arith.cmpf ole, %select_n3A_2625, %select_n3A_2646 : vector<512x128xf32>
        %and3A_2654 = arith.andi %not3A_2652, %le3A_2653 : vector<512x128xi1>
        %or3A_2655 = arith.ori %and3A_2650, %and3A_2654 : vector<512x128xi1>
        %select_n3A_2656 = arith.select %or3A_2655, %select_n3A_2625, %select_n3A_2646 : vector<512x128xi1>, vector<512x128xf32>
        %select_n3A_2657 = arith.select %or3A_2655, %select_n3A_2626, %select_n3A_2647 : vector<512x128xi1>, vector<512x128xi32>
        %slice3A_2658 = vector.extract_strided_slice %select_n3A_2656 {offsets = [0, 1], sizes = [512, 127], strides = [1, 1]} : vector<512x128xf32> to vector<512x127xf32>
        %slice3A_2659 = vector.extract_strided_slice %select_n3A_2656 {offsets = [0, 0], sizes = [512, 1], strides = [1, 1]} : vector<512x128xf32> to vector<512x1xf32>
        %concatenate3A_2660 = tpu.concatenate %slice3A_2658, %slice3A_2659 in 1 : vector<512x127xf32>, vector<512x1xf32> -> vector<512x128xf32>
        %slice3A_2661 = vector.extract_strided_slice %select_n3A_2656 {offsets = [0, 127], sizes = [512, 1], strides = [1, 1]} : vector<512x128xf32> to vector<512x1xf32>
        %slice3A_2662 = vector.extract_strided_slice %select_n3A_2656 {offsets = [0, 0], sizes = [512, 127], strides = [1, 1]} : vector<512x128xf32> to vector<512x127xf32>
        %concatenate3A_2663 = tpu.concatenate %slice3A_2661, %slice3A_2662 in 1 : vector<512x1xf32>, vector<512x127xf32> -> vector<512x128xf32>
        %slice3A_2664 = vector.extract_strided_slice %select_n3A_2657 {offsets = [0, 1], sizes = [512, 127], strides = [1, 1]} : vector<512x128xi32> to vector<512x127xi32>
        %slice3A_2665 = vector.extract_strided_slice %select_n3A_2657 {offsets = [0, 0], sizes = [512, 1], strides = [1, 1]} : vector<512x128xi32> to vector<512x1xi32>
        %concatenate3A_2666 = tpu.concatenate %slice3A_2664, %slice3A_2665 in 1 : vector<512x127xi32>, vector<512x1xi32> -> vector<512x128xi32>
        %slice3A_2667 = vector.extract_strided_slice %select_n3A_2657 {offsets = [0, 127], sizes = [512, 1], strides = [1, 1]} : vector<512x128xi32> to vector<512x1xi32>
        %slice3A_2668 = vector.extract_strided_slice %select_n3A_2657 {offsets = [0, 0], sizes = [512, 127], strides = [1, 1]} : vector<512x128xi32> to vector<512x127xi32>
        %concatenate3A_2669 = tpu.concatenate %slice3A_2667, %slice3A_2668 in 1 : vector<512x1xi32>, vector<512x127xi32> -> vector<512x128xi32>
        %iota3A_2670 = tpu.iota {dimensions = array<i32: 1>} : vector<512x128xi32>
        %and3A_2671 = arith.constant 1 : i32
        %and3A_2672 = vector.broadcast %and3A_2671 : i32 to vector<512x128xi32>
        %and3A_2673 = arith.andi %iota3A_2670, %and3A_2672 : vector<512x128xi32>
        %ne3A_2674 = arith.constant 0 : i32
        %ne3A_2675 = vector.broadcast %ne3A_2674 : i32 to vector<512x128xi32>
        %ne3A_2676 = arith.cmpi ne, %and3A_2673, %ne3A_2675 : vector<512x128xi32>
        %select_n3A_2677 = arith.select %ne3A_2676, %concatenate3A_2663, %concatenate3A_2660 : vector<512x128xi1>, vector<512x128xf32>
        %select_n3A_2678 = arith.select %ne3A_2676, %concatenate3A_2669, %concatenate3A_2666 : vector<512x128xi1>, vector<512x128xi32>
        %xor3A_2679 = arith.xori %eq3A_2533, %ne3A_2676 : vector<512x128xi1>
        %ge3A_2680 = arith.cmpf oge, %select_n3A_2656, %select_n3A_2677 : vector<512x128xf32>
        %and3A_2681 = arith.andi %xor3A_2679, %ge3A_2680 : vector<512x128xi1>
        %not3A_2682 = arith.constant dense<true> : vector<512x128xi1>
        %not3A_2683 = arith.xori %xor3A_2679, %not3A_2682 : vector<512x128xi1>
        %le3A_2684 = arith.cmpf ole, %select_n3A_2656, %select_n3A_2677 : vector<512x128xf32>
        %and3A_2685 = arith.andi %not3A_2683, %le3A_2684 : vector<512x128xi1>
        %or3A_2686 = arith.ori %and3A_2681, %and3A_2685 : vector<512x128xi1>
        %select_n3A_2687 = arith.select %or3A_2686, %select_n3A_2656, %select_n3A_2677 : vector<512x128xi1>, vector<512x128xf32>
        %select_n3A_2688 = arith.select %or3A_2686, %select_n3A_2657, %select_n3A_2678 : vector<512x128xi1>, vector<512x128xi32>
        %and3A_2689 = arith.constant 64 : i32
        %and3A_2690 = vector.broadcast %and3A_2689 : i32 to vector<512x128xi32>
        %and3A_2691 = arith.andi %iota3A_2201, %and3A_2690 : vector<512x128xi32>
        %eq3A_2692 = arith.constant 0 : i32
        %eq3A_2693 = vector.broadcast %eq3A_2692 : i32 to vector<512x128xi32>
        %eq3A_2694 = arith.cmpi eq, %and3A_2691, %eq3A_2693 : vector<512x128xi32>
        %slice3A_2695 = vector.extract_strided_slice %select_n3A_2687 {offsets = [0, 32], sizes = [512, 96], strides = [1, 1]} : vector<512x128xf32> to vector<512x96xf32>
        %slice3A_2696 = vector.extract_strided_slice %select_n3A_2687 {offsets = [0, 0], sizes = [512, 32], strides = [1, 1]} : vector<512x128xf32> to vector<512x32xf32>
        %concatenate3A_2697 = tpu.concatenate %slice3A_2695, %slice3A_2696 in 1 : vector<512x96xf32>, vector<512x32xf32> -> vector<512x128xf32>
        %slice3A_2698 = vector.extract_strided_slice %select_n3A_2687 {offsets = [0, 96], sizes = [512, 32], strides = [1, 1]} : vector<512x128xf32> to vector<512x32xf32>
        %slice3A_2699 = vector.extract_strided_slice %select_n3A_2687 {offsets = [0, 0], sizes = [512, 96], strides = [1, 1]} : vector<512x128xf32> to vector<512x96xf32>
        %concatenate3A_2700 = tpu.concatenate %slice3A_2698, %slice3A_2699 in 1 : vector<512x32xf32>, vector<512x96xf32> -> vector<512x128xf32>
        %slice3A_2701 = vector.extract_strided_slice %select_n3A_2688 {offsets = [0, 32], sizes = [512, 96], strides = [1, 1]} : vector<512x128xi32> to vector<512x96xi32>
        %slice3A_2702 = vector.extract_strided_slice %select_n3A_2688 {offsets = [0, 0], sizes = [512, 32], strides = [1, 1]} : vector<512x128xi32> to vector<512x32xi32>
        %concatenate3A_2703 = tpu.concatenate %slice3A_2701, %slice3A_2702 in 1 : vector<512x96xi32>, vector<512x32xi32> -> vector<512x128xi32>
        %slice3A_2704 = vector.extract_strided_slice %select_n3A_2688 {offsets = [0, 96], sizes = [512, 32], strides = [1, 1]} : vector<512x128xi32> to vector<512x32xi32>
        %slice3A_2705 = vector.extract_strided_slice %select_n3A_2688 {offsets = [0, 0], sizes = [512, 96], strides = [1, 1]} : vector<512x128xi32> to vector<512x96xi32>
        %concatenate3A_2706 = tpu.concatenate %slice3A_2704, %slice3A_2705 in 1 : vector<512x32xi32>, vector<512x96xi32> -> vector<512x128xi32>
        %iota3A_2707 = tpu.iota {dimensions = array<i32: 1>} : vector<512x128xi32>
        %and3A_2708 = arith.constant 32 : i32
        %and3A_2709 = vector.broadcast %and3A_2708 : i32 to vector<512x128xi32>
        %and3A_2710 = arith.andi %iota3A_2707, %and3A_2709 : vector<512x128xi32>
        %ne3A_2711 = arith.constant 0 : i32
        %ne3A_2712 = vector.broadcast %ne3A_2711 : i32 to vector<512x128xi32>
        %ne3A_2713 = arith.cmpi ne, %and3A_2710, %ne3A_2712 : vector<512x128xi32>
        %select_n3A_2714 = arith.select %ne3A_2713, %concatenate3A_2700, %concatenate3A_2697 : vector<512x128xi1>, vector<512x128xf32>
        %select_n3A_2715 = arith.select %ne3A_2713, %concatenate3A_2706, %concatenate3A_2703 : vector<512x128xi1>, vector<512x128xi32>
        %xor3A_2716 = arith.xori %eq3A_2694, %ne3A_2713 : vector<512x128xi1>
        %ge3A_2717 = arith.cmpf oge, %select_n3A_2687, %select_n3A_2714 : vector<512x128xf32>
        %and3A_2718 = arith.andi %xor3A_2716, %ge3A_2717 : vector<512x128xi1>
        %not3A_2719 = arith.constant dense<true> : vector<512x128xi1>
        %not3A_2720 = arith.xori %xor3A_2716, %not3A_2719 : vector<512x128xi1>
        %le3A_2721 = arith.cmpf ole, %select_n3A_2687, %select_n3A_2714 : vector<512x128xf32>
        %and3A_2722 = arith.andi %not3A_2720, %le3A_2721 : vector<512x128xi1>
        %or3A_2723 = arith.ori %and3A_2718, %and3A_2722 : vector<512x128xi1>
        %select_n3A_2724 = arith.select %or3A_2723, %select_n3A_2687, %select_n3A_2714 : vector<512x128xi1>, vector<512x128xf32>
        %select_n3A_2725 = arith.select %or3A_2723, %select_n3A_2688, %select_n3A_2715 : vector<512x128xi1>, vector<512x128xi32>
        %slice3A_2726 = vector.extract_strided_slice %select_n3A_2724 {offsets = [0, 16], sizes = [512, 112], strides = [1, 1]} : vector<512x128xf32> to vector<512x112xf32>
        %slice3A_2727 = vector.extract_strided_slice %select_n3A_2724 {offsets = [0, 0], sizes = [512, 16], strides = [1, 1]} : vector<512x128xf32> to vector<512x16xf32>
        %concatenate3A_2728 = tpu.concatenate %slice3A_2726, %slice3A_2727 in 1 : vector<512x112xf32>, vector<512x16xf32> -> vector<512x128xf32>
        %slice3A_2729 = vector.extract_strided_slice %select_n3A_2724 {offsets = [0, 112], sizes = [512, 16], strides = [1, 1]} : vector<512x128xf32> to vector<512x16xf32>
        %slice3A_2730 = vector.extract_strided_slice %select_n3A_2724 {offsets = [0, 0], sizes = [512, 112], strides = [1, 1]} : vector<512x128xf32> to vector<512x112xf32>
        %concatenate3A_2731 = tpu.concatenate %slice3A_2729, %slice3A_2730 in 1 : vector<512x16xf32>, vector<512x112xf32> -> vector<512x128xf32>
        %slice3A_2732 = vector.extract_strided_slice %select_n3A_2725 {offsets = [0, 16], sizes = [512, 112], strides = [1, 1]} : vector<512x128xi32> to vector<512x112xi32>
        %slice3A_2733 = vector.extract_strided_slice %select_n3A_2725 {offsets = [0, 0], sizes = [512, 16], strides = [1, 1]} : vector<512x128xi32> to vector<512x16xi32>
        %concatenate3A_2734 = tpu.concatenate %slice3A_2732, %slice3A_2733 in 1 : vector<512x112xi32>, vector<512x16xi32> -> vector<512x128xi32>
        %slice3A_2735 = vector.extract_strided_slice %select_n3A_2725 {offsets = [0, 112], sizes = [512, 16], strides = [1, 1]} : vector<512x128xi32> to vector<512x16xi32>
        %slice3A_2736 = vector.extract_strided_slice %select_n3A_2725 {offsets = [0, 0], sizes = [512, 112], strides = [1, 1]} : vector<512x128xi32> to vector<512x112xi32>
        %concatenate3A_2737 = tpu.concatenate %slice3A_2735, %slice3A_2736 in 1 : vector<512x16xi32>, vector<512x112xi32> -> vector<512x128xi32>
        %iota3A_2738 = tpu.iota {dimensions = array<i32: 1>} : vector<512x128xi32>
        %and3A_2739 = arith.constant 16 : i32
        %and3A_2740 = vector.broadcast %and3A_2739 : i32 to vector<512x128xi32>
        %and3A_2741 = arith.andi %iota3A_2738, %and3A_2740 : vector<512x128xi32>
        %ne3A_2742 = arith.constant 0 : i32
        %ne3A_2743 = vector.broadcast %ne3A_2742 : i32 to vector<512x128xi32>
        %ne3A_2744 = arith.cmpi ne, %and3A_2741, %ne3A_2743 : vector<512x128xi32>
        %select_n3A_2745 = arith.select %ne3A_2744, %concatenate3A_2731, %concatenate3A_2728 : vector<512x128xi1>, vector<512x128xf32>
        %select_n3A_2746 = arith.select %ne3A_2744, %concatenate3A_2737, %concatenate3A_2734 : vector<512x128xi1>, vector<512x128xi32>
        %xor3A_2747 = arith.xori %eq3A_2694, %ne3A_2744 : vector<512x128xi1>
        %ge3A_2748 = arith.cmpf oge, %select_n3A_2724, %select_n3A_2745 : vector<512x128xf32>
        %and3A_2749 = arith.andi %xor3A_2747, %ge3A_2748 : vector<512x128xi1>
        %not3A_2750 = arith.constant dense<true> : vector<512x128xi1>
        %not3A_2751 = arith.xori %xor3A_2747, %not3A_2750 : vector<512x128xi1>
        %le3A_2752 = arith.cmpf ole, %select_n3A_2724, %select_n3A_2745 : vector<512x128xf32>
        %and3A_2753 = arith.andi %not3A_2751, %le3A_2752 : vector<512x128xi1>
        %or3A_2754 = arith.ori %and3A_2749, %and3A_2753 : vector<512x128xi1>
        %select_n3A_2755 = arith.select %or3A_2754, %select_n3A_2724, %select_n3A_2745 : vector<512x128xi1>, vector<512x128xf32>
        %select_n3A_2756 = arith.select %or3A_2754, %select_n3A_2725, %select_n3A_2746 : vector<512x128xi1>, vector<512x128xi32>
        %slice3A_2757 = vector.extract_strided_slice %select_n3A_2755 {offsets = [0, 8], sizes = [512, 120], strides = [1, 1]} : vector<512x128xf32> to vector<512x120xf32>
        %slice3A_2758 = vector.extract_strided_slice %select_n3A_2755 {offsets = [0, 0], sizes = [512, 8], strides = [1, 1]} : vector<512x128xf32> to vector<512x8xf32>
        %concatenate3A_2759 = tpu.concatenate %slice3A_2757, %slice3A_2758 in 1 : vector<512x120xf32>, vector<512x8xf32> -> vector<512x128xf32>
        %slice3A_2760 = vector.extract_strided_slice %select_n3A_2755 {offsets = [0, 120], sizes = [512, 8], strides = [1, 1]} : vector<512x128xf32> to vector<512x8xf32>
        %slice3A_2761 = vector.extract_strided_slice %select_n3A_2755 {offsets = [0, 0], sizes = [512, 120], strides = [1, 1]} : vector<512x128xf32> to vector<512x120xf32>
        %concatenate3A_2762 = tpu.concatenate %slice3A_2760, %slice3A_2761 in 1 : vector<512x8xf32>, vector<512x120xf32> -> vector<512x128xf32>
        %slice3A_2763 = vector.extract_strided_slice %select_n3A_2756 {offsets = [0, 8], sizes = [512, 120], strides = [1, 1]} : vector<512x128xi32> to vector<512x120xi32>
        %slice3A_2764 = vector.extract_strided_slice %select_n3A_2756 {offsets = [0, 0], sizes = [512, 8], strides = [1, 1]} : vector<512x128xi32> to vector<512x8xi32>
        %concatenate3A_2765 = tpu.concatenate %slice3A_2763, %slice3A_2764 in 1 : vector<512x120xi32>, vector<512x8xi32> -> vector<512x128xi32>
        %slice3A_2766 = vector.extract_strided_slice %select_n3A_2756 {offsets = [0, 120], sizes = [512, 8], strides = [1, 1]} : vector<512x128xi32> to vector<512x8xi32>
        %slice3A_2767 = vector.extract_strided_slice %select_n3A_2756 {offsets = [0, 0], sizes = [512, 120], strides = [1, 1]} : vector<512x128xi32> to vector<512x120xi32>
        %concatenate3A_2768 = tpu.concatenate %slice3A_2766, %slice3A_2767 in 1 : vector<512x8xi32>, vector<512x120xi32> -> vector<512x128xi32>
        %iota3A_2769 = tpu.iota {dimensions = array<i32: 1>} : vector<512x128xi32>
        %and3A_2770 = arith.constant 8 : i32
        %and3A_2771 = vector.broadcast %and3A_2770 : i32 to vector<512x128xi32>
        %and3A_2772 = arith.andi %iota3A_2769, %and3A_2771 : vector<512x128xi32>
        %ne3A_2773 = arith.constant 0 : i32
        %ne3A_2774 = vector.broadcast %ne3A_2773 : i32 to vector<512x128xi32>
        %ne3A_2775 = arith.cmpi ne, %and3A_2772, %ne3A_2774 : vector<512x128xi32>
        %select_n3A_2776 = arith.select %ne3A_2775, %concatenate3A_2762, %concatenate3A_2759 : vector<512x128xi1>, vector<512x128xf32>
        %select_n3A_2777 = arith.select %ne3A_2775, %concatenate3A_2768, %concatenate3A_2765 : vector<512x128xi1>, vector<512x128xi32>
        %xor3A_2778 = arith.xori %eq3A_2694, %ne3A_2775 : vector<512x128xi1>
        %ge3A_2779 = arith.cmpf oge, %select_n3A_2755, %select_n3A_2776 : vector<512x128xf32>
        %and3A_2780 = arith.andi %xor3A_2778, %ge3A_2779 : vector<512x128xi1>
        %not3A_2781 = arith.constant dense<true> : vector<512x128xi1>
        %not3A_2782 = arith.xori %xor3A_2778, %not3A_2781 : vector<512x128xi1>
        %le3A_2783 = arith.cmpf ole, %select_n3A_2755, %select_n3A_2776 : vector<512x128xf32>
        %and3A_2784 = arith.andi %not3A_2782, %le3A_2783 : vector<512x128xi1>
        %or3A_2785 = arith.ori %and3A_2780, %and3A_2784 : vector<512x128xi1>
        %select_n3A_2786 = arith.select %or3A_2785, %select_n3A_2755, %select_n3A_2776 : vector<512x128xi1>, vector<512x128xf32>
        %select_n3A_2787 = arith.select %or3A_2785, %select_n3A_2756, %select_n3A_2777 : vector<512x128xi1>, vector<512x128xi32>
        %slice3A_2788 = vector.extract_strided_slice %select_n3A_2786 {offsets = [0, 4], sizes = [512, 124], strides = [1, 1]} : vector<512x128xf32> to vector<512x124xf32>
        %slice3A_2789 = vector.extract_strided_slice %select_n3A_2786 {offsets = [0, 0], sizes = [512, 4], strides = [1, 1]} : vector<512x128xf32> to vector<512x4xf32>
        %concatenate3A_2790 = tpu.concatenate %slice3A_2788, %slice3A_2789 in 1 : vector<512x124xf32>, vector<512x4xf32> -> vector<512x128xf32>
        %slice3A_2791 = vector.extract_strided_slice %select_n3A_2786 {offsets = [0, 124], sizes = [512, 4], strides = [1, 1]} : vector<512x128xf32> to vector<512x4xf32>
        %slice3A_2792 = vector.extract_strided_slice %select_n3A_2786 {offsets = [0, 0], sizes = [512, 124], strides = [1, 1]} : vector<512x128xf32> to vector<512x124xf32>
        %concatenate3A_2793 = tpu.concatenate %slice3A_2791, %slice3A_2792 in 1 : vector<512x4xf32>, vector<512x124xf32> -> vector<512x128xf32>
        %slice3A_2794 = vector.extract_strided_slice %select_n3A_2787 {offsets = [0, 4], sizes = [512, 124], strides = [1, 1]} : vector<512x128xi32> to vector<512x124xi32>
        %slice3A_2795 = vector.extract_strided_slice %select_n3A_2787 {offsets = [0, 0], sizes = [512, 4], strides = [1, 1]} : vector<512x128xi32> to vector<512x4xi32>
        %concatenate3A_2796 = tpu.concatenate %slice3A_2794, %slice3A_2795 in 1 : vector<512x124xi32>, vector<512x4xi32> -> vector<512x128xi32>
        %slice3A_2797 = vector.extract_strided_slice %select_n3A_2787 {offsets = [0, 124], sizes = [512, 4], strides = [1, 1]} : vector<512x128xi32> to vector<512x4xi32>
        %slice3A_2798 = vector.extract_strided_slice %select_n3A_2787 {offsets = [0, 0], sizes = [512, 124], strides = [1, 1]} : vector<512x128xi32> to vector<512x124xi32>
        %concatenate3A_2799 = tpu.concatenate %slice3A_2797, %slice3A_2798 in 1 : vector<512x4xi32>, vector<512x124xi32> -> vector<512x128xi32>
        %iota3A_2800 = tpu.iota {dimensions = array<i32: 1>} : vector<512x128xi32>
        %and3A_2801 = arith.constant 4 : i32
        %and3A_2802 = vector.broadcast %and3A_2801 : i32 to vector<512x128xi32>
        %and3A_2803 = arith.andi %iota3A_2800, %and3A_2802 : vector<512x128xi32>
        %ne3A_2804 = arith.constant 0 : i32
        %ne3A_2805 = vector.broadcast %ne3A_2804 : i32 to vector<512x128xi32>
        %ne3A_2806 = arith.cmpi ne, %and3A_2803, %ne3A_2805 : vector<512x128xi32>
        %select_n3A_2807 = arith.select %ne3A_2806, %concatenate3A_2793, %concatenate3A_2790 : vector<512x128xi1>, vector<512x128xf32>
        %select_n3A_2808 = arith.select %ne3A_2806, %concatenate3A_2799, %concatenate3A_2796 : vector<512x128xi1>, vector<512x128xi32>
        %xor3A_2809 = arith.xori %eq3A_2694, %ne3A_2806 : vector<512x128xi1>
        %ge3A_2810 = arith.cmpf oge, %select_n3A_2786, %select_n3A_2807 : vector<512x128xf32>
        %and3A_2811 = arith.andi %xor3A_2809, %ge3A_2810 : vector<512x128xi1>
        %not3A_2812 = arith.constant dense<true> : vector<512x128xi1>
        %not3A_2813 = arith.xori %xor3A_2809, %not3A_2812 : vector<512x128xi1>
        %le3A_2814 = arith.cmpf ole, %select_n3A_2786, %select_n3A_2807 : vector<512x128xf32>
        %and3A_2815 = arith.andi %not3A_2813, %le3A_2814 : vector<512x128xi1>
        %or3A_2816 = arith.ori %and3A_2811, %and3A_2815 : vector<512x128xi1>
        %select_n3A_2817 = arith.select %or3A_2816, %select_n3A_2786, %select_n3A_2807 : vector<512x128xi1>, vector<512x128xf32>
        %select_n3A_2818 = arith.select %or3A_2816, %select_n3A_2787, %select_n3A_2808 : vector<512x128xi1>, vector<512x128xi32>
        %slice3A_2819 = vector.extract_strided_slice %select_n3A_2817 {offsets = [0, 2], sizes = [512, 126], strides = [1, 1]} : vector<512x128xf32> to vector<512x126xf32>
        %slice3A_2820 = vector.extract_strided_slice %select_n3A_2817 {offsets = [0, 0], sizes = [512, 2], strides = [1, 1]} : vector<512x128xf32> to vector<512x2xf32>
        %concatenate3A_2821 = tpu.concatenate %slice3A_2819, %slice3A_2820 in 1 : vector<512x126xf32>, vector<512x2xf32> -> vector<512x128xf32>
        %slice3A_2822 = vector.extract_strided_slice %select_n3A_2817 {offsets = [0, 126], sizes = [512, 2], strides = [1, 1]} : vector<512x128xf32> to vector<512x2xf32>
        %slice3A_2823 = vector.extract_strided_slice %select_n3A_2817 {offsets = [0, 0], sizes = [512, 126], strides = [1, 1]} : vector<512x128xf32> to vector<512x126xf32>
        %concatenate3A_2824 = tpu.concatenate %slice3A_2822, %slice3A_2823 in 1 : vector<512x2xf32>, vector<512x126xf32> -> vector<512x128xf32>
        %slice3A_2825 = vector.extract_strided_slice %select_n3A_2818 {offsets = [0, 2], sizes = [512, 126], strides = [1, 1]} : vector<512x128xi32> to vector<512x126xi32>
        %slice3A_2826 = vector.extract_strided_slice %select_n3A_2818 {offsets = [0, 0], sizes = [512, 2], strides = [1, 1]} : vector<512x128xi32> to vector<512x2xi32>
        %concatenate3A_2827 = tpu.concatenate %slice3A_2825, %slice3A_2826 in 1 : vector<512x126xi32>, vector<512x2xi32> -> vector<512x128xi32>
        %slice3A_2828 = vector.extract_strided_slice %select_n3A_2818 {offsets = [0, 126], sizes = [512, 2], strides = [1, 1]} : vector<512x128xi32> to vector<512x2xi32>
        %slice3A_2829 = vector.extract_strided_slice %select_n3A_2818 {offsets = [0, 0], sizes = [512, 126], strides = [1, 1]} : vector<512x128xi32> to vector<512x126xi32>
        %concatenate3A_2830 = tpu.concatenate %slice3A_2828, %slice3A_2829 in 1 : vector<512x2xi32>, vector<512x126xi32> -> vector<512x128xi32>
        %iota3A_2831 = tpu.iota {dimensions = array<i32: 1>} : vector<512x128xi32>
        %and3A_2832 = arith.constant 2 : i32
        %and3A_2833 = vector.broadcast %and3A_2832 : i32 to vector<512x128xi32>
        %and3A_2834 = arith.andi %iota3A_2831, %and3A_2833 : vector<512x128xi32>
        %ne3A_2835 = arith.constant 0 : i32
        %ne3A_2836 = vector.broadcast %ne3A_2835 : i32 to vector<512x128xi32>
        %ne3A_2837 = arith.cmpi ne, %and3A_2834, %ne3A_2836 : vector<512x128xi32>
        %select_n3A_2838 = arith.select %ne3A_2837, %concatenate3A_2824, %concatenate3A_2821 : vector<512x128xi1>, vector<512x128xf32>
        %select_n3A_2839 = arith.select %ne3A_2837, %concatenate3A_2830, %concatenate3A_2827 : vector<512x128xi1>, vector<512x128xi32>
        %xor3A_2840 = arith.xori %eq3A_2694, %ne3A_2837 : vector<512x128xi1>
        %ge3A_2841 = arith.cmpf oge, %select_n3A_2817, %select_n3A_2838 : vector<512x128xf32>
        %and3A_2842 = arith.andi %xor3A_2840, %ge3A_2841 : vector<512x128xi1>
        %not3A_2843 = arith.constant dense<true> : vector<512x128xi1>
        %not3A_2844 = arith.xori %xor3A_2840, %not3A_2843 : vector<512x128xi1>
        %le3A_2845 = arith.cmpf ole, %select_n3A_2817, %select_n3A_2838 : vector<512x128xf32>
        %and3A_2846 = arith.andi %not3A_2844, %le3A_2845 : vector<512x128xi1>
        %or3A_2847 = arith.ori %and3A_2842, %and3A_2846 : vector<512x128xi1>
        %select_n3A_2848 = arith.select %or3A_2847, %select_n3A_2817, %select_n3A_2838 : vector<512x128xi1>, vector<512x128xf32>
        %select_n3A_2849 = arith.select %or3A_2847, %select_n3A_2818, %select_n3A_2839 : vector<512x128xi1>, vector<512x128xi32>
        %slice3A_2850 = vector.extract_strided_slice %select_n3A_2848 {offsets = [0, 1], sizes = [512, 127], strides = [1, 1]} : vector<512x128xf32> to vector<512x127xf32>
        %slice3A_2851 = vector.extract_strided_slice %select_n3A_2848 {offsets = [0, 0], sizes = [512, 1], strides = [1, 1]} : vector<512x128xf32> to vector<512x1xf32>
        %concatenate3A_2852 = tpu.concatenate %slice3A_2850, %slice3A_2851 in 1 : vector<512x127xf32>, vector<512x1xf32> -> vector<512x128xf32>
        %slice3A_2853 = vector.extract_strided_slice %select_n3A_2848 {offsets = [0, 127], sizes = [512, 1], strides = [1, 1]} : vector<512x128xf32> to vector<512x1xf32>
        %slice3A_2854 = vector.extract_strided_slice %select_n3A_2848 {offsets = [0, 0], sizes = [512, 127], strides = [1, 1]} : vector<512x128xf32> to vector<512x127xf32>
        %concatenate3A_2855 = tpu.concatenate %slice3A_2853, %slice3A_2854 in 1 : vector<512x1xf32>, vector<512x127xf32> -> vector<512x128xf32>
        %slice3A_2856 = vector.extract_strided_slice %select_n3A_2849 {offsets = [0, 1], sizes = [512, 127], strides = [1, 1]} : vector<512x128xi32> to vector<512x127xi32>
        %slice3A_2857 = vector.extract_strided_slice %select_n3A_2849 {offsets = [0, 0], sizes = [512, 1], strides = [1, 1]} : vector<512x128xi32> to vector<512x1xi32>
        %concatenate3A_2858 = tpu.concatenate %slice3A_2856, %slice3A_2857 in 1 : vector<512x127xi32>, vector<512x1xi32> -> vector<512x128xi32>
        %slice3A_2859 = vector.extract_strided_slice %select_n3A_2849 {offsets = [0, 127], sizes = [512, 1], strides = [1, 1]} : vector<512x128xi32> to vector<512x1xi32>
        %slice3A_2860 = vector.extract_strided_slice %select_n3A_2849 {offsets = [0, 0], sizes = [512, 127], strides = [1, 1]} : vector<512x128xi32> to vector<512x127xi32>
        %concatenate3A_2861 = tpu.concatenate %slice3A_2859, %slice3A_2860 in 1 : vector<512x1xi32>, vector<512x127xi32> -> vector<512x128xi32>
        %iota3A_2862 = tpu.iota {dimensions = array<i32: 1>} : vector<512x128xi32>
        %and3A_2863 = arith.constant 1 : i32
        %and3A_2864 = vector.broadcast %and3A_2863 : i32 to vector<512x128xi32>
        %and3A_2865 = arith.andi %iota3A_2862, %and3A_2864 : vector<512x128xi32>
        %ne3A_2866 = arith.constant 0 : i32
        %ne3A_2867 = vector.broadcast %ne3A_2866 : i32 to vector<512x128xi32>
        %ne3A_2868 = arith.cmpi ne, %and3A_2865, %ne3A_2867 : vector<512x128xi32>
        %select_n3A_2869 = arith.select %ne3A_2868, %concatenate3A_2855, %concatenate3A_2852 : vector<512x128xi1>, vector<512x128xf32>
        %select_n3A_2870 = arith.select %ne3A_2868, %concatenate3A_2861, %concatenate3A_2858 : vector<512x128xi1>, vector<512x128xi32>
        %xor3A_2871 = arith.xori %eq3A_2694, %ne3A_2868 : vector<512x128xi1>
        %ge3A_2872 = arith.cmpf oge, %select_n3A_2848, %select_n3A_2869 : vector<512x128xf32>
        %and3A_2873 = arith.andi %xor3A_2871, %ge3A_2872 : vector<512x128xi1>
        %not3A_2874 = arith.constant dense<true> : vector<512x128xi1>
        %not3A_2875 = arith.xori %xor3A_2871, %not3A_2874 : vector<512x128xi1>
        %le3A_2876 = arith.cmpf ole, %select_n3A_2848, %select_n3A_2869 : vector<512x128xf32>
        %and3A_2877 = arith.andi %not3A_2875, %le3A_2876 : vector<512x128xi1>
        %or3A_2878 = arith.ori %and3A_2873, %and3A_2877 : vector<512x128xi1>
        %select_n3A_2879 = arith.select %or3A_2878, %select_n3A_2848, %select_n3A_2869 : vector<512x128xi1>, vector<512x128xf32>
        %select_n3A_2880 = arith.select %or3A_2878, %select_n3A_2849, %select_n3A_2870 : vector<512x128xi1>, vector<512x128xi32>
        %and3A_2881 = arith.constant 128 : i32
        %and3A_2882 = vector.broadcast %and3A_2881 : i32 to vector<512x128xi32>
        %and3A_2883 = arith.andi %iota3A_2201, %and3A_2882 : vector<512x128xi32>
        %eq3A_2884 = arith.constant 0 : i32
        %eq3A_2885 = vector.broadcast %eq3A_2884 : i32 to vector<512x128xi32>
        %eq3A_2886 = arith.cmpi eq, %and3A_2883, %eq3A_2885 : vector<512x128xi32>
        %slice3A_2887 = vector.extract_strided_slice %select_n3A_2879 {offsets = [0, 64], sizes = [512, 64], strides = [1, 1]} : vector<512x128xf32> to vector<512x64xf32>
        %slice3A_2888 = vector.extract_strided_slice %select_n3A_2879 {offsets = [0, 0], sizes = [512, 64], strides = [1, 1]} : vector<512x128xf32> to vector<512x64xf32>
        %concatenate3A_2889 = tpu.concatenate %slice3A_2887, %slice3A_2888 in 1 : vector<512x64xf32>, vector<512x64xf32> -> vector<512x128xf32>
        %slice3A_2890 = vector.extract_strided_slice %select_n3A_2879 {offsets = [0, 64], sizes = [512, 64], strides = [1, 1]} : vector<512x128xf32> to vector<512x64xf32>
        %slice3A_2891 = vector.extract_strided_slice %select_n3A_2879 {offsets = [0, 0], sizes = [512, 64], strides = [1, 1]} : vector<512x128xf32> to vector<512x64xf32>
        %concatenate3A_2892 = tpu.concatenate %slice3A_2890, %slice3A_2891 in 1 : vector<512x64xf32>, vector<512x64xf32> -> vector<512x128xf32>
        %slice3A_2893 = vector.extract_strided_slice %select_n3A_2880 {offsets = [0, 64], sizes = [512, 64], strides = [1, 1]} : vector<512x128xi32> to vector<512x64xi32>
        %slice3A_2894 = vector.extract_strided_slice %select_n3A_2880 {offsets = [0, 0], sizes = [512, 64], strides = [1, 1]} : vector<512x128xi32> to vector<512x64xi32>
        %concatenate3A_2895 = tpu.concatenate %slice3A_2893, %slice3A_2894 in 1 : vector<512x64xi32>, vector<512x64xi32> -> vector<512x128xi32>
        %slice3A_2896 = vector.extract_strided_slice %select_n3A_2880 {offsets = [0, 64], sizes = [512, 64], strides = [1, 1]} : vector<512x128xi32> to vector<512x64xi32>
        %slice3A_2897 = vector.extract_strided_slice %select_n3A_2880 {offsets = [0, 0], sizes = [512, 64], strides = [1, 1]} : vector<512x128xi32> to vector<512x64xi32>
        %concatenate3A_2898 = tpu.concatenate %slice3A_2896, %slice3A_2897 in 1 : vector<512x64xi32>, vector<512x64xi32> -> vector<512x128xi32>
        %iota3A_2899 = tpu.iota {dimensions = array<i32: 1>} : vector<512x128xi32>
        %and3A_2900 = arith.constant 64 : i32
        %and3A_2901 = vector.broadcast %and3A_2900 : i32 to vector<512x128xi32>
        %and3A_2902 = arith.andi %iota3A_2899, %and3A_2901 : vector<512x128xi32>
        %ne3A_2903 = arith.constant 0 : i32
        %ne3A_2904 = vector.broadcast %ne3A_2903 : i32 to vector<512x128xi32>
        %ne3A_2905 = arith.cmpi ne, %and3A_2902, %ne3A_2904 : vector<512x128xi32>
        %select_n3A_2906 = arith.select %ne3A_2905, %concatenate3A_2892, %concatenate3A_2889 : vector<512x128xi1>, vector<512x128xf32>
        %select_n3A_2907 = arith.select %ne3A_2905, %concatenate3A_2898, %concatenate3A_2895 : vector<512x128xi1>, vector<512x128xi32>
        %xor3A_2908 = arith.xori %eq3A_2886, %ne3A_2905 : vector<512x128xi1>
        %ge3A_2909 = arith.cmpf oge, %select_n3A_2879, %select_n3A_2906 : vector<512x128xf32>
        %and3A_2910 = arith.andi %xor3A_2908, %ge3A_2909 : vector<512x128xi1>
        %not3A_2911 = arith.constant dense<true> : vector<512x128xi1>
        %not3A_2912 = arith.xori %xor3A_2908, %not3A_2911 : vector<512x128xi1>
        %le3A_2913 = arith.cmpf ole, %select_n3A_2879, %select_n3A_2906 : vector<512x128xf32>
        %and3A_2914 = arith.andi %not3A_2912, %le3A_2913 : vector<512x128xi1>
        %or3A_2915 = arith.ori %and3A_2910, %and3A_2914 : vector<512x128xi1>
        %select_n3A_2916 = arith.select %or3A_2915, %select_n3A_2879, %select_n3A_2906 : vector<512x128xi1>, vector<512x128xf32>
        %select_n3A_2917 = arith.select %or3A_2915, %select_n3A_2880, %select_n3A_2907 : vector<512x128xi1>, vector<512x128xi32>
        %slice3A_2918 = vector.extract_strided_slice %select_n3A_2916 {offsets = [0, 32], sizes = [512, 96], strides = [1, 1]} : vector<512x128xf32> to vector<512x96xf32>
        %slice3A_2919 = vector.extract_strided_slice %select_n3A_2916 {offsets = [0, 0], sizes = [512, 32], strides = [1, 1]} : vector<512x128xf32> to vector<512x32xf32>
        %concatenate3A_2920 = tpu.concatenate %slice3A_2918, %slice3A_2919 in 1 : vector<512x96xf32>, vector<512x32xf32> -> vector<512x128xf32>
        %slice3A_2921 = vector.extract_strided_slice %select_n3A_2916 {offsets = [0, 96], sizes = [512, 32], strides = [1, 1]} : vector<512x128xf32> to vector<512x32xf32>
        %slice3A_2922 = vector.extract_strided_slice %select_n3A_2916 {offsets = [0, 0], sizes = [512, 96], strides = [1, 1]} : vector<512x128xf32> to vector<512x96xf32>
        %concatenate3A_2923 = tpu.concatenate %slice3A_2921, %slice3A_2922 in 1 : vector<512x32xf32>, vector<512x96xf32> -> vector<512x128xf32>
        %slice3A_2924 = vector.extract_strided_slice %select_n3A_2917 {offsets = [0, 32], sizes = [512, 96], strides = [1, 1]} : vector<512x128xi32> to vector<512x96xi32>
        %slice3A_2925 = vector.extract_strided_slice %select_n3A_2917 {offsets = [0, 0], sizes = [512, 32], strides = [1, 1]} : vector<512x128xi32> to vector<512x32xi32>
        %concatenate3A_2926 = tpu.concatenate %slice3A_2924, %slice3A_2925 in 1 : vector<512x96xi32>, vector<512x32xi32> -> vector<512x128xi32>
        %slice3A_2927 = vector.extract_strided_slice %select_n3A_2917 {offsets = [0, 96], sizes = [512, 32], strides = [1, 1]} : vector<512x128xi32> to vector<512x32xi32>
        %slice3A_2928 = vector.extract_strided_slice %select_n3A_2917 {offsets = [0, 0], sizes = [512, 96], strides = [1, 1]} : vector<512x128xi32> to vector<512x96xi32>
        %concatenate3A_2929 = tpu.concatenate %slice3A_2927, %slice3A_2928 in 1 : vector<512x32xi32>, vector<512x96xi32> -> vector<512x128xi32>
        %iota3A_2930 = tpu.iota {dimensions = array<i32: 1>} : vector<512x128xi32>
        %and3A_2931 = arith.constant 32 : i32
        %and3A_2932 = vector.broadcast %and3A_2931 : i32 to vector<512x128xi32>
        %and3A_2933 = arith.andi %iota3A_2930, %and3A_2932 : vector<512x128xi32>
        %ne3A_2934 = arith.constant 0 : i32
        %ne3A_2935 = vector.broadcast %ne3A_2934 : i32 to vector<512x128xi32>
        %ne3A_2936 = arith.cmpi ne, %and3A_2933, %ne3A_2935 : vector<512x128xi32>
        %select_n3A_2937 = arith.select %ne3A_2936, %concatenate3A_2923, %concatenate3A_2920 : vector<512x128xi1>, vector<512x128xf32>
        %select_n3A_2938 = arith.select %ne3A_2936, %concatenate3A_2929, %concatenate3A_2926 : vector<512x128xi1>, vector<512x128xi32>
        %xor3A_2939 = arith.xori %eq3A_2886, %ne3A_2936 : vector<512x128xi1>
        %ge3A_2940 = arith.cmpf oge, %select_n3A_2916, %select_n3A_2937 : vector<512x128xf32>
        %and3A_2941 = arith.andi %xor3A_2939, %ge3A_2940 : vector<512x128xi1>
        %not3A_2942 = arith.constant dense<true> : vector<512x128xi1>
        %not3A_2943 = arith.xori %xor3A_2939, %not3A_2942 : vector<512x128xi1>
        %le3A_2944 = arith.cmpf ole, %select_n3A_2916, %select_n3A_2937 : vector<512x128xf32>
        %and3A_2945 = arith.andi %not3A_2943, %le3A_2944 : vector<512x128xi1>
        %or3A_2946 = arith.ori %and3A_2941, %and3A_2945 : vector<512x128xi1>
        %select_n3A_2947 = arith.select %or3A_2946, %select_n3A_2916, %select_n3A_2937 : vector<512x128xi1>, vector<512x128xf32>
        %select_n3A_2948 = arith.select %or3A_2946, %select_n3A_2917, %select_n3A_2938 : vector<512x128xi1>, vector<512x128xi32>
        %slice3A_2949 = vector.extract_strided_slice %select_n3A_2947 {offsets = [0, 16], sizes = [512, 112], strides = [1, 1]} : vector<512x128xf32> to vector<512x112xf32>
        %slice3A_2950 = vector.extract_strided_slice %select_n3A_2947 {offsets = [0, 0], sizes = [512, 16], strides = [1, 1]} : vector<512x128xf32> to vector<512x16xf32>
        %concatenate3A_2951 = tpu.concatenate %slice3A_2949, %slice3A_2950 in 1 : vector<512x112xf32>, vector<512x16xf32> -> vector<512x128xf32>
        %slice3A_2952 = vector.extract_strided_slice %select_n3A_2947 {offsets = [0, 112], sizes = [512, 16], strides = [1, 1]} : vector<512x128xf32> to vector<512x16xf32>
        %slice3A_2953 = vector.extract_strided_slice %select_n3A_2947 {offsets = [0, 0], sizes = [512, 112], strides = [1, 1]} : vector<512x128xf32> to vector<512x112xf32>
        %concatenate3A_2954 = tpu.concatenate %slice3A_2952, %slice3A_2953 in 1 : vector<512x16xf32>, vector<512x112xf32> -> vector<512x128xf32>
        %slice3A_2955 = vector.extract_strided_slice %select_n3A_2948 {offsets = [0, 16], sizes = [512, 112], strides = [1, 1]} : vector<512x128xi32> to vector<512x112xi32>
        %slice3A_2956 = vector.extract_strided_slice %select_n3A_2948 {offsets = [0, 0], sizes = [512, 16], strides = [1, 1]} : vector<512x128xi32> to vector<512x16xi32>
        %concatenate3A_2957 = tpu.concatenate %slice3A_2955, %slice3A_2956 in 1 : vector<512x112xi32>, vector<512x16xi32> -> vector<512x128xi32>
        %slice3A_2958 = vector.extract_strided_slice %select_n3A_2948 {offsets = [0, 112], sizes = [512, 16], strides = [1, 1]} : vector<512x128xi32> to vector<512x16xi32>
        %slice3A_2959 = vector.extract_strided_slice %select_n3A_2948 {offsets = [0, 0], sizes = [512, 112], strides = [1, 1]} : vector<512x128xi32> to vector<512x112xi32>
        %concatenate3A_2960 = tpu.concatenate %slice3A_2958, %slice3A_2959 in 1 : vector<512x16xi32>, vector<512x112xi32> -> vector<512x128xi32>
        %iota3A_2961 = tpu.iota {dimensions = array<i32: 1>} : vector<512x128xi32>
        %and3A_2962 = arith.constant 16 : i32
        %and3A_2963 = vector.broadcast %and3A_2962 : i32 to vector<512x128xi32>
        %and3A_2964 = arith.andi %iota3A_2961, %and3A_2963 : vector<512x128xi32>
        %ne3A_2965 = arith.constant 0 : i32
        %ne3A_2966 = vector.broadcast %ne3A_2965 : i32 to vector<512x128xi32>
        %ne3A_2967 = arith.cmpi ne, %and3A_2964, %ne3A_2966 : vector<512x128xi32>
        %select_n3A_2968 = arith.select %ne3A_2967, %concatenate3A_2954, %concatenate3A_2951 : vector<512x128xi1>, vector<512x128xf32>
        %select_n3A_2969 = arith.select %ne3A_2967, %concatenate3A_2960, %concatenate3A_2957 : vector<512x128xi1>, vector<512x128xi32>
        %xor3A_2970 = arith.xori %eq3A_2886, %ne3A_2967 : vector<512x128xi1>
        %ge3A_2971 = arith.cmpf oge, %select_n3A_2947, %select_n3A_2968 : vector<512x128xf32>
        %and3A_2972 = arith.andi %xor3A_2970, %ge3A_2971 : vector<512x128xi1>
        %not3A_2973 = arith.constant dense<true> : vector<512x128xi1>
        %not3A_2974 = arith.xori %xor3A_2970, %not3A_2973 : vector<512x128xi1>
        %le3A_2975 = arith.cmpf ole, %select_n3A_2947, %select_n3A_2968 : vector<512x128xf32>
        %and3A_2976 = arith.andi %not3A_2974, %le3A_2975 : vector<512x128xi1>
        %or3A_2977 = arith.ori %and3A_2972, %and3A_2976 : vector<512x128xi1>
        %select_n3A_2978 = arith.select %or3A_2977, %select_n3A_2947, %select_n3A_2968 : vector<512x128xi1>, vector<512x128xf32>
        %select_n3A_2979 = arith.select %or3A_2977, %select_n3A_2948, %select_n3A_2969 : vector<512x128xi1>, vector<512x128xi32>
        %slice3A_2980 = vector.extract_strided_slice %select_n3A_2978 {offsets = [0, 8], sizes = [512, 120], strides = [1, 1]} : vector<512x128xf32> to vector<512x120xf32>
        %slice3A_2981 = vector.extract_strided_slice %select_n3A_2978 {offsets = [0, 0], sizes = [512, 8], strides = [1, 1]} : vector<512x128xf32> to vector<512x8xf32>
        %concatenate3A_2982 = tpu.concatenate %slice3A_2980, %slice3A_2981 in 1 : vector<512x120xf32>, vector<512x8xf32> -> vector<512x128xf32>
        %slice3A_2983 = vector.extract_strided_slice %select_n3A_2978 {offsets = [0, 120], sizes = [512, 8], strides = [1, 1]} : vector<512x128xf32> to vector<512x8xf32>
        %slice3A_2984 = vector.extract_strided_slice %select_n3A_2978 {offsets = [0, 0], sizes = [512, 120], strides = [1, 1]} : vector<512x128xf32> to vector<512x120xf32>
        %concatenate3A_2985 = tpu.concatenate %slice3A_2983, %slice3A_2984 in 1 : vector<512x8xf32>, vector<512x120xf32> -> vector<512x128xf32>
        %slice3A_2986 = vector.extract_strided_slice %select_n3A_2979 {offsets = [0, 8], sizes = [512, 120], strides = [1, 1]} : vector<512x128xi32> to vector<512x120xi32>
        %slice3A_2987 = vector.extract_strided_slice %select_n3A_2979 {offsets = [0, 0], sizes = [512, 8], strides = [1, 1]} : vector<512x128xi32> to vector<512x8xi32>
        %concatenate3A_2988 = tpu.concatenate %slice3A_2986, %slice3A_2987 in 1 : vector<512x120xi32>, vector<512x8xi32> -> vector<512x128xi32>
        %slice3A_2989 = vector.extract_strided_slice %select_n3A_2979 {offsets = [0, 120], sizes = [512, 8], strides = [1, 1]} : vector<512x128xi32> to vector<512x8xi32>
        %slice3A_2990 = vector.extract_strided_slice %select_n3A_2979 {offsets = [0, 0], sizes = [512, 120], strides = [1, 1]} : vector<512x128xi32> to vector<512x120xi32>
        %concatenate3A_2991 = tpu.concatenate %slice3A_2989, %slice3A_2990 in 1 : vector<512x8xi32>, vector<512x120xi32> -> vector<512x128xi32>
        %iota3A_2992 = tpu.iota {dimensions = array<i32: 1>} : vector<512x128xi32>
        %and3A_2993 = arith.constant 8 : i32
        %and3A_2994 = vector.broadcast %and3A_2993 : i32 to vector<512x128xi32>
        %and3A_2995 = arith.andi %iota3A_2992, %and3A_2994 : vector<512x128xi32>
        %ne3A_2996 = arith.constant 0 : i32
        %ne3A_2997 = vector.broadcast %ne3A_2996 : i32 to vector<512x128xi32>
        %ne3A_2998 = arith.cmpi ne, %and3A_2995, %ne3A_2997 : vector<512x128xi32>
        %select_n3A_2999 = arith.select %ne3A_2998, %concatenate3A_2985, %concatenate3A_2982 : vector<512x128xi1>, vector<512x128xf32>
        %select_n3A_3000 = arith.select %ne3A_2998, %concatenate3A_2991, %concatenate3A_2988 : vector<512x128xi1>, vector<512x128xi32>
        %xor3A_3001 = arith.xori %eq3A_2886, %ne3A_2998 : vector<512x128xi1>
        %ge3A_3002 = arith.cmpf oge, %select_n3A_2978, %select_n3A_2999 : vector<512x128xf32>
        %and3A_3003 = arith.andi %xor3A_3001, %ge3A_3002 : vector<512x128xi1>
        %not3A_3004 = arith.constant dense<true> : vector<512x128xi1>
        %not3A_3005 = arith.xori %xor3A_3001, %not3A_3004 : vector<512x128xi1>
        %le3A_3006 = arith.cmpf ole, %select_n3A_2978, %select_n3A_2999 : vector<512x128xf32>
        %and3A_3007 = arith.andi %not3A_3005, %le3A_3006 : vector<512x128xi1>
        %or3A_3008 = arith.ori %and3A_3003, %and3A_3007 : vector<512x128xi1>
        %select_n3A_3009 = arith.select %or3A_3008, %select_n3A_2978, %select_n3A_2999 : vector<512x128xi1>, vector<512x128xf32>
        %select_n3A_3010 = arith.select %or3A_3008, %select_n3A_2979, %select_n3A_3000 : vector<512x128xi1>, vector<512x128xi32>
        %slice3A_3011 = vector.extract_strided_slice %select_n3A_3009 {offsets = [0, 4], sizes = [512, 124], strides = [1, 1]} : vector<512x128xf32> to vector<512x124xf32>
        %slice3A_3012 = vector.extract_strided_slice %select_n3A_3009 {offsets = [0, 0], sizes = [512, 4], strides = [1, 1]} : vector<512x128xf32> to vector<512x4xf32>
        %concatenate3A_3013 = tpu.concatenate %slice3A_3011, %slice3A_3012 in 1 : vector<512x124xf32>, vector<512x4xf32> -> vector<512x128xf32>
        %slice3A_3014 = vector.extract_strided_slice %select_n3A_3009 {offsets = [0, 124], sizes = [512, 4], strides = [1, 1]} : vector<512x128xf32> to vector<512x4xf32>
        %slice3A_3015 = vector.extract_strided_slice %select_n3A_3009 {offsets = [0, 0], sizes = [512, 124], strides = [1, 1]} : vector<512x128xf32> to vector<512x124xf32>
        %concatenate3A_3016 = tpu.concatenate %slice3A_3014, %slice3A_3015 in 1 : vector<512x4xf32>, vector<512x124xf32> -> vector<512x128xf32>
        %slice3A_3017 = vector.extract_strided_slice %select_n3A_3010 {offsets = [0, 4], sizes = [512, 124], strides = [1, 1]} : vector<512x128xi32> to vector<512x124xi32>
        %slice3A_3018 = vector.extract_strided_slice %select_n3A_3010 {offsets = [0, 0], sizes = [512, 4], strides = [1, 1]} : vector<512x128xi32> to vector<512x4xi32>
        %concatenate3A_3019 = tpu.concatenate %slice3A_3017, %slice3A_3018 in 1 : vector<512x124xi32>, vector<512x4xi32> -> vector<512x128xi32>
        %slice3A_3020 = vector.extract_strided_slice %select_n3A_3010 {offsets = [0, 124], sizes = [512, 4], strides = [1, 1]} : vector<512x128xi32> to vector<512x4xi32>
        %slice3A_3021 = vector.extract_strided_slice %select_n3A_3010 {offsets = [0, 0], sizes = [512, 124], strides = [1, 1]} : vector<512x128xi32> to vector<512x124xi32>
        %concatenate3A_3022 = tpu.concatenate %slice3A_3020, %slice3A_3021 in 1 : vector<512x4xi32>, vector<512x124xi32> -> vector<512x128xi32>
        %iota3A_3023 = tpu.iota {dimensions = array<i32: 1>} : vector<512x128xi32>
        %and3A_3024 = arith.constant 4 : i32
        %and3A_3025 = vector.broadcast %and3A_3024 : i32 to vector<512x128xi32>
        %and3A_3026 = arith.andi %iota3A_3023, %and3A_3025 : vector<512x128xi32>
        %ne3A_3027 = arith.constant 0 : i32
        %ne3A_3028 = vector.broadcast %ne3A_3027 : i32 to vector<512x128xi32>
        %ne3A_3029 = arith.cmpi ne, %and3A_3026, %ne3A_3028 : vector<512x128xi32>
        %select_n3A_3030 = arith.select %ne3A_3029, %concatenate3A_3016, %concatenate3A_3013 : vector<512x128xi1>, vector<512x128xf32>
        %select_n3A_3031 = arith.select %ne3A_3029, %concatenate3A_3022, %concatenate3A_3019 : vector<512x128xi1>, vector<512x128xi32>
        %xor3A_3032 = arith.xori %eq3A_2886, %ne3A_3029 : vector<512x128xi1>
        %ge3A_3033 = arith.cmpf oge, %select_n3A_3009, %select_n3A_3030 : vector<512x128xf32>
        %and3A_3034 = arith.andi %xor3A_3032, %ge3A_3033 : vector<512x128xi1>
        %not3A_3035 = arith.constant dense<true> : vector<512x128xi1>
        %not3A_3036 = arith.xori %xor3A_3032, %not3A_3035 : vector<512x128xi1>
        %le3A_3037 = arith.cmpf ole, %select_n3A_3009, %select_n3A_3030 : vector<512x128xf32>
        %and3A_3038 = arith.andi %not3A_3036, %le3A_3037 : vector<512x128xi1>
        %or3A_3039 = arith.ori %and3A_3034, %and3A_3038 : vector<512x128xi1>
        %select_n3A_3040 = arith.select %or3A_3039, %select_n3A_3009, %select_n3A_3030 : vector<512x128xi1>, vector<512x128xf32>
        %select_n3A_3041 = arith.select %or3A_3039, %select_n3A_3010, %select_n3A_3031 : vector<512x128xi1>, vector<512x128xi32>
        %slice3A_3042 = vector.extract_strided_slice %select_n3A_3040 {offsets = [0, 2], sizes = [512, 126], strides = [1, 1]} : vector<512x128xf32> to vector<512x126xf32>
        %slice3A_3043 = vector.extract_strided_slice %select_n3A_3040 {offsets = [0, 0], sizes = [512, 2], strides = [1, 1]} : vector<512x128xf32> to vector<512x2xf32>
        %concatenate3A_3044 = tpu.concatenate %slice3A_3042, %slice3A_3043 in 1 : vector<512x126xf32>, vector<512x2xf32> -> vector<512x128xf32>
        %slice3A_3045 = vector.extract_strided_slice %select_n3A_3040 {offsets = [0, 126], sizes = [512, 2], strides = [1, 1]} : vector<512x128xf32> to vector<512x2xf32>
        %slice3A_3046 = vector.extract_strided_slice %select_n3A_3040 {offsets = [0, 0], sizes = [512, 126], strides = [1, 1]} : vector<512x128xf32> to vector<512x126xf32>
        %concatenate3A_3047 = tpu.concatenate %slice3A_3045, %slice3A_3046 in 1 : vector<512x2xf32>, vector<512x126xf32> -> vector<512x128xf32>
        %slice3A_3048 = vector.extract_strided_slice %select_n3A_3041 {offsets = [0, 2], sizes = [512, 126], strides = [1, 1]} : vector<512x128xi32> to vector<512x126xi32>
        %slice3A_3049 = vector.extract_strided_slice %select_n3A_3041 {offsets = [0, 0], sizes = [512, 2], strides = [1, 1]} : vector<512x128xi32> to vector<512x2xi32>
        %concatenate3A_3050 = tpu.concatenate %slice3A_3048, %slice3A_3049 in 1 : vector<512x126xi32>, vector<512x2xi32> -> vector<512x128xi32>
        %slice3A_3051 = vector.extract_strided_slice %select_n3A_3041 {offsets = [0, 126], sizes = [512, 2], strides = [1, 1]} : vector<512x128xi32> to vector<512x2xi32>
        %slice3A_3052 = vector.extract_strided_slice %select_n3A_3041 {offsets = [0, 0], sizes = [512, 126], strides = [1, 1]} : vector<512x128xi32> to vector<512x126xi32>
        %concatenate3A_3053 = tpu.concatenate %slice3A_3051, %slice3A_3052 in 1 : vector<512x2xi32>, vector<512x126xi32> -> vector<512x128xi32>
        %iota3A_3054 = tpu.iota {dimensions = array<i32: 1>} : vector<512x128xi32>
        %and3A_3055 = arith.constant 2 : i32
        %and3A_3056 = vector.broadcast %and3A_3055 : i32 to vector<512x128xi32>
        %and3A_3057 = arith.andi %iota3A_3054, %and3A_3056 : vector<512x128xi32>
        %ne3A_3058 = arith.constant 0 : i32
        %ne3A_3059 = vector.broadcast %ne3A_3058 : i32 to vector<512x128xi32>
        %ne3A_3060 = arith.cmpi ne, %and3A_3057, %ne3A_3059 : vector<512x128xi32>
        %select_n3A_3061 = arith.select %ne3A_3060, %concatenate3A_3047, %concatenate3A_3044 : vector<512x128xi1>, vector<512x128xf32>
        %select_n3A_3062 = arith.select %ne3A_3060, %concatenate3A_3053, %concatenate3A_3050 : vector<512x128xi1>, vector<512x128xi32>
        %xor3A_3063 = arith.xori %eq3A_2886, %ne3A_3060 : vector<512x128xi1>
        %ge3A_3064 = arith.cmpf oge, %select_n3A_3040, %select_n3A_3061 : vector<512x128xf32>
        %and3A_3065 = arith.andi %xor3A_3063, %ge3A_3064 : vector<512x128xi1>
        %not3A_3066 = arith.constant dense<true> : vector<512x128xi1>
        %not3A_3067 = arith.xori %xor3A_3063, %not3A_3066 : vector<512x128xi1>
        %le3A_3068 = arith.cmpf ole, %select_n3A_3040, %select_n3A_3061 : vector<512x128xf32>
        %and3A_3069 = arith.andi %not3A_3067, %le3A_3068 : vector<512x128xi1>
        %or3A_3070 = arith.ori %and3A_3065, %and3A_3069 : vector<512x128xi1>
        %select_n3A_3071 = arith.select %or3A_3070, %select_n3A_3040, %select_n3A_3061 : vector<512x128xi1>, vector<512x128xf32>
        %select_n3A_3072 = arith.select %or3A_3070, %select_n3A_3041, %select_n3A_3062 : vector<512x128xi1>, vector<512x128xi32>
        %slice3A_3073 = vector.extract_strided_slice %select_n3A_3071 {offsets = [0, 1], sizes = [512, 127], strides = [1, 1]} : vector<512x128xf32> to vector<512x127xf32>
        %slice3A_3074 = vector.extract_strided_slice %select_n3A_3071 {offsets = [0, 0], sizes = [512, 1], strides = [1, 1]} : vector<512x128xf32> to vector<512x1xf32>
        %concatenate3A_3075 = tpu.concatenate %slice3A_3073, %slice3A_3074 in 1 : vector<512x127xf32>, vector<512x1xf32> -> vector<512x128xf32>
        %slice3A_3076 = vector.extract_strided_slice %select_n3A_3071 {offsets = [0, 127], sizes = [512, 1], strides = [1, 1]} : vector<512x128xf32> to vector<512x1xf32>
        %slice3A_3077 = vector.extract_strided_slice %select_n3A_3071 {offsets = [0, 0], sizes = [512, 127], strides = [1, 1]} : vector<512x128xf32> to vector<512x127xf32>
        %concatenate3A_3078 = tpu.concatenate %slice3A_3076, %slice3A_3077 in 1 : vector<512x1xf32>, vector<512x127xf32> -> vector<512x128xf32>
        %slice3A_3079 = vector.extract_strided_slice %select_n3A_3072 {offsets = [0, 1], sizes = [512, 127], strides = [1, 1]} : vector<512x128xi32> to vector<512x127xi32>
        %slice3A_3080 = vector.extract_strided_slice %select_n3A_3072 {offsets = [0, 0], sizes = [512, 1], strides = [1, 1]} : vector<512x128xi32> to vector<512x1xi32>
        %concatenate3A_3081 = tpu.concatenate %slice3A_3079, %slice3A_3080 in 1 : vector<512x127xi32>, vector<512x1xi32> -> vector<512x128xi32>
        %slice3A_3082 = vector.extract_strided_slice %select_n3A_3072 {offsets = [0, 127], sizes = [512, 1], strides = [1, 1]} : vector<512x128xi32> to vector<512x1xi32>
        %slice3A_3083 = vector.extract_strided_slice %select_n3A_3072 {offsets = [0, 0], sizes = [512, 127], strides = [1, 1]} : vector<512x128xi32> to vector<512x127xi32>
        %concatenate3A_3084 = tpu.concatenate %slice3A_3082, %slice3A_3083 in 1 : vector<512x1xi32>, vector<512x127xi32> -> vector<512x128xi32>
        %iota3A_3085 = tpu.iota {dimensions = array<i32: 1>} : vector<512x128xi32>
        %and3A_3086 = arith.constant 1 : i32
        %and3A_3087 = vector.broadcast %and3A_3086 : i32 to vector<512x128xi32>
        %and3A_3088 = arith.andi %iota3A_3085, %and3A_3087 : vector<512x128xi32>
        %ne3A_3089 = arith.constant 0 : i32
        %ne3A_3090 = vector.broadcast %ne3A_3089 : i32 to vector<512x128xi32>
        %ne3A_3091 = arith.cmpi ne, %and3A_3088, %ne3A_3090 : vector<512x128xi32>
        %select_n3A_3092 = arith.select %ne3A_3091, %concatenate3A_3078, %concatenate3A_3075 : vector<512x128xi1>, vector<512x128xf32>
        %select_n3A_3093 = arith.select %ne3A_3091, %concatenate3A_3084, %concatenate3A_3081 : vector<512x128xi1>, vector<512x128xi32>
        %xor3A_3094 = arith.xori %eq3A_2886, %ne3A_3091 : vector<512x128xi1>
        %ge3A_3095 = arith.cmpf oge, %select_n3A_3071, %select_n3A_3092 : vector<512x128xf32>
        %and3A_3096 = arith.andi %xor3A_3094, %ge3A_3095 : vector<512x128xi1>
        %not3A_3097 = arith.constant dense<true> : vector<512x128xi1>
        %not3A_3098 = arith.xori %xor3A_3094, %not3A_3097 : vector<512x128xi1>
        %le3A_3099 = arith.cmpf ole, %select_n3A_3071, %select_n3A_3092 : vector<512x128xf32>
        %and3A_3100 = arith.andi %not3A_3098, %le3A_3099 : vector<512x128xi1>
        %or3A_3101 = arith.ori %and3A_3096, %and3A_3100 : vector<512x128xi1>
        %select_n3A_3102 = arith.select %or3A_3101, %select_n3A_3071, %select_n3A_3092 : vector<512x128xi1>, vector<512x128xf32>
        %select_n3A_3103 = arith.select %or3A_3101, %select_n3A_3072, %select_n3A_3093 : vector<512x128xi1>, vector<512x128xi32>
        %le3A_3104 = arith.cmpf ole, %get3A_1611, %select_n3A_3102 : vector<512x128xf32>
        %select_n3A_3105 = arith.select %le3A_3104, %get3A_1611, %select_n3A_3102 : vector<512x128xi1>, vector<512x128xf32>
        %select_n3A_3106 = arith.select %le3A_3104, %get3A_1614, %select_n3A_3103 : vector<512x128xi1>, vector<512x128xi32>
        %slice3A_3107 = vector.extract_strided_slice %select_n3A_3105 {offsets = [0, 64], sizes = [512, 64], strides = [1, 1]} : vector<512x128xf32> to vector<512x64xf32>
        %slice3A_3108 = vector.extract_strided_slice %select_n3A_3105 {offsets = [0, 0], sizes = [512, 64], strides = [1, 1]} : vector<512x128xf32> to vector<512x64xf32>
        %concatenate3A_3109 = tpu.concatenate %slice3A_3107, %slice3A_3108 in 1 : vector<512x64xf32>, vector<512x64xf32> -> vector<512x128xf32>
        %slice3A_3110 = vector.extract_strided_slice %select_n3A_3105 {offsets = [0, 64], sizes = [512, 64], strides = [1, 1]} : vector<512x128xf32> to vector<512x64xf32>
        %slice3A_3111 = vector.extract_strided_slice %select_n3A_3105 {offsets = [0, 0], sizes = [512, 64], strides = [1, 1]} : vector<512x128xf32> to vector<512x64xf32>
        %concatenate3A_3112 = tpu.concatenate %slice3A_3110, %slice3A_3111 in 1 : vector<512x64xf32>, vector<512x64xf32> -> vector<512x128xf32>
        %slice3A_3113 = vector.extract_strided_slice %select_n3A_3106 {offsets = [0, 64], sizes = [512, 64], strides = [1, 1]} : vector<512x128xi32> to vector<512x64xi32>
        %slice3A_3114 = vector.extract_strided_slice %select_n3A_3106 {offsets = [0, 0], sizes = [512, 64], strides = [1, 1]} : vector<512x128xi32> to vector<512x64xi32>
        %concatenate3A_3115 = tpu.concatenate %slice3A_3113, %slice3A_3114 in 1 : vector<512x64xi32>, vector<512x64xi32> -> vector<512x128xi32>
        %slice3A_3116 = vector.extract_strided_slice %select_n3A_3106 {offsets = [0, 64], sizes = [512, 64], strides = [1, 1]} : vector<512x128xi32> to vector<512x64xi32>
        %slice3A_3117 = vector.extract_strided_slice %select_n3A_3106 {offsets = [0, 0], sizes = [512, 64], strides = [1, 1]} : vector<512x128xi32> to vector<512x64xi32>
        %concatenate3A_3118 = tpu.concatenate %slice3A_3116, %slice3A_3117 in 1 : vector<512x64xi32>, vector<512x64xi32> -> vector<512x128xi32>
        %iota3A_3119 = tpu.iota {dimensions = array<i32: 1>} : vector<512x128xi32>
        %and3A_3120 = arith.constant 64 : i32
        %and3A_3121 = vector.broadcast %and3A_3120 : i32 to vector<512x128xi32>
        %and3A_3122 = arith.andi %iota3A_3119, %and3A_3121 : vector<512x128xi32>
        %ne3A_3123 = arith.constant 0 : i32
        %ne3A_3124 = vector.broadcast %ne3A_3123 : i32 to vector<512x128xi32>
        %ne3A_3125 = arith.cmpi ne, %and3A_3122, %ne3A_3124 : vector<512x128xi32>
        %select_n3A_3126 = arith.select %ne3A_3125, %concatenate3A_3112, %concatenate3A_3109 : vector<512x128xi1>, vector<512x128xf32>
        %select_n3A_3127 = arith.select %ne3A_3125, %concatenate3A_3118, %concatenate3A_3115 : vector<512x128xi1>, vector<512x128xi32>
        %xor3A_3128 = arith.constant false
        %xor3A_3129 = vector.broadcast %xor3A_3128 : i1 to vector<512x128xi1>
        %xor3A_3130 = arith.xori %xor3A_3129, %ne3A_3125 : vector<512x128xi1>
        %ge3A_3131 = arith.cmpf oge, %select_n3A_3105, %select_n3A_3126 : vector<512x128xf32>
        %and3A_3132 = arith.andi %xor3A_3130, %ge3A_3131 : vector<512x128xi1>
        %not3A_3133 = arith.constant dense<true> : vector<512x128xi1>
        %not3A_3134 = arith.xori %xor3A_3130, %not3A_3133 : vector<512x128xi1>
        %le3A_3135 = arith.cmpf ole, %select_n3A_3105, %select_n3A_3126 : vector<512x128xf32>
        %and3A_3136 = arith.andi %not3A_3134, %le3A_3135 : vector<512x128xi1>
        %or3A_3137 = arith.ori %and3A_3132, %and3A_3136 : vector<512x128xi1>
        %select_n3A_3138 = arith.select %or3A_3137, %select_n3A_3105, %select_n3A_3126 : vector<512x128xi1>, vector<512x128xf32>
        %select_n3A_3139 = arith.select %or3A_3137, %select_n3A_3106, %select_n3A_3127 : vector<512x128xi1>, vector<512x128xi32>
        %slice3A_3140 = vector.extract_strided_slice %select_n3A_3138 {offsets = [0, 32], sizes = [512, 96], strides = [1, 1]} : vector<512x128xf32> to vector<512x96xf32>
        %slice3A_3141 = vector.extract_strided_slice %select_n3A_3138 {offsets = [0, 0], sizes = [512, 32], strides = [1, 1]} : vector<512x128xf32> to vector<512x32xf32>
        %concatenate3A_3142 = tpu.concatenate %slice3A_3140, %slice3A_3141 in 1 : vector<512x96xf32>, vector<512x32xf32> -> vector<512x128xf32>
        %slice3A_3143 = vector.extract_strided_slice %select_n3A_3138 {offsets = [0, 96], sizes = [512, 32], strides = [1, 1]} : vector<512x128xf32> to vector<512x32xf32>
        %slice3A_3144 = vector.extract_strided_slice %select_n3A_3138 {offsets = [0, 0], sizes = [512, 96], strides = [1, 1]} : vector<512x128xf32> to vector<512x96xf32>
        %concatenate3A_3145 = tpu.concatenate %slice3A_3143, %slice3A_3144 in 1 : vector<512x32xf32>, vector<512x96xf32> -> vector<512x128xf32>
        %slice3A_3146 = vector.extract_strided_slice %select_n3A_3139 {offsets = [0, 32], sizes = [512, 96], strides = [1, 1]} : vector<512x128xi32> to vector<512x96xi32>
        %slice3A_3147 = vector.extract_strided_slice %select_n3A_3139 {offsets = [0, 0], sizes = [512, 32], strides = [1, 1]} : vector<512x128xi32> to vector<512x32xi32>
        %concatenate3A_3148 = tpu.concatenate %slice3A_3146, %slice3A_3147 in 1 : vector<512x96xi32>, vector<512x32xi32> -> vector<512x128xi32>
        %slice3A_3149 = vector.extract_strided_slice %select_n3A_3139 {offsets = [0, 96], sizes = [512, 32], strides = [1, 1]} : vector<512x128xi32> to vector<512x32xi32>
        %slice3A_3150 = vector.extract_strided_slice %select_n3A_3139 {offsets = [0, 0], sizes = [512, 96], strides = [1, 1]} : vector<512x128xi32> to vector<512x96xi32>
        %concatenate3A_3151 = tpu.concatenate %slice3A_3149, %slice3A_3150 in 1 : vector<512x32xi32>, vector<512x96xi32> -> vector<512x128xi32>
        %iota3A_3152 = tpu.iota {dimensions = array<i32: 1>} : vector<512x128xi32>
        %and3A_3153 = arith.constant 32 : i32
        %and3A_3154 = vector.broadcast %and3A_3153 : i32 to vector<512x128xi32>
        %and3A_3155 = arith.andi %iota3A_3152, %and3A_3154 : vector<512x128xi32>
        %ne3A_3156 = arith.constant 0 : i32
        %ne3A_3157 = vector.broadcast %ne3A_3156 : i32 to vector<512x128xi32>
        %ne3A_3158 = arith.cmpi ne, %and3A_3155, %ne3A_3157 : vector<512x128xi32>
        %select_n3A_3159 = arith.select %ne3A_3158, %concatenate3A_3145, %concatenate3A_3142 : vector<512x128xi1>, vector<512x128xf32>
        %select_n3A_3160 = arith.select %ne3A_3158, %concatenate3A_3151, %concatenate3A_3148 : vector<512x128xi1>, vector<512x128xi32>
        %xor3A_3161 = arith.constant false
        %xor3A_3162 = vector.broadcast %xor3A_3161 : i1 to vector<512x128xi1>
        %xor3A_3163 = arith.xori %xor3A_3162, %ne3A_3158 : vector<512x128xi1>
        %ge3A_3164 = arith.cmpf oge, %select_n3A_3138, %select_n3A_3159 : vector<512x128xf32>
        %and3A_3165 = arith.andi %xor3A_3163, %ge3A_3164 : vector<512x128xi1>
        %not3A_3166 = arith.constant dense<true> : vector<512x128xi1>
        %not3A_3167 = arith.xori %xor3A_3163, %not3A_3166 : vector<512x128xi1>
        %le3A_3168 = arith.cmpf ole, %select_n3A_3138, %select_n3A_3159 : vector<512x128xf32>
        %and3A_3169 = arith.andi %not3A_3167, %le3A_3168 : vector<512x128xi1>
        %or3A_3170 = arith.ori %and3A_3165, %and3A_3169 : vector<512x128xi1>
        %select_n3A_3171 = arith.select %or3A_3170, %select_n3A_3138, %select_n3A_3159 : vector<512x128xi1>, vector<512x128xf32>
        %select_n3A_3172 = arith.select %or3A_3170, %select_n3A_3139, %select_n3A_3160 : vector<512x128xi1>, vector<512x128xi32>
        %slice3A_3173 = vector.extract_strided_slice %select_n3A_3171 {offsets = [0, 16], sizes = [512, 112], strides = [1, 1]} : vector<512x128xf32> to vector<512x112xf32>
        %slice3A_3174 = vector.extract_strided_slice %select_n3A_3171 {offsets = [0, 0], sizes = [512, 16], strides = [1, 1]} : vector<512x128xf32> to vector<512x16xf32>
        %concatenate3A_3175 = tpu.concatenate %slice3A_3173, %slice3A_3174 in 1 : vector<512x112xf32>, vector<512x16xf32> -> vector<512x128xf32>
        %slice3A_3176 = vector.extract_strided_slice %select_n3A_3171 {offsets = [0, 112], sizes = [512, 16], strides = [1, 1]} : vector<512x128xf32> to vector<512x16xf32>
        %slice3A_3177 = vector.extract_strided_slice %select_n3A_3171 {offsets = [0, 0], sizes = [512, 112], strides = [1, 1]} : vector<512x128xf32> to vector<512x112xf32>
        %concatenate3A_3178 = tpu.concatenate %slice3A_3176, %slice3A_3177 in 1 : vector<512x16xf32>, vector<512x112xf32> -> vector<512x128xf32>
        %slice3A_3179 = vector.extract_strided_slice %select_n3A_3172 {offsets = [0, 16], sizes = [512, 112], strides = [1, 1]} : vector<512x128xi32> to vector<512x112xi32>
        %slice3A_3180 = vector.extract_strided_slice %select_n3A_3172 {offsets = [0, 0], sizes = [512, 16], strides = [1, 1]} : vector<512x128xi32> to vector<512x16xi32>
        %concatenate3A_3181 = tpu.concatenate %slice3A_3179, %slice3A_3180 in 1 : vector<512x112xi32>, vector<512x16xi32> -> vector<512x128xi32>
        %slice3A_3182 = vector.extract_strided_slice %select_n3A_3172 {offsets = [0, 112], sizes = [512, 16], strides = [1, 1]} : vector<512x128xi32> to vector<512x16xi32>
        %slice3A_3183 = vector.extract_strided_slice %select_n3A_3172 {offsets = [0, 0], sizes = [512, 112], strides = [1, 1]} : vector<512x128xi32> to vector<512x112xi32>
        %concatenate3A_3184 = tpu.concatenate %slice3A_3182, %slice3A_3183 in 1 : vector<512x16xi32>, vector<512x112xi32> -> vector<512x128xi32>
        %iota3A_3185 = tpu.iota {dimensions = array<i32: 1>} : vector<512x128xi32>
        %and3A_3186 = arith.constant 16 : i32
        %and3A_3187 = vector.broadcast %and3A_3186 : i32 to vector<512x128xi32>
        %and3A_3188 = arith.andi %iota3A_3185, %and3A_3187 : vector<512x128xi32>
        %ne3A_3189 = arith.constant 0 : i32
        %ne3A_3190 = vector.broadcast %ne3A_3189 : i32 to vector<512x128xi32>
        %ne3A_3191 = arith.cmpi ne, %and3A_3188, %ne3A_3190 : vector<512x128xi32>
        %select_n3A_3192 = arith.select %ne3A_3191, %concatenate3A_3178, %concatenate3A_3175 : vector<512x128xi1>, vector<512x128xf32>
        %select_n3A_3193 = arith.select %ne3A_3191, %concatenate3A_3184, %concatenate3A_3181 : vector<512x128xi1>, vector<512x128xi32>
        %xor3A_3194 = arith.constant false
        %xor3A_3195 = vector.broadcast %xor3A_3194 : i1 to vector<512x128xi1>
        %xor3A_3196 = arith.xori %xor3A_3195, %ne3A_3191 : vector<512x128xi1>
        %ge3A_3197 = arith.cmpf oge, %select_n3A_3171, %select_n3A_3192 : vector<512x128xf32>
        %and3A_3198 = arith.andi %xor3A_3196, %ge3A_3197 : vector<512x128xi1>
        %not3A_3199 = arith.constant dense<true> : vector<512x128xi1>
        %not3A_3200 = arith.xori %xor3A_3196, %not3A_3199 : vector<512x128xi1>
        %le3A_3201 = arith.cmpf ole, %select_n3A_3171, %select_n3A_3192 : vector<512x128xf32>
        %and3A_3202 = arith.andi %not3A_3200, %le3A_3201 : vector<512x128xi1>
        %or3A_3203 = arith.ori %and3A_3198, %and3A_3202 : vector<512x128xi1>
        %select_n3A_3204 = arith.select %or3A_3203, %select_n3A_3171, %select_n3A_3192 : vector<512x128xi1>, vector<512x128xf32>
        %select_n3A_3205 = arith.select %or3A_3203, %select_n3A_3172, %select_n3A_3193 : vector<512x128xi1>, vector<512x128xi32>
        %slice3A_3206 = vector.extract_strided_slice %select_n3A_3204 {offsets = [0, 8], sizes = [512, 120], strides = [1, 1]} : vector<512x128xf32> to vector<512x120xf32>
        %slice3A_3207 = vector.extract_strided_slice %select_n3A_3204 {offsets = [0, 0], sizes = [512, 8], strides = [1, 1]} : vector<512x128xf32> to vector<512x8xf32>
        %concatenate3A_3208 = tpu.concatenate %slice3A_3206, %slice3A_3207 in 1 : vector<512x120xf32>, vector<512x8xf32> -> vector<512x128xf32>
        %slice3A_3209 = vector.extract_strided_slice %select_n3A_3204 {offsets = [0, 120], sizes = [512, 8], strides = [1, 1]} : vector<512x128xf32> to vector<512x8xf32>
        %slice3A_3210 = vector.extract_strided_slice %select_n3A_3204 {offsets = [0, 0], sizes = [512, 120], strides = [1, 1]} : vector<512x128xf32> to vector<512x120xf32>
        %concatenate3A_3211 = tpu.concatenate %slice3A_3209, %slice3A_3210 in 1 : vector<512x8xf32>, vector<512x120xf32> -> vector<512x128xf32>
        %slice3A_3212 = vector.extract_strided_slice %select_n3A_3205 {offsets = [0, 8], sizes = [512, 120], strides = [1, 1]} : vector<512x128xi32> to vector<512x120xi32>
        %slice3A_3213 = vector.extract_strided_slice %select_n3A_3205 {offsets = [0, 0], sizes = [512, 8], strides = [1, 1]} : vector<512x128xi32> to vector<512x8xi32>
        %concatenate3A_3214 = tpu.concatenate %slice3A_3212, %slice3A_3213 in 1 : vector<512x120xi32>, vector<512x8xi32> -> vector<512x128xi32>
        %slice3A_3215 = vector.extract_strided_slice %select_n3A_3205 {offsets = [0, 120], sizes = [512, 8], strides = [1, 1]} : vector<512x128xi32> to vector<512x8xi32>
        %slice3A_3216 = vector.extract_strided_slice %select_n3A_3205 {offsets = [0, 0], sizes = [512, 120], strides = [1, 1]} : vector<512x128xi32> to vector<512x120xi32>
        %concatenate3A_3217 = tpu.concatenate %slice3A_3215, %slice3A_3216 in 1 : vector<512x8xi32>, vector<512x120xi32> -> vector<512x128xi32>
        %iota3A_3218 = tpu.iota {dimensions = array<i32: 1>} : vector<512x128xi32>
        %and3A_3219 = arith.constant 8 : i32
        %and3A_3220 = vector.broadcast %and3A_3219 : i32 to vector<512x128xi32>
        %and3A_3221 = arith.andi %iota3A_3218, %and3A_3220 : vector<512x128xi32>
        %ne3A_3222 = arith.constant 0 : i32
        %ne3A_3223 = vector.broadcast %ne3A_3222 : i32 to vector<512x128xi32>
        %ne3A_3224 = arith.cmpi ne, %and3A_3221, %ne3A_3223 : vector<512x128xi32>
        %select_n3A_3225 = arith.select %ne3A_3224, %concatenate3A_3211, %concatenate3A_3208 : vector<512x128xi1>, vector<512x128xf32>
        %select_n3A_3226 = arith.select %ne3A_3224, %concatenate3A_3217, %concatenate3A_3214 : vector<512x128xi1>, vector<512x128xi32>
        %xor3A_3227 = arith.constant false
        %xor3A_3228 = vector.broadcast %xor3A_3227 : i1 to vector<512x128xi1>
        %xor3A_3229 = arith.xori %xor3A_3228, %ne3A_3224 : vector<512x128xi1>
        %ge3A_3230 = arith.cmpf oge, %select_n3A_3204, %select_n3A_3225 : vector<512x128xf32>
        %and3A_3231 = arith.andi %xor3A_3229, %ge3A_3230 : vector<512x128xi1>
        %not3A_3232 = arith.constant dense<true> : vector<512x128xi1>
        %not3A_3233 = arith.xori %xor3A_3229, %not3A_3232 : vector<512x128xi1>
        %le3A_3234 = arith.cmpf ole, %select_n3A_3204, %select_n3A_3225 : vector<512x128xf32>
        %and3A_3235 = arith.andi %not3A_3233, %le3A_3234 : vector<512x128xi1>
        %or3A_3236 = arith.ori %and3A_3231, %and3A_3235 : vector<512x128xi1>
        %select_n3A_3237 = arith.select %or3A_3236, %select_n3A_3204, %select_n3A_3225 : vector<512x128xi1>, vector<512x128xf32>
        %select_n3A_3238 = arith.select %or3A_3236, %select_n3A_3205, %select_n3A_3226 : vector<512x128xi1>, vector<512x128xi32>
        %slice3A_3239 = vector.extract_strided_slice %select_n3A_3237 {offsets = [0, 4], sizes = [512, 124], strides = [1, 1]} : vector<512x128xf32> to vector<512x124xf32>
        %slice3A_3240 = vector.extract_strided_slice %select_n3A_3237 {offsets = [0, 0], sizes = [512, 4], strides = [1, 1]} : vector<512x128xf32> to vector<512x4xf32>
        %concatenate3A_3241 = tpu.concatenate %slice3A_3239, %slice3A_3240 in 1 : vector<512x124xf32>, vector<512x4xf32> -> vector<512x128xf32>
        %slice3A_3242 = vector.extract_strided_slice %select_n3A_3237 {offsets = [0, 124], sizes = [512, 4], strides = [1, 1]} : vector<512x128xf32> to vector<512x4xf32>
        %slice3A_3243 = vector.extract_strided_slice %select_n3A_3237 {offsets = [0, 0], sizes = [512, 124], strides = [1, 1]} : vector<512x128xf32> to vector<512x124xf32>
        %concatenate3A_3244 = tpu.concatenate %slice3A_3242, %slice3A_3243 in 1 : vector<512x4xf32>, vector<512x124xf32> -> vector<512x128xf32>
        %slice3A_3245 = vector.extract_strided_slice %select_n3A_3238 {offsets = [0, 4], sizes = [512, 124], strides = [1, 1]} : vector<512x128xi32> to vector<512x124xi32>
        %slice3A_3246 = vector.extract_strided_slice %select_n3A_3238 {offsets = [0, 0], sizes = [512, 4], strides = [1, 1]} : vector<512x128xi32> to vector<512x4xi32>
        %concatenate3A_3247 = tpu.concatenate %slice3A_3245, %slice3A_3246 in 1 : vector<512x124xi32>, vector<512x4xi32> -> vector<512x128xi32>
        %slice3A_3248 = vector.extract_strided_slice %select_n3A_3238 {offsets = [0, 124], sizes = [512, 4], strides = [1, 1]} : vector<512x128xi32> to vector<512x4xi32>
        %slice3A_3249 = vector.extract_strided_slice %select_n3A_3238 {offsets = [0, 0], sizes = [512, 124], strides = [1, 1]} : vector<512x128xi32> to vector<512x124xi32>
        %concatenate3A_3250 = tpu.concatenate %slice3A_3248, %slice3A_3249 in 1 : vector<512x4xi32>, vector<512x124xi32> -> vector<512x128xi32>
        %iota3A_3251 = tpu.iota {dimensions = array<i32: 1>} : vector<512x128xi32>
        %and3A_3252 = arith.constant 4 : i32
        %and3A_3253 = vector.broadcast %and3A_3252 : i32 to vector<512x128xi32>
        %and3A_3254 = arith.andi %iota3A_3251, %and3A_3253 : vector<512x128xi32>
        %ne3A_3255 = arith.constant 0 : i32
        %ne3A_3256 = vector.broadcast %ne3A_3255 : i32 to vector<512x128xi32>
        %ne3A_3257 = arith.cmpi ne, %and3A_3254, %ne3A_3256 : vector<512x128xi32>
        %select_n3A_3258 = arith.select %ne3A_3257, %concatenate3A_3244, %concatenate3A_3241 : vector<512x128xi1>, vector<512x128xf32>
        %select_n3A_3259 = arith.select %ne3A_3257, %concatenate3A_3250, %concatenate3A_3247 : vector<512x128xi1>, vector<512x128xi32>
        %xor3A_3260 = arith.constant false
        %xor3A_3261 = vector.broadcast %xor3A_3260 : i1 to vector<512x128xi1>
        %xor3A_3262 = arith.xori %xor3A_3261, %ne3A_3257 : vector<512x128xi1>
        %ge3A_3263 = arith.cmpf oge, %select_n3A_3237, %select_n3A_3258 : vector<512x128xf32>
        %and3A_3264 = arith.andi %xor3A_3262, %ge3A_3263 : vector<512x128xi1>
        %not3A_3265 = arith.constant dense<true> : vector<512x128xi1>
        %not3A_3266 = arith.xori %xor3A_3262, %not3A_3265 : vector<512x128xi1>
        %le3A_3267 = arith.cmpf ole, %select_n3A_3237, %select_n3A_3258 : vector<512x128xf32>
        %and3A_3268 = arith.andi %not3A_3266, %le3A_3267 : vector<512x128xi1>
        %or3A_3269 = arith.ori %and3A_3264, %and3A_3268 : vector<512x128xi1>
        %select_n3A_3270 = arith.select %or3A_3269, %select_n3A_3237, %select_n3A_3258 : vector<512x128xi1>, vector<512x128xf32>
        %select_n3A_3271 = arith.select %or3A_3269, %select_n3A_3238, %select_n3A_3259 : vector<512x128xi1>, vector<512x128xi32>
        %slice3A_3272 = vector.extract_strided_slice %select_n3A_3270 {offsets = [0, 2], sizes = [512, 126], strides = [1, 1]} : vector<512x128xf32> to vector<512x126xf32>
        %slice3A_3273 = vector.extract_strided_slice %select_n3A_3270 {offsets = [0, 0], sizes = [512, 2], strides = [1, 1]} : vector<512x128xf32> to vector<512x2xf32>
        %concatenate3A_3274 = tpu.concatenate %slice3A_3272, %slice3A_3273 in 1 : vector<512x126xf32>, vector<512x2xf32> -> vector<512x128xf32>
        %slice3A_3275 = vector.extract_strided_slice %select_n3A_3270 {offsets = [0, 126], sizes = [512, 2], strides = [1, 1]} : vector<512x128xf32> to vector<512x2xf32>
        %slice3A_3276 = vector.extract_strided_slice %select_n3A_3270 {offsets = [0, 0], sizes = [512, 126], strides = [1, 1]} : vector<512x128xf32> to vector<512x126xf32>
        %concatenate3A_3277 = tpu.concatenate %slice3A_3275, %slice3A_3276 in 1 : vector<512x2xf32>, vector<512x126xf32> -> vector<512x128xf32>
        %slice3A_3278 = vector.extract_strided_slice %select_n3A_3271 {offsets = [0, 2], sizes = [512, 126], strides = [1, 1]} : vector<512x128xi32> to vector<512x126xi32>
        %slice3A_3279 = vector.extract_strided_slice %select_n3A_3271 {offsets = [0, 0], sizes = [512, 2], strides = [1, 1]} : vector<512x128xi32> to vector<512x2xi32>
        %concatenate3A_3280 = tpu.concatenate %slice3A_3278, %slice3A_3279 in 1 : vector<512x126xi32>, vector<512x2xi32> -> vector<512x128xi32>
        %slice3A_3281 = vector.extract_strided_slice %select_n3A_3271 {offsets = [0, 126], sizes = [512, 2], strides = [1, 1]} : vector<512x128xi32> to vector<512x2xi32>
        %slice3A_3282 = vector.extract_strided_slice %select_n3A_3271 {offsets = [0, 0], sizes = [512, 126], strides = [1, 1]} : vector<512x128xi32> to vector<512x126xi32>
        %concatenate3A_3283 = tpu.concatenate %slice3A_3281, %slice3A_3282 in 1 : vector<512x2xi32>, vector<512x126xi32> -> vector<512x128xi32>
        %iota3A_3284 = tpu.iota {dimensions = array<i32: 1>} : vector<512x128xi32>
        %and3A_3285 = arith.constant 2 : i32
        %and3A_3286 = vector.broadcast %and3A_3285 : i32 to vector<512x128xi32>
        %and3A_3287 = arith.andi %iota3A_3284, %and3A_3286 : vector<512x128xi32>
        %ne3A_3288 = arith.constant 0 : i32
        %ne3A_3289 = vector.broadcast %ne3A_3288 : i32 to vector<512x128xi32>
        %ne3A_3290 = arith.cmpi ne, %and3A_3287, %ne3A_3289 : vector<512x128xi32>
        %select_n3A_3291 = arith.select %ne3A_3290, %concatenate3A_3277, %concatenate3A_3274 : vector<512x128xi1>, vector<512x128xf32>
        %select_n3A_3292 = arith.select %ne3A_3290, %concatenate3A_3283, %concatenate3A_3280 : vector<512x128xi1>, vector<512x128xi32>
        %xor3A_3293 = arith.constant false
        %xor3A_3294 = vector.broadcast %xor3A_3293 : i1 to vector<512x128xi1>
        %xor3A_3295 = arith.xori %xor3A_3294, %ne3A_3290 : vector<512x128xi1>
        %ge3A_3296 = arith.cmpf oge, %select_n3A_3270, %select_n3A_3291 : vector<512x128xf32>
        %and3A_3297 = arith.andi %xor3A_3295, %ge3A_3296 : vector<512x128xi1>
        %not3A_3298 = arith.constant dense<true> : vector<512x128xi1>
        %not3A_3299 = arith.xori %xor3A_3295, %not3A_3298 : vector<512x128xi1>
        %le3A_3300 = arith.cmpf ole, %select_n3A_3270, %select_n3A_3291 : vector<512x128xf32>
        %and3A_3301 = arith.andi %not3A_3299, %le3A_3300 : vector<512x128xi1>
        %or3A_3302 = arith.ori %and3A_3297, %and3A_3301 : vector<512x128xi1>
        %select_n3A_3303 = arith.select %or3A_3302, %select_n3A_3270, %select_n3A_3291 : vector<512x128xi1>, vector<512x128xf32>
        %select_n3A_3304 = arith.select %or3A_3302, %select_n3A_3271, %select_n3A_3292 : vector<512x128xi1>, vector<512x128xi32>
        %slice3A_3305 = vector.extract_strided_slice %select_n3A_3303 {offsets = [0, 1], sizes = [512, 127], strides = [1, 1]} : vector<512x128xf32> to vector<512x127xf32>
        %slice3A_3306 = vector.extract_strided_slice %select_n3A_3303 {offsets = [0, 0], sizes = [512, 1], strides = [1, 1]} : vector<512x128xf32> to vector<512x1xf32>
        %concatenate3A_3307 = tpu.concatenate %slice3A_3305, %slice3A_3306 in 1 : vector<512x127xf32>, vector<512x1xf32> -> vector<512x128xf32>
        %slice3A_3308 = vector.extract_strided_slice %select_n3A_3303 {offsets = [0, 127], sizes = [512, 1], strides = [1, 1]} : vector<512x128xf32> to vector<512x1xf32>
        %slice3A_3309 = vector.extract_strided_slice %select_n3A_3303 {offsets = [0, 0], sizes = [512, 127], strides = [1, 1]} : vector<512x128xf32> to vector<512x127xf32>
        %concatenate3A_3310 = tpu.concatenate %slice3A_3308, %slice3A_3309 in 1 : vector<512x1xf32>, vector<512x127xf32> -> vector<512x128xf32>
        %slice3A_3311 = vector.extract_strided_slice %select_n3A_3304 {offsets = [0, 1], sizes = [512, 127], strides = [1, 1]} : vector<512x128xi32> to vector<512x127xi32>
        %slice3A_3312 = vector.extract_strided_slice %select_n3A_3304 {offsets = [0, 0], sizes = [512, 1], strides = [1, 1]} : vector<512x128xi32> to vector<512x1xi32>
        %concatenate3A_3313 = tpu.concatenate %slice3A_3311, %slice3A_3312 in 1 : vector<512x127xi32>, vector<512x1xi32> -> vector<512x128xi32>
        %slice3A_3314 = vector.extract_strided_slice %select_n3A_3304 {offsets = [0, 127], sizes = [512, 1], strides = [1, 1]} : vector<512x128xi32> to vector<512x1xi32>
        %slice3A_3315 = vector.extract_strided_slice %select_n3A_3304 {offsets = [0, 0], sizes = [512, 127], strides = [1, 1]} : vector<512x128xi32> to vector<512x127xi32>
        %concatenate3A_3316 = tpu.concatenate %slice3A_3314, %slice3A_3315 in 1 : vector<512x1xi32>, vector<512x127xi32> -> vector<512x128xi32>
        %iota3A_3317 = tpu.iota {dimensions = array<i32: 1>} : vector<512x128xi32>
        %and3A_3318 = arith.constant 1 : i32
        %and3A_3319 = vector.broadcast %and3A_3318 : i32 to vector<512x128xi32>
        %and3A_3320 = arith.andi %iota3A_3317, %and3A_3319 : vector<512x128xi32>
        %ne3A_3321 = arith.constant 0 : i32
        %ne3A_3322 = vector.broadcast %ne3A_3321 : i32 to vector<512x128xi32>
        %ne3A_3323 = arith.cmpi ne, %and3A_3320, %ne3A_3322 : vector<512x128xi32>
        %select_n3A_3324 = arith.select %ne3A_3323, %concatenate3A_3310, %concatenate3A_3307 : vector<512x128xi1>, vector<512x128xf32>
        %select_n3A_3325 = arith.select %ne3A_3323, %concatenate3A_3316, %concatenate3A_3313 : vector<512x128xi1>, vector<512x128xi32>
        %xor3A_3326 = arith.constant false
        %xor3A_3327 = vector.broadcast %xor3A_3326 : i1 to vector<512x128xi1>
        %xor3A_3328 = arith.xori %xor3A_3327, %ne3A_3323 : vector<512x128xi1>
        %ge3A_3329 = arith.cmpf oge, %select_n3A_3303, %select_n3A_3324 : vector<512x128xf32>
        %and3A_3330 = arith.andi %xor3A_3328, %ge3A_3329 : vector<512x128xi1>
        %not3A_3331 = arith.constant dense<true> : vector<512x128xi1>
        %not3A_3332 = arith.xori %xor3A_3328, %not3A_3331 : vector<512x128xi1>
        %le3A_3333 = arith.cmpf ole, %select_n3A_3303, %select_n3A_3324 : vector<512x128xf32>
        %and3A_3334 = arith.andi %not3A_3332, %le3A_3333 : vector<512x128xi1>
        %or3A_3335 = arith.ori %and3A_3330, %and3A_3334 : vector<512x128xi1>
        %select_n3A_3336 = arith.select %or3A_3335, %select_n3A_3303, %select_n3A_3324 : vector<512x128xi1>, vector<512x128xf32>
        %select_n3A_3337 = arith.select %or3A_3335, %select_n3A_3304, %select_n3A_3325 : vector<512x128xi1>, vector<512x128xi32>
        scf.yield %select_n3A_3336, %select_n3A_3337 : vector<512x128xf32>, vector<512x128xi32>
      } else {
        %reduce_min3A = arith.constant dense<0x7F800000> : vector<512xf32>
        %reduce_min3A_2201 = vector.multi_reduction <minimumf>, %while3A_1601, %reduce_min3A [1] : vector<512x128xf32> to vector<512xf32>
        %broadcast_in_dim3A_2202 = vector.shape_cast %reduce_min3A_2201 : vector<512xf32> to vector<512x1xf32>
        %eq3A_2203 = vector.broadcast %broadcast_in_dim3A_2202 : vector<512x1xf32> to vector<512x128xf32>
        %eq3A_2204 = arith.cmpf oeq, %while3A_1601, %eq3A_2203 : vector<512x128xf32>
        %jit3A_2205 = arith.constant 2147483647 : i32
        %broadcast_in_dim3A_2206 = vector.broadcast %jit3A_2205 : i32 to vector<512x128xi32>
        %select_n3A_2207 = arith.select %eq3A_2204, %add3A_1608, %broadcast_in_dim3A_2206 : vector<512x128xi1>, vector<512x128xi32>
        %reduce_min3A_2208 = arith.constant dense<2147483647> : vector<512xi32>
        %reduce_min3A_2209 = vector.multi_reduction <minsi>, %select_n3A_2207, %reduce_min3A_2208 [1] : vector<512x128xi32> to vector<512xi32>
        %broadcast_in_dim3A_2210 = vector.shape_cast %reduce_min3A_2209 : vector<512xi32> to vector<512x1xi32>
        %slice3A_2211 = vector.extract_strided_slice %get3A_1611 {offsets = [0, 127], sizes = [512, 1], strides = [1, 1]} : vector<512x128xf32> to vector<512x1xf32>
        %lt3A_2212 = arith.cmpf olt, %broadcast_in_dim3A_2202, %slice3A_2211 : vector<512x1xf32>
        %lt3A_2213 = vector.broadcast %broadcast_in_dim3A_2202 : vector<512x1xf32> to vector<512x128xf32>
        %lt3A_2214 = arith.cmpf olt, %get3A_1611, %lt3A_2213 : vector<512x128xf32>
        %jit3A_2215 = arith.constant 1 : i32
        %jit3A_2216 = arith.constant 0 : i32
        %broadcast_in_dim3A_2217 = vector.broadcast %jit3A_2215 : i32 to vector<512x128xi32>
        %broadcast_in_dim3A_2218 = vector.broadcast %jit3A_2216 : i32 to vector<512x128xi32>
        %select_n3A_2219 = arith.select %lt3A_2214, %broadcast_in_dim3A_2217, %broadcast_in_dim3A_2218 : vector<512x128xi1>, vector<512x128xi32>
        %reduce_sum3A_2220 = arith.constant dense<0> : vector<512xi32>
        %reduce_sum3A_2221 = vector.multi_reduction <add>, %select_n3A_2219, %reduce_sum3A_2220 [1] : vector<512x128xi32> to vector<512xi32>
        %broadcast_in_dim3A_2222 = vector.shape_cast %reduce_sum3A_2221 : vector<512xi32> to vector<512x1xi32>
        %slice3A_2223 = vector.extract_strided_slice %get3A_1611 {offsets = [0, 127], sizes = [512, 1], strides = [1, 1]} : vector<512x128xf32> to vector<512x1xf32>
        %slice3A_2224 = vector.extract_strided_slice %get3A_1611 {offsets = [0, 0], sizes = [512, 127], strides = [1, 1]} : vector<512x128xf32> to vector<512x127xf32>
        %concatenate3A = tpu.concatenate %slice3A_2223, %slice3A_2224 in 1 : vector<512x1xf32>, vector<512x127xf32> -> vector<512x128xf32>
        %slice3A_2225 = vector.extract_strided_slice %get3A_1614 {offsets = [0, 127], sizes = [512, 1], strides = [1, 1]} : vector<512x128xi32> to vector<512x1xi32>
        %slice3A_2226 = vector.extract_strided_slice %get3A_1614 {offsets = [0, 0], sizes = [512, 127], strides = [1, 1]} : vector<512x128xi32> to vector<512x127xi32>
        %concatenate3A_2227 = tpu.concatenate %slice3A_2225, %slice3A_2226 in 1 : vector<512x1xi32>, vector<512x127xi32> -> vector<512x128xi32>
        %eq3A_2228 = vector.broadcast %broadcast_in_dim3A_2222 : vector<512x1xi32> to vector<512x128xi32>
        %eq3A_2229 = arith.cmpi eq, %iota3A, %eq3A_2228 : vector<512x128xi32>
        %lt3A_2230 = vector.broadcast %broadcast_in_dim3A_2222 : vector<512x1xi32> to vector<512x128xi32>
        %lt3A_2231 = arith.cmpi slt, %iota3A, %lt3A_2230 : vector<512x128xi32>
        %broadcast_in_dim3A_2232 = vector.shape_cast %broadcast_in_dim3A_2202 : vector<512x1xf32> to vector<512x1xf32>
        %broadcast_in_dim3A_2233 = vector.broadcast %broadcast_in_dim3A_2232 : vector<512x1xf32> to vector<512x128xf32>
        %select_n3A_2234 = arith.select %eq3A_2229, %broadcast_in_dim3A_2233, %concatenate3A : vector<512x128xi1>, vector<512x128xf32>
        %select_n3A_2235 = arith.select %lt3A_2231, %get3A_1611, %select_n3A_2234 : vector<512x128xi1>, vector<512x128xf32>
        %broadcast_in_dim3A_2236 = vector.shape_cast %broadcast_in_dim3A_2210 : vector<512x1xi32> to vector<512x1xi32>
        %broadcast_in_dim3A_2237 = vector.broadcast %broadcast_in_dim3A_2236 : vector<512x1xi32> to vector<512x128xi32>
        %select_n3A_2238 = arith.select %eq3A_2229, %broadcast_in_dim3A_2237, %concatenate3A_2227 : vector<512x128xi1>, vector<512x128xi32>
        %select_n3A_2239 = arith.select %lt3A_2231, %get3A_1614, %select_n3A_2238 : vector<512x128xi1>, vector<512x128xi32>
        %broadcast_in_dim3A_2240 = vector.shape_cast %lt3A_2212 : vector<512x1xi1> to vector<512x1xi1>
        %broadcast_in_dim3A_2241 = vector.broadcast %broadcast_in_dim3A_2240 : vector<512x1xi1> to vector<512x128xi1>
        %select_n3A_2242 = arith.select %broadcast_in_dim3A_2241, %select_n3A_2235, %get3A_1611 : vector<512x128xi1>, vector<512x128xf32>
        %broadcast_in_dim3A_2243 = vector.shape_cast %lt3A_2212 : vector<512x1xi1> to vector<512x1xi1>
        %broadcast_in_dim3A_2244 = vector.broadcast %broadcast_in_dim3A_2243 : vector<512x1xi1> to vector<512x128xi1>
        %select_n3A_2245 = arith.select %broadcast_in_dim3A_2244, %select_n3A_2239, %get3A_1614 : vector<512x128xi1>, vector<512x128xi32>
        %eq3A_2246 = vector.broadcast %broadcast_in_dim3A_2202 : vector<512x1xf32> to vector<512x128xf32>
        %eq3A_2247 = arith.cmpf oeq, %while3A_1601, %eq3A_2246 : vector<512x128xf32>
        %eq3A_2248 = vector.broadcast %broadcast_in_dim3A_2210 : vector<512x1xi32> to vector<512x128xi32>
        %eq3A_2249 = arith.cmpi eq, %add3A_1608, %eq3A_2248 : vector<512x128xi32>
        %and3A = arith.andi %eq3A_2247, %eq3A_2249 : vector<512x128xi1>
        %jit3A_2250 = arith.constant 3.400000e+38 : f32
        %broadcast_in_dim3A_2251 = vector.broadcast %jit3A_2250 : f32 to vector<512x128xf32>
        %select_n3A_2252 = arith.select %and3A, %broadcast_in_dim3A_2251, %while3A_1601 : vector<512x128xi1>, vector<512x128xf32>
        %reduce_min3A_2253 = arith.constant dense<0x7F800000> : vector<512xf32>
        %reduce_min3A_2254 = vector.multi_reduction <minimumf>, %select_n3A_2252, %reduce_min3A_2253 [1] : vector<512x128xf32> to vector<512xf32>
        %broadcast_in_dim3A_2255 = vector.shape_cast %reduce_min3A_2254 : vector<512xf32> to vector<512x1xf32>
        %eq3A_2256 = vector.broadcast %broadcast_in_dim3A_2255 : vector<512x1xf32> to vector<512x128xf32>
        %eq3A_2257 = arith.cmpf oeq, %select_n3A_2252, %eq3A_2256 : vector<512x128xf32>
        %jit3A_2258 = arith.constant 2147483647 : i32
        %broadcast_in_dim3A_2259 = vector.broadcast %jit3A_2258 : i32 to vector<512x128xi32>
        %select_n3A_2260 = arith.select %eq3A_2257, %add3A_1608, %broadcast_in_dim3A_2259 : vector<512x128xi1>, vector<512x128xi32>
        %reduce_min3A_2261 = arith.constant dense<2147483647> : vector<512xi32>
        %reduce_min3A_2262 = vector.multi_reduction <minsi>, %select_n3A_2260, %reduce_min3A_2261 [1] : vector<512x128xi32> to vector<512xi32>
        %broadcast_in_dim3A_2263 = vector.shape_cast %reduce_min3A_2262 : vector<512xi32> to vector<512x1xi32>
        %slice3A_2264 = vector.extract_strided_slice %select_n3A_2242 {offsets = [0, 127], sizes = [512, 1], strides = [1, 1]} : vector<512x128xf32> to vector<512x1xf32>
        %lt3A_2265 = arith.cmpf olt, %broadcast_in_dim3A_2255, %slice3A_2264 : vector<512x1xf32>
        %lt3A_2266 = vector.broadcast %broadcast_in_dim3A_2255 : vector<512x1xf32> to vector<512x128xf32>
        %lt3A_2267 = arith.cmpf olt, %select_n3A_2242, %lt3A_2266 : vector<512x128xf32>
        %jit3A_2268 = arith.constant 1 : i32
        %jit3A_2269 = arith.constant 0 : i32
        %broadcast_in_dim3A_2270 = vector.broadcast %jit3A_2268 : i32 to vector<512x128xi32>
        %broadcast_in_dim3A_2271 = vector.broadcast %jit3A_2269 : i32 to vector<512x128xi32>
        %select_n3A_2272 = arith.select %lt3A_2267, %broadcast_in_dim3A_2270, %broadcast_in_dim3A_2271 : vector<512x128xi1>, vector<512x128xi32>
        %reduce_sum3A_2273 = arith.constant dense<0> : vector<512xi32>
        %reduce_sum3A_2274 = vector.multi_reduction <add>, %select_n3A_2272, %reduce_sum3A_2273 [1] : vector<512x128xi32> to vector<512xi32>
        %broadcast_in_dim3A_2275 = vector.shape_cast %reduce_sum3A_2274 : vector<512xi32> to vector<512x1xi32>
        %slice3A_2276 = vector.extract_strided_slice %select_n3A_2242 {offsets = [0, 127], sizes = [512, 1], strides = [1, 1]} : vector<512x128xf32> to vector<512x1xf32>
        %slice3A_2277 = vector.extract_strided_slice %select_n3A_2242 {offsets = [0, 0], sizes = [512, 127], strides = [1, 1]} : vector<512x128xf32> to vector<512x127xf32>
        %concatenate3A_2278 = tpu.concatenate %slice3A_2276, %slice3A_2277 in 1 : vector<512x1xf32>, vector<512x127xf32> -> vector<512x128xf32>
        %slice3A_2279 = vector.extract_strided_slice %select_n3A_2245 {offsets = [0, 127], sizes = [512, 1], strides = [1, 1]} : vector<512x128xi32> to vector<512x1xi32>
        %slice3A_2280 = vector.extract_strided_slice %select_n3A_2245 {offsets = [0, 0], sizes = [512, 127], strides = [1, 1]} : vector<512x128xi32> to vector<512x127xi32>
        %concatenate3A_2281 = tpu.concatenate %slice3A_2279, %slice3A_2280 in 1 : vector<512x1xi32>, vector<512x127xi32> -> vector<512x128xi32>
        %eq3A_2282 = vector.broadcast %broadcast_in_dim3A_2275 : vector<512x1xi32> to vector<512x128xi32>
        %eq3A_2283 = arith.cmpi eq, %iota3A, %eq3A_2282 : vector<512x128xi32>
        %lt3A_2284 = vector.broadcast %broadcast_in_dim3A_2275 : vector<512x1xi32> to vector<512x128xi32>
        %lt3A_2285 = arith.cmpi slt, %iota3A, %lt3A_2284 : vector<512x128xi32>
        %broadcast_in_dim3A_2286 = vector.shape_cast %broadcast_in_dim3A_2255 : vector<512x1xf32> to vector<512x1xf32>
        %broadcast_in_dim3A_2287 = vector.broadcast %broadcast_in_dim3A_2286 : vector<512x1xf32> to vector<512x128xf32>
        %select_n3A_2288 = arith.select %eq3A_2283, %broadcast_in_dim3A_2287, %concatenate3A_2278 : vector<512x128xi1>, vector<512x128xf32>
        %select_n3A_2289 = arith.select %lt3A_2285, %select_n3A_2242, %select_n3A_2288 : vector<512x128xi1>, vector<512x128xf32>
        %broadcast_in_dim3A_2290 = vector.shape_cast %broadcast_in_dim3A_2263 : vector<512x1xi32> to vector<512x1xi32>
        %broadcast_in_dim3A_2291 = vector.broadcast %broadcast_in_dim3A_2290 : vector<512x1xi32> to vector<512x128xi32>
        %select_n3A_2292 = arith.select %eq3A_2283, %broadcast_in_dim3A_2291, %concatenate3A_2281 : vector<512x128xi1>, vector<512x128xi32>
        %select_n3A_2293 = arith.select %lt3A_2285, %select_n3A_2245, %select_n3A_2292 : vector<512x128xi1>, vector<512x128xi32>
        %broadcast_in_dim3A_2294 = vector.shape_cast %lt3A_2265 : vector<512x1xi1> to vector<512x1xi1>
        %broadcast_in_dim3A_2295 = vector.broadcast %broadcast_in_dim3A_2294 : vector<512x1xi1> to vector<512x128xi1>
        %select_n3A_2296 = arith.select %broadcast_in_dim3A_2295, %select_n3A_2289, %select_n3A_2242 : vector<512x128xi1>, vector<512x128xf32>
        %broadcast_in_dim3A_2297 = vector.shape_cast %lt3A_2265 : vector<512x1xi1> to vector<512x1xi1>
        %broadcast_in_dim3A_2298 = vector.broadcast %broadcast_in_dim3A_2297 : vector<512x1xi1> to vector<512x128xi1>
        %select_n3A_2299 = arith.select %broadcast_in_dim3A_2298, %select_n3A_2293, %select_n3A_2245 : vector<512x128xi1>, vector<512x128xi32>
        %eq3A_2300 = vector.broadcast %broadcast_in_dim3A_2255 : vector<512x1xf32> to vector<512x128xf32>
        %eq3A_2301 = arith.cmpf oeq, %select_n3A_2252, %eq3A_2300 : vector<512x128xf32>
        %eq3A_2302 = vector.broadcast %broadcast_in_dim3A_2263 : vector<512x1xi32> to vector<512x128xi32>
        %eq3A_2303 = arith.cmpi eq, %add3A_1608, %eq3A_2302 : vector<512x128xi32>
        %and3A_2304 = arith.andi %eq3A_2301, %eq3A_2303 : vector<512x128xi1>
        %jit3A_2305 = arith.constant 3.400000e+38 : f32
        %broadcast_in_dim3A_2306 = vector.broadcast %jit3A_2305 : f32 to vector<512x128xf32>
        %select_n3A_2307 = arith.select %and3A_2304, %broadcast_in_dim3A_2306, %select_n3A_2252 : vector<512x128xi1>, vector<512x128xf32>
        %reduce_min3A_2308 = arith.constant dense<0x7F800000> : vector<512xf32>
        %reduce_min3A_2309 = vector.multi_reduction <minimumf>, %select_n3A_2307, %reduce_min3A_2308 [1] : vector<512x128xf32> to vector<512xf32>
        %broadcast_in_dim3A_2310 = vector.shape_cast %reduce_min3A_2309 : vector<512xf32> to vector<512x1xf32>
        %eq3A_2311 = vector.broadcast %broadcast_in_dim3A_2310 : vector<512x1xf32> to vector<512x128xf32>
        %eq3A_2312 = arith.cmpf oeq, %select_n3A_2307, %eq3A_2311 : vector<512x128xf32>
        %jit3A_2313 = arith.constant 2147483647 : i32
        %broadcast_in_dim3A_2314 = vector.broadcast %jit3A_2313 : i32 to vector<512x128xi32>
        %select_n3A_2315 = arith.select %eq3A_2312, %add3A_1608, %broadcast_in_dim3A_2314 : vector<512x128xi1>, vector<512x128xi32>
        %reduce_min3A_2316 = arith.constant dense<2147483647> : vector<512xi32>
        %reduce_min3A_2317 = vector.multi_reduction <minsi>, %select_n3A_2315, %reduce_min3A_2316 [1] : vector<512x128xi32> to vector<512xi32>
        %broadcast_in_dim3A_2318 = vector.shape_cast %reduce_min3A_2317 : vector<512xi32> to vector<512x1xi32>
        %slice3A_2319 = vector.extract_strided_slice %select_n3A_2296 {offsets = [0, 127], sizes = [512, 1], strides = [1, 1]} : vector<512x128xf32> to vector<512x1xf32>
        %lt3A_2320 = arith.cmpf olt, %broadcast_in_dim3A_2310, %slice3A_2319 : vector<512x1xf32>
        %lt3A_2321 = vector.broadcast %broadcast_in_dim3A_2310 : vector<512x1xf32> to vector<512x128xf32>
        %lt3A_2322 = arith.cmpf olt, %select_n3A_2296, %lt3A_2321 : vector<512x128xf32>
        %jit3A_2323 = arith.constant 1 : i32
        %jit3A_2324 = arith.constant 0 : i32
        %broadcast_in_dim3A_2325 = vector.broadcast %jit3A_2323 : i32 to vector<512x128xi32>
        %broadcast_in_dim3A_2326 = vector.broadcast %jit3A_2324 : i32 to vector<512x128xi32>
        %select_n3A_2327 = arith.select %lt3A_2322, %broadcast_in_dim3A_2325, %broadcast_in_dim3A_2326 : vector<512x128xi1>, vector<512x128xi32>
        %reduce_sum3A_2328 = arith.constant dense<0> : vector<512xi32>
        %reduce_sum3A_2329 = vector.multi_reduction <add>, %select_n3A_2327, %reduce_sum3A_2328 [1] : vector<512x128xi32> to vector<512xi32>
        %broadcast_in_dim3A_2330 = vector.shape_cast %reduce_sum3A_2329 : vector<512xi32> to vector<512x1xi32>
        %slice3A_2331 = vector.extract_strided_slice %select_n3A_2296 {offsets = [0, 127], sizes = [512, 1], strides = [1, 1]} : vector<512x128xf32> to vector<512x1xf32>
        %slice3A_2332 = vector.extract_strided_slice %select_n3A_2296 {offsets = [0, 0], sizes = [512, 127], strides = [1, 1]} : vector<512x128xf32> to vector<512x127xf32>
        %concatenate3A_2333 = tpu.concatenate %slice3A_2331, %slice3A_2332 in 1 : vector<512x1xf32>, vector<512x127xf32> -> vector<512x128xf32>
        %slice3A_2334 = vector.extract_strided_slice %select_n3A_2299 {offsets = [0, 127], sizes = [512, 1], strides = [1, 1]} : vector<512x128xi32> to vector<512x1xi32>
        %slice3A_2335 = vector.extract_strided_slice %select_n3A_2299 {offsets = [0, 0], sizes = [512, 127], strides = [1, 1]} : vector<512x128xi32> to vector<512x127xi32>
        %concatenate3A_2336 = tpu.concatenate %slice3A_2334, %slice3A_2335 in 1 : vector<512x1xi32>, vector<512x127xi32> -> vector<512x128xi32>
        %eq3A_2337 = vector.broadcast %broadcast_in_dim3A_2330 : vector<512x1xi32> to vector<512x128xi32>
        %eq3A_2338 = arith.cmpi eq, %iota3A, %eq3A_2337 : vector<512x128xi32>
        %lt3A_2339 = vector.broadcast %broadcast_in_dim3A_2330 : vector<512x1xi32> to vector<512x128xi32>
        %lt3A_2340 = arith.cmpi slt, %iota3A, %lt3A_2339 : vector<512x128xi32>
        %broadcast_in_dim3A_2341 = vector.shape_cast %broadcast_in_dim3A_2310 : vector<512x1xf32> to vector<512x1xf32>
        %broadcast_in_dim3A_2342 = vector.broadcast %broadcast_in_dim3A_2341 : vector<512x1xf32> to vector<512x128xf32>
        %select_n3A_2343 = arith.select %eq3A_2338, %broadcast_in_dim3A_2342, %concatenate3A_2333 : vector<512x128xi1>, vector<512x128xf32>
        %select_n3A_2344 = arith.select %lt3A_2340, %select_n3A_2296, %select_n3A_2343 : vector<512x128xi1>, vector<512x128xf32>
        %broadcast_in_dim3A_2345 = vector.shape_cast %broadcast_in_dim3A_2318 : vector<512x1xi32> to vector<512x1xi32>
        %broadcast_in_dim3A_2346 = vector.broadcast %broadcast_in_dim3A_2345 : vector<512x1xi32> to vector<512x128xi32>
        %select_n3A_2347 = arith.select %eq3A_2338, %broadcast_in_dim3A_2346, %concatenate3A_2336 : vector<512x128xi1>, vector<512x128xi32>
        %select_n3A_2348 = arith.select %lt3A_2340, %select_n3A_2299, %select_n3A_2347 : vector<512x128xi1>, vector<512x128xi32>
        %broadcast_in_dim3A_2349 = vector.shape_cast %lt3A_2320 : vector<512x1xi1> to vector<512x1xi1>
        %broadcast_in_dim3A_2350 = vector.broadcast %broadcast_in_dim3A_2349 : vector<512x1xi1> to vector<512x128xi1>
        %select_n3A_2351 = arith.select %broadcast_in_dim3A_2350, %select_n3A_2344, %select_n3A_2296 : vector<512x128xi1>, vector<512x128xf32>
        %broadcast_in_dim3A_2352 = vector.shape_cast %lt3A_2320 : vector<512x1xi1> to vector<512x1xi1>
        %broadcast_in_dim3A_2353 = vector.broadcast %broadcast_in_dim3A_2352 : vector<512x1xi1> to vector<512x128xi1>
        %select_n3A_2354 = arith.select %broadcast_in_dim3A_2353, %select_n3A_2348, %select_n3A_2299 : vector<512x128xi1>, vector<512x128xi32>
        %eq3A_2355 = vector.broadcast %broadcast_in_dim3A_2310 : vector<512x1xf32> to vector<512x128xf32>
        %eq3A_2356 = arith.cmpf oeq, %select_n3A_2307, %eq3A_2355 : vector<512x128xf32>
        %eq3A_2357 = vector.broadcast %broadcast_in_dim3A_2318 : vector<512x1xi32> to vector<512x128xi32>
        %eq3A_2358 = arith.cmpi eq, %add3A_1608, %eq3A_2357 : vector<512x128xi32>
        %and3A_2359 = arith.andi %eq3A_2356, %eq3A_2358 : vector<512x128xi1>
        %jit3A_2360 = arith.constant 3.400000e+38 : f32
        %broadcast_in_dim3A_2361 = vector.broadcast %jit3A_2360 : f32 to vector<512x128xf32>
        %select_n3A_2362 = arith.select %and3A_2359, %broadcast_in_dim3A_2361, %select_n3A_2307 : vector<512x128xi1>, vector<512x128xf32>
        %reduce_min3A_2363 = arith.constant dense<0x7F800000> : vector<512xf32>
        %reduce_min3A_2364 = vector.multi_reduction <minimumf>, %select_n3A_2362, %reduce_min3A_2363 [1] : vector<512x128xf32> to vector<512xf32>
        %broadcast_in_dim3A_2365 = vector.shape_cast %reduce_min3A_2364 : vector<512xf32> to vector<512x1xf32>
        %eq3A_2366 = vector.broadcast %broadcast_in_dim3A_2365 : vector<512x1xf32> to vector<512x128xf32>
        %eq3A_2367 = arith.cmpf oeq, %select_n3A_2362, %eq3A_2366 : vector<512x128xf32>
        %jit3A_2368 = arith.constant 2147483647 : i32
        %broadcast_in_dim3A_2369 = vector.broadcast %jit3A_2368 : i32 to vector<512x128xi32>
        %select_n3A_2370 = arith.select %eq3A_2367, %add3A_1608, %broadcast_in_dim3A_2369 : vector<512x128xi1>, vector<512x128xi32>
        %reduce_min3A_2371 = arith.constant dense<2147483647> : vector<512xi32>
        %reduce_min3A_2372 = vector.multi_reduction <minsi>, %select_n3A_2370, %reduce_min3A_2371 [1] : vector<512x128xi32> to vector<512xi32>
        %broadcast_in_dim3A_2373 = vector.shape_cast %reduce_min3A_2372 : vector<512xi32> to vector<512x1xi32>
        %slice3A_2374 = vector.extract_strided_slice %select_n3A_2351 {offsets = [0, 127], sizes = [512, 1], strides = [1, 1]} : vector<512x128xf32> to vector<512x1xf32>
        %lt3A_2375 = arith.cmpf olt, %broadcast_in_dim3A_2365, %slice3A_2374 : vector<512x1xf32>
        %lt3A_2376 = vector.broadcast %broadcast_in_dim3A_2365 : vector<512x1xf32> to vector<512x128xf32>
        %lt3A_2377 = arith.cmpf olt, %select_n3A_2351, %lt3A_2376 : vector<512x128xf32>
        %jit3A_2378 = arith.constant 1 : i32
        %jit3A_2379 = arith.constant 0 : i32
        %broadcast_in_dim3A_2380 = vector.broadcast %jit3A_2378 : i32 to vector<512x128xi32>
        %broadcast_in_dim3A_2381 = vector.broadcast %jit3A_2379 : i32 to vector<512x128xi32>
        %select_n3A_2382 = arith.select %lt3A_2377, %broadcast_in_dim3A_2380, %broadcast_in_dim3A_2381 : vector<512x128xi1>, vector<512x128xi32>
        %reduce_sum3A_2383 = arith.constant dense<0> : vector<512xi32>
        %reduce_sum3A_2384 = vector.multi_reduction <add>, %select_n3A_2382, %reduce_sum3A_2383 [1] : vector<512x128xi32> to vector<512xi32>
        %broadcast_in_dim3A_2385 = vector.shape_cast %reduce_sum3A_2384 : vector<512xi32> to vector<512x1xi32>
        %slice3A_2386 = vector.extract_strided_slice %select_n3A_2351 {offsets = [0, 127], sizes = [512, 1], strides = [1, 1]} : vector<512x128xf32> to vector<512x1xf32>
        %slice3A_2387 = vector.extract_strided_slice %select_n3A_2351 {offsets = [0, 0], sizes = [512, 127], strides = [1, 1]} : vector<512x128xf32> to vector<512x127xf32>
        %concatenate3A_2388 = tpu.concatenate %slice3A_2386, %slice3A_2387 in 1 : vector<512x1xf32>, vector<512x127xf32> -> vector<512x128xf32>
        %slice3A_2389 = vector.extract_strided_slice %select_n3A_2354 {offsets = [0, 127], sizes = [512, 1], strides = [1, 1]} : vector<512x128xi32> to vector<512x1xi32>
        %slice3A_2390 = vector.extract_strided_slice %select_n3A_2354 {offsets = [0, 0], sizes = [512, 127], strides = [1, 1]} : vector<512x128xi32> to vector<512x127xi32>
        %concatenate3A_2391 = tpu.concatenate %slice3A_2389, %slice3A_2390 in 1 : vector<512x1xi32>, vector<512x127xi32> -> vector<512x128xi32>
        %eq3A_2392 = vector.broadcast %broadcast_in_dim3A_2385 : vector<512x1xi32> to vector<512x128xi32>
        %eq3A_2393 = arith.cmpi eq, %iota3A, %eq3A_2392 : vector<512x128xi32>
        %lt3A_2394 = vector.broadcast %broadcast_in_dim3A_2385 : vector<512x1xi32> to vector<512x128xi32>
        %lt3A_2395 = arith.cmpi slt, %iota3A, %lt3A_2394 : vector<512x128xi32>
        %broadcast_in_dim3A_2396 = vector.shape_cast %broadcast_in_dim3A_2365 : vector<512x1xf32> to vector<512x1xf32>
        %broadcast_in_dim3A_2397 = vector.broadcast %broadcast_in_dim3A_2396 : vector<512x1xf32> to vector<512x128xf32>
        %select_n3A_2398 = arith.select %eq3A_2393, %broadcast_in_dim3A_2397, %concatenate3A_2388 : vector<512x128xi1>, vector<512x128xf32>
        %select_n3A_2399 = arith.select %lt3A_2395, %select_n3A_2351, %select_n3A_2398 : vector<512x128xi1>, vector<512x128xf32>
        %broadcast_in_dim3A_2400 = vector.shape_cast %broadcast_in_dim3A_2373 : vector<512x1xi32> to vector<512x1xi32>
        %broadcast_in_dim3A_2401 = vector.broadcast %broadcast_in_dim3A_2400 : vector<512x1xi32> to vector<512x128xi32>
        %select_n3A_2402 = arith.select %eq3A_2393, %broadcast_in_dim3A_2401, %concatenate3A_2391 : vector<512x128xi1>, vector<512x128xi32>
        %select_n3A_2403 = arith.select %lt3A_2395, %select_n3A_2354, %select_n3A_2402 : vector<512x128xi1>, vector<512x128xi32>
        %broadcast_in_dim3A_2404 = vector.shape_cast %lt3A_2375 : vector<512x1xi1> to vector<512x1xi1>
        %broadcast_in_dim3A_2405 = vector.broadcast %broadcast_in_dim3A_2404 : vector<512x1xi1> to vector<512x128xi1>
        %select_n3A_2406 = arith.select %broadcast_in_dim3A_2405, %select_n3A_2399, %select_n3A_2351 : vector<512x128xi1>, vector<512x128xf32>
        %broadcast_in_dim3A_2407 = vector.shape_cast %lt3A_2375 : vector<512x1xi1> to vector<512x1xi1>
        %broadcast_in_dim3A_2408 = vector.broadcast %broadcast_in_dim3A_2407 : vector<512x1xi1> to vector<512x128xi1>
        %select_n3A_2409 = arith.select %broadcast_in_dim3A_2408, %select_n3A_2403, %select_n3A_2354 : vector<512x128xi1>, vector<512x128xi32>
        %eq3A_2410 = vector.broadcast %broadcast_in_dim3A_2365 : vector<512x1xf32> to vector<512x128xf32>
        %eq3A_2411 = arith.cmpf oeq, %select_n3A_2362, %eq3A_2410 : vector<512x128xf32>
        %eq3A_2412 = vector.broadcast %broadcast_in_dim3A_2373 : vector<512x1xi32> to vector<512x128xi32>
        %eq3A_2413 = arith.cmpi eq, %add3A_1608, %eq3A_2412 : vector<512x128xi32>
        %and3A_2414 = arith.andi %eq3A_2411, %eq3A_2413 : vector<512x128xi1>
        %jit3A_2415 = arith.constant 3.400000e+38 : f32
        %broadcast_in_dim3A_2416 = vector.broadcast %jit3A_2415 : f32 to vector<512x128xf32>
        %select_n3A_2417 = arith.select %and3A_2414, %broadcast_in_dim3A_2416, %select_n3A_2362 : vector<512x128xi1>, vector<512x128xf32>
        scf.yield %select_n3A_2406, %select_n3A_2409 : vector<512x128xf32>, vector<512x128xi32>
      }
      %swap3A_1634 = arith.constant 0 : index
      %swap3A_1635 = arith.constant 0 : index
      %swap3A_1636 = vector.load %arg4[%swap3A_1634, %swap3A_1635] : memref<512x128xf32, #tpu.memory_space<vmem>>, vector<512x128xf32>
      tpu.vector_store %arg4[%swap3A_1634, %swap3A_1635], %cond3A_1633#0 {strides = array<i32>} : memref<512x128xf32, #tpu.memory_space<vmem>>, vector<512x128xf32>,
      %swap3A_1637 = arith.constant 0 : index
      %swap3A_1638 = arith.constant 0 : index
      %swap3A_1639 = vector.load %arg5[%swap3A_1637, %swap3A_1638] : memref<512x128xi32, #tpu.memory_space<vmem>>, vector<512x128xi32>
      tpu.vector_store %arg5[%swap3A_1637, %swap3A_1638], %cond3A_1633#1 {strides = array<i32>} : memref<512x128xi32, #tpu.memory_space<vmem>>, vector<512x128xi32>,
      %broadcast_in_dim3A_1640 = arith.constant 3.400000e+38 : f32
      %broadcast_in_dim3A_1641 = vector.broadcast %broadcast_in_dim3A_1640 : f32 to vector<512x128xf32>
      %broadcast_in_dim3A_1642 = arith.constant 0 : i32
      %broadcast_in_dim3A_1643 = vector.broadcast %broadcast_in_dim3A_1642 : i32 to vector<512x128xi32>
      %eq3A_1644 = arith.constant 0 : i32
      %eq3A_1645 = vector.broadcast %eq3A_1644 : i32 to vector<512x128xi32>
      %eq3A_1646 = arith.cmpi eq, %while3A_1602, %eq3A_1645 : vector<512x128xi32>
      %get3A_1647 = arith.constant 0 : index
      %get3A_1648 = arith.constant 0 : index
      %get3A_1649 = vector.load %arg8[%get3A_1647, %get3A_1648] : memref<512x4096xf32, #tpu.memory_space<vmem>>, vector<512x128xf32>
      %jit3A_1650 = arith.constant 3.400000e+38 : f32
      %broadcast_in_dim3A_1651 = vector.broadcast %jit3A_1650 : f32 to vector<512x128xf32>
      %select_n3A_1652 = arith.select %eq3A_1646, %broadcast_in_dim3A_1651, %get3A_1649 : vector<512x128xi1>, vector<512x128xf32>
      %swap3A_1653 = arith.constant 0 : index
      %swap3A_1654 = arith.constant 0 : index
      %swap3A_1655 = vector.load %arg8[%swap3A_1653, %swap3A_1654] : memref<512x4096xf32, #tpu.memory_space<vmem>>, vector<512x128xf32>
      tpu.vector_store %arg8[%swap3A_1653, %swap3A_1654], %select_n3A_1652 {strides = array<i32>} : memref<512x4096xf32, #tpu.memory_space<vmem>>, vector<512x128xf32>,
      %lt3A_1656 = arith.cmpf olt, %select_n3A_1652, %broadcast_in_dim3A_1641 : vector<512x128xf32>
      %select_n3A_1657 = arith.select %lt3A_1656, %select_n3A_1652, %broadcast_in_dim3A_1641 : vector<512x128xi1>, vector<512x128xf32>
      %jit3A_1658 = arith.constant 0 : i32
      %broadcast_in_dim3A_1659 = vector.broadcast %jit3A_1658 : i32 to vector<512x128xi32>
      %select_n3A_1660 = arith.select %lt3A_1656, %broadcast_in_dim3A_1659, %broadcast_in_dim3A_1643 : vector<512x128xi1>, vector<512x128xi32>
      %eq3A_1661 = arith.constant 1 : i32
      %eq3A_1662 = vector.broadcast %eq3A_1661 : i32 to vector<512x128xi32>
      %eq3A_1663 = arith.cmpi eq, %while3A_1602, %eq3A_1662 : vector<512x128xi32>
      %get3A_1664 = arith.constant 0 : index
      %get3A_1665 = arith.constant 128 : index
      %get3A_1666 = vector.load %arg8[%get3A_1664, %get3A_1665] : memref<512x4096xf32, #tpu.memory_space<vmem>>, vector<512x128xf32>
      %jit3A_1667 = arith.constant 3.400000e+38 : f32
      %broadcast_in_dim3A_1668 = vector.broadcast %jit3A_1667 : f32 to vector<512x128xf32>
      %select_n3A_1669 = arith.select %eq3A_1663, %broadcast_in_dim3A_1668, %get3A_1666 : vector<512x128xi1>, vector<512x128xf32>
      %swap3A_1670 = arith.constant 0 : index
      %swap3A_1671 = arith.constant 128 : index
      %swap3A_1672 = vector.load %arg8[%swap3A_1670, %swap3A_1671] : memref<512x4096xf32, #tpu.memory_space<vmem>>, vector<512x128xf32>
      tpu.vector_store %arg8[%swap3A_1670, %swap3A_1671], %select_n3A_1669 {strides = array<i32>} : memref<512x4096xf32, #tpu.memory_space<vmem>>, vector<512x128xf32>,
      %lt3A_1673 = arith.cmpf olt, %select_n3A_1669, %select_n3A_1657 : vector<512x128xf32>
      %select_n3A_1674 = arith.select %lt3A_1673, %select_n3A_1669, %select_n3A_1657 : vector<512x128xi1>, vector<512x128xf32>
      %jit3A_1675 = arith.constant 1 : i32
      %broadcast_in_dim3A_1676 = vector.broadcast %jit3A_1675 : i32 to vector<512x128xi32>
      %select_n3A_1677 = arith.select %lt3A_1673, %broadcast_in_dim3A_1676, %select_n3A_1660 : vector<512x128xi1>, vector<512x128xi32>
      %eq3A_1678 = arith.constant 2 : i32
      %eq3A_1679 = vector.broadcast %eq3A_1678 : i32 to vector<512x128xi32>
      %eq3A_1680 = arith.cmpi eq, %while3A_1602, %eq3A_1679 : vector<512x128xi32>
      %get3A_1681 = arith.constant 0 : index
      %get3A_1682 = arith.constant 256 : index
      %get3A_1683 = vector.load %arg8[%get3A_1681, %get3A_1682] : memref<512x4096xf32, #tpu.memory_space<vmem>>, vector<512x128xf32>
      %jit3A_1684 = arith.constant 3.400000e+38 : f32
      %broadcast_in_dim3A_1685 = vector.broadcast %jit3A_1684 : f32 to vector<512x128xf32>
      %select_n3A_1686 = arith.select %eq3A_1680, %broadcast_in_dim3A_1685, %get3A_1683 : vector<512x128xi1>, vector<512x128xf32>
      %swap3A_1687 = arith.constant 0 : index
      %swap3A_1688 = arith.constant 256 : index
      %swap3A_1689 = vector.load %arg8[%swap3A_1687, %swap3A_1688] : memref<512x4096xf32, #tpu.memory_space<vmem>>, vector<512x128xf32>
      tpu.vector_store %arg8[%swap3A_1687, %swap3A_1688], %select_n3A_1686 {strides = array<i32>} : memref<512x4096xf32, #tpu.memory_space<vmem>>, vector<512x128xf32>,
      %lt3A_1690 = arith.cmpf olt, %select_n3A_1686, %select_n3A_1674 : vector<512x128xf32>
      %select_n3A_1691 = arith.select %lt3A_1690, %select_n3A_1686, %select_n3A_1674 : vector<512x128xi1>, vector<512x128xf32>
      %jit3A_1692 = arith.constant 2 : i32
      %broadcast_in_dim3A_1693 = vector.broadcast %jit3A_1692 : i32 to vector<512x128xi32>
      %select_n3A_1694 = arith.select %lt3A_1690, %broadcast_in_dim3A_1693, %select_n3A_1677 : vector<512x128xi1>, vector<512x128xi32>
      %eq3A_1695 = arith.constant 3 : i32
      %eq3A_1696 = vector.broadcast %eq3A_1695 : i32 to vector<512x128xi32>
      %eq3A_1697 = arith.cmpi eq, %while3A_1602, %eq3A_1696 : vector<512x128xi32>
      %get3A_1698 = arith.constant 0 : index
      %get3A_1699 = arith.constant 384 : index
      %get3A_1700 = vector.load %arg8[%get3A_1698, %get3A_1699] : memref<512x4096xf32, #tpu.memory_space<vmem>>, vector<512x128xf32>
      %jit3A_1701 = arith.constant 3.400000e+38 : f32
      %broadcast_in_dim3A_1702 = vector.broadcast %jit3A_1701 : f32 to vector<512x128xf32>
      %select_n3A_1703 = arith.select %eq3A_1697, %broadcast_in_dim3A_1702, %get3A_1700 : vector<512x128xi1>, vector<512x128xf32>
      %swap3A_1704 = arith.constant 0 : index
      %swap3A_1705 = arith.constant 384 : index
      %swap3A_1706 = vector.load %arg8[%swap3A_1704, %swap3A_1705] : memref<512x4096xf32, #tpu.memory_space<vmem>>, vector<512x128xf32>
      tpu.vector_store %arg8[%swap3A_1704, %swap3A_1705], %select_n3A_1703 {strides = array<i32>} : memref<512x4096xf32, #tpu.memory_space<vmem>>, vector<512x128xf32>,
      %lt3A_1707 = arith.cmpf olt, %select_n3A_1703, %select_n3A_1691 : vector<512x128xf32>
      %select_n3A_1708 = arith.select %lt3A_1707, %select_n3A_1703, %select_n3A_1691 : vector<512x128xi1>, vector<512x128xf32>
      %jit3A_1709 = arith.constant 3 : i32
      %broadcast_in_dim3A_1710 = vector.broadcast %jit3A_1709 : i32 to vector<512x128xi32>
      %select_n3A_1711 = arith.select %lt3A_1707, %broadcast_in_dim3A_1710, %select_n3A_1694 : vector<512x128xi1>, vector<512x128xi32>
      %eq3A_1712 = arith.constant 4 : i32
      %eq3A_1713 = vector.broadcast %eq3A_1712 : i32 to vector<512x128xi32>
      %eq3A_1714 = arith.cmpi eq, %while3A_1602, %eq3A_1713 : vector<512x128xi32>
      %get3A_1715 = arith.constant 0 : index
      %get3A_1716 = arith.constant 512 : index
      %get3A_1717 = vector.load %arg8[%get3A_1715, %get3A_1716] : memref<512x4096xf32, #tpu.memory_space<vmem>>, vector<512x128xf32>
      %jit3A_1718 = arith.constant 3.400000e+38 : f32
      %broadcast_in_dim3A_1719 = vector.broadcast %jit3A_1718 : f32 to vector<512x128xf32>
      %select_n3A_1720 = arith.select %eq3A_1714, %broadcast_in_dim3A_1719, %get3A_1717 : vector<512x128xi1>, vector<512x128xf32>
      %swap3A_1721 = arith.constant 0 : index
      %swap3A_1722 = arith.constant 512 : index
      %swap3A_1723 = vector.load %arg8[%swap3A_1721, %swap3A_1722] : memref<512x4096xf32, #tpu.memory_space<vmem>>, vector<512x128xf32>
      tpu.vector_store %arg8[%swap3A_1721, %swap3A_1722], %select_n3A_1720 {strides = array<i32>} : memref<512x4096xf32, #tpu.memory_space<vmem>>, vector<512x128xf32>,
      %lt3A_1724 = arith.cmpf olt, %select_n3A_1720, %select_n3A_1708 : vector<512x128xf32>
      %select_n3A_1725 = arith.select %lt3A_1724, %select_n3A_1720, %select_n3A_1708 : vector<512x128xi1>, vector<512x128xf32>
      %jit3A_1726 = arith.constant 4 : i32
      %broadcast_in_dim3A_1727 = vector.broadcast %jit3A_1726 : i32 to vector<512x128xi32>
      %select_n3A_1728 = arith.select %lt3A_1724, %broadcast_in_dim3A_1727, %select_n3A_1711 : vector<512x128xi1>, vector<512x128xi32>
      %eq3A_1729 = arith.constant 5 : i32
      %eq3A_1730 = vector.broadcast %eq3A_1729 : i32 to vector<512x128xi32>
      %eq3A_1731 = arith.cmpi eq, %while3A_1602, %eq3A_1730 : vector<512x128xi32>
      %get3A_1732 = arith.constant 0 : index
      %get3A_1733 = arith.constant 640 : index
      %get3A_1734 = vector.load %arg8[%get3A_1732, %get3A_1733] : memref<512x4096xf32, #tpu.memory_space<vmem>>, vector<512x128xf32>
      %jit3A_1735 = arith.constant 3.400000e+38 : f32
      %broadcast_in_dim3A_1736 = vector.broadcast %jit3A_1735 : f32 to vector<512x128xf32>
      %select_n3A_1737 = arith.select %eq3A_1731, %broadcast_in_dim3A_1736, %get3A_1734 : vector<512x128xi1>, vector<512x128xf32>
      %swap3A_1738 = arith.constant 0 : index
      %swap3A_1739 = arith.constant 640 : index
      %swap3A_1740 = vector.load %arg8[%swap3A_1738, %swap3A_1739] : memref<512x4096xf32, #tpu.memory_space<vmem>>, vector<512x128xf32>
      tpu.vector_store %arg8[%swap3A_1738, %swap3A_1739], %select_n3A_1737 {strides = array<i32>} : memref<512x4096xf32, #tpu.memory_space<vmem>>, vector<512x128xf32>,
      %lt3A_1741 = arith.cmpf olt, %select_n3A_1737, %select_n3A_1725 : vector<512x128xf32>
      %select_n3A_1742 = arith.select %lt3A_1741, %select_n3A_1737, %select_n3A_1725 : vector<512x128xi1>, vector<512x128xf32>
      %jit3A_1743 = arith.constant 5 : i32
      %broadcast_in_dim3A_1744 = vector.broadcast %jit3A_1743 : i32 to vector<512x128xi32>
      %select_n3A_1745 = arith.select %lt3A_1741, %broadcast_in_dim3A_1744, %select_n3A_1728 : vector<512x128xi1>, vector<512x128xi32>
      %eq3A_1746 = arith.constant 6 : i32
      %eq3A_1747 = vector.broadcast %eq3A_1746 : i32 to vector<512x128xi32>
      %eq3A_1748 = arith.cmpi eq, %while3A_1602, %eq3A_1747 : vector<512x128xi32>
      %get3A_1749 = arith.constant 0 : index
      %get3A_1750 = arith.constant 768 : index
      %get3A_1751 = vector.load %arg8[%get3A_1749, %get3A_1750] : memref<512x4096xf32, #tpu.memory_space<vmem>>, vector<512x128xf32>
      %jit3A_1752 = arith.constant 3.400000e+38 : f32
      %broadcast_in_dim3A_1753 = vector.broadcast %jit3A_1752 : f32 to vector<512x128xf32>
      %select_n3A_1754 = arith.select %eq3A_1748, %broadcast_in_dim3A_1753, %get3A_1751 : vector<512x128xi1>, vector<512x128xf32>
      %swap3A_1755 = arith.constant 0 : index
      %swap3A_1756 = arith.constant 768 : index
      %swap3A_1757 = vector.load %arg8[%swap3A_1755, %swap3A_1756] : memref<512x4096xf32, #tpu.memory_space<vmem>>, vector<512x128xf32>
      tpu.vector_store %arg8[%swap3A_1755, %swap3A_1756], %select_n3A_1754 {strides = array<i32>} : memref<512x4096xf32, #tpu.memory_space<vmem>>, vector<512x128xf32>,
      %lt3A_1758 = arith.cmpf olt, %select_n3A_1754, %select_n3A_1742 : vector<512x128xf32>
      %select_n3A_1759 = arith.select %lt3A_1758, %select_n3A_1754, %select_n3A_1742 : vector<512x128xi1>, vector<512x128xf32>
      %jit3A_1760 = arith.constant 6 : i32
      %broadcast_in_dim3A_1761 = vector.broadcast %jit3A_1760 : i32 to vector<512x128xi32>
      %select_n3A_1762 = arith.select %lt3A_1758, %broadcast_in_dim3A_1761, %select_n3A_1745 : vector<512x128xi1>, vector<512x128xi32>
      %eq3A_1763 = arith.constant 7 : i32
      %eq3A_1764 = vector.broadcast %eq3A_1763 : i32 to vector<512x128xi32>
      %eq3A_1765 = arith.cmpi eq, %while3A_1602, %eq3A_1764 : vector<512x128xi32>
      %get3A_1766 = arith.constant 0 : index
      %get3A_1767 = arith.constant 896 : index
      %get3A_1768 = vector.load %arg8[%get3A_1766, %get3A_1767] : memref<512x4096xf32, #tpu.memory_space<vmem>>, vector<512x128xf32>
      %jit3A_1769 = arith.constant 3.400000e+38 : f32
      %broadcast_in_dim3A_1770 = vector.broadcast %jit3A_1769 : f32 to vector<512x128xf32>
      %select_n3A_1771 = arith.select %eq3A_1765, %broadcast_in_dim3A_1770, %get3A_1768 : vector<512x128xi1>, vector<512x128xf32>
      %swap3A_1772 = arith.constant 0 : index
      %swap3A_1773 = arith.constant 896 : index
      %swap3A_1774 = vector.load %arg8[%swap3A_1772, %swap3A_1773] : memref<512x4096xf32, #tpu.memory_space<vmem>>, vector<512x128xf32>
      tpu.vector_store %arg8[%swap3A_1772, %swap3A_1773], %select_n3A_1771 {strides = array<i32>} : memref<512x4096xf32, #tpu.memory_space<vmem>>, vector<512x128xf32>,
      %lt3A_1775 = arith.cmpf olt, %select_n3A_1771, %select_n3A_1759 : vector<512x128xf32>
      %select_n3A_1776 = arith.select %lt3A_1775, %select_n3A_1771, %select_n3A_1759 : vector<512x128xi1>, vector<512x128xf32>
      %jit3A_1777 = arith.constant 7 : i32
      %broadcast_in_dim3A_1778 = vector.broadcast %jit3A_1777 : i32 to vector<512x128xi32>
      %select_n3A_1779 = arith.select %lt3A_1775, %broadcast_in_dim3A_1778, %select_n3A_1762 : vector<512x128xi1>, vector<512x128xi32>
      %eq3A_1780 = arith.constant 8 : i32
      %eq3A_1781 = vector.broadcast %eq3A_1780 : i32 to vector<512x128xi32>
      %eq3A_1782 = arith.cmpi eq, %while3A_1602, %eq3A_1781 : vector<512x128xi32>
      %get3A_1783 = arith.constant 0 : index
      %get3A_1784 = arith.constant 1024 : index
      %get3A_1785 = vector.load %arg8[%get3A_1783, %get3A_1784] : memref<512x4096xf32, #tpu.memory_space<vmem>>, vector<512x128xf32>
      %jit3A_1786 = arith.constant 3.400000e+38 : f32
      %broadcast_in_dim3A_1787 = vector.broadcast %jit3A_1786 : f32 to vector<512x128xf32>
      %select_n3A_1788 = arith.select %eq3A_1782, %broadcast_in_dim3A_1787, %get3A_1785 : vector<512x128xi1>, vector<512x128xf32>
      %swap3A_1789 = arith.constant 0 : index
      %swap3A_1790 = arith.constant 1024 : index
      %swap3A_1791 = vector.load %arg8[%swap3A_1789, %swap3A_1790] : memref<512x4096xf32, #tpu.memory_space<vmem>>, vector<512x128xf32>
      tpu.vector_store %arg8[%swap3A_1789, %swap3A_1790], %select_n3A_1788 {strides = array<i32>} : memref<512x4096xf32, #tpu.memory_space<vmem>>, vector<512x128xf32>,
      %lt3A_1792 = arith.cmpf olt, %select_n3A_1788, %select_n3A_1776 : vector<512x128xf32>
      %select_n3A_1793 = arith.select %lt3A_1792, %select_n3A_1788, %select_n3A_1776 : vector<512x128xi1>, vector<512x128xf32>
      %jit3A_1794 = arith.constant 8 : i32
      %broadcast_in_dim3A_1795 = vector.broadcast %jit3A_1794 : i32 to vector<512x128xi32>
      %select_n3A_1796 = arith.select %lt3A_1792, %broadcast_in_dim3A_1795, %select_n3A_1779 : vector<512x128xi1>, vector<512x128xi32>
      %eq3A_1797 = arith.constant 9 : i32
      %eq3A_1798 = vector.broadcast %eq3A_1797 : i32 to vector<512x128xi32>
      %eq3A_1799 = arith.cmpi eq, %while3A_1602, %eq3A_1798 : vector<512x128xi32>
      %get3A_1800 = arith.constant 0 : index
      %get3A_1801 = arith.constant 1152 : index
      %get3A_1802 = vector.load %arg8[%get3A_1800, %get3A_1801] : memref<512x4096xf32, #tpu.memory_space<vmem>>, vector<512x128xf32>
      %jit3A_1803 = arith.constant 3.400000e+38 : f32
      %broadcast_in_dim3A_1804 = vector.broadcast %jit3A_1803 : f32 to vector<512x128xf32>
      %select_n3A_1805 = arith.select %eq3A_1799, %broadcast_in_dim3A_1804, %get3A_1802 : vector<512x128xi1>, vector<512x128xf32>
      %swap3A_1806 = arith.constant 0 : index
      %swap3A_1807 = arith.constant 1152 : index
      %swap3A_1808 = vector.load %arg8[%swap3A_1806, %swap3A_1807] : memref<512x4096xf32, #tpu.memory_space<vmem>>, vector<512x128xf32>
      tpu.vector_store %arg8[%swap3A_1806, %swap3A_1807], %select_n3A_1805 {strides = array<i32>} : memref<512x4096xf32, #tpu.memory_space<vmem>>, vector<512x128xf32>,
      %lt3A_1809 = arith.cmpf olt, %select_n3A_1805, %select_n3A_1793 : vector<512x128xf32>
      %select_n3A_1810 = arith.select %lt3A_1809, %select_n3A_1805, %select_n3A_1793 : vector<512x128xi1>, vector<512x128xf32>
      %jit3A_1811 = arith.constant 9 : i32
      %broadcast_in_dim3A_1812 = vector.broadcast %jit3A_1811 : i32 to vector<512x128xi32>
      %select_n3A_1813 = arith.select %lt3A_1809, %broadcast_in_dim3A_1812, %select_n3A_1796 : vector<512x128xi1>, vector<512x128xi32>
      %eq3A_1814 = arith.constant 10 : i32
      %eq3A_1815 = vector.broadcast %eq3A_1814 : i32 to vector<512x128xi32>
      %eq3A_1816 = arith.cmpi eq, %while3A_1602, %eq3A_1815 : vector<512x128xi32>
      %get3A_1817 = arith.constant 0 : index
      %get3A_1818 = arith.constant 1280 : index
      %get3A_1819 = vector.load %arg8[%get3A_1817, %get3A_1818] : memref<512x4096xf32, #tpu.memory_space<vmem>>, vector<512x128xf32>
      %jit3A_1820 = arith.constant 3.400000e+38 : f32
      %broadcast_in_dim3A_1821 = vector.broadcast %jit3A_1820 : f32 to vector<512x128xf32>
      %select_n3A_1822 = arith.select %eq3A_1816, %broadcast_in_dim3A_1821, %get3A_1819 : vector<512x128xi1>, vector<512x128xf32>
      %swap3A_1823 = arith.constant 0 : index
      %swap3A_1824 = arith.constant 1280 : index
      %swap3A_1825 = vector.load %arg8[%swap3A_1823, %swap3A_1824] : memref<512x4096xf32, #tpu.memory_space<vmem>>, vector<512x128xf32>
      tpu.vector_store %arg8[%swap3A_1823, %swap3A_1824], %select_n3A_1822 {strides = array<i32>} : memref<512x4096xf32, #tpu.memory_space<vmem>>, vector<512x128xf32>,
      %lt3A_1826 = arith.cmpf olt, %select_n3A_1822, %select_n3A_1810 : vector<512x128xf32>
      %select_n3A_1827 = arith.select %lt3A_1826, %select_n3A_1822, %select_n3A_1810 : vector<512x128xi1>, vector<512x128xf32>
      %jit3A_1828 = arith.constant 10 : i32
      %broadcast_in_dim3A_1829 = vector.broadcast %jit3A_1828 : i32 to vector<512x128xi32>
      %select_n3A_1830 = arith.select %lt3A_1826, %broadcast_in_dim3A_1829, %select_n3A_1813 : vector<512x128xi1>, vector<512x128xi32>
      %eq3A_1831 = arith.constant 11 : i32
      %eq3A_1832 = vector.broadcast %eq3A_1831 : i32 to vector<512x128xi32>
      %eq3A_1833 = arith.cmpi eq, %while3A_1602, %eq3A_1832 : vector<512x128xi32>
      %get3A_1834 = arith.constant 0 : index
      %get3A_1835 = arith.constant 1408 : index
      %get3A_1836 = vector.load %arg8[%get3A_1834, %get3A_1835] : memref<512x4096xf32, #tpu.memory_space<vmem>>, vector<512x128xf32>
      %jit3A_1837 = arith.constant 3.400000e+38 : f32
      %broadcast_in_dim3A_1838 = vector.broadcast %jit3A_1837 : f32 to vector<512x128xf32>
      %select_n3A_1839 = arith.select %eq3A_1833, %broadcast_in_dim3A_1838, %get3A_1836 : vector<512x128xi1>, vector<512x128xf32>
      %swap3A_1840 = arith.constant 0 : index
      %swap3A_1841 = arith.constant 1408 : index
      %swap3A_1842 = vector.load %arg8[%swap3A_1840, %swap3A_1841] : memref<512x4096xf32, #tpu.memory_space<vmem>>, vector<512x128xf32>
      tpu.vector_store %arg8[%swap3A_1840, %swap3A_1841], %select_n3A_1839 {strides = array<i32>} : memref<512x4096xf32, #tpu.memory_space<vmem>>, vector<512x128xf32>,
      %lt3A_1843 = arith.cmpf olt, %select_n3A_1839, %select_n3A_1827 : vector<512x128xf32>
      %select_n3A_1844 = arith.select %lt3A_1843, %select_n3A_1839, %select_n3A_1827 : vector<512x128xi1>, vector<512x128xf32>
      %jit3A_1845 = arith.constant 11 : i32
      %broadcast_in_dim3A_1846 = vector.broadcast %jit3A_1845 : i32 to vector<512x128xi32>
      %select_n3A_1847 = arith.select %lt3A_1843, %broadcast_in_dim3A_1846, %select_n3A_1830 : vector<512x128xi1>, vector<512x128xi32>
      %eq3A_1848 = arith.constant 12 : i32
      %eq3A_1849 = vector.broadcast %eq3A_1848 : i32 to vector<512x128xi32>
      %eq3A_1850 = arith.cmpi eq, %while3A_1602, %eq3A_1849 : vector<512x128xi32>
      %get3A_1851 = arith.constant 0 : index
      %get3A_1852 = arith.constant 1536 : index
      %get3A_1853 = vector.load %arg8[%get3A_1851, %get3A_1852] : memref<512x4096xf32, #tpu.memory_space<vmem>>, vector<512x128xf32>
      %jit3A_1854 = arith.constant 3.400000e+38 : f32
      %broadcast_in_dim3A_1855 = vector.broadcast %jit3A_1854 : f32 to vector<512x128xf32>
      %select_n3A_1856 = arith.select %eq3A_1850, %broadcast_in_dim3A_1855, %get3A_1853 : vector<512x128xi1>, vector<512x128xf32>
      %swap3A_1857 = arith.constant 0 : index
      %swap3A_1858 = arith.constant 1536 : index
      %swap3A_1859 = vector.load %arg8[%swap3A_1857, %swap3A_1858] : memref<512x4096xf32, #tpu.memory_space<vmem>>, vector<512x128xf32>
      tpu.vector_store %arg8[%swap3A_1857, %swap3A_1858], %select_n3A_1856 {strides = array<i32>} : memref<512x4096xf32, #tpu.memory_space<vmem>>, vector<512x128xf32>,
      %lt3A_1860 = arith.cmpf olt, %select_n3A_1856, %select_n3A_1844 : vector<512x128xf32>
      %select_n3A_1861 = arith.select %lt3A_1860, %select_n3A_1856, %select_n3A_1844 : vector<512x128xi1>, vector<512x128xf32>
      %jit3A_1862 = arith.constant 12 : i32
      %broadcast_in_dim3A_1863 = vector.broadcast %jit3A_1862 : i32 to vector<512x128xi32>
      %select_n3A_1864 = arith.select %lt3A_1860, %broadcast_in_dim3A_1863, %select_n3A_1847 : vector<512x128xi1>, vector<512x128xi32>
      %eq3A_1865 = arith.constant 13 : i32
      %eq3A_1866 = vector.broadcast %eq3A_1865 : i32 to vector<512x128xi32>
      %eq3A_1867 = arith.cmpi eq, %while3A_1602, %eq3A_1866 : vector<512x128xi32>
      %get3A_1868 = arith.constant 0 : index
      %get3A_1869 = arith.constant 1664 : index
      %get3A_1870 = vector.load %arg8[%get3A_1868, %get3A_1869] : memref<512x4096xf32, #tpu.memory_space<vmem>>, vector<512x128xf32>
      %jit3A_1871 = arith.constant 3.400000e+38 : f32
      %broadcast_in_dim3A_1872 = vector.broadcast %jit3A_1871 : f32 to vector<512x128xf32>
      %select_n3A_1873 = arith.select %eq3A_1867, %broadcast_in_dim3A_1872, %get3A_1870 : vector<512x128xi1>, vector<512x128xf32>
      %swap3A_1874 = arith.constant 0 : index
      %swap3A_1875 = arith.constant 1664 : index
      %swap3A_1876 = vector.load %arg8[%swap3A_1874, %swap3A_1875] : memref<512x4096xf32, #tpu.memory_space<vmem>>, vector<512x128xf32>
      tpu.vector_store %arg8[%swap3A_1874, %swap3A_1875], %select_n3A_1873 {strides = array<i32>} : memref<512x4096xf32, #tpu.memory_space<vmem>>, vector<512x128xf32>,
      %lt3A_1877 = arith.cmpf olt, %select_n3A_1873, %select_n3A_1861 : vector<512x128xf32>
      %select_n3A_1878 = arith.select %lt3A_1877, %select_n3A_1873, %select_n3A_1861 : vector<512x128xi1>, vector<512x128xf32>
      %jit3A_1879 = arith.constant 13 : i32
      %broadcast_in_dim3A_1880 = vector.broadcast %jit3A_1879 : i32 to vector<512x128xi32>
      %select_n3A_1881 = arith.select %lt3A_1877, %broadcast_in_dim3A_1880, %select_n3A_1864 : vector<512x128xi1>, vector<512x128xi32>
      %eq3A_1882 = arith.constant 14 : i32
      %eq3A_1883 = vector.broadcast %eq3A_1882 : i32 to vector<512x128xi32>
      %eq3A_1884 = arith.cmpi eq, %while3A_1602, %eq3A_1883 : vector<512x128xi32>
      %get3A_1885 = arith.constant 0 : index
      %get3A_1886 = arith.constant 1792 : index
      %get3A_1887 = vector.load %arg8[%get3A_1885, %get3A_1886] : memref<512x4096xf32, #tpu.memory_space<vmem>>, vector<512x128xf32>
      %jit3A_1888 = arith.constant 3.400000e+38 : f32
      %broadcast_in_dim3A_1889 = vector.broadcast %jit3A_1888 : f32 to vector<512x128xf32>
      %select_n3A_1890 = arith.select %eq3A_1884, %broadcast_in_dim3A_1889, %get3A_1887 : vector<512x128xi1>, vector<512x128xf32>
      %swap3A_1891 = arith.constant 0 : index
      %swap3A_1892 = arith.constant 1792 : index
      %swap3A_1893 = vector.load %arg8[%swap3A_1891, %swap3A_1892] : memref<512x4096xf32, #tpu.memory_space<vmem>>, vector<512x128xf32>
      tpu.vector_store %arg8[%swap3A_1891, %swap3A_1892], %select_n3A_1890 {strides = array<i32>} : memref<512x4096xf32, #tpu.memory_space<vmem>>, vector<512x128xf32>,
      %lt3A_1894 = arith.cmpf olt, %select_n3A_1890, %select_n3A_1878 : vector<512x128xf32>
      %select_n3A_1895 = arith.select %lt3A_1894, %select_n3A_1890, %select_n3A_1878 : vector<512x128xi1>, vector<512x128xf32>
      %jit3A_1896 = arith.constant 14 : i32
      %broadcast_in_dim3A_1897 = vector.broadcast %jit3A_1896 : i32 to vector<512x128xi32>
      %select_n3A_1898 = arith.select %lt3A_1894, %broadcast_in_dim3A_1897, %select_n3A_1881 : vector<512x128xi1>, vector<512x128xi32>
      %eq3A_1899 = arith.constant 15 : i32
      %eq3A_1900 = vector.broadcast %eq3A_1899 : i32 to vector<512x128xi32>
      %eq3A_1901 = arith.cmpi eq, %while3A_1602, %eq3A_1900 : vector<512x128xi32>
      %get3A_1902 = arith.constant 0 : index
      %get3A_1903 = arith.constant 1920 : index
      %get3A_1904 = vector.load %arg8[%get3A_1902, %get3A_1903] : memref<512x4096xf32, #tpu.memory_space<vmem>>, vector<512x128xf32>
      %jit3A_1905 = arith.constant 3.400000e+38 : f32
      %broadcast_in_dim3A_1906 = vector.broadcast %jit3A_1905 : f32 to vector<512x128xf32>
      %select_n3A_1907 = arith.select %eq3A_1901, %broadcast_in_dim3A_1906, %get3A_1904 : vector<512x128xi1>, vector<512x128xf32>
      %swap3A_1908 = arith.constant 0 : index
      %swap3A_1909 = arith.constant 1920 : index
      %swap3A_1910 = vector.load %arg8[%swap3A_1908, %swap3A_1909] : memref<512x4096xf32, #tpu.memory_space<vmem>>, vector<512x128xf32>
      tpu.vector_store %arg8[%swap3A_1908, %swap3A_1909], %select_n3A_1907 {strides = array<i32>} : memref<512x4096xf32, #tpu.memory_space<vmem>>, vector<512x128xf32>,
      %lt3A_1911 = arith.cmpf olt, %select_n3A_1907, %select_n3A_1895 : vector<512x128xf32>
      %select_n3A_1912 = arith.select %lt3A_1911, %select_n3A_1907, %select_n3A_1895 : vector<512x128xi1>, vector<512x128xf32>
      %jit3A_1913 = arith.constant 15 : i32
      %broadcast_in_dim3A_1914 = vector.broadcast %jit3A_1913 : i32 to vector<512x128xi32>
      %select_n3A_1915 = arith.select %lt3A_1911, %broadcast_in_dim3A_1914, %select_n3A_1898 : vector<512x128xi1>, vector<512x128xi32>
      %eq3A_1916 = arith.constant 16 : i32
      %eq3A_1917 = vector.broadcast %eq3A_1916 : i32 to vector<512x128xi32>
      %eq3A_1918 = arith.cmpi eq, %while3A_1602, %eq3A_1917 : vector<512x128xi32>
      %get3A_1919 = arith.constant 0 : index
      %get3A_1920 = arith.constant 2048 : index
      %get3A_1921 = vector.load %arg8[%get3A_1919, %get3A_1920] : memref<512x4096xf32, #tpu.memory_space<vmem>>, vector<512x128xf32>
      %jit3A_1922 = arith.constant 3.400000e+38 : f32
      %broadcast_in_dim3A_1923 = vector.broadcast %jit3A_1922 : f32 to vector<512x128xf32>
      %select_n3A_1924 = arith.select %eq3A_1918, %broadcast_in_dim3A_1923, %get3A_1921 : vector<512x128xi1>, vector<512x128xf32>
      %swap3A_1925 = arith.constant 0 : index
      %swap3A_1926 = arith.constant 2048 : index
      %swap3A_1927 = vector.load %arg8[%swap3A_1925, %swap3A_1926] : memref<512x4096xf32, #tpu.memory_space<vmem>>, vector<512x128xf32>
      tpu.vector_store %arg8[%swap3A_1925, %swap3A_1926], %select_n3A_1924 {strides = array<i32>} : memref<512x4096xf32, #tpu.memory_space<vmem>>, vector<512x128xf32>,
      %lt3A_1928 = arith.cmpf olt, %select_n3A_1924, %select_n3A_1912 : vector<512x128xf32>
      %select_n3A_1929 = arith.select %lt3A_1928, %select_n3A_1924, %select_n3A_1912 : vector<512x128xi1>, vector<512x128xf32>
      %jit3A_1930 = arith.constant 16 : i32
      %broadcast_in_dim3A_1931 = vector.broadcast %jit3A_1930 : i32 to vector<512x128xi32>
      %select_n3A_1932 = arith.select %lt3A_1928, %broadcast_in_dim3A_1931, %select_n3A_1915 : vector<512x128xi1>, vector<512x128xi32>
      %eq3A_1933 = arith.constant 17 : i32
      %eq3A_1934 = vector.broadcast %eq3A_1933 : i32 to vector<512x128xi32>
      %eq3A_1935 = arith.cmpi eq, %while3A_1602, %eq3A_1934 : vector<512x128xi32>
      %get3A_1936 = arith.constant 0 : index
      %get3A_1937 = arith.constant 2176 : index
      %get3A_1938 = vector.load %arg8[%get3A_1936, %get3A_1937] : memref<512x4096xf32, #tpu.memory_space<vmem>>, vector<512x128xf32>
      %jit3A_1939 = arith.constant 3.400000e+38 : f32
      %broadcast_in_dim3A_1940 = vector.broadcast %jit3A_1939 : f32 to vector<512x128xf32>
      %select_n3A_1941 = arith.select %eq3A_1935, %broadcast_in_dim3A_1940, %get3A_1938 : vector<512x128xi1>, vector<512x128xf32>
      %swap3A_1942 = arith.constant 0 : index
      %swap3A_1943 = arith.constant 2176 : index
      %swap3A_1944 = vector.load %arg8[%swap3A_1942, %swap3A_1943] : memref<512x4096xf32, #tpu.memory_space<vmem>>, vector<512x128xf32>
      tpu.vector_store %arg8[%swap3A_1942, %swap3A_1943], %select_n3A_1941 {strides = array<i32>} : memref<512x4096xf32, #tpu.memory_space<vmem>>, vector<512x128xf32>,
      %lt3A_1945 = arith.cmpf olt, %select_n3A_1941, %select_n3A_1929 : vector<512x128xf32>
      %select_n3A_1946 = arith.select %lt3A_1945, %select_n3A_1941, %select_n3A_1929 : vector<512x128xi1>, vector<512x128xf32>
      %jit3A_1947 = arith.constant 17 : i32
      %broadcast_in_dim3A_1948 = vector.broadcast %jit3A_1947 : i32 to vector<512x128xi32>
      %select_n3A_1949 = arith.select %lt3A_1945, %broadcast_in_dim3A_1948, %select_n3A_1932 : vector<512x128xi1>, vector<512x128xi32>
      %eq3A_1950 = arith.constant 18 : i32
      %eq3A_1951 = vector.broadcast %eq3A_1950 : i32 to vector<512x128xi32>
      %eq3A_1952 = arith.cmpi eq, %while3A_1602, %eq3A_1951 : vector<512x128xi32>
      %get3A_1953 = arith.constant 0 : index
      %get3A_1954 = arith.constant 2304 : index
      %get3A_1955 = vector.load %arg8[%get3A_1953, %get3A_1954] : memref<512x4096xf32, #tpu.memory_space<vmem>>, vector<512x128xf32>
      %jit3A_1956 = arith.constant 3.400000e+38 : f32
      %broadcast_in_dim3A_1957 = vector.broadcast %jit3A_1956 : f32 to vector<512x128xf32>
      %select_n3A_1958 = arith.select %eq3A_1952, %broadcast_in_dim3A_1957, %get3A_1955 : vector<512x128xi1>, vector<512x128xf32>
      %swap3A_1959 = arith.constant 0 : index
      %swap3A_1960 = arith.constant 2304 : index
      %swap3A_1961 = vector.load %arg8[%swap3A_1959, %swap3A_1960] : memref<512x4096xf32, #tpu.memory_space<vmem>>, vector<512x128xf32>
      tpu.vector_store %arg8[%swap3A_1959, %swap3A_1960], %select_n3A_1958 {strides = array<i32>} : memref<512x4096xf32, #tpu.memory_space<vmem>>, vector<512x128xf32>,
      %lt3A_1962 = arith.cmpf olt, %select_n3A_1958, %select_n3A_1946 : vector<512x128xf32>
      %select_n3A_1963 = arith.select %lt3A_1962, %select_n3A_1958, %select_n3A_1946 : vector<512x128xi1>, vector<512x128xf32>
      %jit3A_1964 = arith.constant 18 : i32
      %broadcast_in_dim3A_1965 = vector.broadcast %jit3A_1964 : i32 to vector<512x128xi32>
      %select_n3A_1966 = arith.select %lt3A_1962, %broadcast_in_dim3A_1965, %select_n3A_1949 : vector<512x128xi1>, vector<512x128xi32>
      %eq3A_1967 = arith.constant 19 : i32
      %eq3A_1968 = vector.broadcast %eq3A_1967 : i32 to vector<512x128xi32>
      %eq3A_1969 = arith.cmpi eq, %while3A_1602, %eq3A_1968 : vector<512x128xi32>
      %get3A_1970 = arith.constant 0 : index
      %get3A_1971 = arith.constant 2432 : index
      %get3A_1972 = vector.load %arg8[%get3A_1970, %get3A_1971] : memref<512x4096xf32, #tpu.memory_space<vmem>>, vector<512x128xf32>
      %jit3A_1973 = arith.constant 3.400000e+38 : f32
      %broadcast_in_dim3A_1974 = vector.broadcast %jit3A_1973 : f32 to vector<512x128xf32>
      %select_n3A_1975 = arith.select %eq3A_1969, %broadcast_in_dim3A_1974, %get3A_1972 : vector<512x128xi1>, vector<512x128xf32>
      %swap3A_1976 = arith.constant 0 : index
      %swap3A_1977 = arith.constant 2432 : index
      %swap3A_1978 = vector.load %arg8[%swap3A_1976, %swap3A_1977] : memref<512x4096xf32, #tpu.memory_space<vmem>>, vector<512x128xf32>
      tpu.vector_store %arg8[%swap3A_1976, %swap3A_1977], %select_n3A_1975 {strides = array<i32>} : memref<512x4096xf32, #tpu.memory_space<vmem>>, vector<512x128xf32>,
      %lt3A_1979 = arith.cmpf olt, %select_n3A_1975, %select_n3A_1963 : vector<512x128xf32>
      %select_n3A_1980 = arith.select %lt3A_1979, %select_n3A_1975, %select_n3A_1963 : vector<512x128xi1>, vector<512x128xf32>
      %jit3A_1981 = arith.constant 19 : i32
      %broadcast_in_dim3A_1982 = vector.broadcast %jit3A_1981 : i32 to vector<512x128xi32>
      %select_n3A_1983 = arith.select %lt3A_1979, %broadcast_in_dim3A_1982, %select_n3A_1966 : vector<512x128xi1>, vector<512x128xi32>
      %eq3A_1984 = arith.constant 20 : i32
      %eq3A_1985 = vector.broadcast %eq3A_1984 : i32 to vector<512x128xi32>
      %eq3A_1986 = arith.cmpi eq, %while3A_1602, %eq3A_1985 : vector<512x128xi32>
      %get3A_1987 = arith.constant 0 : index
      %get3A_1988 = arith.constant 2560 : index
      %get3A_1989 = vector.load %arg8[%get3A_1987, %get3A_1988] : memref<512x4096xf32, #tpu.memory_space<vmem>>, vector<512x128xf32>
      %jit3A_1990 = arith.constant 3.400000e+38 : f32
      %broadcast_in_dim3A_1991 = vector.broadcast %jit3A_1990 : f32 to vector<512x128xf32>
      %select_n3A_1992 = arith.select %eq3A_1986, %broadcast_in_dim3A_1991, %get3A_1989 : vector<512x128xi1>, vector<512x128xf32>
      %swap3A_1993 = arith.constant 0 : index
      %swap3A_1994 = arith.constant 2560 : index
      %swap3A_1995 = vector.load %arg8[%swap3A_1993, %swap3A_1994] : memref<512x4096xf32, #tpu.memory_space<vmem>>, vector<512x128xf32>
      tpu.vector_store %arg8[%swap3A_1993, %swap3A_1994], %select_n3A_1992 {strides = array<i32>} : memref<512x4096xf32, #tpu.memory_space<vmem>>, vector<512x128xf32>,
      %lt3A_1996 = arith.cmpf olt, %select_n3A_1992, %select_n3A_1980 : vector<512x128xf32>
      %select_n3A_1997 = arith.select %lt3A_1996, %select_n3A_1992, %select_n3A_1980 : vector<512x128xi1>, vector<512x128xf32>
      %jit3A_1998 = arith.constant 20 : i32
      %broadcast_in_dim3A_1999 = vector.broadcast %jit3A_1998 : i32 to vector<512x128xi32>
      %select_n3A_2000 = arith.select %lt3A_1996, %broadcast_in_dim3A_1999, %select_n3A_1983 : vector<512x128xi1>, vector<512x128xi32>
      %eq3A_2001 = arith.constant 21 : i32
      %eq3A_2002 = vector.broadcast %eq3A_2001 : i32 to vector<512x128xi32>
      %eq3A_2003 = arith.cmpi eq, %while3A_1602, %eq3A_2002 : vector<512x128xi32>
      %get3A_2004 = arith.constant 0 : index
      %get3A_2005 = arith.constant 2688 : index
      %get3A_2006 = vector.load %arg8[%get3A_2004, %get3A_2005] : memref<512x4096xf32, #tpu.memory_space<vmem>>, vector<512x128xf32>
      %jit3A_2007 = arith.constant 3.400000e+38 : f32
      %broadcast_in_dim3A_2008 = vector.broadcast %jit3A_2007 : f32 to vector<512x128xf32>
      %select_n3A_2009 = arith.select %eq3A_2003, %broadcast_in_dim3A_2008, %get3A_2006 : vector<512x128xi1>, vector<512x128xf32>
      %swap3A_2010 = arith.constant 0 : index
      %swap3A_2011 = arith.constant 2688 : index
      %swap3A_2012 = vector.load %arg8[%swap3A_2010, %swap3A_2011] : memref<512x4096xf32, #tpu.memory_space<vmem>>, vector<512x128xf32>
      tpu.vector_store %arg8[%swap3A_2010, %swap3A_2011], %select_n3A_2009 {strides = array<i32>} : memref<512x4096xf32, #tpu.memory_space<vmem>>, vector<512x128xf32>,
      %lt3A_2013 = arith.cmpf olt, %select_n3A_2009, %select_n3A_1997 : vector<512x128xf32>
      %select_n3A_2014 = arith.select %lt3A_2013, %select_n3A_2009, %select_n3A_1997 : vector<512x128xi1>, vector<512x128xf32>
      %jit3A_2015 = arith.constant 21 : i32
      %broadcast_in_dim3A_2016 = vector.broadcast %jit3A_2015 : i32 to vector<512x128xi32>
      %select_n3A_2017 = arith.select %lt3A_2013, %broadcast_in_dim3A_2016, %select_n3A_2000 : vector<512x128xi1>, vector<512x128xi32>
      %eq3A_2018 = arith.constant 22 : i32
      %eq3A_2019 = vector.broadcast %eq3A_2018 : i32 to vector<512x128xi32>
      %eq3A_2020 = arith.cmpi eq, %while3A_1602, %eq3A_2019 : vector<512x128xi32>
      %get3A_2021 = arith.constant 0 : index
      %get3A_2022 = arith.constant 2816 : index
      %get3A_2023 = vector.load %arg8[%get3A_2021, %get3A_2022] : memref<512x4096xf32, #tpu.memory_space<vmem>>, vector<512x128xf32>
      %jit3A_2024 = arith.constant 3.400000e+38 : f32
      %broadcast_in_dim3A_2025 = vector.broadcast %jit3A_2024 : f32 to vector<512x128xf32>
      %select_n3A_2026 = arith.select %eq3A_2020, %broadcast_in_dim3A_2025, %get3A_2023 : vector<512x128xi1>, vector<512x128xf32>
      %swap3A_2027 = arith.constant 0 : index
      %swap3A_2028 = arith.constant 2816 : index
      %swap3A_2029 = vector.load %arg8[%swap3A_2027, %swap3A_2028] : memref<512x4096xf32, #tpu.memory_space<vmem>>, vector<512x128xf32>
      tpu.vector_store %arg8[%swap3A_2027, %swap3A_2028], %select_n3A_2026 {strides = array<i32>} : memref<512x4096xf32, #tpu.memory_space<vmem>>, vector<512x128xf32>,
      %lt3A_2030 = arith.cmpf olt, %select_n3A_2026, %select_n3A_2014 : vector<512x128xf32>
      %select_n3A_2031 = arith.select %lt3A_2030, %select_n3A_2026, %select_n3A_2014 : vector<512x128xi1>, vector<512x128xf32>
      %jit3A_2032 = arith.constant 22 : i32
      %broadcast_in_dim3A_2033 = vector.broadcast %jit3A_2032 : i32 to vector<512x128xi32>
      %select_n3A_2034 = arith.select %lt3A_2030, %broadcast_in_dim3A_2033, %select_n3A_2017 : vector<512x128xi1>, vector<512x128xi32>
      %eq3A_2035 = arith.constant 23 : i32
      %eq3A_2036 = vector.broadcast %eq3A_2035 : i32 to vector<512x128xi32>
      %eq3A_2037 = arith.cmpi eq, %while3A_1602, %eq3A_2036 : vector<512x128xi32>
      %get3A_2038 = arith.constant 0 : index
      %get3A_2039 = arith.constant 2944 : index
      %get3A_2040 = vector.load %arg8[%get3A_2038, %get3A_2039] : memref<512x4096xf32, #tpu.memory_space<vmem>>, vector<512x128xf32>
      %jit3A_2041 = arith.constant 3.400000e+38 : f32
      %broadcast_in_dim3A_2042 = vector.broadcast %jit3A_2041 : f32 to vector<512x128xf32>
      %select_n3A_2043 = arith.select %eq3A_2037, %broadcast_in_dim3A_2042, %get3A_2040 : vector<512x128xi1>, vector<512x128xf32>
      %swap3A_2044 = arith.constant 0 : index
      %swap3A_2045 = arith.constant 2944 : index
      %swap3A_2046 = vector.load %arg8[%swap3A_2044, %swap3A_2045] : memref<512x4096xf32, #tpu.memory_space<vmem>>, vector<512x128xf32>
      tpu.vector_store %arg8[%swap3A_2044, %swap3A_2045], %select_n3A_2043 {strides = array<i32>} : memref<512x4096xf32, #tpu.memory_space<vmem>>, vector<512x128xf32>,
      %lt3A_2047 = arith.cmpf olt, %select_n3A_2043, %select_n3A_2031 : vector<512x128xf32>
      %select_n3A_2048 = arith.select %lt3A_2047, %select_n3A_2043, %select_n3A_2031 : vector<512x128xi1>, vector<512x128xf32>
      %jit3A_2049 = arith.constant 23 : i32
      %broadcast_in_dim3A_2050 = vector.broadcast %jit3A_2049 : i32 to vector<512x128xi32>
      %select_n3A_2051 = arith.select %lt3A_2047, %broadcast_in_dim3A_2050, %select_n3A_2034 : vector<512x128xi1>, vector<512x128xi32>
      %eq3A_2052 = arith.constant 24 : i32
      %eq3A_2053 = vector.broadcast %eq3A_2052 : i32 to vector<512x128xi32>
      %eq3A_2054 = arith.cmpi eq, %while3A_1602, %eq3A_2053 : vector<512x128xi32>
      %get3A_2055 = arith.constant 0 : index
      %get3A_2056 = arith.constant 3072 : index
      %get3A_2057 = vector.load %arg8[%get3A_2055, %get3A_2056] : memref<512x4096xf32, #tpu.memory_space<vmem>>, vector<512x128xf32>
      %jit3A_2058 = arith.constant 3.400000e+38 : f32
      %broadcast_in_dim3A_2059 = vector.broadcast %jit3A_2058 : f32 to vector<512x128xf32>
      %select_n3A_2060 = arith.select %eq3A_2054, %broadcast_in_dim3A_2059, %get3A_2057 : vector<512x128xi1>, vector<512x128xf32>
      %swap3A_2061 = arith.constant 0 : index
      %swap3A_2062 = arith.constant 3072 : index
      %swap3A_2063 = vector.load %arg8[%swap3A_2061, %swap3A_2062] : memref<512x4096xf32, #tpu.memory_space<vmem>>, vector<512x128xf32>
      tpu.vector_store %arg8[%swap3A_2061, %swap3A_2062], %select_n3A_2060 {strides = array<i32>} : memref<512x4096xf32, #tpu.memory_space<vmem>>, vector<512x128xf32>,
      %lt3A_2064 = arith.cmpf olt, %select_n3A_2060, %select_n3A_2048 : vector<512x128xf32>
      %select_n3A_2065 = arith.select %lt3A_2064, %select_n3A_2060, %select_n3A_2048 : vector<512x128xi1>, vector<512x128xf32>
      %jit3A_2066 = arith.constant 24 : i32
      %broadcast_in_dim3A_2067 = vector.broadcast %jit3A_2066 : i32 to vector<512x128xi32>
      %select_n3A_2068 = arith.select %lt3A_2064, %broadcast_in_dim3A_2067, %select_n3A_2051 : vector<512x128xi1>, vector<512x128xi32>
      %eq3A_2069 = arith.constant 25 : i32
      %eq3A_2070 = vector.broadcast %eq3A_2069 : i32 to vector<512x128xi32>
      %eq3A_2071 = arith.cmpi eq, %while3A_1602, %eq3A_2070 : vector<512x128xi32>
      %get3A_2072 = arith.constant 0 : index
      %get3A_2073 = arith.constant 3200 : index
      %get3A_2074 = vector.load %arg8[%get3A_2072, %get3A_2073] : memref<512x4096xf32, #tpu.memory_space<vmem>>, vector<512x128xf32>
      %jit3A_2075 = arith.constant 3.400000e+38 : f32
      %broadcast_in_dim3A_2076 = vector.broadcast %jit3A_2075 : f32 to vector<512x128xf32>
      %select_n3A_2077 = arith.select %eq3A_2071, %broadcast_in_dim3A_2076, %get3A_2074 : vector<512x128xi1>, vector<512x128xf32>
      %swap3A_2078 = arith.constant 0 : index
      %swap3A_2079 = arith.constant 3200 : index
      %swap3A_2080 = vector.load %arg8[%swap3A_2078, %swap3A_2079] : memref<512x4096xf32, #tpu.memory_space<vmem>>, vector<512x128xf32>
      tpu.vector_store %arg8[%swap3A_2078, %swap3A_2079], %select_n3A_2077 {strides = array<i32>} : memref<512x4096xf32, #tpu.memory_space<vmem>>, vector<512x128xf32>,
      %lt3A_2081 = arith.cmpf olt, %select_n3A_2077, %select_n3A_2065 : vector<512x128xf32>
      %select_n3A_2082 = arith.select %lt3A_2081, %select_n3A_2077, %select_n3A_2065 : vector<512x128xi1>, vector<512x128xf32>
      %jit3A_2083 = arith.constant 25 : i32
      %broadcast_in_dim3A_2084 = vector.broadcast %jit3A_2083 : i32 to vector<512x128xi32>
      %select_n3A_2085 = arith.select %lt3A_2081, %broadcast_in_dim3A_2084, %select_n3A_2068 : vector<512x128xi1>, vector<512x128xi32>
      %eq3A_2086 = arith.constant 26 : i32
      %eq3A_2087 = vector.broadcast %eq3A_2086 : i32 to vector<512x128xi32>
      %eq3A_2088 = arith.cmpi eq, %while3A_1602, %eq3A_2087 : vector<512x128xi32>
      %get3A_2089 = arith.constant 0 : index
      %get3A_2090 = arith.constant 3328 : index
      %get3A_2091 = vector.load %arg8[%get3A_2089, %get3A_2090] : memref<512x4096xf32, #tpu.memory_space<vmem>>, vector<512x128xf32>
      %jit3A_2092 = arith.constant 3.400000e+38 : f32
      %broadcast_in_dim3A_2093 = vector.broadcast %jit3A_2092 : f32 to vector<512x128xf32>
      %select_n3A_2094 = arith.select %eq3A_2088, %broadcast_in_dim3A_2093, %get3A_2091 : vector<512x128xi1>, vector<512x128xf32>
      %swap3A_2095 = arith.constant 0 : index
      %swap3A_2096 = arith.constant 3328 : index
      %swap3A_2097 = vector.load %arg8[%swap3A_2095, %swap3A_2096] : memref<512x4096xf32, #tpu.memory_space<vmem>>, vector<512x128xf32>
      tpu.vector_store %arg8[%swap3A_2095, %swap3A_2096], %select_n3A_2094 {strides = array<i32>} : memref<512x4096xf32, #tpu.memory_space<vmem>>, vector<512x128xf32>,
      %lt3A_2098 = arith.cmpf olt, %select_n3A_2094, %select_n3A_2082 : vector<512x128xf32>
      %select_n3A_2099 = arith.select %lt3A_2098, %select_n3A_2094, %select_n3A_2082 : vector<512x128xi1>, vector<512x128xf32>
      %jit3A_2100 = arith.constant 26 : i32
      %broadcast_in_dim3A_2101 = vector.broadcast %jit3A_2100 : i32 to vector<512x128xi32>
      %select_n3A_2102 = arith.select %lt3A_2098, %broadcast_in_dim3A_2101, %select_n3A_2085 : vector<512x128xi1>, vector<512x128xi32>
      %eq3A_2103 = arith.constant 27 : i32
      %eq3A_2104 = vector.broadcast %eq3A_2103 : i32 to vector<512x128xi32>
      %eq3A_2105 = arith.cmpi eq, %while3A_1602, %eq3A_2104 : vector<512x128xi32>
      %get3A_2106 = arith.constant 0 : index
      %get3A_2107 = arith.constant 3456 : index
      %get3A_2108 = vector.load %arg8[%get3A_2106, %get3A_2107] : memref<512x4096xf32, #tpu.memory_space<vmem>>, vector<512x128xf32>
      %jit3A_2109 = arith.constant 3.400000e+38 : f32
      %broadcast_in_dim3A_2110 = vector.broadcast %jit3A_2109 : f32 to vector<512x128xf32>
      %select_n3A_2111 = arith.select %eq3A_2105, %broadcast_in_dim3A_2110, %get3A_2108 : vector<512x128xi1>, vector<512x128xf32>
      %swap3A_2112 = arith.constant 0 : index
      %swap3A_2113 = arith.constant 3456 : index
      %swap3A_2114 = vector.load %arg8[%swap3A_2112, %swap3A_2113] : memref<512x4096xf32, #tpu.memory_space<vmem>>, vector<512x128xf32>
      tpu.vector_store %arg8[%swap3A_2112, %swap3A_2113], %select_n3A_2111 {strides = array<i32>} : memref<512x4096xf32, #tpu.memory_space<vmem>>, vector<512x128xf32>,
      %lt3A_2115 = arith.cmpf olt, %select_n3A_2111, %select_n3A_2099 : vector<512x128xf32>
      %select_n3A_2116 = arith.select %lt3A_2115, %select_n3A_2111, %select_n3A_2099 : vector<512x128xi1>, vector<512x128xf32>
      %jit3A_2117 = arith.constant 27 : i32
      %broadcast_in_dim3A_2118 = vector.broadcast %jit3A_2117 : i32 to vector<512x128xi32>
      %select_n3A_2119 = arith.select %lt3A_2115, %broadcast_in_dim3A_2118, %select_n3A_2102 : vector<512x128xi1>, vector<512x128xi32>
      %eq3A_2120 = arith.constant 28 : i32
      %eq3A_2121 = vector.broadcast %eq3A_2120 : i32 to vector<512x128xi32>
      %eq3A_2122 = arith.cmpi eq, %while3A_1602, %eq3A_2121 : vector<512x128xi32>
      %get3A_2123 = arith.constant 0 : index
      %get3A_2124 = arith.constant 3584 : index
      %get3A_2125 = vector.load %arg8[%get3A_2123, %get3A_2124] : memref<512x4096xf32, #tpu.memory_space<vmem>>, vector<512x128xf32>
      %jit3A_2126 = arith.constant 3.400000e+38 : f32
      %broadcast_in_dim3A_2127 = vector.broadcast %jit3A_2126 : f32 to vector<512x128xf32>
      %select_n3A_2128 = arith.select %eq3A_2122, %broadcast_in_dim3A_2127, %get3A_2125 : vector<512x128xi1>, vector<512x128xf32>
      %swap3A_2129 = arith.constant 0 : index
      %swap3A_2130 = arith.constant 3584 : index
      %swap3A_2131 = vector.load %arg8[%swap3A_2129, %swap3A_2130] : memref<512x4096xf32, #tpu.memory_space<vmem>>, vector<512x128xf32>
      tpu.vector_store %arg8[%swap3A_2129, %swap3A_2130], %select_n3A_2128 {strides = array<i32>} : memref<512x4096xf32, #tpu.memory_space<vmem>>, vector<512x128xf32>,
      %lt3A_2132 = arith.cmpf olt, %select_n3A_2128, %select_n3A_2116 : vector<512x128xf32>
      %select_n3A_2133 = arith.select %lt3A_2132, %select_n3A_2128, %select_n3A_2116 : vector<512x128xi1>, vector<512x128xf32>
      %jit3A_2134 = arith.constant 28 : i32
      %broadcast_in_dim3A_2135 = vector.broadcast %jit3A_2134 : i32 to vector<512x128xi32>
      %select_n3A_2136 = arith.select %lt3A_2132, %broadcast_in_dim3A_2135, %select_n3A_2119 : vector<512x128xi1>, vector<512x128xi32>
      %eq3A_2137 = arith.constant 29 : i32
      %eq3A_2138 = vector.broadcast %eq3A_2137 : i32 to vector<512x128xi32>
      %eq3A_2139 = arith.cmpi eq, %while3A_1602, %eq3A_2138 : vector<512x128xi32>
      %get3A_2140 = arith.constant 0 : index
      %get3A_2141 = arith.constant 3712 : index
      %get3A_2142 = vector.load %arg8[%get3A_2140, %get3A_2141] : memref<512x4096xf32, #tpu.memory_space<vmem>>, vector<512x128xf32>
      %jit3A_2143 = arith.constant 3.400000e+38 : f32
      %broadcast_in_dim3A_2144 = vector.broadcast %jit3A_2143 : f32 to vector<512x128xf32>
      %select_n3A_2145 = arith.select %eq3A_2139, %broadcast_in_dim3A_2144, %get3A_2142 : vector<512x128xi1>, vector<512x128xf32>
      %swap3A_2146 = arith.constant 0 : index
      %swap3A_2147 = arith.constant 3712 : index
      %swap3A_2148 = vector.load %arg8[%swap3A_2146, %swap3A_2147] : memref<512x4096xf32, #tpu.memory_space<vmem>>, vector<512x128xf32>
      tpu.vector_store %arg8[%swap3A_2146, %swap3A_2147], %select_n3A_2145 {strides = array<i32>} : memref<512x4096xf32, #tpu.memory_space<vmem>>, vector<512x128xf32>,
      %lt3A_2149 = arith.cmpf olt, %select_n3A_2145, %select_n3A_2133 : vector<512x128xf32>
      %select_n3A_2150 = arith.select %lt3A_2149, %select_n3A_2145, %select_n3A_2133 : vector<512x128xi1>, vector<512x128xf32>
      %jit3A_2151 = arith.constant 29 : i32
      %broadcast_in_dim3A_2152 = vector.broadcast %jit3A_2151 : i32 to vector<512x128xi32>
      %select_n3A_2153 = arith.select %lt3A_2149, %broadcast_in_dim3A_2152, %select_n3A_2136 : vector<512x128xi1>, vector<512x128xi32>
      %eq3A_2154 = arith.constant 30 : i32
      %eq3A_2155 = vector.broadcast %eq3A_2154 : i32 to vector<512x128xi32>
      %eq3A_2156 = arith.cmpi eq, %while3A_1602, %eq3A_2155 : vector<512x128xi32>
      %get3A_2157 = arith.constant 0 : index
      %get3A_2158 = arith.constant 3840 : index
      %get3A_2159 = vector.load %arg8[%get3A_2157, %get3A_2158] : memref<512x4096xf32, #tpu.memory_space<vmem>>, vector<512x128xf32>
      %jit3A_2160 = arith.constant 3.400000e+38 : f32
      %broadcast_in_dim3A_2161 = vector.broadcast %jit3A_2160 : f32 to vector<512x128xf32>
      %select_n3A_2162 = arith.select %eq3A_2156, %broadcast_in_dim3A_2161, %get3A_2159 : vector<512x128xi1>, vector<512x128xf32>
      %swap3A_2163 = arith.constant 0 : index
      %swap3A_2164 = arith.constant 3840 : index
      %swap3A_2165 = vector.load %arg8[%swap3A_2163, %swap3A_2164] : memref<512x4096xf32, #tpu.memory_space<vmem>>, vector<512x128xf32>
      tpu.vector_store %arg8[%swap3A_2163, %swap3A_2164], %select_n3A_2162 {strides = array<i32>} : memref<512x4096xf32, #tpu.memory_space<vmem>>, vector<512x128xf32>,
      %lt3A_2166 = arith.cmpf olt, %select_n3A_2162, %select_n3A_2150 : vector<512x128xf32>
      %select_n3A_2167 = arith.select %lt3A_2166, %select_n3A_2162, %select_n3A_2150 : vector<512x128xi1>, vector<512x128xf32>
      %jit3A_2168 = arith.constant 30 : i32
      %broadcast_in_dim3A_2169 = vector.broadcast %jit3A_2168 : i32 to vector<512x128xi32>
      %select_n3A_2170 = arith.select %lt3A_2166, %broadcast_in_dim3A_2169, %select_n3A_2153 : vector<512x128xi1>, vector<512x128xi32>
      %eq3A_2171 = arith.constant 31 : i32
      %eq3A_2172 = vector.broadcast %eq3A_2171 : i32 to vector<512x128xi32>
      %eq3A_2173 = arith.cmpi eq, %while3A_1602, %eq3A_2172 : vector<512x128xi32>
      %get3A_2174 = arith.constant 0 : index
      %get3A_2175 = arith.constant 3968 : index
      %get3A_2176 = vector.load %arg8[%get3A_2174, %get3A_2175] : memref<512x4096xf32, #tpu.memory_space<vmem>>, vector<512x128xf32>
      %jit3A_2177 = arith.constant 3.400000e+38 : f32
      %broadcast_in_dim3A_2178 = vector.broadcast %jit3A_2177 : f32 to vector<512x128xf32>
      %select_n3A_2179 = arith.select %eq3A_2173, %broadcast_in_dim3A_2178, %get3A_2176 : vector<512x128xi1>, vector<512x128xf32>
      %swap3A_2180 = arith.constant 0 : index
      %swap3A_2181 = arith.constant 3968 : index
      %swap3A_2182 = vector.load %arg8[%swap3A_2180, %swap3A_2181] : memref<512x4096xf32, #tpu.memory_space<vmem>>, vector<512x128xf32>
      tpu.vector_store %arg8[%swap3A_2180, %swap3A_2181], %select_n3A_2179 {strides = array<i32>} : memref<512x4096xf32, #tpu.memory_space<vmem>>, vector<512x128xf32>,
      %lt3A_2183 = arith.cmpf olt, %select_n3A_2179, %select_n3A_2167 : vector<512x128xf32>
      %select_n3A_2184 = arith.select %lt3A_2183, %select_n3A_2179, %select_n3A_2167 : vector<512x128xi1>, vector<512x128xf32>
      %jit3A_2185 = arith.constant 31 : i32
      %broadcast_in_dim3A_2186 = vector.broadcast %jit3A_2185 : i32 to vector<512x128xi32>
      %select_n3A_2187 = arith.select %lt3A_2183, %broadcast_in_dim3A_2186, %select_n3A_2170 : vector<512x128xi1>, vector<512x128xi32>
      %slice3A_2188 = vector.extract_strided_slice %cond3A_1633#0 {offsets = [0, 127], sizes = [512, 1], strides = [1, 1]} : vector<512x128xf32> to vector<512x1xf32>
      %lt3A_2189 = vector.broadcast %slice3A_2188 : vector<512x1xf32> to vector<512x128xf32>
      %lt3A_2190 = arith.cmpf olt, %select_n3A_2184, %lt3A_2189 : vector<512x128xf32>
      %jit3A_2191 = arith.constant 1 : i32
      %jit3A_2192 = arith.constant 0 : i32
      %broadcast_in_dim3A_2193 = vector.broadcast %jit3A_2191 : i32 to vector<512x128xi32>
      %broadcast_in_dim3A_2194 = vector.broadcast %jit3A_2192 : i32 to vector<512x128xi32>
      %select_n3A_2195 = arith.select %lt3A_2190, %broadcast_in_dim3A_2193, %broadcast_in_dim3A_2194 : vector<512x128xi1>, vector<512x128xi32>
      %reduce_max3A_2196 = vector.shape_cast %select_n3A_2195 : vector<512x128xi32> to vector<1x512x128xi32>
      %reduce_max3A_2197 = arith.constant dense<-2147483648> : vector<1xi32>
      %reduce_max3A_2198 = vector.multi_reduction <maxsi>, %reduce_max3A_2196, %reduce_max3A_2197 [1, 2] : vector<1x512x128xi32> to vector<1xi32>
      %reduce_max3A_2199 = vector.shape_cast %reduce_max3A_2198 : vector<1xi32> to vector<1x1x1xi32>
      %reduce_max3A_2200 = vector.extract %reduce_max3A_2199[0, 0, 0] : i32 from vector<1x1x1xi32>
      scf.yield %reduce_max3A_2200, %select_n3A_2184, %select_n3A_2187 : i32, vector<512x128xf32>, vector<512x128xi32>
    }
    return
  }
  func.func @transform_0(%arg0: i32) -> (i32, i32) {
    %c0_i32 = arith.constant 0 : i32
    %c0_i32_0 = arith.constant 0 : i32
    return %c0_i32, %arg0 : i32, i32
  }
  func.func @transform_1(%arg0: i32) -> (i32, i32) {
    %c0_i32 = arith.constant 0 : i32
    %c0_i32_0 = arith.constant 0 : i32
    %c0_i32_1 = arith.constant 0 : i32
    return %c0_i32, %c0_i32_0 : i32, i32
  }
  func.func @transform_2(%arg0: i32) -> (i32, i32) {
    %c0_i32 = arith.constant 0 : i32
    %c0_i32_0 = arith.constant 0 : i32
    %c0_i32_1 = arith.constant 0 : i32
    return %c0_i32, %c0_i32_0 : i32, i32
  }
  func.func @transform_3(%arg0: i32) -> (i32, i32) {
    %c0_i32 = arith.constant 0 : i32
    %c0_i32_0 = arith.constant 0 : i32
    %c0_i32_1 = arith.constant 0 : i32
    return %c0_i32, %c0_i32_0 : i32, i32
  }
  func.func @transform_4(%arg0: i32) -> (i32, i32) {
    %c0_i32 = arith.constant 0 : i32
    %c0_i32_0 = arith.constant 0 : i32
    %c0_i32_1 = arith.constant 0 : i32
    return %c0_i32, %c0_i32_0 : i32, i32
  }
  func.func @transform_5(%arg0: i32) -> (i32, i32) {
    %c0_i32 = arith.constant 0 : i32
    %c0_i32_0 = arith.constant 0 : i32
    %c0_i32_1 = arith.constant 0 : i32
    return %c0_i32, %c0_i32_0 : i32, i32
  }
  func.func @transform_6(%arg0: i32) -> (i32, i32) {
    %c0_i32 = arith.constant 0 : i32
    %c0_i32_0 = arith.constant 0 : i32
    %c0_i32_1 = arith.constant 0 : i32
    return %c0_i32, %c0_i32_0 : i32, i32
  }
}

module attributes {stable_mosaic.version = 14 : i64} {
  func.func @_edge_body(%arg0: i32, %arg1: memref<4096x128xf32, #tpu.memory_space<vmem>>, %arg2: memref<4096x1xf32, #tpu.memory_space<vmem>>, %arg3: memref<4096x1xf32, #tpu.memory_space<vmem>>, %arg4: memref<4096x1xf32, #tpu.memory_space<vmem>>, %arg5: memref<64x64xf32, #tpu.memory_space<vmem>>, %arg6: memref<1x64xf32, #tpu.memory_space<vmem>>, %arg7: memref<1x64xf32, #tpu.memory_space<vmem>>, %arg8: memref<1x64xf32, #tpu.memory_space<vmem>>, %arg9: memref<1x64xf32, #tpu.memory_space<vmem>>, %arg10: memref<1x64xf32, #tpu.memory_space<vmem>>, %arg11: memref<64x64xf32, #tpu.memory_space<vmem>>, %arg12: memref<1x64xf32, #tpu.memory_space<vmem>>, %arg13: memref<64x64xf32, #tpu.memory_space<vmem>>, %arg14: memref<1x64xf32, #tpu.memory_space<vmem>>, %arg15: memref<64x64xf32, #tpu.memory_space<vmem>>, %arg16: memref<1x64xf32, #tpu.memory_space<vmem>>, %arg17: memref<64x1xf32, #tpu.memory_space<vmem>>, %arg18: memref<1x1xf32, #tpu.memory_space<vmem>>, %arg19: memref<4096x64xf32, #tpu.memory_space<vmem>>, %arg20: memref<4096x1xf32, #tpu.memory_space<vmem>>) attributes {dimension_semantics = [#tpu.dimension_semantics<arbitrary>], iteration_bounds = array<i64: 16>, scalar_prefetch = 0 : i64, scratch_operands = 0 : i64, tpu.core_type = #tpu.core_type<tc>, window_params = [{transform_indices = @transform_0, window_bounds = array<i64: 4096, 128>}, {transform_indices = @transform_1, window_bounds = array<i64: 4096, 1>}, {transform_indices = @transform_2, window_bounds = array<i64: 4096, 1>}, {transform_indices = @transform_3, window_bounds = array<i64: 4096, 1>}, {pipeline_mode = #tpu.pipeline_mode<synchronous>, transform_indices = @transform_4, window_bounds = array<i64: 64, 64>}, {pipeline_mode = #tpu.pipeline_mode<synchronous>, transform_indices = @transform_5, window_bounds = array<i64: 1, 64>}, {pipeline_mode = #tpu.pipeline_mode<synchronous>, transform_indices = @transform_6, window_bounds = array<i64: 1, 64>}, {pipeline_mode = #tpu.pipeline_mode<synchronous>, transform_indices = @transform_7, window_bounds = array<i64: 1, 64>}, {pipeline_mode = #tpu.pipeline_mode<synchronous>, transform_indices = @transform_8, window_bounds = array<i64: 1, 64>}, {pipeline_mode = #tpu.pipeline_mode<synchronous>, transform_indices = @transform_9, window_bounds = array<i64: 1, 64>}, {pipeline_mode = #tpu.pipeline_mode<synchronous>, transform_indices = @transform_10, window_bounds = array<i64: 64, 64>}, {pipeline_mode = #tpu.pipeline_mode<synchronous>, transform_indices = @transform_11, window_bounds = array<i64: 1, 64>}, {pipeline_mode = #tpu.pipeline_mode<synchronous>, transform_indices = @transform_12, window_bounds = array<i64: 64, 64>}, {pipeline_mode = #tpu.pipeline_mode<synchronous>, transform_indices = @transform_13, window_bounds = array<i64: 1, 64>}, {pipeline_mode = #tpu.pipeline_mode<synchronous>, transform_indices = @transform_14, window_bounds = array<i64: 64, 64>}, {pipeline_mode = #tpu.pipeline_mode<synchronous>, transform_indices = @transform_15, window_bounds = array<i64: 1, 64>}, {pipeline_mode = #tpu.pipeline_mode<synchronous>, transform_indices = @transform_16, window_bounds = array<i64: 64, 1>}, {pipeline_mode = #tpu.pipeline_mode<synchronous>, transform_indices = @transform_17, window_bounds = array<i64: 1, 1>}, {transform_indices = @transform_18, window_bounds = array<i64: 4096, 64>}, {transform_indices = @transform_19, window_bounds = array<i64: 4096, 1>}]} {
    %get3A = arith.constant 0 : index
    %get3A_0 = arith.constant 0 : index
    %get3A_1 = vector.load %arg1[%get3A, %get3A_0] : memref<4096x128xf32, #tpu.memory_space<vmem>>, vector<4096x128xf32>
    %slice3A = vector.extract_strided_slice %get3A_1 {offsets = [0, 0], sizes = [4096, 64], strides = [1, 1]} : vector<4096x128xf32> to vector<4096x64xf32>
    %slice3A_2 = vector.extract_strided_slice %get3A_1 {offsets = [0, 64], sizes = [4096, 1], strides = [1, 1]} : vector<4096x128xf32> to vector<4096x1xf32>
    %slice3A_3 = vector.extract_strided_slice %get3A_1 {offsets = [0, 65], sizes = [4096, 1], strides = [1, 1]} : vector<4096x128xf32> to vector<4096x1xf32>
    %get3A_4 = arith.constant 0 : index
    %get3A_5 = arith.constant 0 : index
    %get3A_6 = vector.load %arg2[%get3A_4, %get3A_5] : memref<4096x1xf32, #tpu.memory_space<vmem>>, vector<4096x1xf32>
    %get3A_7 = arith.constant 0 : index
    %get3A_8 = arith.constant 0 : index
    %get3A_9 = vector.load %arg3[%get3A_7, %get3A_8] : memref<4096x1xf32, #tpu.memory_space<vmem>>, vector<4096x1xf32>
    %get3A_10 = arith.constant 0 : index
    %get3A_11 = arith.constant 0 : index
    %get3A_12 = vector.load %arg4[%get3A_10, %get3A_11] : memref<4096x1xf32, #tpu.memory_space<vmem>>, vector<4096x1xf32>
    %sub3A = arith.subf %get3A_12, %slice3A_3 : vector<4096x1xf32>
    %get3A_13 = arith.constant 0 : index
    %get3A_14 = arith.constant 0 : index
    %get3A_15 = vector.load %arg5[%get3A_13, %get3A_14] : memref<64x64xf32, #tpu.memory_space<vmem>>, vector<64x64xf32>
    %convert_element_type3A = arith.truncf %slice3A : vector<4096x64xf32> to vector<4096x64xbf16>
    %convert_element_type3A_16 = arith.truncf %get3A_15 : vector<64x64xf32> to vector<64x64xbf16>
    %dot_general3A = arith.constant dense<0.000000e+00> : vector<4096x64xf32>
    %dot_general3A_17 = tpu.matmul %convert_element_type3A, %convert_element_type3A_16, %dot_general3A {dimension_numbers = #tpu.dot_dimension_numbers<[1], [0], [0], [1], [0, 0, 1, 1], [], []>, transpose_lhs_hint = false} : vector<4096x64xbf16>, vector<64x64xbf16>, vector<4096x64xf32> -> vector<4096x64xf32>
    %convert_element_type3A_18 = arith.truncf %get3A_6 : vector<4096x1xf32> to vector<4096x1xbf16>
    %convert_element_type3A_19 = arith.extf %convert_element_type3A_18 : vector<4096x1xbf16> to vector<4096x1xf32>
    %get3A_20 = arith.constant 0 : index
    %get3A_21 = arith.constant 0 : index
    %get3A_22 = vector.load %arg6[%get3A_20, %get3A_21] : memref<1x64xf32, #tpu.memory_space<vmem>>, vector<1x64xf32>
    %convert_element_type3A_23 = arith.truncf %get3A_22 : vector<1x64xf32> to vector<1x64xbf16>
    %convert_element_type3A_24 = arith.extf %convert_element_type3A_23 : vector<1x64xbf16> to vector<1x64xf32>
    %mul3A = vector.broadcast %convert_element_type3A_19 : vector<4096x1xf32> to vector<4096x64xf32>
    %mul3A_25 = vector.broadcast %convert_element_type3A_24 : vector<1x64xf32> to vector<4096x64xf32>
    %mul3A_26 = arith.mulf %mul3A, %mul3A_25 : vector<4096x64xf32>
    %add3A = arith.addf %dot_general3A_17, %mul3A_26 : vector<4096x64xf32>
    %convert_element_type3A_27 = arith.truncf %get3A_9 : vector<4096x1xf32> to vector<4096x1xbf16>
    %convert_element_type3A_28 = arith.extf %convert_element_type3A_27 : vector<4096x1xbf16> to vector<4096x1xf32>
    %get3A_29 = arith.constant 0 : index
    %get3A_30 = arith.constant 0 : index
    %get3A_31 = vector.load %arg7[%get3A_29, %get3A_30] : memref<1x64xf32, #tpu.memory_space<vmem>>, vector<1x64xf32>
    %convert_element_type3A_32 = arith.truncf %get3A_31 : vector<1x64xf32> to vector<1x64xbf16>
    %convert_element_type3A_33 = arith.extf %convert_element_type3A_32 : vector<1x64xbf16> to vector<1x64xf32>
    %mul3A_34 = vector.broadcast %convert_element_type3A_28 : vector<4096x1xf32> to vector<4096x64xf32>
    %mul3A_35 = vector.broadcast %convert_element_type3A_33 : vector<1x64xf32> to vector<4096x64xf32>
    %mul3A_36 = arith.mulf %mul3A_34, %mul3A_35 : vector<4096x64xf32>
    %add3A_37 = arith.addf %add3A, %mul3A_36 : vector<4096x64xf32>
    %convert_element_type3A_38 = arith.truncf %slice3A_2 : vector<4096x1xf32> to vector<4096x1xbf16>
    %convert_element_type3A_39 = arith.extf %convert_element_type3A_38 : vector<4096x1xbf16> to vector<4096x1xf32>
    %get3A_40 = arith.constant 0 : index
    %get3A_41 = arith.constant 0 : index
    %get3A_42 = vector.load %arg8[%get3A_40, %get3A_41] : memref<1x64xf32, #tpu.memory_space<vmem>>, vector<1x64xf32>
    %convert_element_type3A_43 = arith.truncf %get3A_42 : vector<1x64xf32> to vector<1x64xbf16>
    %convert_element_type3A_44 = arith.extf %convert_element_type3A_43 : vector<1x64xbf16> to vector<1x64xf32>
    %mul3A_45 = vector.broadcast %convert_element_type3A_39 : vector<4096x1xf32> to vector<4096x64xf32>
    %mul3A_46 = vector.broadcast %convert_element_type3A_44 : vector<1x64xf32> to vector<4096x64xf32>
    %mul3A_47 = arith.mulf %mul3A_45, %mul3A_46 : vector<4096x64xf32>
    %add3A_48 = arith.addf %add3A_37, %mul3A_47 : vector<4096x64xf32>
    %convert_element_type3A_49 = arith.truncf %sub3A : vector<4096x1xf32> to vector<4096x1xbf16>
    %convert_element_type3A_50 = arith.extf %convert_element_type3A_49 : vector<4096x1xbf16> to vector<4096x1xf32>
    %get3A_51 = arith.constant 0 : index
    %get3A_52 = arith.constant 0 : index
    %get3A_53 = vector.load %arg9[%get3A_51, %get3A_52] : memref<1x64xf32, #tpu.memory_space<vmem>>, vector<1x64xf32>
    %convert_element_type3A_54 = arith.truncf %get3A_53 : vector<1x64xf32> to vector<1x64xbf16>
    %convert_element_type3A_55 = arith.extf %convert_element_type3A_54 : vector<1x64xbf16> to vector<1x64xf32>
    %mul3A_56 = vector.broadcast %convert_element_type3A_50 : vector<4096x1xf32> to vector<4096x64xf32>
    %mul3A_57 = vector.broadcast %convert_element_type3A_55 : vector<1x64xf32> to vector<4096x64xf32>
    %mul3A_58 = arith.mulf %mul3A_56, %mul3A_57 : vector<4096x64xf32>
    %add3A_59 = arith.addf %add3A_48, %mul3A_58 : vector<4096x64xf32>
    %get3A_60 = arith.constant 0 : index
    %get3A_61 = arith.constant 0 : index
    %get3A_62 = vector.load %arg10[%get3A_60, %get3A_61] : memref<1x64xf32, #tpu.memory_space<vmem>>, vector<1x64xf32>
    %add3A_63 = vector.broadcast %get3A_62 : vector<1x64xf32> to vector<4096x64xf32>
    %add3A_64 = arith.addf %add3A_59, %add3A_63 : vector<4096x64xf32>
    %mul3A_65 = arith.constant 5.000000e-01 : f32
    %mul3A_66 = vector.broadcast %mul3A_65 : f32 to vector<4096x64xf32>
    %mul3A_67 = arith.mulf %mul3A_66, %add3A_64 : vector<4096x64xf32>
    %mul3A_68 = arith.constant 0.707106769 : f32
    %mul3A_69 = vector.broadcast %mul3A_68 : f32 to vector<4096x64xf32>
    %mul3A_70 = arith.mulf %add3A_64, %mul3A_69 : vector<4096x64xf32>
    %erf3A = math.erf %mul3A_70 : vector<4096x64xf32>
    %add3A_71 = arith.constant 1.000000e+00 : f32
    %add3A_72 = vector.broadcast %add3A_71 : f32 to vector<4096x64xf32>
    %add3A_73 = arith.addf %add3A_72, %erf3A : vector<4096x64xf32>
    %mul3A_74 = arith.mulf %mul3A_67, %add3A_73 : vector<4096x64xf32>
    %get3A_75 = arith.constant 0 : index
    %get3A_76 = arith.constant 0 : index
    %get3A_77 = vector.load %arg11[%get3A_75, %get3A_76] : memref<64x64xf32, #tpu.memory_space<vmem>>, vector<64x64xf32>
    %convert_element_type3A_78 = arith.truncf %mul3A_74 : vector<4096x64xf32> to vector<4096x64xbf16>
    %convert_element_type3A_79 = arith.truncf %get3A_77 : vector<64x64xf32> to vector<64x64xbf16>
    %dot_general3A_80 = arith.constant dense<0.000000e+00> : vector<4096x64xf32>
    %dot_general3A_81 = tpu.matmul %convert_element_type3A_78, %convert_element_type3A_79, %dot_general3A_80 {dimension_numbers = #tpu.dot_dimension_numbers<[1], [0], [0], [1], [0, 0, 1, 1], [], []>, transpose_lhs_hint = false} : vector<4096x64xbf16>, vector<64x64xbf16>, vector<4096x64xf32> -> vector<4096x64xf32>
    %get3A_82 = arith.constant 0 : index
    %get3A_83 = arith.constant 0 : index
    %get3A_84 = vector.load %arg12[%get3A_82, %get3A_83] : memref<1x64xf32, #tpu.memory_space<vmem>>, vector<1x64xf32>
    %add3A_85 = vector.broadcast %get3A_84 : vector<1x64xf32> to vector<4096x64xf32>
    %add3A_86 = arith.addf %dot_general3A_81, %add3A_85 : vector<4096x64xf32>
    %mul3A_87 = arith.constant 5.000000e-01 : f32
    %mul3A_88 = vector.broadcast %mul3A_87 : f32 to vector<4096x64xf32>
    %mul3A_89 = arith.mulf %mul3A_88, %add3A_86 : vector<4096x64xf32>
    %mul3A_90 = arith.constant 0.707106769 : f32
    %mul3A_91 = vector.broadcast %mul3A_90 : f32 to vector<4096x64xf32>
    %mul3A_92 = arith.mulf %add3A_86, %mul3A_91 : vector<4096x64xf32>
    %erf3A_93 = math.erf %mul3A_92 : vector<4096x64xf32>
    %add3A_94 = arith.constant 1.000000e+00 : f32
    %add3A_95 = vector.broadcast %add3A_94 : f32 to vector<4096x64xf32>
    %add3A_96 = arith.addf %add3A_95, %erf3A_93 : vector<4096x64xf32>
    %mul3A_97 = arith.mulf %mul3A_89, %add3A_96 : vector<4096x64xf32>
    %get3A_98 = arith.constant 0 : index
    %get3A_99 = arith.constant 0 : index
    %get3A_100 = vector.load %arg13[%get3A_98, %get3A_99] : memref<64x64xf32, #tpu.memory_space<vmem>>, vector<64x64xf32>
    %convert_element_type3A_101 = arith.truncf %mul3A_97 : vector<4096x64xf32> to vector<4096x64xbf16>
    %convert_element_type3A_102 = arith.truncf %get3A_100 : vector<64x64xf32> to vector<64x64xbf16>
    %dot_general3A_103 = arith.constant dense<0.000000e+00> : vector<4096x64xf32>
    %dot_general3A_104 = tpu.matmul %convert_element_type3A_101, %convert_element_type3A_102, %dot_general3A_103 {dimension_numbers = #tpu.dot_dimension_numbers<[1], [0], [0], [1], [0, 0, 1, 1], [], []>, transpose_lhs_hint = false} : vector<4096x64xbf16>, vector<64x64xbf16>, vector<4096x64xf32> -> vector<4096x64xf32>
    %get3A_105 = arith.constant 0 : index
    %get3A_106 = arith.constant 0 : index
    %get3A_107 = vector.load %arg14[%get3A_105, %get3A_106] : memref<1x64xf32, #tpu.memory_space<vmem>>, vector<1x64xf32>
    %add3A_108 = vector.broadcast %get3A_107 : vector<1x64xf32> to vector<4096x64xf32>
    %add3A_109 = arith.addf %dot_general3A_104, %add3A_108 : vector<4096x64xf32>
    %swap3A = arith.constant 0 : index
    %swap3A_110 = arith.constant 0 : index
    %swap3A_111 = vector.load %arg19[%swap3A, %swap3A_110] : memref<4096x64xf32, #tpu.memory_space<vmem>>, vector<4096x64xf32>
    tpu.vector_store %arg19[%swap3A, %swap3A_110], %add3A_109 {strides = array<i32>} : memref<4096x64xf32, #tpu.memory_space<vmem>>, vector<4096x64xf32>,
    %get3A_112 = arith.constant 0 : index
    %get3A_113 = arith.constant 0 : index
    %get3A_114 = vector.load %arg15[%get3A_112, %get3A_113] : memref<64x64xf32, #tpu.memory_space<vmem>>, vector<64x64xf32>
    %convert_element_type3A_115 = arith.truncf %add3A_109 : vector<4096x64xf32> to vector<4096x64xbf16>
    %convert_element_type3A_116 = arith.truncf %get3A_114 : vector<64x64xf32> to vector<64x64xbf16>
    %dot_general3A_117 = arith.constant dense<0.000000e+00> : vector<4096x64xf32>
    %dot_general3A_118 = tpu.matmul %convert_element_type3A_115, %convert_element_type3A_116, %dot_general3A_117 {dimension_numbers = #tpu.dot_dimension_numbers<[1], [0], [0], [1], [0, 0, 1, 1], [], []>, transpose_lhs_hint = false} : vector<4096x64xbf16>, vector<64x64xbf16>, vector<4096x64xf32> -> vector<4096x64xf32>
    %get3A_119 = arith.constant 0 : index
    %get3A_120 = arith.constant 0 : index
    %get3A_121 = vector.load %arg16[%get3A_119, %get3A_120] : memref<1x64xf32, #tpu.memory_space<vmem>>, vector<1x64xf32>
    %add3A_122 = vector.broadcast %get3A_121 : vector<1x64xf32> to vector<4096x64xf32>
    %add3A_123 = arith.addf %dot_general3A_118, %add3A_122 : vector<4096x64xf32>
    %mul3A_124 = arith.constant 5.000000e-01 : f32
    %mul3A_125 = vector.broadcast %mul3A_124 : f32 to vector<4096x64xf32>
    %mul3A_126 = arith.mulf %mul3A_125, %add3A_123 : vector<4096x64xf32>
    %mul3A_127 = arith.constant 0.707106769 : f32
    %mul3A_128 = vector.broadcast %mul3A_127 : f32 to vector<4096x64xf32>
    %mul3A_129 = arith.mulf %add3A_123, %mul3A_128 : vector<4096x64xf32>
    %erf3A_130 = math.erf %mul3A_129 : vector<4096x64xf32>
    %add3A_131 = arith.constant 1.000000e+00 : f32
    %add3A_132 = vector.broadcast %add3A_131 : f32 to vector<4096x64xf32>
    %add3A_133 = arith.addf %add3A_132, %erf3A_130 : vector<4096x64xf32>
    %mul3A_134 = arith.mulf %mul3A_126, %add3A_133 : vector<4096x64xf32>
    %get3A_135 = arith.constant 0 : index
    %get3A_136 = arith.constant 0 : index
    %get3A_137 = vector.load %arg17[%get3A_135, %get3A_136] : memref<64x1xf32, #tpu.memory_space<vmem>>, vector<64x1xf32>
    %convert_element_type3A_138 = arith.truncf %mul3A_134 : vector<4096x64xf32> to vector<4096x64xbf16>
    %convert_element_type3A_139 = arith.truncf %get3A_137 : vector<64x1xf32> to vector<64x1xbf16>
    %dot_general3A_140 = arith.constant dense<0.000000e+00> : vector<4096x1xf32>
    %dot_general3A_141 = tpu.matmul %convert_element_type3A_138, %convert_element_type3A_139, %dot_general3A_140 {dimension_numbers = #tpu.dot_dimension_numbers<[1], [0], [0], [1], [0, 0, 1, 1], [], []>, transpose_lhs_hint = false} : vector<4096x64xbf16>, vector<64x1xbf16>, vector<4096x1xf32> -> vector<4096x1xf32>
    %get3A_142 = arith.constant 0 : index
    %get3A_143 = arith.constant 0 : index
    %get3A_144 = vector.load %arg18[%get3A_142, %get3A_143] : memref<1x1xf32, #tpu.memory_space<vmem>>, vector<1x1xf32>
    %add3A_145 = vector.broadcast %get3A_144 : vector<1x1xf32> to vector<4096x1xf32>
    %add3A_146 = arith.addf %dot_general3A_141, %add3A_145 : vector<4096x1xf32>
    %sub3A_147 = arith.subf %add3A_146, %get3A_6 : vector<4096x1xf32>
    %swap3A_148 = arith.constant 0 : index
    %swap3A_149 = arith.constant 0 : index
    %swap3A_150 = vector.load %arg20[%swap3A_148, %swap3A_149] : memref<4096x1xf32, #tpu.memory_space<vmem>>, vector<4096x1xf32>
    tpu.vector_store %arg20[%swap3A_148, %swap3A_149], %sub3A_147 {strides = array<i32>} : memref<4096x1xf32, #tpu.memory_space<vmem>>, vector<4096x1xf32>,
    return
  }
  func.func @transform_0(%arg0: i32) -> (i32, i32) {
    %c0_i32 = arith.constant 0 : i32
    %c0_i32_0 = arith.constant 0 : i32
    return %arg0, %c0_i32 : i32, i32
  }
  func.func @transform_1(%arg0: i32) -> (i32, i32) {
    %c0_i32 = arith.constant 0 : i32
    %c0_i32_0 = arith.constant 0 : i32
    return %arg0, %c0_i32 : i32, i32
  }
  func.func @transform_2(%arg0: i32) -> (i32, i32) {
    %c0_i32 = arith.constant 0 : i32
    %c0_i32_0 = arith.constant 0 : i32
    return %arg0, %c0_i32 : i32, i32
  }
  func.func @transform_3(%arg0: i32) -> (i32, i32) {
    %c0_i32 = arith.constant 0 : i32
    %c0_i32_0 = arith.constant 0 : i32
    return %arg0, %c0_i32 : i32, i32
  }
  func.func @transform_4(%arg0: i32) -> (i32, i32) {
    %c0_i32 = arith.constant 0 : i32
    %c0_i32_0 = arith.constant 0 : i32
    %c0_i32_1 = arith.constant 0 : i32
    return %c0_i32, %c0_i32_0 : i32, i32
  }
  func.func @transform_5(%arg0: i32) -> (i32, i32) {
    %c0_i32 = arith.constant 0 : i32
    %c0_i32_0 = arith.constant 0 : i32
    %c0_i32_1 = arith.constant 0 : i32
    return %c0_i32, %c0_i32_0 : i32, i32
  }
  func.func @transform_6(%arg0: i32) -> (i32, i32) {
    %c0_i32 = arith.constant 0 : i32
    %c0_i32_0 = arith.constant 0 : i32
    %c0_i32_1 = arith.constant 0 : i32
    return %c0_i32, %c0_i32_0 : i32, i32
  }
  func.func @transform_7(%arg0: i32) -> (i32, i32) {
    %c0_i32 = arith.constant 0 : i32
    %c0_i32_0 = arith.constant 0 : i32
    %c0_i32_1 = arith.constant 0 : i32
    return %c0_i32, %c0_i32_0 : i32, i32
  }
  func.func @transform_8(%arg0: i32) -> (i32, i32) {
    %c0_i32 = arith.constant 0 : i32
    %c0_i32_0 = arith.constant 0 : i32
    %c0_i32_1 = arith.constant 0 : i32
    return %c0_i32, %c0_i32_0 : i32, i32
  }
  func.func @transform_9(%arg0: i32) -> (i32, i32) {
    %c0_i32 = arith.constant 0 : i32
    %c0_i32_0 = arith.constant 0 : i32
    %c0_i32_1 = arith.constant 0 : i32
    return %c0_i32, %c0_i32_0 : i32, i32
  }
  func.func @transform_10(%arg0: i32) -> (i32, i32) {
    %c0_i32 = arith.constant 0 : i32
    %c0_i32_0 = arith.constant 0 : i32
    %c0_i32_1 = arith.constant 0 : i32
    return %c0_i32, %c0_i32_0 : i32, i32
  }
  func.func @transform_11(%arg0: i32) -> (i32, i32) {
    %c0_i32 = arith.constant 0 : i32
    %c0_i32_0 = arith.constant 0 : i32
    %c0_i32_1 = arith.constant 0 : i32
    return %c0_i32, %c0_i32_0 : i32, i32
  }
  func.func @transform_12(%arg0: i32) -> (i32, i32) {
    %c0_i32 = arith.constant 0 : i32
    %c0_i32_0 = arith.constant 0 : i32
    %c0_i32_1 = arith.constant 0 : i32
    return %c0_i32, %c0_i32_0 : i32, i32
  }
  func.func @transform_13(%arg0: i32) -> (i32, i32) {
    %c0_i32 = arith.constant 0 : i32
    %c0_i32_0 = arith.constant 0 : i32
    %c0_i32_1 = arith.constant 0 : i32
    return %c0_i32, %c0_i32_0 : i32, i32
  }
  func.func @transform_14(%arg0: i32) -> (i32, i32) {
    %c0_i32 = arith.constant 0 : i32
    %c0_i32_0 = arith.constant 0 : i32
    %c0_i32_1 = arith.constant 0 : i32
    return %c0_i32, %c0_i32_0 : i32, i32
  }
  func.func @transform_15(%arg0: i32) -> (i32, i32) {
    %c0_i32 = arith.constant 0 : i32
    %c0_i32_0 = arith.constant 0 : i32
    %c0_i32_1 = arith.constant 0 : i32
    return %c0_i32, %c0_i32_0 : i32, i32
  }
  func.func @transform_16(%arg0: i32) -> (i32, i32) {
    %c0_i32 = arith.constant 0 : i32
    %c0_i32_0 = arith.constant 0 : i32
    %c0_i32_1 = arith.constant 0 : i32
    return %c0_i32, %c0_i32_0 : i32, i32
  }
  func.func @transform_17(%arg0: i32) -> (i32, i32) {
    %c0_i32 = arith.constant 0 : i32
    %c0_i32_0 = arith.constant 0 : i32
    %c0_i32_1 = arith.constant 0 : i32
    return %c0_i32, %c0_i32_0 : i32, i32
  }
  func.func @transform_18(%arg0: i32) -> (i32, i32) {
    %c0_i32 = arith.constant 0 : i32
    %c0_i32_0 = arith.constant 0 : i32
    return %arg0, %c0_i32 : i32, i32
  }
  func.func @transform_19(%arg0: i32) -> (i32, i32) {
    %c0_i32 = arith.constant 0 : i32
    %c0_i32_0 = arith.constant 0 : i32
    return %arg0, %c0_i32 : i32, i32
  }
}

module attributes {stable_mosaic.version = 14 : i64} {
  func.func @_softmax_body(%arg0: memref<512x128xf32, #tpu.memory_space<vmem>>, %arg1: memref<512x128xf32, #tpu.memory_space<vmem>>) attributes {dimension_semantics = [], scalar_prefetch = 0 : i64, scratch_operands = 0 : i64, tpu.core_type = #tpu.core_type<tc>} {
    %get3A = arith.constant 0 : index
    %get3A_0 = arith.constant 0 : index
    %get3A_1 = vector.load %arg0[%get3A, %get3A_0] : memref<512x128xf32, #tpu.memory_space<vmem>>, vector<512x128xf32>
    %reduce_max3A = arith.constant dense<0xFF800000> : vector<512xf32>
    %reduce_max3A_2 = vector.multi_reduction <maximumf>, %get3A_1, %reduce_max3A [1] : vector<512x128xf32> to vector<512xf32>
    %broadcast_in_dim3A = vector.shape_cast %reduce_max3A_2 : vector<512xf32> to vector<512x1xf32>
    %sub3A = vector.broadcast %broadcast_in_dim3A : vector<512x1xf32> to vector<512x128xf32>
    %sub3A_3 = arith.subf %get3A_1, %sub3A : vector<512x128xf32>
    %exp3A = math.exp %sub3A_3 : vector<512x128xf32>
    %reduce_sum3A = arith.constant dense<0.000000e+00> : vector<512xf32>
    %reduce_sum3A_4 = vector.multi_reduction <add>, %exp3A, %reduce_sum3A [1] : vector<512x128xf32> to vector<512xf32>
    %broadcast_in_dim3A_5 = vector.shape_cast %reduce_sum3A_4 : vector<512xf32> to vector<512x1xf32>
    %div3A = vector.broadcast %broadcast_in_dim3A_5 : vector<512x1xf32> to vector<512x128xf32>
    %div3A_6 = arith.divf %exp3A, %div3A : vector<512x128xf32>
    %swap3A = arith.constant 0 : index
    %swap3A_7 = arith.constant 0 : index
    %swap3A_8 = vector.load %arg1[%swap3A, %swap3A_7] : memref<512x128xf32, #tpu.memory_space<vmem>>, vector<512x128xf32>
    tpu.vector_store %arg1[%swap3A, %swap3A_7], %div3A_6 {strides = array<i32>} : memref<512x128xf32, #tpu.memory_space<vmem>>, vector<512x128xf32>,
    return
  }
}

module attributes {stable_mosaic.version = 14 : i64} {
  func.func @_agg_body(%arg0: i32, %arg1: memref<4096x64xf32, #tpu.memory_space<vmem>>, %arg2: memref<4096x1xf32, #tpu.memory_space<vmem>>, %arg3: memref<1x64xf32, #tpu.memory_space<vmem>>, %arg4: memref<64x64xf32, #tpu.memory_space<vmem>>, %arg5: memref<1x64xf32, #tpu.memory_space<vmem>>, %arg6: memref<64x64xf32, #tpu.memory_space<vmem>>, %arg7: memref<1x64xf32, #tpu.memory_space<vmem>>, %arg8: memref<64x64xf32, #tpu.memory_space<vmem>>, %arg9: memref<1x64xf32, #tpu.memory_space<vmem>>, %arg10: memref<128x64xf32, #tpu.memory_space<vmem>>, %arg11: memref<1x64xf32, #tpu.memory_space<vmem>>, %arg12: memref<64x64xf32, #tpu.memory_space<vmem>>, %arg13: memref<1x64xf32, #tpu.memory_space<vmem>>, %arg14: memref<64x64xf32, #tpu.memory_space<vmem>>, %arg15: memref<1x64xf32, #tpu.memory_space<vmem>>, %arg16: memref<32x64xf32, #tpu.memory_space<vmem>>) attributes {dimension_semantics = [#tpu.dimension_semantics<arbitrary>], iteration_bounds = array<i64: 16>, scalar_prefetch = 0 : i64, scratch_operands = 0 : i64, tpu.core_type = #tpu.core_type<tc>, window_params = [{transform_indices = @transform_0, window_bounds = array<i64: 4096, 64>}, {transform_indices = @transform_1, window_bounds = array<i64: 4096, 1>}, {pipeline_mode = #tpu.pipeline_mode<synchronous>, transform_indices = @transform_2, window_bounds = array<i64: 1, 64>}, {pipeline_mode = #tpu.pipeline_mode<synchronous>, transform_indices = @transform_3, window_bounds = array<i64: 64, 64>}, {pipeline_mode = #tpu.pipeline_mode<synchronous>, transform_indices = @transform_4, window_bounds = array<i64: 1, 64>}, {pipeline_mode = #tpu.pipeline_mode<synchronous>, transform_indices = @transform_5, window_bounds = array<i64: 64, 64>}, {pipeline_mode = #tpu.pipeline_mode<synchronous>, transform_indices = @transform_6, window_bounds = array<i64: 1, 64>}, {pipeline_mode = #tpu.pipeline_mode<synchronous>, transform_indices = @transform_7, window_bounds = array<i64: 64, 64>}, {pipeline_mode = #tpu.pipeline_mode<synchronous>, transform_indices = @transform_8, window_bounds = array<i64: 1, 64>}, {pipeline_mode = #tpu.pipeline_mode<synchronous>, transform_indices = @transform_9, window_bounds = array<i64: 128, 64>}, {pipeline_mode = #tpu.pipeline_mode<synchronous>, transform_indices = @transform_10, window_bounds = array<i64: 1, 64>}, {pipeline_mode = #tpu.pipeline_mode<synchronous>, transform_indices = @transform_11, window_bounds = array<i64: 64, 64>}, {pipeline_mode = #tpu.pipeline_mode<synchronous>, transform_indices = @transform_12, window_bounds = array<i64: 1, 64>}, {pipeline_mode = #tpu.pipeline_mode<synchronous>, transform_indices = @transform_13, window_bounds = array<i64: 64, 64>}, {pipeline_mode = #tpu.pipeline_mode<synchronous>, transform_indices = @transform_14, window_bounds = array<i64: 1, 64>}, {transform_indices = @transform_15, window_bounds = array<i64: 32, 64>}]} {
    %get3A = arith.constant 0 : index
    %get3A_0 = arith.constant 0 : index
    %get3A_1 = vector.load %arg1[%get3A, %get3A_0] : memref<4096x64xf32, #tpu.memory_space<vmem>>, vector<4096x64xf32>
    %get3A_2 = arith.constant 0 : index
    %get3A_3 = arith.constant 0 : index
    %get3A_4 = vector.load %arg2[%get3A_2, %get3A_3] : memref<4096x1xf32, #tpu.memory_space<vmem>>, vector<4096x1xf32>
    %mul3A = vector.broadcast %get3A_4 : vector<4096x1xf32> to vector<4096x64xf32>
    %mul3A_5 = arith.mulf %get3A_1, %mul3A : vector<4096x64xf32>
    %iota3A = tpu.iota {dimensions = array<i32: 1>} : vector<32x4096xi32>
    %jit3A = arith.constant 128 : i32
    %div3A = vector.broadcast %jit3A : i32 to vector<32x4096xi32>
    %div3A_6 = arith.divsi %iota3A, %div3A : vector<32x4096xi32>
    %sign3A = arith.constant 0 : i32
    %sign3A_7 = vector.broadcast %sign3A : i32 to vector<32x4096xi32>
    %sign3A_8 = arith.cmpi sgt, %iota3A, %sign3A_7 : vector<32x4096xi32>
    %sign3A_9 = arith.extui %sign3A_8 : vector<32x4096xi1> to vector<32x4096xi32>
    %sign3A_10 = arith.constant 0 : i32
    %sign3A_11 = vector.broadcast %sign3A_10 : i32 to vector<32x4096xi32>
    %sign3A_12 = arith.cmpi slt, %iota3A, %sign3A_11 : vector<32x4096xi32>
    %sign3A_13 = arith.extui %sign3A_12 : vector<32x4096xi1> to vector<32x4096xi32>
    %sign3A_14 = arith.subi %sign3A_9, %sign3A_13 : vector<32x4096xi32>
    %sign3A_15 = arith.constant 0 : i32
    %sign3A_16 = arith.cmpi sgt, %jit3A, %sign3A_15 : i32
    %sign3A_17 = arith.extui %sign3A_16 : i1 to i32
    %sign3A_18 = arith.constant 0 : i32
    %sign3A_19 = arith.cmpi slt, %jit3A, %sign3A_18 : i32
    %sign3A_20 = arith.extui %sign3A_19 : i1 to i32
    %sign3A_21 = arith.subi %sign3A_17, %sign3A_20 : i32
    %ne3A = vector.broadcast %sign3A_21 : i32 to vector<32x4096xi32>
    %ne3A_22 = arith.cmpi ne, %sign3A_14, %ne3A : vector<32x4096xi32>
    %rem3A = vector.broadcast %jit3A : i32 to vector<32x4096xi32>
    %rem3A_23 = arith.remsi %iota3A, %rem3A : vector<32x4096xi32>
    %ne3A_24 = arith.constant 0 : i32
    %ne3A_25 = vector.broadcast %ne3A_24 : i32 to vector<32x4096xi32>
    %ne3A_26 = arith.cmpi ne, %rem3A_23, %ne3A_25 : vector<32x4096xi32>
    %and3A = arith.andi %ne3A_22, %ne3A_26 : vector<32x4096xi1>
    %sub3A = arith.constant 1 : i32
    %sub3A_27 = vector.broadcast %sub3A : i32 to vector<32x4096xi32>
    %sub3A_28 = arith.subi %div3A_6, %sub3A_27 : vector<32x4096xi32>
    %select_n3A = arith.select %and3A, %sub3A_28, %div3A_6 : vector<32x4096xi1>, vector<32x4096xi32>
    %iota3A_29 = tpu.iota {dimensions = array<i32: 0>} : vector<32x4096xi32>
    %eq3A = arith.cmpi eq, %select_n3A, %iota3A_29 : vector<32x4096xi32>
    %convert_element_type3A = arith.extui %eq3A : vector<32x4096xi1> to vector<32x4096xi32>
    %convert_element_type3A_30 = arith.sitofp %convert_element_type3A : vector<32x4096xi32> to vector<32x4096xf32>
    %dot_general3A = arith.constant dense<0.000000e+00> : vector<32x64xf32>
    %dot_general3A_31 = tpu.matmul %convert_element_type3A_30, %mul3A_5, %dot_general3A {dimension_numbers = #tpu.dot_dimension_numbers<[1], [0], [0], [1], [0, 0, 1, 1], [], []>, precision = #tpu.contract_precision<fp32>, transpose_lhs_hint = false} : vector<32x4096xf32>, vector<4096x64xf32>, vector<32x64xf32> -> vector<32x64xf32>
    %get3A_32 = arith.constant 0 : index
    %get3A_33 = arith.constant 0 : index
    %get3A_34 = vector.load %arg3[%get3A_32, %get3A_33] : memref<1x64xf32, #tpu.memory_space<vmem>>, vector<1x64xf32>
    %mul3A_35 = arith.constant 9.99999974E-6 : f32
    %mul3A_36 = vector.broadcast %mul3A_35 : f32 to vector<1x64xf32>
    %mul3A_37 = arith.mulf %get3A_34, %mul3A_36 : vector<1x64xf32>
    %get3A_38 = arith.constant 0 : index
    %get3A_39 = arith.constant 0 : index
    %get3A_40 = vector.load %arg4[%get3A_38, %get3A_39] : memref<64x64xf32, #tpu.memory_space<vmem>>, vector<64x64xf32>
    %get3A_41 = arith.constant 0 : index
    %get3A_42 = arith.constant 0 : index
    %get3A_43 = vector.load %arg5[%get3A_41, %get3A_42] : memref<1x64xf32, #tpu.memory_space<vmem>>, vector<1x64xf32>
    %get3A_44 = arith.constant 0 : index
    %get3A_45 = arith.constant 0 : index
    %get3A_46 = vector.load %arg6[%get3A_44, %get3A_45] : memref<64x64xf32, #tpu.memory_space<vmem>>, vector<64x64xf32>
    %get3A_47 = arith.constant 0 : index
    %get3A_48 = arith.constant 0 : index
    %get3A_49 = vector.load %arg7[%get3A_47, %get3A_48] : memref<1x64xf32, #tpu.memory_space<vmem>>, vector<1x64xf32>
    %get3A_50 = arith.constant 0 : index
    %get3A_51 = arith.constant 0 : index
    %get3A_52 = vector.load %arg8[%get3A_50, %get3A_51] : memref<64x64xf32, #tpu.memory_space<vmem>>, vector<64x64xf32>
    %get3A_53 = arith.constant 0 : index
    %get3A_54 = arith.constant 0 : index
    %get3A_55 = vector.load %arg9[%get3A_53, %get3A_54] : memref<1x64xf32, #tpu.memory_space<vmem>>, vector<1x64xf32>
    %convert_element_type3A_56 = arith.truncf %mul3A_37 : vector<1x64xf32> to vector<1x64xbf16>
    %convert_element_type3A_57 = arith.truncf %get3A_40 : vector<64x64xf32> to vector<64x64xbf16>
    %dot_general3A_58 = arith.constant dense<0.000000e+00> : vector<1x64xf32>
    %dot_general3A_59 = tpu.matmul %convert_element_type3A_56, %convert_element_type3A_57, %dot_general3A_58 {dimension_numbers = #tpu.dot_dimension_numbers<[1], [0], [0], [1], [0, 0, 1, 1], [], []>, transpose_lhs_hint = false} : vector<1x64xbf16>, vector<64x64xbf16>, vector<1x64xf32> -> vector<1x64xf32>
    %add3A = arith.addf %dot_general3A_59, %get3A_43 : vector<1x64xf32>
    %mul3A_60 = arith.constant 5.000000e-01 : f32
    %mul3A_61 = vector.broadcast %mul3A_60 : f32 to vector<1x64xf32>
    %mul3A_62 = arith.mulf %mul3A_61, %add3A : vector<1x64xf32>
    %mul3A_63 = arith.constant 0.707106769 : f32
    %mul3A_64 = vector.broadcast %mul3A_63 : f32 to vector<1x64xf32>
    %mul3A_65 = arith.mulf %add3A, %mul3A_64 : vector<1x64xf32>
    %erf3A = math.erf %mul3A_65 : vector<1x64xf32>
    %add3A_66 = arith.constant 1.000000e+00 : f32
    %add3A_67 = vector.broadcast %add3A_66 : f32 to vector<1x64xf32>
    %add3A_68 = arith.addf %add3A_67, %erf3A : vector<1x64xf32>
    %mul3A_69 = arith.mulf %mul3A_62, %add3A_68 : vector<1x64xf32>
    %convert_element_type3A_70 = arith.truncf %mul3A_69 : vector<1x64xf32> to vector<1x64xbf16>
    %convert_element_type3A_71 = arith.truncf %get3A_46 : vector<64x64xf32> to vector<64x64xbf16>
    %dot_general3A_72 = arith.constant dense<0.000000e+00> : vector<1x64xf32>
    %dot_general3A_73 = tpu.matmul %convert_element_type3A_70, %convert_element_type3A_71, %dot_general3A_72 {dimension_numbers = #tpu.dot_dimension_numbers<[1], [0], [0], [1], [0, 0, 1, 1], [], []>, transpose_lhs_hint = false} : vector<1x64xbf16>, vector<64x64xbf16>, vector<1x64xf32> -> vector<1x64xf32>
    %add3A_74 = arith.addf %dot_general3A_73, %get3A_49 : vector<1x64xf32>
    %mul3A_75 = arith.constant 5.000000e-01 : f32
    %mul3A_76 = vector.broadcast %mul3A_75 : f32 to vector<1x64xf32>
    %mul3A_77 = arith.mulf %mul3A_76, %add3A_74 : vector<1x64xf32>
    %mul3A_78 = arith.constant 0.707106769 : f32
    %mul3A_79 = vector.broadcast %mul3A_78 : f32 to vector<1x64xf32>
    %mul3A_80 = arith.mulf %add3A_74, %mul3A_79 : vector<1x64xf32>
    %erf3A_81 = math.erf %mul3A_80 : vector<1x64xf32>
    %add3A_82 = arith.constant 1.000000e+00 : f32
    %add3A_83 = vector.broadcast %add3A_82 : f32 to vector<1x64xf32>
    %add3A_84 = arith.addf %add3A_83, %erf3A_81 : vector<1x64xf32>
    %mul3A_85 = arith.mulf %mul3A_77, %add3A_84 : vector<1x64xf32>
    %convert_element_type3A_86 = arith.truncf %mul3A_85 : vector<1x64xf32> to vector<1x64xbf16>
    %convert_element_type3A_87 = arith.truncf %get3A_52 : vector<64x64xf32> to vector<64x64xbf16>
    %dot_general3A_88 = arith.constant dense<0.000000e+00> : vector<1x64xf32>
    %dot_general3A_89 = tpu.matmul %convert_element_type3A_86, %convert_element_type3A_87, %dot_general3A_88 {dimension_numbers = #tpu.dot_dimension_numbers<[1], [0], [0], [1], [0, 0, 1, 1], [], []>, transpose_lhs_hint = false} : vector<1x64xbf16>, vector<64x64xbf16>, vector<1x64xf32> -> vector<1x64xf32>
    %add3A_90 = arith.addf %dot_general3A_89, %get3A_55 : vector<1x64xf32>
    %broadcast_in_dim3A = vector.shape_cast %add3A_90 : vector<1x64xf32> to vector<1x64xf32>
    %broadcast_in_dim3A_91 = vector.broadcast %broadcast_in_dim3A : vector<1x64xf32> to vector<32x64xf32>
    %concatenate3A = tpu.concatenate %dot_general3A_31, %broadcast_in_dim3A_91 in 1 : vector<32x64xf32>, vector<32x64xf32> -> vector<32x128xf32>
    %get3A_92 = arith.constant 0 : index
    %get3A_93 = arith.constant 0 : index
    %get3A_94 = vector.load %arg10[%get3A_92, %get3A_93] : memref<128x64xf32, #tpu.memory_space<vmem>>, vector<128x64xf32>
    %get3A_95 = arith.constant 0 : index
    %get3A_96 = arith.constant 0 : index
    %get3A_97 = vector.load %arg11[%get3A_95, %get3A_96] : memref<1x64xf32, #tpu.memory_space<vmem>>, vector<1x64xf32>
    %get3A_98 = arith.constant 0 : index
    %get3A_99 = arith.constant 0 : index
    %get3A_100 = vector.load %arg12[%get3A_98, %get3A_99] : memref<64x64xf32, #tpu.memory_space<vmem>>, vector<64x64xf32>
    %get3A_101 = arith.constant 0 : index
    %get3A_102 = arith.constant 0 : index
    %get3A_103 = vector.load %arg13[%get3A_101, %get3A_102] : memref<1x64xf32, #tpu.memory_space<vmem>>, vector<1x64xf32>
    %get3A_104 = arith.constant 0 : index
    %get3A_105 = arith.constant 0 : index
    %get3A_106 = vector.load %arg14[%get3A_104, %get3A_105] : memref<64x64xf32, #tpu.memory_space<vmem>>, vector<64x64xf32>
    %get3A_107 = arith.constant 0 : index
    %get3A_108 = arith.constant 0 : index
    %get3A_109 = vector.load %arg15[%get3A_107, %get3A_108] : memref<1x64xf32, #tpu.memory_space<vmem>>, vector<1x64xf32>
    %convert_element_type3A_110 = arith.truncf %concatenate3A : vector<32x128xf32> to vector<32x128xbf16>
    %convert_element_type3A_111 = arith.truncf %get3A_94 : vector<128x64xf32> to vector<128x64xbf16>
    %dot_general3A_112 = arith.constant dense<0.000000e+00> : vector<32x64xf32>
    %dot_general3A_113 = tpu.matmul %convert_element_type3A_110, %convert_element_type3A_111, %dot_general3A_112 {dimension_numbers = #tpu.dot_dimension_numbers<[1], [0], [0], [1], [0, 0, 1, 1], [], []>, transpose_lhs_hint = false} : vector<32x128xbf16>, vector<128x64xbf16>, vector<32x64xf32> -> vector<32x64xf32>
    %add3A_114 = vector.broadcast %get3A_97 : vector<1x64xf32> to vector<32x64xf32>
    %add3A_115 = arith.addf %dot_general3A_113, %add3A_114 : vector<32x64xf32>
    %mul3A_116 = arith.constant 5.000000e-01 : f32
    %mul3A_117 = vector.broadcast %mul3A_116 : f32 to vector<32x64xf32>
    %mul3A_118 = arith.mulf %mul3A_117, %add3A_115 : vector<32x64xf32>
    %mul3A_119 = arith.constant 0.707106769 : f32
    %mul3A_120 = vector.broadcast %mul3A_119 : f32 to vector<32x64xf32>
    %mul3A_121 = arith.mulf %add3A_115, %mul3A_120 : vector<32x64xf32>
    %erf3A_122 = math.erf %mul3A_121 : vector<32x64xf32>
    %add3A_123 = arith.constant 1.000000e+00 : f32
    %add3A_124 = vector.broadcast %add3A_123 : f32 to vector<32x64xf32>
    %add3A_125 = arith.addf %add3A_124, %erf3A_122 : vector<32x64xf32>
    %mul3A_126 = arith.mulf %mul3A_118, %add3A_125 : vector<32x64xf32>
    %convert_element_type3A_127 = arith.truncf %mul3A_126 : vector<32x64xf32> to vector<32x64xbf16>
    %convert_element_type3A_128 = arith.truncf %get3A_100 : vector<64x64xf32> to vector<64x64xbf16>
    %dot_general3A_129 = arith.constant dense<0.000000e+00> : vector<32x64xf32>
    %dot_general3A_130 = tpu.matmul %convert_element_type3A_127, %convert_element_type3A_128, %dot_general3A_129 {dimension_numbers = #tpu.dot_dimension_numbers<[1], [0], [0], [1], [0, 0, 1, 1], [], []>, transpose_lhs_hint = false} : vector<32x64xbf16>, vector<64x64xbf16>, vector<32x64xf32> -> vector<32x64xf32>
    %add3A_131 = vector.broadcast %get3A_103 : vector<1x64xf32> to vector<32x64xf32>
    %add3A_132 = arith.addf %dot_general3A_130, %add3A_131 : vector<32x64xf32>
    %mul3A_133 = arith.constant 5.000000e-01 : f32
    %mul3A_134 = vector.broadcast %mul3A_133 : f32 to vector<32x64xf32>
    %mul3A_135 = arith.mulf %mul3A_134, %add3A_132 : vector<32x64xf32>
    %mul3A_136 = arith.constant 0.707106769 : f32
    %mul3A_137 = vector.broadcast %mul3A_136 : f32 to vector<32x64xf32>
    %mul3A_138 = arith.mulf %add3A_132, %mul3A_137 : vector<32x64xf32>
    %erf3A_139 = math.erf %mul3A_138 : vector<32x64xf32>
    %add3A_140 = arith.constant 1.000000e+00 : f32
    %add3A_141 = vector.broadcast %add3A_140 : f32 to vector<32x64xf32>
    %add3A_142 = arith.addf %add3A_141, %erf3A_139 : vector<32x64xf32>
    %mul3A_143 = arith.mulf %mul3A_135, %add3A_142 : vector<32x64xf32>
    %convert_element_type3A_144 = arith.truncf %mul3A_143 : vector<32x64xf32> to vector<32x64xbf16>
    %convert_element_type3A_145 = arith.truncf %get3A_106 : vector<64x64xf32> to vector<64x64xbf16>
    %dot_general3A_146 = arith.constant dense<0.000000e+00> : vector<32x64xf32>
    %dot_general3A_147 = tpu.matmul %convert_element_type3A_144, %convert_element_type3A_145, %dot_general3A_146 {dimension_numbers = #tpu.dot_dimension_numbers<[1], [0], [0], [1], [0, 0, 1, 1], [], []>, transpose_lhs_hint = false} : vector<32x64xbf16>, vector<64x64xbf16>, vector<32x64xf32> -> vector<32x64xf32>
    %add3A_148 = vector.broadcast %get3A_109 : vector<1x64xf32> to vector<32x64xf32>
    %add3A_149 = arith.addf %dot_general3A_147, %add3A_148 : vector<32x64xf32>
    %swap3A = arith.constant 0 : index
    %swap3A_150 = arith.constant 0 : index
    %swap3A_151 = vector.load %arg16[%swap3A, %swap3A_150] : memref<32x64xf32, #tpu.memory_space<vmem>>, vector<32x64xf32>
    tpu.vector_store %arg16[%swap3A, %swap3A_150], %add3A_149 {strides = array<i32>} : memref<32x64xf32, #tpu.memory_space<vmem>>, vector<32x64xf32>,
    return
  }
  func.func @transform_0(%arg0: i32) -> (i32, i32) {
    %c0_i32 = arith.constant 0 : i32
    %c0_i32_0 = arith.constant 0 : i32
    return %arg0, %c0_i32 : i32, i32
  }
  func.func @transform_1(%arg0: i32) -> (i32, i32) {
    %c0_i32 = arith.constant 0 : i32
    %c0_i32_0 = arith.constant 0 : i32
    return %arg0, %c0_i32 : i32, i32
  }
  func.func @transform_2(%arg0: i32) -> (i32, i32) {
    %c0_i32 = arith.constant 0 : i32
    %c0_i32_0 = arith.constant 0 : i32
    %c0_i32_1 = arith.constant 0 : i32
    return %c0_i32, %c0_i32_0 : i32, i32
  }
  func.func @transform_3(%arg0: i32) -> (i32, i32) {
    %c0_i32 = arith.constant 0 : i32
    %c0_i32_0 = arith.constant 0 : i32
    %c0_i32_1 = arith.constant 0 : i32
    return %c0_i32, %c0_i32_0 : i32, i32
  }
  func.func @transform_4(%arg0: i32) -> (i32, i32) {
    %c0_i32 = arith.constant 0 : i32
    %c0_i32_0 = arith.constant 0 : i32
    %c0_i32_1 = arith.constant 0 : i32
    return %c0_i32, %c0_i32_0 : i32, i32
  }
  func.func @transform_5(%arg0: i32) -> (i32, i32) {
    %c0_i32 = arith.constant 0 : i32
    %c0_i32_0 = arith.constant 0 : i32
    %c0_i32_1 = arith.constant 0 : i32
    return %c0_i32, %c0_i32_0 : i32, i32
  }
  func.func @transform_6(%arg0: i32) -> (i32, i32) {
    %c0_i32 = arith.constant 0 : i32
    %c0_i32_0 = arith.constant 0 : i32
    %c0_i32_1 = arith.constant 0 : i32
    return %c0_i32, %c0_i32_0 : i32, i32
  }
  func.func @transform_7(%arg0: i32) -> (i32, i32) {
    %c0_i32 = arith.constant 0 : i32
    %c0_i32_0 = arith.constant 0 : i32
    %c0_i32_1 = arith.constant 0 : i32
    return %c0_i32, %c0_i32_0 : i32, i32
  }
  func.func @transform_8(%arg0: i32) -> (i32, i32) {
    %c0_i32 = arith.constant 0 : i32
    %c0_i32_0 = arith.constant 0 : i32
    %c0_i32_1 = arith.constant 0 : i32
    return %c0_i32, %c0_i32_0 : i32, i32
  }
  func.func @transform_9(%arg0: i32) -> (i32, i32) {
    %c0_i32 = arith.constant 0 : i32
    %c0_i32_0 = arith.constant 0 : i32
    %c0_i32_1 = arith.constant 0 : i32
    return %c0_i32, %c0_i32_0 : i32, i32
  }
  func.func @transform_10(%arg0: i32) -> (i32, i32) {
    %c0_i32 = arith.constant 0 : i32
    %c0_i32_0 = arith.constant 0 : i32
    %c0_i32_1 = arith.constant 0 : i32
    return %c0_i32, %c0_i32_0 : i32, i32
  }
  func.func @transform_11(%arg0: i32) -> (i32, i32) {
    %c0_i32 = arith.constant 0 : i32
    %c0_i32_0 = arith.constant 0 : i32
    %c0_i32_1 = arith.constant 0 : i32
    return %c0_i32, %c0_i32_0 : i32, i32
  }
  func.func @transform_12(%arg0: i32) -> (i32, i32) {
    %c0_i32 = arith.constant 0 : i32
    %c0_i32_0 = arith.constant 0 : i32
    %c0_i32_1 = arith.constant 0 : i32
    return %c0_i32, %c0_i32_0 : i32, i32
  }
  func.func @transform_13(%arg0: i32) -> (i32, i32) {
    %c0_i32 = arith.constant 0 : i32
    %c0_i32_0 = arith.constant 0 : i32
    %c0_i32_1 = arith.constant 0 : i32
    return %c0_i32, %c0_i32_0 : i32, i32
  }
  func.func @transform_14(%arg0: i32) -> (i32, i32) {
    %c0_i32 = arith.constant 0 : i32
    %c0_i32_0 = arith.constant 0 : i32
    %c0_i32_1 = arith.constant 0 : i32
    return %c0_i32, %c0_i32_0 : i32, i32
  }
  func.func @transform_15(%arg0: i32) -> (i32, i32) {
    %c0_i32 = arith.constant 0 : i32
    %c0_i32_0 = arith.constant 0 : i32
    return %arg0, %c0_i32 : i32, i32
  }
}

</mosaic_0001>

<sc_bundles>
// kernel: kernel.8.cloned.1.call-start
scs
__scs_entry_jumppad:
0x0: {  	(pc) =	sbr.rel $0x88, $3  }
0x1: {  	(tag) =	ssettag $0x0;
	lr =	simm.s32 $0x1  }
0x2: {  	[smem:$0x3F81] =	sst lr;
	_ =	strace $0xD0000000  }
0x3: {  	_ = 	snop  }
0x4: {  	_ = 	snop  }
0x5: {  	_ = 	snop  }
0x6: {  	_ = 	snop  }
0x7: {  	_ = 	snop  }
__scs_overlays_trampoline_lowered:
0x8: {  	[smem:$0x3F90] =	sst s0  }
0x9: {  	[smem:$0x3F91] =	sst s1  }
0xa: {  	[smem:$0x3F92] =	sst s2  }
0xb: {  	[smem:$0x3F93] =	sst s3  }
0xc: {  	[smem:$0x3F94] =	sst s4  }
0xd: {  	[smem:$0x3F95] =	sst s5  }
0xe: {  	[smem:$0x3F96] =	sst s6  }
0xf: {  	[smem:$0x3F97] =	sst s7  }
0x10: {  	[smem:$0x3F98] =	sst s8  }
0x11: {  	[smem:$0x3F99] =	sst s9;
	s0 =	simm.s32 @!p0 $0x0  }
0x12: {  	s1 =	sld [smem:$0x3F7F];
	s0 =	simm.s32 @p0 $0x1  }
0x13: {  	[smem:$0x3F9A] =	sst s0;
	s0 =	simm.s32 @!p1 $0x0  }
0x14: {  	s2 =	sld [smem:$0x3F7E];
	s0 =	simm.s32 @p1 $0x1  }
0x15: {  	[smem:$0x3F9B] =	sst s0;
	s0 =	simm.s32 @!p2 $0x0  }
0x16: {  	s3 =	sld [smem:$0x3FDB];
	s0 =	simm.s32 @p2 $0x1  }
0x17: {  	s4 =	simm.s32 $0x1BF5;
	[smem:$0x3F9D] =	sst s0  }
0x18: {  	s0 =	sld [smem:$0x3F80];
	_ =	swait.ge [sflag:s4], $0x0  }
0x19: {  	s7 =	sld [smem:$0x3F81]  }
0x1a: {  	s8 =	sadd.s32 $0xFFFFE003, lr  }
0x1b: {  	s9 =	sadd.s32 $0xFFFFFEF7, lr;
	s5 =	simm.s32 $0xFFFFFFFF;
	p2 =	slt.u32 s8, $0xFFFFF086  }
0x1c: {  	p1 =	slt.u32 s9, $0xF7A;
	s5 =	simm.s32 @!p2 $0x0  }
0x1d: {  	s5 =	simm.s32 @p1 $0x1;
	p0 =	seq.s32 s7, s2  }
0x1e: {  	s7 =	smul.u32 @!p0 $0xF7A, s2;
	p2 =	seq.s32 @!p0 s5, $0x0  }
0x1f: {  	s9 =	smul.u32 $0xF7A, s1;
	s8 =	simm.s32 @!p0 $0x1BF5;
	p2 =	por !p2, p0  }
0x20: {  	[sflag:s8] =	ssyncset.s32 @!p0 $0xFFFFF086;
	s6 =	sadd.s32 @!p0 s3, s7;
	s7 =	simm.s32 @!p0 $0x108  }
0x21: {  	s3 =	sadd.s32 s3, s9;
	s6 =	sadd.s32 @!p0 $0x88, s6;
	s7 =	simm.s32 @p2 $0x1082  }
0x22: {  	[simem:s7], [sflag:s8] =	dma.local @!p0 [hbm:s6], $0xF7A  }
0x23: {  	s9 =	sor.u32 $0xD0000000, s2;
	s6 =	simm.s32 $0x108;
	_ =	swait.ge @!p0 [sflag:s8], $0x0  }
0x24: {  	s3 =	sadd.s32 $0x88, s3;
	s6 =	simm.s32 @!p1 $0x1082;
	[sflag:s4] =	ssyncset.s32 $0xFFFFF086  }
0x25: {  	[simem:s6], [sflag:s4] =	dma.local [hbm:s3], $0xF7A  }
0x26: {  	[smem:$0x3F81] =	sst s1;
	(tag) =	ssettag s2;
	_ =	strace s9  }
0x27: {  	s1 =	sld [smem:$0x3F91]  }
0x28: {  	s2 =	sld [smem:$0x3F92]  }
0x29: {  	s4 =	sld [smem:$0x3F94]  }
0x2a: {  	p0 =	seq.s32 s5, $0x0;
	s5 =	sld [smem:$0x3F95]  }
0x2b: {  	s6 =	sld [smem:$0x3F96]  }
0x2c: {  	s7 =	sld [smem:$0x3F97]  }
0x2d: {  	s3 =	simm.s32 $0x108;
	s8 =	sld [smem:$0x3F98]  }
0x2e: {  	s3 =	simm.s32 @!p0 $0x1082;
	s9 =	sld [smem:$0x3F99]  }
0x2f: {  	lr =	sadd.s32 s0, s3;
	s0 =	sld [smem:$0x3F90]  }
0x30: {  	s3 =	sld [smem:$0x3F93]  }
0x31: {  	[smem:$0x3F9C] =	sst s10  }
0x32: {  	s10 =	sld [smem:$0x3F9A];
	_ =	sdelay $0x3  }
0x33: {  	p0 =	seq.s32 s10, $0x1;
	s10 =	sld [smem:$0x3F9C];
	_ =	sdelay $0x3  }
0x34: {  	[smem:$0x3F9C] =	sst s10  }
0x35: {  	s10 =	sld [smem:$0x3F9B];
	_ =	sdelay $0x3  }
0x36: {  	p1 =	seq.s32 s10, $0x1;
	s10 =	sld [smem:$0x3F9C];
	_ =	sdelay $0x3  }
0x37: {  	[smem:$0x3F9C] =	sst s10  }
0x38: {  	s10 =	sld [smem:$0x3F9D]  }
0x39: {  	_ = 	snop;
	(pc) =	sbr.ind lr, $3  }
0x3a: {  	_ = 	snop  }
0x3b: {  	_ = 	snop  }
0x3c: {  	p2 =	seq.s32 s10, $0x1;
	s10 =	sld [smem:$0x3F9C]  }
0x3d: {  	_ =	shalt  }
0x3e: {  	_ =	shalt  }
0x3f: {  	_ =	shalt  }
0x40: {  	_ =	shalt  }
0x41: {  	_ =	shalt  }
0x42: {  	_ =	shalt  }
0x43: {  	_ =	shalt  }
0x44: {  	_ =	shalt  }
0x45: {  	_ =	shalt  }
0x46: {  	_ =	shalt  }
0x47: {  	_ =	shalt  }
0x48: {  	_ =	shalt  }
0x49: {  	_ =	shalt  }
0x4a: {  	_ =	shalt  }
0x4b: {  	_ =	shalt  }
0x4c: {  	_ =	shalt  }
0x4d: {  	_ =	shalt  }
0x4e: {  	_ =	shalt  }
0x4f: {  	_ =	shalt  }
0x50: {  	_ =	shalt  }
0x51: {  	_ =	shalt  }
0x52: {  	_ =	shalt  }
0x53: {  	_ =	shalt  }
0x54: {  	_ =	shalt  }
0x55: {  	_ =	shalt  }
0x56: {  	_ =	shalt  }
0x57: {  	_ =	shalt  }
0x58: {  	_ =	shalt  }
0x59: {  	_ =	shalt  }
0x5a: {  	_ =	shalt  }
0x5b: {  	_ =	shalt  }
0x5c: {  	_ =	shalt  }
0x5d: {  	_ =	shalt  }
0x5e: {  	_ =	shalt  }
0x5f: {  	_ =	shalt  }
0x60: {  	_ =	shalt  }
0x61: {  	_ =	shalt  }
0x62: {  	_ =	shalt  }
0x63: {  	_ =	shalt  }
0x64: {  	_ =	shalt  }
0x65: {  	_ =	shalt  }
0x66: {  	_ =	shalt  }
0x67: {  	_ =	shalt  }
0x68: {  	_ =	shalt  }
0x69: {  	_ =	shalt  }
0x6a: {  	_ =	shalt  }
0x6b: {  	_ =	shalt  }
0x6c: {  	_ =	shalt  }
0x6d: {  	_ =	shalt  }
0x6e: {  	_ =	shalt  }
0x6f: {  	_ =	shalt  }
0x70: {  	_ =	shalt  }
0x71: {  	_ =	shalt  }
0x72: {  	_ =	shalt  }
0x73: {  	_ =	shalt  }
0x74: {  	_ =	shalt  }
0x75: {  	_ =	shalt  }
0x76: {  	_ =	shalt  }
0x77: {  	_ =	shalt  }
0x78: {  	_ =	shalt  }
0x79: {  	_ =	shalt  }
0x7a: {  	_ =	shalt  }
0x7b: {  	_ =	shalt  }
0x7c: {  	_ =	shalt  }
0x7d: {  	_ =	shalt  }
0x7e: {  	_ =	shalt  }
0x7f: {  	_ =	shalt  }
0x80: {  	_ =	shalt  }
0x81: {  	_ =	shalt  }
0x82: {  	_ =	shalt  }
0x83: {  	_ =	shalt  }
0x84: {  	_ =	shalt  }
0x85: {  	_ =	shalt  }
0x86: {  	_ =	shalt  }
0x87: {  	_ =	shalt  }
.Lfunc_end0:
.L_simem_size_0:
called_computation_lowered:
.L_overlay_start_0:
0x88: {  	s2 =	sld [smem:$0x3FD9]  }
0x89: {  	s3 =	sld [smem:$0x3FFE];
	_ =	sdelay $0x1  }
0x8a: {  	s1 =	srdreg.scid  }
0x8b: {  	s0 =	sand.u32 $0x1, s1  }
0x8c: {  	s16 =	sshll.u32 s0, $0xA;
	s2 =	sadd.s32 s3, s2  }
0x8d: {  	s2 =	sadd.s32 s2, s16  }
0x8e: {  	[smem:$0x3FA8] =	sst s2  }
0x8f: {  	_ = 	snop  }
0x90: {  	(tm) =	ssettm $0x1  }
0x91: {  	s17 =	sld [smem:$0x3FFB];
	_ =	sdelay $0x3  }
0x92: {  	_ =	strace s17  }
0x93: {  	s2 =	sld [smem:$0x3FFC];
	_ =	sdelay $0x3  }
0x94: {  	_ =	strace s2  }
0x95: {  	s2 =	sld [smem:$0x3FFD];
	_ =	sdelay $0x3  }
0x96: {  	_ =	strace s2  }
0x97: {  	_ =	strace $0x8FFFFFFF  }
0x98: {  	s18 =	sld [smem:$0x3FDB];
	_ =	sdelay $0x1  }
0x99: {  	s19 =	simm.s32 $_scs_section_size  }
0x9a: {  	s4 =	simm.s32 $_size__tile_overlayer_lowered;
	s5 =	simm.s32 $_tile_overlayer_lowered  }
0x9b: {  	s22 =	simm.s32 $0x1BFF;
	s21 =	sshll.u32 s5, $0x1;
	s2 =	sadd.s32 s19, s18  }
0x9c: {  	s6 =	simm.s32 $0x0;
	s20 =	sshll.u32 s4, $0x1;
	s4 =	sadd.s32 s21, s2  }
0x9d: {  	[timem:s6], [sflag:s22] =	dma.local [hbm:s4], s20  }
0x9e: {  	_ =	swait.ge [sflag:s22], s20  }
0x9f: {  	s3 =	ssub.s32 $0x0, s20;
	[sflag:s22] =	ssyncset.done $0x0  }
0xa0: {  	[sflag:s22] =	ssyncadd.s32 s3;
	_ =	sdelay $0x1  }
0xa1: {  	s23 =	simm.s32 $0x1B8B  }
0xa2: {  	_ =	swait.ge [sflag:s23], $0x1  }
0xa3: {  	[sflag:s23] =	ssyncset.done $0x0  }
0xa4: {  	s25 =	simm.s32 $0x1B8E;
	s24 =	sld [smem:$0x3FFE];
	[sflag:s23] =	ssyncadd.s32 $0xFFFFFFFF  }
0xa5: {  	s26 =	simm.s32 $execute0_lowered;
	[smem:$0x3FD2] =	sst s25  }
0xa6: {  	s4 =	sshll.u32 s26, $0x1;
	_ =	strace $0x80000046;
	[dreg:$0x1] =	wrdreg $0xFFFFFFFF  }
0xa7: {  	s28 =	simm.s32 $_size_execute0_lowered;
	s2 =	sadd.s32 s2, s4;
	[dreg:$0x0] =	wrdreg $0x0  }
0xa8: {  	s4 =	sshll.u32 s28, $0x1;
	[dreg:$0x2] =	wrdreg s2  }
0xa9: {  	[dreg:$0x3] =	wrdreg s4  }
0xaa: {  	[dreg:$0x4] =	wrdreg $0xC0  }
0xab: {  	_ =	task [dreg:s6], $0x5FFFF  }
0xac: {  	[dreg:$0x1] =	wrdreg $0xFFFFFFFF  }
0xad: {  	[dreg:$0x0] =	wrdreg $0x60  }
0xae: {  	[dreg:$0x2] =	wrdreg s24  }
0xaf: {  	[dreg:$0x3] =	wrdreg $0x9  }
0xb0: {  	_ =	task.clear_ibuf [dreg:s6], $0x4FFFF;
	_ =	strace $0x90000046  }
0xb1: {  	s29 =	simm.s32 $0x9;
	_ =	strace $0x80000048  }
0xb2: {  	_ =	swait.ge [sflag:s29], $0x1  }
0xb3: {  	[sflag:s29] =	ssyncadd.s32 $0xFFFFFFFF  }
0xb4: {  	_ =	strace $0x90000048  }
0xb5: {  	_ =	sfence  }
0xb6: {  	s30 =	sld [smem:$0x0];
	_ =	sdelay $0x2  }
0xb7: {  	s31 =	sshll.u32 s1, $0xD;
	s1 =	sshrl.u32 s1, $0x2  }
0xb8: {  	s3 =	sand.u32 $0x4000, s31;
	s1 =	sadd.s32 s1, s30  }
0xb9: {  	s0 =	sor.u32 s3, s0;
	s1 =	sshll.u32 s1, $0x11  }
0xba: {  	s0 =	sor.u32 s1, s0  }
0xbb: {  	s0 =	sadd.s32 $0x8F2B, s0  }
0xbc: {  	[sflag:s0] =	ssyncadd.remote.s32 $0x1  }
0xbd: {  	_ =	sfence.sel $0xFFFF  }
0xbe: {  	[dreg:$0x0] =	wrdreg $0xFFFFFFFF;
	(pc) =	sbr.abs _section_cstart, $3  }
0xbf: {  	[dreg:$0x1] =	wrdreg $0xFFFFFFFF  }
0xc0: {  	_ =	task.clear_ibuf [dreg:s6], $0x2FFFF;
	_ =	strace $0x9FFFFFFF  }
0xc1: {  	(tm) =	ssettm $0x7FFFFFFF  }
tec
execute0_lowered:
.L_overlay_start_1:
0x0: {  	(tag) =	ssettag $0x1  }
0x1: {  	s4 =	rddreg [dreg:$0x0];
	s0 =	srdreg.scid  }
0x2: {  	s1 =	stileid.u32;
	s2 =	simm.s32 $0x0;
	s31 =	sand.u32 $0x1, s0  }
0x3: {  	s1 =	sshll.u32 s1, $0xC;
	[smem:$0x7FF] =	sst s2;
	s3 =	sshll.u32 s31, $0xB  }
0x4: {  	s30 =	sadd.s32 $0x311A00, s4;
	s0 =	sadd.s32 $0x4800, s4;
	s1 =	sor.u32 s3, s1  }
0x5: {  	_ =	strace $0x80000047;
	s3 =	sshrl.u32 s1, $0x3;
	s5 =	sshll.u32 s1, $0x4  }
0x6: {  	s9 =	sor.u32 $0x80, s1;
	s6 =	sor.u32 $0x100, s1;
	s3 =	sadd.s32 s30, s3  }
0x7: {  	s8 =	sadd.s32 s0, s5;
	s10 =	sshrl.u32 s9, $0x3;
	[dreg:$0x2] =	wrdreg s3  }
0x8: {  	s5 =	sshll.u32 s9, $0x4;
	[dreg:$0x3] =	wrdreg s8;
	s3 =	sadd.s32 s30, s10  }
0x9: {  	s12 =	sshrl.u32 s6, $0x3;
	s11 =	sadd.s32 s0, s5;
	[dreg:$0x4] =	wrdreg s3  }
0xa: {  	s14 =	sshll.u32 s6, $0x4;
	s13 =	sadd.s32 s30, s12;
	[dreg:$0x5] =	wrdreg s11  }
0xb: {  	s16 =	sor.u32 $0x180, s1;
	s15 =	sadd.s32 s0, s14;
	[dreg:$0x6] =	wrdreg s13  }
0xc: {  	s17 =	sshrl.u32 s16, $0x3;
	[dreg:$0x7] =	wrdreg s15  }
0xd: {  	s5 =	sshll.u32 s16, $0x4;
	s3 =	sadd.s32 s30, s17;
	s18 =	rddreg [dreg:$0x2]  }
0xe: {  	s19 =	sadd.s32 s0, s5;
	[dreg:$0x8] =	wrdreg s3  }
0xf: {  	[dreg:$0x9] =	wrdreg s19;
	s3 =	simm.s32 $0x2  }
0x10: {  	[tilespmem:s2], [sflag:$0x2] =	stream.linear.gather [hbm4b:s18+s2], $0x80, $0x38;
	[tilespmem:$0x4080] =	vst v63  }
0x11: {  	_ =	swait.ge [sflag:s3], $0x80  }
0x12: {  	s4 =	sadd.s32 $0x313A00, s4;
	[sflag:s3] =	ssyncset.done $0x0  }
0x13: {  	s6 =	simm.s32 $0x1;
	s5 =	simm.s32 $0x80;
	[sflag:s3] =	ssyncadd.s32 $0xFFFFFF80  }
0x14: {  	[tilespmem:s5], [sflag:$0x1] =	stream.indirect.gather [hbm4b:s4+s5], $0x80, s2, s5, $0xb8;
	[tilespmem:$0x4080] =	vst v63  }
0x15: {  	_ =	swait.ge [sflag:s6], $0x4000  }
0x16: {  	[sflag:s6] =	ssyncset.done $0x0  }
0x17: {  	s7 =	rddreg [dreg:$0x3];
	[sflag:s6] =	ssyncadd.s32 $0xFFFFC000  }
0x18: {  	[hbm4b:s7+s2] =	stream.linear.scatter [tilespmem:s5], [sflag:$0x2], $0x4000, $0x38;
	[tilespmem:$0x4080] =	vst v63  }
0x19: {  	_ =	swait.ge [sflag:s3], $0x4000  }
0x1a: {  	[sflag:s3] =	ssyncset.done $0x0  }
0x1b: {  	s20 =	rddreg [dreg:$0x4];
	[sflag:s3] =	ssyncadd.s32 $0xFFFFC000  }
0x1c: {  	[tilespmem:s2], [sflag:$0x2] =	stream.linear.gather [hbm4b:s20+s2], $0x80, $0x38;
	[tilespmem:$0x4080] =	vst v63  }
0x1d: {  	_ =	swait.ge [sflag:s3], $0x80  }
0x1e: {  	[sflag:s3] =	ssyncset.done $0x0  }
0x1f: {  	[sflag:s3] =	ssyncadd.s32 $0xFFFFFF80  }
0x20: {  	[tilespmem:s5], [sflag:$0x1] =	stream.indirect.gather [hbm4b:s4+s5], $0x80, s2, s5, $0xb8;
	[tilespmem:$0x4080] =	vst v63  }
0x21: {  	_ =	swait.ge [sflag:s6], $0x4000  }
0x22: {  	[sflag:s6] =	ssyncset.done $0x0  }
0x23: {  	s21 =	rddreg [dreg:$0x5];
	[sflag:s6] =	ssyncadd.s32 $0xFFFFC000  }
0x24: {  	[hbm4b:s21+s2] =	stream.linear.scatter [tilespmem:s5], [sflag:$0x2], $0x4000, $0x38;
	[tilespmem:$0x4080] =	vst v63  }
0x25: {  	_ =	swait.ge [sflag:s3], $0x4000  }
0x26: {  	[sflag:s3] =	ssyncset.done $0x0  }
0x27: {  	s22 =	rddreg [dreg:$0x6];
	[sflag:s3] =	ssyncadd.s32 $0xFFFFC000  }
0x28: {  	[tilespmem:s2], [sflag:$0x2] =	stream.linear.gather [hbm4b:s22+s2], $0x80, $0x38;
	[tilespmem:$0x4080] =	vst v63  }
0x29: {  	_ =	swait.ge [sflag:s3], $0x80  }
0x2a: {  	[sflag:s3] =	ssyncset.done $0x0  }
0x2b: {  	[sflag:s3] =	ssyncadd.s32 $0xFFFFFF80  }
0x2c: {  	[tilespmem:s5], [sflag:$0x1] =	stream.indirect.gather [hbm4b:s4+s5], $0x80, s2, s5, $0xb8;
	[tilespmem:$0x4080] =	vst v63  }
0x2d: {  	_ =	swait.ge [sflag:s6], $0x4000  }
0x2e: {  	[sflag:s6] =	ssyncset.done $0x0  }
0x2f: {  	s23 =	rddreg [dreg:$0x7];
	[sflag:s6] =	ssyncadd.s32 $0xFFFFC000  }
0x30: {  	[hbm4b:s23+s2] =	stream.linear.scatter [tilespmem:s5], [sflag:$0x2], $0x4000, $0x38;
	[tilespmem:$0x4080] =	vst v63  }
0x31: {  	_ =	swait.ge [sflag:s3], $0x4000  }
0x32: {  	[sflag:s3] =	ssyncset.done $0x0  }
0x33: {  	s24 =	rddreg [dreg:$0x8];
	[sflag:s3] =	ssyncadd.s32 $0xFFFFC000  }
0x34: {  	[tilespmem:s2], [sflag:$0x2] =	stream.linear.gather [hbm4b:s24+s2], $0x80, $0x38;
	[tilespmem:$0x4080] =	vst v63  }
0x35: {  	_ =	swait.ge [sflag:s3], $0x80  }
0x36: {  	[sflag:s3] =	ssyncset.done $0x0  }
0x37: {  	[sflag:s3] =	ssyncadd.s32 $0xFFFFFF80  }
0x38: {  	[tilespmem:s5], [sflag:$0x1] =	stream.indirect.gather [hbm4b:s4+s5], $0x80, s2, s5, $0xb8;
	[tilespmem:$0x4080] =	vst v63  }
0x39: {  	_ =	swait.ge [sflag:s6], $0x4000  }
0x3a: {  	[sflag:s6] =	ssyncset.done $0x0  }
0x3b: {  	s25 =	rddreg [dreg:$0x9];
	[sflag:s6] =	ssyncadd.s32 $0xFFFFC000  }
0x3c: {  	[hbm4b:s25+s2] =	stream.linear.scatter [tilespmem:s5], [sflag:$0x2], $0x4000, $0x38;
	[tilespmem:$0x4080] =	vst v63  }
0x3d: {  	s8 =	sor.u32 $0x200, s1;
	_ =	swait.ge [sflag:s3], $0x4000  }
0x3e: {  	s26 =	sshrl.u32 s8, $0x3;
	[sflag:s3] =	ssyncset.done $0x0  }
0x3f: {  	s7 =	sadd.s32 s30, s26;
	[sflag:s3] =	ssyncadd.s32 $0xFFFFC000  }
0x40: {  	[tilespmem:s2], [sflag:$0x2] =	stream.linear.gather [hbm4b:s7+s2], $0x80, $0x38;
	[tilespmem:$0x4080] =	vst v63  }
0x41: {  	_ =	swait.ge [sflag:s3], $0x80  }
0x42: {  	[sflag:s3] =	ssyncset.done $0x0  }
0x43: {  	[sflag:s3] =	ssyncadd.s32 $0xFFFFFF80  }
0x44: {  	[tilespmem:s5], [sflag:$0x1] =	stream.indirect.gather [hbm4b:s4+s5], $0x80, s2, s5, $0xb8;
	[tilespmem:$0x4080] =	vst v63  }
0x45: {  	_ =	swait.ge [sflag:s6], $0x4000  }
0x46: {  	s8 =	sshll.u32 s8, $0x4;
	[sflag:s6] =	ssyncset.done $0x0  }
0x47: {  	s8 =	sadd.s32 s0, s8;
	[sflag:s6] =	ssyncadd.s32 $0xFFFFC000  }
0x48: {  	[hbm4b:s8+s2] =	stream.linear.scatter [tilespmem:s5], [sflag:$0x2], $0x4000, $0x38;
	[tilespmem:$0x4080] =	vst v63  }
0x49: {  	s10 =	sor.u32 $0x280, s1;
	_ =	swait.ge [sflag:s3], $0x4000  }
0x4a: {  	s9 =	sshrl.u32 s10, $0x3;
	[sflag:s3] =	ssyncset.done $0x0  }
0x4b: {  	s9 =	sadd.s32 s30, s9;
	[sflag:s3] =	ssyncadd.s32 $0xFFFFC000  }
0x4c: {  	[tilespmem:s2], [sflag:$0x2] =	stream.linear.gather [hbm4b:s9+s2], $0x80, $0x38;
	[tilespmem:$0x4080] =	vst v63  }
0x4d: {  	_ =	swait.ge [sflag:s3], $0x80  }
0x4e: {  	[sflag:s3] =	ssyncset.done $0x0  }
0x4f: {  	[sflag:s3] =	ssyncadd.s32 $0xFFFFFF80  }
0x50: {  	[tilespmem:s5], [sflag:$0x1] =	stream.indirect.gather [hbm4b:s4+s5], $0x80, s2, s5, $0xb8;
	[tilespmem:$0x4080] =	vst v63  }
0x51: {  	_ =	swait.ge [sflag:s6], $0x4000  }
0x52: {  	s10 =	sshll.u32 s10, $0x4;
	[sflag:s6] =	ssyncset.done $0x0  }
0x53: {  	s10 =	sadd.s32 s0, s10;
	[sflag:s6] =	ssyncadd.s32 $0xFFFFC000  }
0x54: {  	[hbm4b:s10+s2] =	stream.linear.scatter [tilespmem:s5], [sflag:$0x2], $0x4000, $0x38;
	[tilespmem:$0x4080] =	vst v63  }
0x55: {  	s12 =	sor.u32 $0x300, s1;
	_ =	swait.ge [sflag:s3], $0x4000  }
0x56: {  	s11 =	sshrl.u32 s12, $0x3;
	[sflag:s3] =	ssyncset.done $0x0  }
0x57: {  	s11 =	sadd.s32 s30, s11;
	[sflag:s3] =	ssyncadd.s32 $0xFFFFC000  }
0x58: {  	[tilespmem:s2], [sflag:$0x2] =	stream.linear.gather [hbm4b:s11+s2], $0x80, $0x38;
	[tilespmem:$0x4080] =	vst v63  }
0x59: {  	_ =	swait.ge [sflag:s3], $0x80  }
0x5a: {  	[sflag:s3] =	ssyncset.done $0x0  }
0x5b: {  	[sflag:s3] =	ssyncadd.s32 $0xFFFFFF80  }
0x5c: {  	[tilespmem:s5], [sflag:$0x1] =	stream.indirect.gather [hbm4b:s4+s5], $0x80, s2, s5, $0xb8;
	[tilespmem:$0x4080] =	vst v63  }
0x5d: {  	_ =	swait.ge [sflag:s6], $0x4000  }
0x5e: {  	s12 =	sshll.u32 s12, $0x4;
	[sflag:s6] =	ssyncset.done $0x0  }
0x5f: {  	s12 =	sadd.s32 s0, s12;
	[sflag:s6] =	ssyncadd.s32 $0xFFFFC000  }
0x60: {  	[hbm4b:s12+s2] =	stream.linear.scatter [tilespmem:s5], [sflag:$0x2], $0x4000, $0x38;
	[tilespmem:$0x4080] =	vst v63  }
0x61: {  	s14 =	sor.u32 $0x380, s1;
	_ =	swait.ge [sflag:s3], $0x4000  }
0x62: {  	s13 =	sshrl.u32 s14, $0x3;
	[sflag:s3] =	ssyncset.done $0x0  }
0x63: {  	s13 =	sadd.s32 s30, s13;
	[sflag:s3] =	ssyncadd.s32 $0xFFFFC000  }
0x64: {  	[tilespmem:s2], [sflag:$0x2] =	stream.linear.gather [hbm4b:s13+s2], $0x80, $0x38;
	[tilespmem:$0x4080] =	vst v63  }
0x65: {  	_ =	swait.ge [sflag:s3], $0x80  }
0x66: {  	[sflag:s3] =	ssyncset.done $0x0  }
0x67: {  	[sflag:s3] =	ssyncadd.s32 $0xFFFFFF80  }
0x68: {  	[tilespmem:s5], [sflag:$0x1] =	stream.indirect.gather [hbm4b:s4+s5], $0x80, s2, s5, $0xb8;
	[tilespmem:$0x4080] =	vst v63  }
0x69: {  	_ =	swait.ge [sflag:s6], $0x4000  }
0x6a: {  	s14 =	sshll.u32 s14, $0x4;
	[sflag:s6] =	ssyncset.done $0x0  }
0x6b: {  	s14 =	sadd.s32 s0, s14;
	[sflag:s6] =	ssyncadd.s32 $0xFFFFC000  }
0x6c: {  	[hbm4b:s14+s2] =	stream.linear.scatter [tilespmem:s5], [sflag:$0x2], $0x4000, $0x38;
	[tilespmem:$0x4080] =	vst v63  }
0x6d: {  	s16 =	sor.u32 $0x400, s1;
	_ =	swait.ge [sflag:s3], $0x4000  }
0x6e: {  	s15 =	sshrl.u32 s16, $0x3;
	[sflag:s3] =	ssyncset.done $0x0  }
0x6f: {  	s15 =	sadd.s32 s30, s15;
	[sflag:s3] =	ssyncadd.s32 $0xFFFFC000  }
0x70: {  	[tilespmem:s2], [sflag:$0x2] =	stream.linear.gather [hbm4b:s15+s2], $0x80, $0x38;
	[tilespmem:$0x4080] =	vst v63  }
0x71: {  	_ =	swait.ge [sflag:s3], $0x80  }
0x72: {  	[sflag:s3] =	ssyncset.done $0x0  }
0x73: {  	[sflag:s3] =	ssyncadd.s32 $0xFFFFFF80  }
0x74: {  	[tilespmem:s5], [sflag:$0x1] =	stream.indirect.gather [hbm4b:s4+s5], $0x80, s2, s5, $0xb8;
	[tilespmem:$0x4080] =	vst v63  }
0x75: {  	_ =	swait.ge [sflag:s6], $0x4000  }
0x76: {  	s16 =	sshll.u32 s16, $0x4;
	[sflag:s6] =	ssyncset.done $0x0  }
0x77: {  	s16 =	sadd.s32 s0, s16;
	[sflag:s6] =	ssyncadd.s32 $0xFFFFC000  }
0x78: {  	[hbm4b:s16+s2] =	stream.linear.scatter [tilespmem:s5], [sflag:$0x2], $0x4000, $0x38;
	[tilespmem:$0x4080] =	vst v63  }
0x79: {  	s18 =	sor.u32 $0x480, s1;
	_ =	swait.ge [sflag:s3], $0x4000  }
0x7a: {  	s17 =	sshrl.u32 s18, $0x3;
	[sflag:s3] =	ssyncset.done $0x0  }
0x7b: {  	s17 =	sadd.s32 s30, s17;
	[sflag:s3] =	ssyncadd.s32 $0xFFFFC000  }
0x7c: {  	[tilespmem:s2], [sflag:$0x2] =	stream.linear.gather [hbm4b:s17+s2], $0x80, $0x38;
	[tilespmem:$0x4080] =	vst v63  }
0x7d: {  	_ =	swait.ge [sflag:s3], $0x80  }
0x7e: {  	[sflag:s3] =	ssyncset.done $0x0  }
0x7f: {  	[sflag:s3] =	ssyncadd.s32 $0xFFFFFF80  }
0x80: {  	[tilespmem:s5], [sflag:$0x1] =	stream.indirect.gather [hbm4b:s4+s5], $0x80, s2, s5, $0xb8;
	[tilespmem:$0x4080] =	vst v63  }
0x81: {  	_ =	swait.ge [sflag:s6], $0x4000  }
0x82: {  	s18 =	sshll.u32 s18, $0x4;
	[sflag:s6] =	ssyncset.done $0x0  }
0x83: {  	s18 =	sadd.s32 s0, s18;
	[sflag:s6] =	ssyncadd.s32 $0xFFFFC000  }
0x84: {  	[hbm4b:s18+s2] =	stream.linear.scatter [tilespmem:s5], [sflag:$0x2], $0x4000, $0x38;
	[tilespmem:$0x4080] =	vst v63  }
0x85: {  	s20 =	sor.u32 $0x500, s1;
	_ =	swait.ge [sflag:s3], $0x4000  }
0x86: {  	s19 =	sshrl.u32 s20, $0x3;
	[sflag:s3] =	ssyncset.done $0x0  }
0x87: {  	s19 =	sadd.s32 s30, s19;
	[sflag:s3] =	ssyncadd.s32 $0xFFFFC000  }
0x88: {  	[tilespmem:s2], [sflag:$0x2] =	stream.linear.gather [hbm4b:s19+s2], $0x80, $0x38;
	[tilespmem:$0x4080] =	vst v63  }
0x89: {  	_ =	swait.ge [sflag:s3], $0x80  }
0x8a: {  	[sflag:s3] =	ssyncset.done $0x0  }
0x8b: {  	[sflag:s3] =	ssyncadd.s32 $0xFFFFFF80  }
0x8c: {  	[tilespmem:s5], [sflag:$0x1] =	stream.indirect.gather [hbm4b:s4+s5], $0x80, s2, s5, $0xb8;
	[tilespmem:$0x4080] =	vst v63  }
0x8d: {  	_ =	swait.ge [sflag:s6], $0x4000  }
0x8e: {  	s20 =	sshll.u32 s20, $0x4;
	[sflag:s6] =	ssyncset.done $0x0  }
0x8f: {  	s20 =	sadd.s32 s0, s20;
	[sflag:s6] =	ssyncadd.s32 $0xFFFFC000  }
0x90: {  	[hbm4b:s20+s2] =	stream.linear.scatter [tilespmem:s5], [sflag:$0x2], $0x4000, $0x38;
	[tilespmem:$0x4080] =	vst v63  }
0x91: {  	s22 =	sor.u32 $0x580, s1;
	_ =	swait.ge [sflag:s3], $0x4000  }
0x92: {  	s21 =	sshrl.u32 s22, $0x3;
	[sflag:s3] =	ssyncset.done $0x0  }
0x93: {  	s21 =	sadd.s32 s30, s21;
	[sflag:s3] =	ssyncadd.s32 $0xFFFFC000  }
0x94: {  	[tilespmem:s2], [sflag:$0x2] =	stream.linear.gather [hbm4b:s21+s2], $0x80, $0x38;
	[tilespmem:$0x4080] =	vst v63  }
0x95: {  	_ =	swait.ge [sflag:s3], $0x80  }
0x96: {  	[sflag:s3] =	ssyncset.done $0x0  }
0x97: {  	[sflag:s3] =	ssyncadd.s32 $0xFFFFFF80  }
0x98: {  	[tilespmem:s5], [sflag:$0x1] =	stream.indirect.gather [hbm4b:s4+s5], $0x80, s2, s5, $0xb8;
	[tilespmem:$0x4080] =	vst v63  }
0x99: {  	_ =	swait.ge [sflag:s6], $0x4000  }
0x9a: {  	s22 =	sshll.u32 s22, $0x4;
	[sflag:s6] =	ssyncset.done $0x0  }
0x9b: {  	s22 =	sadd.s32 s0, s22;
	[sflag:s6] =	ssyncadd.s32 $0xFFFFC000  }
0x9c: {  	[hbm4b:s22+s2] =	stream.linear.scatter [tilespmem:s5], [sflag:$0x2], $0x4000, $0x38;
	[tilespmem:$0x4080] =	vst v63  }
0x9d: {  	s24 =	sor.u32 $0x600, s1;
	_ =	swait.ge [sflag:s3], $0x4000  }
0x9e: {  	s23 =	sshrl.u32 s24, $0x3;
	[sflag:s3] =	ssyncset.done $0x0  }
0x9f: {  	s23 =	sadd.s32 s30, s23;
	[sflag:s3] =	ssyncadd.s32 $0xFFFFC000  }
0xa0: {  	[tilespmem:s2], [sflag:$0x2] =	stream.linear.gather [hbm4b:s23+s2], $0x80, $0x38;
	[tilespmem:$0x4080] =	vst v63  }
0xa1: {  	_ =	swait.ge [sflag:s3], $0x80  }
0xa2: {  	[sflag:s3] =	ssyncset.done $0x0  }
0xa3: {  	[sflag:s3] =	ssyncadd.s32 $0xFFFFFF80  }
0xa4: {  	[tilespmem:s5], [sflag:$0x1] =	stream.indirect.gather [hbm4b:s4+s5], $0x80, s2, s5, $0xb8;
	[tilespmem:$0x4080] =	vst v63  }
0xa5: {  	_ =	swait.ge [sflag:s6], $0x4000  }
0xa6: {  	s24 =	sshll.u32 s24, $0x4;
	[sflag:s6] =	ssyncset.done $0x0  }
0xa7: {  	s24 =	sadd.s32 s0, s24;
	[sflag:s6] =	ssyncadd.s32 $0xFFFFC000  }
0xa8: {  	[hbm4b:s24+s2] =	stream.linear.scatter [tilespmem:s5], [sflag:$0x2], $0x4000, $0x38;
	[tilespmem:$0x4080] =	vst v63  }
0xa9: {  	s26 =	sor.u32 $0x680, s1;
	_ =	swait.ge [sflag:s3], $0x4000  }
0xaa: {  	s25 =	sshrl.u32 s26, $0x3;
	[sflag:s3] =	ssyncset.done $0x0  }
0xab: {  	s25 =	sadd.s32 s30, s25;
	[sflag:s3] =	ssyncadd.s32 $0xFFFFC000  }
0xac: {  	[tilespmem:s2], [sflag:$0x2] =	stream.linear.gather [hbm4b:s25+s2], $0x80, $0x38;
	[tilespmem:$0x4080] =	vst v63  }
0xad: {  	_ =	swait.ge [sflag:s3], $0x80  }
0xae: {  	[sflag:s3] =	ssyncset.done $0x0  }
0xaf: {  	[sflag:s3] =	ssyncadd.s32 $0xFFFFFF80  }
0xb0: {  	[tilespmem:s5], [sflag:$0x1] =	stream.indirect.gather [hbm4b:s4+s5], $0x80, s2, s5, $0xb8;
	[tilespmem:$0x4080] =	vst v63  }
0xb1: {  	_ =	swait.ge [sflag:s6], $0x4000  }
0xb2: {  	s26 =	sshll.u32 s26, $0x4;
	[sflag:s6] =	ssyncset.done $0x0  }
0xb3: {  	s26 =	sadd.s32 s0, s26;
	[dreg:$0xa] =	wrdreg s0;
	[sflag:s6] =	ssyncadd.s32 $0xFFFFC000  }
0xb4: {  	[hbm4b:s26+s2] =	stream.linear.scatter [tilespmem:s5], [sflag:$0x2], $0x4000, $0x38;
	[tilespmem:$0x4080] =	vst v63  }
0xb5: {  	s29 =	sor.u32 $0x700, s1;
	_ =	swait.ge [sflag:s3], $0x4000  }
0xb6: {  	s28 =	sshrl.u32 s29, $0x3;
	[sflag:s3] =	ssyncset.done $0x0  }
0xb7: {  	s28 =	sadd.s32 s30, s28;
	[sflag:s3] =	ssyncadd.s32 $0xFFFFC000  }
0xb8: {  	[tilespmem:s2], [sflag:$0x2] =	stream.linear.gather [hbm4b:s28+s2], $0x80, $0x38;
	[tilespmem:$0x4080] =	vst v63  }
0xb9: {  	_ =	swait.ge [sflag:s3], $0x80  }
0xba: {  	[sflag:s3] =	ssyncset.done $0x0  }
0xbb: {  	[sflag:s3] =	ssyncadd.s32 $0xFFFFFF80  }
0xbc: {  	[tilespmem:s5], [sflag:$0x1] =	stream.indirect.gather [hbm4b:s4+s5], $0x80, s2, s5, $0xb8;
	[tilespmem:$0x4080] =	vst v63  }
0xbd: {  	_ =	swait.ge [sflag:s6], $0x4000  }
0xbe: {  	s29 =	sshll.u32 s29, $0x4;
	[sflag:s6] =	ssyncset.done $0x0  }
0xbf: {  	s29 =	sadd.s32 s0, s29;
	s1 =	sor.u32 $0x780, s1;
	[sflag:s6] =	ssyncadd.s32 $0xFFFFC000  }
0xc0: {  	[hbm4b:s29+s2] =	stream.linear.scatter [tilespmem:s5], [sflag:$0x2], $0x4000, $0x38;
	[tilespmem:$0x4080] =	vst v63  }
0xc1: {  	s0 =	sshrl.u32 s1, $0x3;
	_ =	swait.ge [sflag:s3], $0x4000  }
0xc2: {  	s30 =	sadd.s32 s30, s0;
	s0 =	ssub.s32 $0x2, s31;
	[sflag:s3] =	ssyncset.done $0x0  }
0xc3: {  	s31 =	sshrl.u32 s0, $0x1;
	[sflag:s3] =	ssyncadd.s32 $0xFFFFC000  }
0xc4: {  	[tilespmem:s2], [sflag:$0x2] =	stream.linear.gather [hbm4b:s30+s2], $0x80, $0x38;
	[tilespmem:$0x4080] =	vst v63  }
0xc5: {  	s0 =	ssub.s32 s0, s31;
	_ =	swait.ge [sflag:s3], $0x80  }
0xc6: {  	s0 =	smax.u32 s0, $0x1;
	[sflag:s3] =	ssyncset.done $0x0  }
0xc7: {  	p0 =	sne.s32 s0, $0x1;
	[sflag:s3] =	ssyncadd.s32 $0xFFFFFF80  }
0xc8: {  	[tilespmem:s5], [sflag:$0x1] =	stream.indirect.gather [hbm4b:s4+s5], $0x80, s2, s5, $0xb8;
	[tilespmem:$0x4080] =	vst v63  }
.Ltmp0:
0xc9: {  	_ =	swait.ge [sflag:s6], $0x4000;
	(pc) =	sbr.rel @!p0 .LBB2_2-.Ltmp0, $4  }
0xca: {  	s1 =	sshll.u32 s1, $0x4;
	[sflag:s6] =	ssyncset.done $0x0;
	s31 =	rddreg [dreg:$0xa]  }
0xcb: {  	s31 =	sadd.s32 s31, s1;
	[sflag:s6] =	ssyncadd.s32 $0xFFFFC000  }
0xcc: {  	[hbm4b:s31+s2] =	stream.linear.scatter [tilespmem:s5], [sflag:$0x2], $0x4000, $0x38;
	[tilespmem:$0x4080] =	vst v63  }
0xcd: {  	s0 =	sadd.s32 $0xFFFFFFFF, s0;
	_ =	swait.ge [sflag:s3], $0x4000  }
.LBB2_1:
0xce: {  	[sflag:s3] =	ssyncset.done $0x0  }
0xcf: {  	s1 =	rddreg [dreg:$0x2];
	[sflag:s3] =	ssyncadd.s32 $0xFFFFC000  }
0xd0: {  	[tilespmem:s2], [sflag:$0x2] =	stream.linear.gather [hbm4b:s1+s2], $0x80, $0x38;
	[tilespmem:$0x4080] =	vst v63  }
0xd1: {  	_ =	swait.ge [sflag:s3], $0x80  }
0xd2: {  	[sflag:s3] =	ssyncset.done $0x0  }
0xd3: {  	[sflag:s3] =	ssyncadd.s32 $0xFFFFFF80  }
0xd4: {  	[tilespmem:s5], [sflag:$0x1] =	stream.indirect.gather [hbm4b:s4+s5], $0x80, s2, s5, $0xb8;
	[tilespmem:$0x4080] =	vst v63  }
0xd5: {  	_ =	swait.ge [sflag:s6], $0x4000  }
0xd6: {  	[sflag:s6] =	ssyncset.done $0x0  }
0xd7: {  	s1 =	rddreg [dreg:$0x3];
	[sflag:s6] =	ssyncadd.s32 $0xFFFFC000  }
0xd8: {  	[hbm4b:s1+s2] =	stream.linear.scatter [tilespmem:s5], [sflag:$0x2], $0x4000, $0x38;
	[tilespmem:$0x4080] =	vst v63  }
0xd9: {  	_ =	swait.ge [sflag:s3], $0x4000  }
0xda: {  	[sflag:s3] =	ssyncset.done $0x0  }
0xdb: {  	s1 =	rddreg [dreg:$0x4];
	[sflag:s3] =	ssyncadd.s32 $0xFFFFC000  }
0xdc: {  	[tilespmem:s2], [sflag:$0x2] =	stream.linear.gather [hbm4b:s1+s2], $0x80, $0x38;
	[tilespmem:$0x4080] =	vst v63  }
0xdd: {  	_ =	swait.ge [sflag:s3], $0x80  }
0xde: {  	[sflag:s3] =	ssyncset.done $0x0  }
0xdf: {  	[sflag:s3] =	ssyncadd.s32 $0xFFFFFF80  }
0xe0: {  	[tilespmem:s5], [sflag:$0x1] =	stream.indirect.gather [hbm4b:s4+s5], $0x80, s2, s5, $0xb8;
	[tilespmem:$0x4080] =	vst v63  }
0xe1: {  	_ =	swait.ge [sflag:s6], $0x4000  }
0xe2: {  	[sflag:s6] =	ssyncset.done $0x0  }
0xe3: {  	s1 =	rddreg [dreg:$0x5];
	[sflag:s6] =	ssyncadd.s32 $0xFFFFC000  }
0xe4: {  	[hbm4b:s1+s2] =	stream.linear.scatter [tilespmem:s5], [sflag:$0x2], $0x4000, $0x38;
	[tilespmem:$0x4080] =	vst v63  }
0xe5: {  	_ =	swait.ge [sflag:s3], $0x4000  }
0xe6: {  	[sflag:s3] =	ssyncset.done $0x0  }
0xe7: {  	s1 =	rddreg [dreg:$0x6];
	[sflag:s3] =	ssyncadd.s32 $0xFFFFC000  }
0xe8: {  	[tilespmem:s2], [sflag:$0x2] =	stream.linear.gather [hbm4b:s1+s2], $0x80, $0x38;
	[tilespmem:$0x4080] =	vst v63  }
0xe9: {  	_ =	swait.ge [sflag:s3], $0x80  }
0xea: {  	[sflag:s3] =	ssyncset.done $0x0  }
0xeb: {  	[sflag:s3] =	ssyncadd.s32 $0xFFFFFF80  }
0xec: {  	[tilespmem:s5], [sflag:$0x1] =	stream.indirect.gather [hbm4b:s4+s5], $0x80, s2, s5, $0xb8;
	[tilespmem:$0x4080] =	vst v63  }
0xed: {  	_ =	swait.ge [sflag:s6], $0x4000  }
0xee: {  	[sflag:s6] =	ssyncset.done $0x0  }
0xef: {  	s1 =	rddreg [dreg:$0x7];
	[sflag:s6] =	ssyncadd.s32 $0xFFFFC000  }
0xf0: {  	[hbm4b:s1+s2] =	stream.linear.scatter [tilespmem:s5], [sflag:$0x2], $0x4000, $0x38;
	[tilespmem:$0x4080] =	vst v63  }
0xf1: {  	_ =	swait.ge [sflag:s3], $0x4000  }
0xf2: {  	[sflag:s3] =	ssyncset.done $0x0  }
0xf3: {  	s1 =	rddreg [dreg:$0x8];
	[sflag:s3] =	ssyncadd.s32 $0xFFFFC000  }
0xf4: {  	[tilespmem:s2], [sflag:$0x2] =	stream.linear.gather [hbm4b:s1+s2], $0x80, $0x38;
	[tilespmem:$0x4080] =	vst v63  }
0xf5: {  	_ =	swait.ge [sflag:s3], $0x80  }
0xf6: {  	[sflag:s3] =	ssyncset.done $0x0  }
0xf7: {  	[sflag:s3] =	ssyncadd.s32 $0xFFFFFF80  }
0xf8: {  	[tilespmem:s5], [sflag:$0x1] =	stream.indirect.gather [hbm4b:s4+s5], $0x80, s2, s5, $0xb8;
	[tilespmem:$0x4080] =	vst v63  }
0xf9: {  	_ =	swait.ge [sflag:s6], $0x4000  }
0xfa: {  	[sflag:s6] =	ssyncset.done $0x0  }
0xfb: {  	s1 =	rddreg [dreg:$0x9];
	[sflag:s6] =	ssyncadd.s32 $0xFFFFC000  }
0xfc: {  	[hbm4b:s1+s2] =	stream.linear.scatter [tilespmem:s5], [sflag:$0x2], $0x4000, $0x38;
	[tilespmem:$0x4080] =	vst v63  }
0xfd: {  	_ =	swait.ge [sflag:s3], $0x4000  }
0xfe: {  	[sflag:s3] =	ssyncset.done $0x0  }
0xff: {  	[sflag:s3] =	ssyncadd.s32 $0xFFFFC000  }
0x100: {  	[tilespmem:s2], [sflag:$0x2] =	stream.linear.gather [hbm4b:s7+s2], $0x80, $0x38;
	[tilespmem:$0x4080] =	vst v63  }
0x101: {  	_ =	swait.ge [sflag:s3], $0x80  }
0x102: {  	[sflag:s3] =	ssyncset.done $0x0  }
0x103: {  	[sflag:s3] =	ssyncadd.s32 $0xFFFFFF80  }
0x104: {  	[tilespmem:s5], [sflag:$0x1] =	stream.indirect.gather [hbm4b:s4+s5], $0x80, s2, s5, $0xb8;
	[tilespmem:$0x4080] =	vst v63  }
0x105: {  	_ =	swait.ge [sflag:s6], $0x4000  }
0x106: {  	[sflag:s6] =	ssyncset.done $0x0  }
0x107: {  	[sflag:s6] =	ssyncadd.s32 $0xFFFFC000  }
0x108: {  	[hbm4b:s8+s2] =	stream.linear.scatter [tilespmem:s5], [sflag:$0x2], $0x4000, $0x38;
	[tilespmem:$0x4080] =	vst v63  }
0x109: {  	_ =	swait.ge [sflag:s3], $0x4000  }
0x10a: {  	[sflag:s3] =	ssyncset.done $0x0  }
0x10b: {  	[sflag:s3] =	ssyncadd.s32 $0xFFFFC000  }
0x10c: {  	[tilespmem:s2], [sflag:$0x2] =	stream.linear.gather [hbm4b:s9+s2], $0x80, $0x38;
	[tilespmem:$0x4080] =	vst v63  }
0x10d: {  	_ =	swait.ge [sflag:s3], $0x80  }
0x10e: {  	[sflag:s3] =	ssyncset.done $0x0  }
0x10f: {  	[sflag:s3] =	ssyncadd.s32 $0xFFFFFF80  }
0x110: {  	[tilespmem:s5], [sflag:$0x1] =	stream.indirect.gather [hbm4b:s4+s5], $0x80, s2, s5, $0xb8;
	[tilespmem:$0x4080] =	vst v63  }
0x111: {  	_ =	swait.ge [sflag:s6], $0x4000  }
0x112: {  	[sflag:s6] =	ssyncset.done $0x0  }
0x113: {  	[sflag:s6] =	ssyncadd.s32 $0xFFFFC000  }
0x114: {  	[hbm4b:s10+s2] =	stream.linear.scatter [tilespmem:s5], [sflag:$0x2], $0x4000, $0x38;
	[tilespmem:$0x4080] =	vst v63  }
0x115: {  	_ =	swait.ge [sflag:s3], $0x4000  }
0x116: {  	[sflag:s3] =	ssyncset.done $0x0  }
0x117: {  	[sflag:s3] =	ssyncadd.s32 $0xFFFFC000  }
0x118: {  	[tilespmem:s2], [sflag:$0x2] =	stream.linear.gather [hbm4b:s11+s2], $0x80, $0x38;
	[tilespmem:$0x4080] =	vst v63  }
0x119: {  	_ =	swait.ge [sflag:s3], $0x80  }
0x11a: {  	[sflag:s3] =	ssyncset.done $0x0  }
0x11b: {  	[sflag:s3] =	ssyncadd.s32 $0xFFFFFF80  }
0x11c: {  	[tilespmem:s5], [sflag:$0x1] =	stream.indirect.gather [hbm4b:s4+s5], $0x80, s2, s5, $0xb8;
	[tilespmem:$0x4080] =	vst v63  }
0x11d: {  	_ =	swait.ge [sflag:s6], $0x4000  }
0x11e: {  	[sflag:s6] =	ssyncset.done $0x0  }
0x11f: {  	[sflag:s6] =	ssyncadd.s32 $0xFFFFC000  }
0x120: {  	[hbm4b:s12+s2] =	stream.linear.scatter [tilespmem:s5], [sflag:$0x2], $0x4000, $0x38;
	[tilespmem:$0x4080] =	vst v63  }
0x121: {  	_ =	swait.ge [sflag:s3], $0x4000  }
0x122: {  	[sflag:s3] =	ssyncset.done $0x0  }
0x123: {  	[sflag:s3] =	ssyncadd.s32 $0xFFFFC000  }
0x124: {  	[tilespmem:s2], [sflag:$0x2] =	stream.linear.gather [hbm4b:s13+s2], $0x80, $0x38;
	[tilespmem:$0x4080] =	vst v63  }
0x125: {  	_ =	swait.ge [sflag:s3], $0x80  }
0x126: {  	[sflag:s3] =	ssyncset.done $0x0  }
0x127: {  	[sflag:s3] =	ssyncadd.s32 $0xFFFFFF80  }
0x128: {  	[tilespmem:s5], [sflag:$0x1] =	stream.indirect.gather [hbm4b:s4+s5], $0x80, s2, s5, $0xb8;
	[tilespmem:$0x4080] =	vst v63  }
0x129: {  	_ =	swait.ge [sflag:s6], $0x4000  }
0x12a: {  	[sflag:s6] =	ssyncset.done $0x0  }
0x12b: {  	[sflag:s6] =	ssyncadd.s32 $0xFFFFC000  }
0x12c: {  	[hbm4b:s14+s2] =	stream.linear.scatter [tilespmem:s5], [sflag:$0x2], $0x4000, $0x38;
	[tilespmem:$0x4080] =	vst v63  }
0x12d: {  	_ =	swait.ge [sflag:s3], $0x4000  }
0x12e: {  	[sflag:s3] =	ssyncset.done $0x0  }
0x12f: {  	[sflag:s3] =	ssyncadd.s32 $0xFFFFC000  }
0x130: {  	[tilespmem:s2], [sflag:$0x2] =	stream.linear.gather [hbm4b:s15+s2], $0x80, $0x38;
	[tilespmem:$0x4080] =	vst v63  }
0x131: {  	_ =	swait.ge [sflag:s3], $0x80  }
0x132: {  	[sflag:s3] =	ssyncset.done $0x0  }
0x133: {  	[sflag:s3] =	ssyncadd.s32 $0xFFFFFF80  }
0x134: {  	[tilespmem:s5], [sflag:$0x1] =	stream.indirect.gather [hbm4b:s4+s5], $0x80, s2, s5, $0xb8;
	[tilespmem:$0x4080] =	vst v63  }
0x135: {  	_ =	swait.ge [sflag:s6], $0x4000  }
0x136: {  	[sflag:s6] =	ssyncset.done $0x0  }
0x137: {  	[sflag:s6] =	ssyncadd.s32 $0xFFFFC000  }
0x138: {  	[hbm4b:s16+s2] =	stream.linear.scatter [tilespmem:s5], [sflag:$0x2], $0x4000, $0x38;
	[tilespmem:$0x4080] =	vst v63  }
0x139: {  	_ =	swait.ge [sflag:s3], $0x4000  }
0x13a: {  	[sflag:s3] =	ssyncset.done $0x0  }
0x13b: {  	[sflag:s3] =	ssyncadd.s32 $0xFFFFC000  }
0x13c: {  	[tilespmem:s2], [sflag:$0x2] =	stream.linear.gather [hbm4b:s17+s2], $0x80, $0x38;
	[tilespmem:$0x4080] =	vst v63  }
0x13d: {  	_ =	swait.ge [sflag:s3], $0x80  }
0x13e: {  	[sflag:s3] =	ssyncset.done $0x0  }
0x13f: {  	[sflag:s3] =	ssyncadd.s32 $0xFFFFFF80  }
0x140: {  	[tilespmem:s5], [sflag:$0x1] =	stream.indirect.gather [hbm4b:s4+s5], $0x80, s2, s5, $0xb8;
	[tilespmem:$0x4080] =	vst v63  }
0x141: {  	_ =	swait.ge [sflag:s6], $0x4000  }
0x142: {  	[sflag:s6] =	ssyncset.done $0x0  }
0x143: {  	[sflag:s6] =	ssyncadd.s32 $0xFFFFC000  }
0x144: {  	[hbm4b:s18+s2] =	stream.linear.scatter [tilespmem:s5], [sflag:$0x2], $0x4000, $0x38;
	[tilespmem:$0x4080] =	vst v63  }
0x145: {  	_ =	swait.ge [sflag:s3], $0x4000  }
0x146: {  	[sflag:s3] =	ssyncset.done $0x0  }
0x147: {  	[sflag:s3] =	ssyncadd.s32 $0xFFFFC000  }
0x148: {  	[tilespmem:s2], [sflag:$0x2] =	stream.linear.gather [hbm4b:s19+s2], $0x80, $0x38;
	[tilespmem:$0x4080] =	vst v63  }
0x149: {  	_ =	swait.ge [sflag:s3], $0x80  }
0x14a: {  	[sflag:s3] =	ssyncset.done $0x0  }
0x14b: {  	[sflag:s3] =	ssyncadd.s32 $0xFFFFFF80  }
0x14c: {  	[tilespmem:s5], [sflag:$0x1] =	stream.indirect.gather [hbm4b:s4+s5], $0x80, s2, s5, $0xb8;
	[tilespmem:$0x4080] =	vst v63  }
0x14d: {  	_ =	swait.ge [sflag:s6], $0x4000  }
0x14e: {  	[sflag:s6] =	ssyncset.done $0x0  }
0x14f: {  	[sflag:s6] =	ssyncadd.s32 $0xFFFFC000  }
0x150: {  	[hbm4b:s20+s2] =	stream.linear.scatter [tilespmem:s5], [sflag:$0x2], $0x4000, $0x38;
	[tilespmem:$0x4080] =	vst v63  }
0x151: {  	_ =	swait.ge [sflag:s3], $0x4000  }
0x152: {  	[sflag:s3] =	ssyncset.done $0x0  }
0x153: {  	[sflag:s3] =	ssyncadd.s32 $0xFFFFC000  }
0x154: {  	[tilespmem:s2], [sflag:$0x2] =	stream.linear.gather [hbm4b:s21+s2], $0x80, $0x38;
	[tilespmem:$0x4080] =	vst v63  }
0x155: {  	_ =	swait.ge [sflag:s3], $0x80  }
0x156: {  	[sflag:s3] =	ssyncset.done $0x0  }
0x157: {  	[sflag:s3] =	ssyncadd.s32 $0xFFFFFF80  }
0x158: {  	[tilespmem:s5], [sflag:$0x1] =	stream.indirect.gather [hbm4b:s4+s5], $0x80, s2, s5, $0xb8;
	[tilespmem:$0x4080] =	vst v63  }
0x159: {  	_ =	swait.ge [sflag:s6], $0x4000  }
0x15a: {  	[sflag:s6] =	ssyncset.done $0x0  }
0x15b: {  	[sflag:s6] =	ssyncadd.s32 $0xFFFFC000  }
0x15c: {  	[hbm4b:s22+s2] =	stream.linear.scatter [tilespmem:s5], [sflag:$0x2], $0x4000, $0x38;
	[tilespmem:$0x4080] =	vst v63  }
0x15d: {  	_ =	swait.ge [sflag:s3], $0x4000  }
0x15e: {  	[sflag:s3] =	ssyncset.done $0x0  }
0x15f: {  	[sflag:s3] =	ssyncadd.s32 $0xFFFFC000  }
0x160: {  	[tilespmem:s2], [sflag:$0x2] =	stream.linear.gather [hbm4b:s23+s2], $0x80, $0x38;
	[tilespmem:$0x4080] =	vst v63  }
0x161: {  	_ =	swait.ge [sflag:s3], $0x80  }
0x162: {  	[sflag:s3] =	ssyncset.done $0x0  }
0x163: {  	[sflag:s3] =	ssyncadd.s32 $0xFFFFFF80  }
0x164: {  	[tilespmem:s5], [sflag:$0x1] =	stream.indirect.gather [hbm4b:s4+s5], $0x80, s2, s5, $0xb8;
	[tilespmem:$0x4080] =	vst v63  }
0x165: {  	_ =	swait.ge [sflag:s6], $0x4000  }
0x166: {  	[sflag:s6] =	ssyncset.done $0x0  }
0x167: {  	[sflag:s6] =	ssyncadd.s32 $0xFFFFC000  }
0x168: {  	[hbm4b:s24+s2] =	stream.linear.scatter [tilespmem:s5], [sflag:$0x2], $0x4000, $0x38;
	[tilespmem:$0x4080] =	vst v63  }
0x169: {  	_ =	swait.ge [sflag:s3], $0x4000  }
0x16a: {  	[sflag:s3] =	ssyncset.done $0x0  }
0x16b: {  	[sflag:s3] =	ssyncadd.s32 $0xFFFFC000  }
0x16c: {  	[tilespmem:s2], [sflag:$0x2] =	stream.linear.gather [hbm4b:s25+s2], $0x80, $0x38;
	[tilespmem:$0x4080] =	vst v63  }
0x16d: {  	_ =	swait.ge [sflag:s3], $0x80  }
0x16e: {  	[sflag:s3] =	ssyncset.done $0x0  }
0x16f: {  	[sflag:s3] =	ssyncadd.s32 $0xFFFFFF80  }
0x170: {  	[tilespmem:s5], [sflag:$0x1] =	stream.indirect.gather [hbm4b:s4+s5], $0x80, s2, s5, $0xb8;
	[tilespmem:$0x4080] =	vst v63  }
0x171: {  	_ =	swait.ge [sflag:s6], $0x4000  }
0x172: {  	[sflag:s6] =	ssyncset.done $0x0  }
0x173: {  	[sflag:s6] =	ssyncadd.s32 $0xFFFFC000  }
0x174: {  	[hbm4b:s26+s2] =	stream.linear.scatter [tilespmem:s5], [sflag:$0x2], $0x4000, $0x38;
	[tilespmem:$0x4080] =	vst v63  }
0x175: {  	_ =	swait.ge [sflag:s3], $0x4000  }
0x176: {  	[sflag:s3] =	ssyncset.done $0x0  }
0x177: {  	[sflag:s3] =	ssyncadd.s32 $0xFFFFC000  }
0x178: {  	[tilespmem:s2], [sflag:$0x2] =	stream.linear.gather [hbm4b:s28+s2], $0x80, $0x38;
	[tilespmem:$0x4080] =	vst v63  }
0x179: {  	_ =	swait.ge [sflag:s3], $0x80  }
0x17a: {  	[sflag:s3] =	ssyncset.done $0x0  }
0x17b: {  	[sflag:s3] =	ssyncadd.s32 $0xFFFFFF80  }
0x17c: {  	[tilespmem:s5], [sflag:$0x1] =	stream.indirect.gather [hbm4b:s4+s5], $0x80, s2, s5, $0xb8;
	[tilespmem:$0x4080] =	vst v63  }
0x17d: {  	_ =	swait.ge [sflag:s6], $0x4000  }
0x17e: {  	[sflag:s6] =	ssyncset.done $0x0  }
0x17f: {  	[sflag:s6] =	ssyncadd.s32 $0xFFFFC000  }
0x180: {  	[hbm4b:s29+s2] =	stream.linear.scatter [tilespmem:s5], [sflag:$0x2], $0x4000, $0x38;
	[tilespmem:$0x4080] =	vst v63  }
0x181: {  	_ =	swait.ge [sflag:s3], $0x4000  }
0x182: {  	[sflag:s3] =	ssyncset.done $0x0  }
0x183: {  	[sflag:s3] =	ssyncadd.s32 $0xFFFFC000  }
0x184: {  	[tilespmem:s2], [sflag:$0x2] =	stream.linear.gather [hbm4b:s30+s2], $0x80, $0x38;
	[tilespmem:$0x4080] =	vst v63  }
0x185: {  	_ =	swait.ge [sflag:s3], $0x80  }
0x186: {  	[sflag:s3] =	ssyncset.done $0x0  }
0x187: {  	p0 =	sne.s32 s0, $0x1;
	[sflag:s3] =	ssyncadd.s32 $0xFFFFFF80  }
0x188: {  	[tilespmem:s5], [sflag:$0x1] =	stream.indirect.gather [hbm4b:s4+s5], $0x80, s2, s5, $0xb8;
	[tilespmem:$0x4080] =	vst v63  }
.Ltmp1:
0x189: {  	_ =	swait.ge [sflag:s6], $0x4000;
	(pc) =	sbr.rel @p0 .LBB2_1-.Ltmp1, $4  }
0x18a: {  	[sflag:s6] =	ssyncset.done $0x0  }
0x18b: {  	[sflag:s6] =	ssyncadd.s32 $0xFFFFC000  }
0x18c: {  	[hbm4b:s31+s2] =	stream.linear.scatter [tilespmem:s5], [sflag:$0x2], $0x4000, $0x38;
	[tilespmem:$0x4080] =	vst v63  }
0x18d: {  	s0 =	sadd.s32 $0xFFFFFFFF, s0;
	_ =	swait.ge [sflag:s3], $0x4000  }
.LBB2_2:
0x18e: {  	[sflag:s3] =	ssyncset.done $0x0  }
0x18f: {  	[sflag:s3] =	ssyncadd.s32 $0xFFFFC000  }
0x190: {  	_ =	sfence.sel $0x180000  }
0x191: {  	[bflag:$0x0] =	sbarrier.arrive $0xFFFF  }
0x192: {  	_ =	strace $0x90000047  }
0x193: {  	s0 =	stileid.u32;
	[bflag:$0x2] =	sbarrier.arrive $0xFFFF  }
0x194: {  	p0 =	sne.s32 s0, $0x0;
	s0 =	rddreg [dreg:$0x1]  }
0x195: {  	s0 =	sadd.s32 @!p0 $0x100000, s0  }
0x196: {  	[sflag:s0] =	ssyncadd.tile.s32 @!p0 $0x1;
	_ =	shalt  }
.Lfunc_end2:
_tile_overlayer_lowered:
.L_overlay_start_2:
0x197: {  	(tag) =	ssettag $0x2  }
0x198: {  	s0 =	rddreg [dreg:$0x0];
	s2 =	stileid.u32  }
0x199: {  	s1 =	rddreg [dreg:$0x1];
	p0 =	sne.s32 s2, $0x0  }
0x19a: {  	s3 =	rddreg [dreg:$0x2];
	[bflag:$0x3] =	sbarrier.arrive $0xFFFF;
	s2 =	simm.s32 @!p0 $0x1C02  }
0x19b: {  	[timem:s3], [sflag:s2] =	dma.local @!p0 [hbm:s0], s1  }
0x19c: {  	s0 =	simm.s32 @!p0 $0x2  }
0x19d: {  	_ =	swait.ge @!p0 [sflag:s0], s1  }
0x19e: {  	s1 =	ssub.s32 @!p0 $0x0, s1;
	[sflag:s0] =	ssyncset.done @!p0 $0x0  }
0x19f: {  	[sflag:s0] =	ssyncadd.s32 @!p0 s1  }
0x1a0: {  	[bflag:$0x3] =	sbarrier.arrive $0xFFFF  }
0x1a1: {  	_ =	shalt  }

</sc_bundles>
